<compile_context>
chip_gen: v7x
topology: tpu7x:2x2x1
jax: 0.10.2.dev20260603
libtpu: 0.0.44.dev20260713+nightly
codegen_flags: <defaults>
</compile_context>

<pallas_src>
import jax
import jax.numpy as jnp
from jax import lax
from jax.experimental import pallas as pl
from jax.experimental.pallas import tpu as pltpu
from jax.experimental.pallas import tpu_sc as plsc

L = 16384
V = 1000
VA = 504
VB = V - VA
NC, NS, LANES = 2, 16, 16
NW = NC * NS
CPW = L // NW
CCH = 128
NCHUNK = CPW // CCH
VPC = CCH // LANES

SEGS_A = [(0, 128), (128, 128), (256, 128), (384, 120)]
SEGS_B = [(0, 128), (128, 128), (256, 128), (384, 112)]


def _body(x_hbm, out_hbm, idx_v, buf_a, buf_b,
          sem_i, sem_a, sem_b, sems_ra, sems_rb):
    wid = lax.axis_index("s") * NC + lax.axis_index("c")
    base = wid * CPW
    cp_i = pltpu.async_copy(x_hbm.at[pl.ds(base, CPW)], idx_v, sem_i)

    zeros16 = jnp.zeros((LANES,), jnp.float32)
    ones16 = jnp.full((LANES,), 1.0, jnp.float32)

    def _zero_rows(buf, lo):
        def body(r, carry):
            for off in range(0, CCH, LANES):
                buf[lo + r, pl.ds(off, LANES)] = zeros16
            return carry
        return body

    def _idx(c, k):
        vv = idx_v[pl.ds(c * CCH + k * LANES, LANES)]
        cols = lax.iota(jnp.int32, LANES) + k * LANES
        return vv, cols

    def _scatter_a(c, val):
        for k in range(VPC):
            vv, cols = _idx(c, k)
            plsc.store_scatter(buf_a, [vv, cols], val, mask=vv < VA)

    def _scatter_b(c, val):
        for k in range(VPC):
            vv, cols = _idx(c, k)
            plsc.store_scatter(buf_b, [vv - VA, cols], val, mask=vv >= VA)

    def _scatter_seg(buf, vbase, lo, n, val):
        glo, ghi = vbase + lo, vbase + lo + n
        for k in range(VPC):
            vv, cols = _idx(0, k)
            m = (vv >= glo) & (vv < ghi)
            plsc.store_scatter(buf, [vv - vbase, cols], val, mask=m)

    def _dma_a(c):
        return pltpu.async_copy(
            buf_a, out_hbm.at[pl.ds(0, VA), pl.ds(base + c * CCH, CCH)], sem_a
        )

    def _dma_b(c):
        return pltpu.async_copy(
            buf_b, out_hbm.at[pl.ds(VA, VB), pl.ds(base + c * CCH, CCH)], sem_b
        )

    ramp = []
    first = True
    for buf, vbase, segs, sems in (
        (buf_a, 0, SEGS_A, sems_ra),
        (buf_b, VA, SEGS_B, sems_rb),
    ):
        for s, (lo, n) in enumerate(segs):
            lax.fori_loop(0, n, _zero_rows(buf, lo), 0)
            if first:
                cp_i.wait()
                first = False
            _scatter_seg(buf, vbase, lo, n, ones16)
            ramp.append(pltpu.async_copy(
                buf.at[pl.ds(lo, n)],
                out_hbm.at[pl.ds(vbase + lo, n), pl.ds(base, CCH)],
                sems[s],
            ))

    cp_a = cp_b = None
    for c in range(1, NCHUNK):
        if c == 1:
            for cp in ramp[:len(SEGS_A)]:
                cp.wait()
        else:
            cp_a.wait()
        _scatter_a(c - 1, zeros16)
        _scatter_a(c, ones16)
        cp_a = _dma_a(c)
        if c == 1:
            for cp in ramp[len(SEGS_A):]:
                cp.wait()
        else:
            cp_b.wait()
        _scatter_b(c - 1, zeros16)
        _scatter_b(c, ones16)
        cp_b = _dma_b(c)
    cp_a.wait()
    cp_b.wait()


@jax.jit
def _one_hot_sc(xf):
    kfn = pl.kernel(
        _body,
        out_type=jax.ShapeDtypeStruct((V, L), jnp.float32),
        mesh=plsc.VectorSubcoreMesh(core_axis_name="c", subcore_axis_name="s"),
        scratch_types=[
            pltpu.VMEM((CPW,), jnp.int32),
            pltpu.VMEM((VA, CCH), jnp.float32),
            pltpu.VMEM((VB, CCH), jnp.float32),
            pltpu.SemaphoreType.DMA,
            pltpu.SemaphoreType.DMA,
            pltpu.SemaphoreType.DMA,
            [pltpu.SemaphoreType.DMA] * len(SEGS_A),
            [pltpu.SemaphoreType.DMA] * len(SEGS_B),
        ],
        compiler_params=pltpu.CompilerParams(
            use_tc_tiling_on_sc=True,
            needs_layout_passes=False,
            disable_bounds_checks=True,
            disable_semaphore_checks=True,
            skip_device_barrier=True,
        ),
    )
    return kfn(xf)


def kernel(x):
    return _one_hot_sc(x.reshape(L)).T

# --- scband reference (transcript-rebuilt; emitter-appended) ---
"""Pipeline reference for scband-one-hot-12060268167168 (READ-ONLY COPY).

The authoritative reference and input builder live on the scoring server;
editing this copy changes nothing except your own understanding.
"""

import jax, jax.numpy as jnp
import numpy as np

VOCAB_SIZE = 1000

def setup_inputs(seed: int = 0) -> dict:
    key = jax.random.key(seed)
    x = jax.random.randint(key, (1, 16384), 0, VOCAB_SIZE, dtype=jnp.int64 if jax.config.jax_enable_x64 else jnp.int32)
    return {"x": x}

def reference(x) -> jnp.ndarray:
    # Faithful translation of OneHot.forward:
    #   result = zeros((x.nelement(), vocab_size)); for index, i in enumerate(x[0]): result[index][i] = 1
    # With x of shape [1, L], nelement == L and the loop over x[0] fills every row.
    L = x.shape[1]
    n_elem = x.size  # x.nelement()
    result = jnp.zeros((n_elem, VOCAB_SIZE), dtype=jnp.float32)
    rows = jnp.arange(L)
    result = result.at[rows, x[0]].set(1.0)
    return result

if __name__ == "__main__":
    import jax
    _d = setup_inputs()
    print(jax.jit(kernel)(*tuple(_d.values())))

</pallas_src>

<mosaic_0001>
#map = affine_map<(d0, d1) -> (0)>
#map1 = affine_map<(d0, d1) -> (0, 0)>
module attributes {stable_mosaic.version = 14 : i64} {
  func.func @_body(%arg0: i32, %arg1: i32, %arg2: memref<16384xi32, #tpu.memory_space<hbm>>, %arg3: memref<1000x16384xf32, #tpu.memory_space<hbm>>, %arg4: memref<512xi32, #tpu.memory_space<vmem>>, %arg5: memref<504x128xf32, #tpu.memory_space<vmem>>, %arg6: memref<496x128xf32, #tpu.memory_space<vmem>>, %arg7: memref<!tpu.dma_semaphore, #tpu.memory_space<semaphore_mem>>, %arg8: memref<!tpu.dma_semaphore, #tpu.memory_space<semaphore_mem>>, %arg9: memref<!tpu.dma_semaphore, #tpu.memory_space<semaphore_mem>>, %arg10: memref<!tpu.dma_semaphore, #tpu.memory_space<semaphore_mem>>, %arg11: memref<!tpu.dma_semaphore, #tpu.memory_space<semaphore_mem>>, %arg12: memref<!tpu.dma_semaphore, #tpu.memory_space<semaphore_mem>>, %arg13: memref<!tpu.dma_semaphore, #tpu.memory_space<semaphore_mem>>, %arg14: memref<!tpu.dma_semaphore, #tpu.memory_space<semaphore_mem>>, %arg15: memref<!tpu.dma_semaphore, #tpu.memory_space<semaphore_mem>>, %arg16: memref<!tpu.dma_semaphore, #tpu.memory_space<semaphore_mem>>, %arg17: memref<!tpu.dma_semaphore, #tpu.memory_space<semaphore_mem>>) attributes {dimension_semantics = [#tpu.dimension_semantics<core_parallel>, #tpu.dimension_semantics<subcore_parallel>], iteration_bounds = array<i64: 2, 16>, scalar_prefetch = 0 : i64, scratch_operands = 14 : i64, tpu.core_type = #tpu.core_type<sc_vector_subcore>, window_params = [{transform_indices = #map}, {transform_indices = #map1}]} {
    %mul3A = arith.constant 2 : i32
    %mul3A_0 = arith.muli %arg1, %mul3A : i32
    %add3A = arith.addi %mul3A_0, %arg0 : i32
    %mul3A_1 = arith.constant 512 : i32
    %mul3A_2 = arith.muli %add3A, %mul3A_1 : i32
    %dma_start3A = tpu.memref_slice %arg2[%mul3A_2] : memref<16384xi32, #tpu.memory_space<hbm>> -> memref<512xi32, #tpu.memory_space<hbm>>
    %dma_start3A_3 = tpu.memref_slice %arg2[%mul3A_2] : memref<16384xi32, #tpu.memory_space<hbm>> -> memref<512xi32, #tpu.memory_space<hbm>>
    tpu.enqueue_dma source(%dma_start3A_3 : memref<512xi32, #tpu.memory_space<hbm>>) target(%arg4 : memref<512xi32, #tpu.memory_space<vmem>>) target_semaphore(%arg7 : memref<!tpu.dma_semaphore, #tpu.memory_space<semaphore_mem>>)
    %broadcast_in_dim3A = arith.constant 0.000000e+00 : f32
    %broadcast_in_dim3A_4 = vector.broadcast %broadcast_in_dim3A : f32 to vector<16xf32>
    %broadcast_in_dim3A_5 = arith.constant 1.000000e+00 : f32
    %broadcast_in_dim3A_6 = vector.broadcast %broadcast_in_dim3A_5 : f32 to vector<16xf32>
    %scan3A = arith.constant 0 : i32
    %scan3A_7 = arith.constant 0 : i32
    %scan3A_8 = arith.constant 128 : i32
    %scan3A_9 = arith.addi %scan3A_7, %scan3A_8 : i32
    %scan3A_10 = arith.constant 1 : i32
    scf.for %scan3A_2301 = %scan3A_7 to %scan3A_9 step %scan3A_10  : i32 {
      %add3A_2302 = arith.constant 0 : i32
      %add3A_2303 = arith.addi %add3A_2302, %scan3A_2301 : i32
      %swap3A = arith.index_cast %add3A_2303 : i32 to index
      %swap3A_2304 = arith.constant 0 : index
      %swap3A_2305 = tpu.vector_load %arg5[%swap3A, %swap3A_2304] {strides = array<i32>} : memref<504x128xf32, #tpu.memory_space<vmem>>, vector<16xf32>,
      tpu.vector_store %arg5[%swap3A, %swap3A_2304], %broadcast_in_dim3A_4 {strides = array<i32>} : memref<504x128xf32, #tpu.memory_space<vmem>>, vector<16xf32>,
      %add3A_2306 = arith.constant 0 : i32
      %add3A_2307 = arith.addi %add3A_2306, %scan3A_2301 : i32
      %swap3A_2308 = arith.index_cast %add3A_2307 : i32 to index
      %swap3A_2309 = arith.constant 16 : index
      %swap3A_2310 = tpu.vector_load %arg5[%swap3A_2308, %swap3A_2309] {strides = array<i32>} : memref<504x128xf32, #tpu.memory_space<vmem>>, vector<16xf32>,
      tpu.vector_store %arg5[%swap3A_2308, %swap3A_2309], %broadcast_in_dim3A_4 {strides = array<i32>} : memref<504x128xf32, #tpu.memory_space<vmem>>, vector<16xf32>,
      %add3A_2311 = arith.constant 0 : i32
      %add3A_2312 = arith.addi %add3A_2311, %scan3A_2301 : i32
      %swap3A_2313 = arith.index_cast %add3A_2312 : i32 to index
      %swap3A_2314 = arith.constant 32 : index
      %swap3A_2315 = tpu.vector_load %arg5[%swap3A_2313, %swap3A_2314] {strides = array<i32>} : memref<504x128xf32, #tpu.memory_space<vmem>>, vector<16xf32>,
      tpu.vector_store %arg5[%swap3A_2313, %swap3A_2314], %broadcast_in_dim3A_4 {strides = array<i32>} : memref<504x128xf32, #tpu.memory_space<vmem>>, vector<16xf32>,
      %add3A_2316 = arith.constant 0 : i32
      %add3A_2317 = arith.addi %add3A_2316, %scan3A_2301 : i32
      %swap3A_2318 = arith.index_cast %add3A_2317 : i32 to index
      %swap3A_2319 = arith.constant 48 : index
      %swap3A_2320 = tpu.vector_load %arg5[%swap3A_2318, %swap3A_2319] {strides = array<i32>} : memref<504x128xf32, #tpu.memory_space<vmem>>, vector<16xf32>,
      tpu.vector_store %arg5[%swap3A_2318, %swap3A_2319], %broadcast_in_dim3A_4 {strides = array<i32>} : memref<504x128xf32, #tpu.memory_space<vmem>>, vector<16xf32>,
      %add3A_2321 = arith.constant 0 : i32
      %add3A_2322 = arith.addi %add3A_2321, %scan3A_2301 : i32
      %swap3A_2323 = arith.index_cast %add3A_2322 : i32 to index
      %swap3A_2324 = arith.constant 64 : index
      %swap3A_2325 = tpu.vector_load %arg5[%swap3A_2323, %swap3A_2324] {strides = array<i32>} : memref<504x128xf32, #tpu.memory_space<vmem>>, vector<16xf32>,
      tpu.vector_store %arg5[%swap3A_2323, %swap3A_2324], %broadcast_in_dim3A_4 {strides = array<i32>} : memref<504x128xf32, #tpu.memory_space<vmem>>, vector<16xf32>,
      %add3A_2326 = arith.constant 0 : i32
      %add3A_2327 = arith.addi %add3A_2326, %scan3A_2301 : i32
      %swap3A_2328 = arith.index_cast %add3A_2327 : i32 to index
      %swap3A_2329 = arith.constant 80 : index
      %swap3A_2330 = tpu.vector_load %arg5[%swap3A_2328, %swap3A_2329] {strides = array<i32>} : memref<504x128xf32, #tpu.memory_space<vmem>>, vector<16xf32>,
      tpu.vector_store %arg5[%swap3A_2328, %swap3A_2329], %broadcast_in_dim3A_4 {strides = array<i32>} : memref<504x128xf32, #tpu.memory_space<vmem>>, vector<16xf32>,
      %add3A_2331 = arith.constant 0 : i32
      %add3A_2332 = arith.addi %add3A_2331, %scan3A_2301 : i32
      %swap3A_2333 = arith.index_cast %add3A_2332 : i32 to index
      %swap3A_2334 = arith.constant 96 : index
      %swap3A_2335 = tpu.vector_load %arg5[%swap3A_2333, %swap3A_2334] {strides = array<i32>} : memref<504x128xf32, #tpu.memory_space<vmem>>, vector<16xf32>,
      tpu.vector_store %arg5[%swap3A_2333, %swap3A_2334], %broadcast_in_dim3A_4 {strides = array<i32>} : memref<504x128xf32, #tpu.memory_space<vmem>>, vector<16xf32>,
      %add3A_2336 = arith.constant 0 : i32
      %add3A_2337 = arith.addi %add3A_2336, %scan3A_2301 : i32
      %swap3A_2338 = arith.index_cast %add3A_2337 : i32 to index
      %swap3A_2339 = arith.constant 112 : index
      %swap3A_2340 = tpu.vector_load %arg5[%swap3A_2338, %swap3A_2339] {strides = array<i32>} : memref<504x128xf32, #tpu.memory_space<vmem>>, vector<16xf32>,
      tpu.vector_store %arg5[%swap3A_2338, %swap3A_2339], %broadcast_in_dim3A_4 {strides = array<i32>} : memref<504x128xf32, #tpu.memory_space<vmem>>, vector<16xf32>,
    }
    %scan3A_11 = arith.constant 128 : i32
    %dma_wait3A = tpu.memref_slice %arg2[%mul3A_2] : memref<16384xi32, #tpu.memory_space<hbm>> -> memref<512xi32, #tpu.memory_space<hbm>>
    %dma_wait3A_12 = tpu.memref_slice %arg2[%mul3A_2] : memref<16384xi32, #tpu.memory_space<hbm>> -> memref<512xi32, #tpu.memory_space<hbm>>
    tpu.wait_dma2 semaphore(%arg7 : memref<!tpu.dma_semaphore, #tpu.memory_space<semaphore_mem>>) src(%dma_wait3A_12 : memref<512xi32, #tpu.memory_space<hbm>>) dst(%arg4 : memref<512xi32, #tpu.memory_space<vmem>>)
    %get3A = arith.constant 0 : index
    %get3A_13 = tpu.vector_load %arg4[%get3A] {strides = array<i32>} : memref<512xi32, #tpu.memory_space<vmem>>, vector<16xi32>,
    %iota3A = tpu.iota {dimensions = array<i32: 0>} : vector<16xi32>
    %add3A_14 = arith.constant 0 : i32
    %add3A_15 = vector.broadcast %add3A_14 : i32 to vector<16xi32>
    %add3A_16 = arith.addi %iota3A, %add3A_15 : vector<16xi32>
    %ge3A = arith.constant 0 : i32
    %ge3A_17 = vector.broadcast %ge3A : i32 to vector<16xi32>
    %ge3A_18 = arith.cmpi sge, %get3A_13, %ge3A_17 : vector<16xi32>
    %lt3A = arith.constant 128 : i32
    %lt3A_19 = vector.broadcast %lt3A : i32 to vector<16xi32>
    %lt3A_20 = arith.cmpi slt, %get3A_13, %lt3A_19 : vector<16xi32>
    %and3A = arith.andi %ge3A_18, %lt3A_20 : vector<16xi1>
    %sub3A = arith.constant 0 : i32
    %sub3A_21 = vector.broadcast %sub3A : i32 to vector<16xi32>
    %sub3A_22 = arith.subi %get3A_13, %sub3A_21 : vector<16xi32>
    tpu.vector_store_idx %arg5[%sub3A_22, %add3A_16], %broadcast_in_dim3A_6 masked %and3A : memref<504x128xf32, #tpu.memory_space<vmem>>[vector<16xi32>, vector<16xi32>], vector<16xf32>, vector<16xi1>
    %get3A_23 = arith.constant 16 : index
    %get3A_24 = tpu.vector_load %arg4[%get3A_23] {strides = array<i32>} : memref<512xi32, #tpu.memory_space<vmem>>, vector<16xi32>,
    %iota3A_25 = tpu.iota {dimensions = array<i32: 0>} : vector<16xi32>
    %add3A_26 = arith.constant 16 : i32
    %add3A_27 = vector.broadcast %add3A_26 : i32 to vector<16xi32>
    %add3A_28 = arith.addi %iota3A_25, %add3A_27 : vector<16xi32>
    %ge3A_29 = arith.constant 0 : i32
    %ge3A_30 = vector.broadcast %ge3A_29 : i32 to vector<16xi32>
    %ge3A_31 = arith.cmpi sge, %get3A_24, %ge3A_30 : vector<16xi32>
    %lt3A_32 = arith.constant 128 : i32
    %lt3A_33 = vector.broadcast %lt3A_32 : i32 to vector<16xi32>
    %lt3A_34 = arith.cmpi slt, %get3A_24, %lt3A_33 : vector<16xi32>
    %and3A_35 = arith.andi %ge3A_31, %lt3A_34 : vector<16xi1>
    %sub3A_36 = arith.constant 0 : i32
    %sub3A_37 = vector.broadcast %sub3A_36 : i32 to vector<16xi32>
    %sub3A_38 = arith.subi %get3A_24, %sub3A_37 : vector<16xi32>
    tpu.vector_store_idx %arg5[%sub3A_38, %add3A_28], %broadcast_in_dim3A_6 masked %and3A_35 : memref<504x128xf32, #tpu.memory_space<vmem>>[vector<16xi32>, vector<16xi32>], vector<16xf32>, vector<16xi1>
    %get3A_39 = arith.constant 32 : index
    %get3A_40 = tpu.vector_load %arg4[%get3A_39] {strides = array<i32>} : memref<512xi32, #tpu.memory_space<vmem>>, vector<16xi32>,
    %iota3A_41 = tpu.iota {dimensions = array<i32: 0>} : vector<16xi32>
    %add3A_42 = arith.constant 32 : i32
    %add3A_43 = vector.broadcast %add3A_42 : i32 to vector<16xi32>
    %add3A_44 = arith.addi %iota3A_41, %add3A_43 : vector<16xi32>
    %ge3A_45 = arith.constant 0 : i32
    %ge3A_46 = vector.broadcast %ge3A_45 : i32 to vector<16xi32>
    %ge3A_47 = arith.cmpi sge, %get3A_40, %ge3A_46 : vector<16xi32>
    %lt3A_48 = arith.constant 128 : i32
    %lt3A_49 = vector.broadcast %lt3A_48 : i32 to vector<16xi32>
    %lt3A_50 = arith.cmpi slt, %get3A_40, %lt3A_49 : vector<16xi32>
    %and3A_51 = arith.andi %ge3A_47, %lt3A_50 : vector<16xi1>
    %sub3A_52 = arith.constant 0 : i32
    %sub3A_53 = vector.broadcast %sub3A_52 : i32 to vector<16xi32>
    %sub3A_54 = arith.subi %get3A_40, %sub3A_53 : vector<16xi32>
    tpu.vector_store_idx %arg5[%sub3A_54, %add3A_44], %broadcast_in_dim3A_6 masked %and3A_51 : memref<504x128xf32, #tpu.memory_space<vmem>>[vector<16xi32>, vector<16xi32>], vector<16xf32>, vector<16xi1>
    %get3A_55 = arith.constant 48 : index
    %get3A_56 = tpu.vector_load %arg4[%get3A_55] {strides = array<i32>} : memref<512xi32, #tpu.memory_space<vmem>>, vector<16xi32>,
    %iota3A_57 = tpu.iota {dimensions = array<i32: 0>} : vector<16xi32>
    %add3A_58 = arith.constant 48 : i32
    %add3A_59 = vector.broadcast %add3A_58 : i32 to vector<16xi32>
    %add3A_60 = arith.addi %iota3A_57, %add3A_59 : vector<16xi32>
    %ge3A_61 = arith.constant 0 : i32
    %ge3A_62 = vector.broadcast %ge3A_61 : i32 to vector<16xi32>
    %ge3A_63 = arith.cmpi sge, %get3A_56, %ge3A_62 : vector<16xi32>
    %lt3A_64 = arith.constant 128 : i32
    %lt3A_65 = vector.broadcast %lt3A_64 : i32 to vector<16xi32>
    %lt3A_66 = arith.cmpi slt, %get3A_56, %lt3A_65 : vector<16xi32>
    %and3A_67 = arith.andi %ge3A_63, %lt3A_66 : vector<16xi1>
    %sub3A_68 = arith.constant 0 : i32
    %sub3A_69 = vector.broadcast %sub3A_68 : i32 to vector<16xi32>
    %sub3A_70 = arith.subi %get3A_56, %sub3A_69 : vector<16xi32>
    tpu.vector_store_idx %arg5[%sub3A_70, %add3A_60], %broadcast_in_dim3A_6 masked %and3A_67 : memref<504x128xf32, #tpu.memory_space<vmem>>[vector<16xi32>, vector<16xi32>], vector<16xf32>, vector<16xi1>
    %get3A_71 = arith.constant 64 : index
    %get3A_72 = tpu.vector_load %arg4[%get3A_71] {strides = array<i32>} : memref<512xi32, #tpu.memory_space<vmem>>, vector<16xi32>,
    %iota3A_73 = tpu.iota {dimensions = array<i32: 0>} : vector<16xi32>
    %add3A_74 = arith.constant 64 : i32
    %add3A_75 = vector.broadcast %add3A_74 : i32 to vector<16xi32>
    %add3A_76 = arith.addi %iota3A_73, %add3A_75 : vector<16xi32>
    %ge3A_77 = arith.constant 0 : i32
    %ge3A_78 = vector.broadcast %ge3A_77 : i32 to vector<16xi32>
    %ge3A_79 = arith.cmpi sge, %get3A_72, %ge3A_78 : vector<16xi32>
    %lt3A_80 = arith.constant 128 : i32
    %lt3A_81 = vector.broadcast %lt3A_80 : i32 to vector<16xi32>
    %lt3A_82 = arith.cmpi slt, %get3A_72, %lt3A_81 : vector<16xi32>
    %and3A_83 = arith.andi %ge3A_79, %lt3A_82 : vector<16xi1>
    %sub3A_84 = arith.constant 0 : i32
    %sub3A_85 = vector.broadcast %sub3A_84 : i32 to vector<16xi32>
    %sub3A_86 = arith.subi %get3A_72, %sub3A_85 : vector<16xi32>
    tpu.vector_store_idx %arg5[%sub3A_86, %add3A_76], %broadcast_in_dim3A_6 masked %and3A_83 : memref<504x128xf32, #tpu.memory_space<vmem>>[vector<16xi32>, vector<16xi32>], vector<16xf32>, vector<16xi1>
    %get3A_87 = arith.constant 80 : index
    %get3A_88 = tpu.vector_load %arg4[%get3A_87] {strides = array<i32>} : memref<512xi32, #tpu.memory_space<vmem>>, vector<16xi32>,
    %iota3A_89 = tpu.iota {dimensions = array<i32: 0>} : vector<16xi32>
    %add3A_90 = arith.constant 80 : i32
    %add3A_91 = vector.broadcast %add3A_90 : i32 to vector<16xi32>
    %add3A_92 = arith.addi %iota3A_89, %add3A_91 : vector<16xi32>
    %ge3A_93 = arith.constant 0 : i32
    %ge3A_94 = vector.broadcast %ge3A_93 : i32 to vector<16xi32>
    %ge3A_95 = arith.cmpi sge, %get3A_88, %ge3A_94 : vector<16xi32>
    %lt3A_96 = arith.constant 128 : i32
    %lt3A_97 = vector.broadcast %lt3A_96 : i32 to vector<16xi32>
    %lt3A_98 = arith.cmpi slt, %get3A_88, %lt3A_97 : vector<16xi32>
    %and3A_99 = arith.andi %ge3A_95, %lt3A_98 : vector<16xi1>
    %sub3A_100 = arith.constant 0 : i32
    %sub3A_101 = vector.broadcast %sub3A_100 : i32 to vector<16xi32>
    %sub3A_102 = arith.subi %get3A_88, %sub3A_101 : vector<16xi32>
    tpu.vector_store_idx %arg5[%sub3A_102, %add3A_92], %broadcast_in_dim3A_6 masked %and3A_99 : memref<504x128xf32, #tpu.memory_space<vmem>>[vector<16xi32>, vector<16xi32>], vector<16xf32>, vector<16xi1>
    %get3A_103 = arith.constant 96 : index
    %get3A_104 = tpu.vector_load %arg4[%get3A_103] {strides = array<i32>} : memref<512xi32, #tpu.memory_space<vmem>>, vector<16xi32>,
    %iota3A_105 = tpu.iota {dimensions = array<i32: 0>} : vector<16xi32>
    %add3A_106 = arith.constant 96 : i32
    %add3A_107 = vector.broadcast %add3A_106 : i32 to vector<16xi32>
    %add3A_108 = arith.addi %iota3A_105, %add3A_107 : vector<16xi32>
    %ge3A_109 = arith.constant 0 : i32
    %ge3A_110 = vector.broadcast %ge3A_109 : i32 to vector<16xi32>
    %ge3A_111 = arith.cmpi sge, %get3A_104, %ge3A_110 : vector<16xi32>
    %lt3A_112 = arith.constant 128 : i32
    %lt3A_113 = vector.broadcast %lt3A_112 : i32 to vector<16xi32>
    %lt3A_114 = arith.cmpi slt, %get3A_104, %lt3A_113 : vector<16xi32>
    %and3A_115 = arith.andi %ge3A_111, %lt3A_114 : vector<16xi1>
    %sub3A_116 = arith.constant 0 : i32
    %sub3A_117 = vector.broadcast %sub3A_116 : i32 to vector<16xi32>
    %sub3A_118 = arith.subi %get3A_104, %sub3A_117 : vector<16xi32>
    tpu.vector_store_idx %arg5[%sub3A_118, %add3A_108], %broadcast_in_dim3A_6 masked %and3A_115 : memref<504x128xf32, #tpu.memory_space<vmem>>[vector<16xi32>, vector<16xi32>], vector<16xf32>, vector<16xi1>
    %get3A_119 = arith.constant 112 : index
    %get3A_120 = tpu.vector_load %arg4[%get3A_119] {strides = array<i32>} : memref<512xi32, #tpu.memory_space<vmem>>, vector<16xi32>,
    %iota3A_121 = tpu.iota {dimensions = array<i32: 0>} : vector<16xi32>
    %add3A_122 = arith.constant 112 : i32
    %add3A_123 = vector.broadcast %add3A_122 : i32 to vector<16xi32>
    %add3A_124 = arith.addi %iota3A_121, %add3A_123 : vector<16xi32>
    %ge3A_125 = arith.constant 0 : i32
    %ge3A_126 = vector.broadcast %ge3A_125 : i32 to vector<16xi32>
    %ge3A_127 = arith.cmpi sge, %get3A_120, %ge3A_126 : vector<16xi32>
    %lt3A_128 = arith.constant 128 : i32
    %lt3A_129 = vector.broadcast %lt3A_128 : i32 to vector<16xi32>
    %lt3A_130 = arith.cmpi slt, %get3A_120, %lt3A_129 : vector<16xi32>
    %and3A_131 = arith.andi %ge3A_127, %lt3A_130 : vector<16xi1>
    %sub3A_132 = arith.constant 0 : i32
    %sub3A_133 = vector.broadcast %sub3A_132 : i32 to vector<16xi32>
    %sub3A_134 = arith.subi %get3A_120, %sub3A_133 : vector<16xi32>
    tpu.vector_store_idx %arg5[%sub3A_134, %add3A_124], %broadcast_in_dim3A_6 masked %and3A_131 : memref<504x128xf32, #tpu.memory_space<vmem>>[vector<16xi32>, vector<16xi32>], vector<16xf32>, vector<16xi1>
    %dma_start3A_135 = arith.constant 0 : i32
    %dma_start3A_136 = arith.constant 0 : i32
    %dma_start3A_137 = tpu.memref_slice %arg5[%dma_start3A_135, %dma_start3A_136] : memref<504x128xf32, #tpu.memory_space<vmem>> -> memref<128x128xf32, #tpu.memory_space<vmem>>
    %dma_start3A_138 = arith.constant 0 : i32
    %dma_start3A_139 = tpu.memref_slice %arg3[%dma_start3A_138, %mul3A_2] : memref<1000x16384xf32, #tpu.memory_space<hbm>> -> memref<128x128xf32, #tpu.memory_space<hbm>>
    %dma_start3A_140 = arith.constant 0 : i32
    %dma_start3A_141 = tpu.memref_slice %arg3[%dma_start3A_140, %mul3A_2] : memref<1000x16384xf32, #tpu.memory_space<hbm>> -> memref<128x128xf32, #tpu.memory_space<hbm>>
    %dma_start3A_142 = arith.constant 0 : i32
    %dma_start3A_143 = arith.constant 0 : i32
    %dma_start3A_144 = tpu.memref_slice %arg5[%dma_start3A_142, %dma_start3A_143] : memref<504x128xf32, #tpu.memory_space<vmem>> -> memref<128x128xf32, #tpu.memory_space<vmem>>
    tpu.enqueue_dma source(%dma_start3A_144 : memref<128x128xf32, #tpu.memory_space<vmem>>) target(%dma_start3A_141 : memref<128x128xf32, #tpu.memory_space<hbm>>) target_semaphore(%arg10 : memref<!tpu.dma_semaphore, #tpu.memory_space<semaphore_mem>>)
    %scan3A_145 = arith.constant 0 : i32
    %scan3A_146 = arith.constant 0 : i32
    %scan3A_147 = arith.constant 128 : i32
    %scan3A_148 = arith.addi %scan3A_146, %scan3A_147 : i32
    %scan3A_149 = arith.constant 1 : i32
    scf.for %scan3A_2301 = %scan3A_146 to %scan3A_148 step %scan3A_149  : i32 {
      %add3A_2302 = arith.constant 128 : i32
      %add3A_2303 = arith.addi %add3A_2302, %scan3A_2301 : i32
      %swap3A = arith.index_cast %add3A_2303 : i32 to index
      %swap3A_2304 = arith.constant 0 : index
      %swap3A_2305 = tpu.vector_load %arg5[%swap3A, %swap3A_2304] {strides = array<i32>} : memref<504x128xf32, #tpu.memory_space<vmem>>, vector<16xf32>,
      tpu.vector_store %arg5[%swap3A, %swap3A_2304], %broadcast_in_dim3A_4 {strides = array<i32>} : memref<504x128xf32, #tpu.memory_space<vmem>>, vector<16xf32>,
      %add3A_2306 = arith.constant 128 : i32
      %add3A_2307 = arith.addi %add3A_2306, %scan3A_2301 : i32
      %swap3A_2308 = arith.index_cast %add3A_2307 : i32 to index
      %swap3A_2309 = arith.constant 16 : index
      %swap3A_2310 = tpu.vector_load %arg5[%swap3A_2308, %swap3A_2309] {strides = array<i32>} : memref<504x128xf32, #tpu.memory_space<vmem>>, vector<16xf32>,
      tpu.vector_store %arg5[%swap3A_2308, %swap3A_2309], %broadcast_in_dim3A_4 {strides = array<i32>} : memref<504x128xf32, #tpu.memory_space<vmem>>, vector<16xf32>,
      %add3A_2311 = arith.constant 128 : i32
      %add3A_2312 = arith.addi %add3A_2311, %scan3A_2301 : i32
      %swap3A_2313 = arith.index_cast %add3A_2312 : i32 to index
      %swap3A_2314 = arith.constant 32 : index
      %swap3A_2315 = tpu.vector_load %arg5[%swap3A_2313, %swap3A_2314] {strides = array<i32>} : memref<504x128xf32, #tpu.memory_space<vmem>>, vector<16xf32>,
      tpu.vector_store %arg5[%swap3A_2313, %swap3A_2314], %broadcast_in_dim3A_4 {strides = array<i32>} : memref<504x128xf32, #tpu.memory_space<vmem>>, vector<16xf32>,
      %add3A_2316 = arith.constant 128 : i32
      %add3A_2317 = arith.addi %add3A_2316, %scan3A_2301 : i32
      %swap3A_2318 = arith.index_cast %add3A_2317 : i32 to index
      %swap3A_2319 = arith.constant 48 : index
      %swap3A_2320 = tpu.vector_load %arg5[%swap3A_2318, %swap3A_2319] {strides = array<i32>} : memref<504x128xf32, #tpu.memory_space<vmem>>, vector<16xf32>,
      tpu.vector_store %arg5[%swap3A_2318, %swap3A_2319], %broadcast_in_dim3A_4 {strides = array<i32>} : memref<504x128xf32, #tpu.memory_space<vmem>>, vector<16xf32>,
      %add3A_2321 = arith.constant 128 : i32
      %add3A_2322 = arith.addi %add3A_2321, %scan3A_2301 : i32
      %swap3A_2323 = arith.index_cast %add3A_2322 : i32 to index
      %swap3A_2324 = arith.constant 64 : index
      %swap3A_2325 = tpu.vector_load %arg5[%swap3A_2323, %swap3A_2324] {strides = array<i32>} : memref<504x128xf32, #tpu.memory_space<vmem>>, vector<16xf32>,
      tpu.vector_store %arg5[%swap3A_2323, %swap3A_2324], %broadcast_in_dim3A_4 {strides = array<i32>} : memref<504x128xf32, #tpu.memory_space<vmem>>, vector<16xf32>,
      %add3A_2326 = arith.constant 128 : i32
      %add3A_2327 = arith.addi %add3A_2326, %scan3A_2301 : i32
      %swap3A_2328 = arith.index_cast %add3A_2327 : i32 to index
      %swap3A_2329 = arith.constant 80 : index
      %swap3A_2330 = tpu.vector_load %arg5[%swap3A_2328, %swap3A_2329] {strides = array<i32>} : memref<504x128xf32, #tpu.memory_space<vmem>>, vector<16xf32>,
      tpu.vector_store %arg5[%swap3A_2328, %swap3A_2329], %broadcast_in_dim3A_4 {strides = array<i32>} : memref<504x128xf32, #tpu.memory_space<vmem>>, vector<16xf32>,
      %add3A_2331 = arith.constant 128 : i32
      %add3A_2332 = arith.addi %add3A_2331, %scan3A_2301 : i32
      %swap3A_2333 = arith.index_cast %add3A_2332 : i32 to index
      %swap3A_2334 = arith.constant 96 : index
      %swap3A_2335 = tpu.vector_load %arg5[%swap3A_2333, %swap3A_2334] {strides = array<i32>} : memref<504x128xf32, #tpu.memory_space<vmem>>, vector<16xf32>,
      tpu.vector_store %arg5[%swap3A_2333, %swap3A_2334], %broadcast_in_dim3A_4 {strides = array<i32>} : memref<504x128xf32, #tpu.memory_space<vmem>>, vector<16xf32>,
      %add3A_2336 = arith.constant 128 : i32
      %add3A_2337 = arith.addi %add3A_2336, %scan3A_2301 : i32
      %swap3A_2338 = arith.index_cast %add3A_2337 : i32 to index
      %swap3A_2339 = arith.constant 112 : index
      %swap3A_2340 = tpu.vector_load %arg5[%swap3A_2338, %swap3A_2339] {strides = array<i32>} : memref<504x128xf32, #tpu.memory_space<vmem>>, vector<16xf32>,
      tpu.vector_store %arg5[%swap3A_2338, %swap3A_2339], %broadcast_in_dim3A_4 {strides = array<i32>} : memref<504x128xf32, #tpu.memory_space<vmem>>, vector<16xf32>,
    }
    %scan3A_150 = arith.constant 128 : i32
    %get3A_151 = arith.constant 0 : index
    %get3A_152 = tpu.vector_load %arg4[%get3A_151] {strides = array<i32>} : memref<512xi32, #tpu.memory_space<vmem>>, vector<16xi32>,
    %iota3A_153 = tpu.iota {dimensions = array<i32: 0>} : vector<16xi32>
    %add3A_154 = arith.constant 0 : i32
    %add3A_155 = vector.broadcast %add3A_154 : i32 to vector<16xi32>
    %add3A_156 = arith.addi %iota3A_153, %add3A_155 : vector<16xi32>
    %ge3A_157 = arith.constant 128 : i32
    %ge3A_158 = vector.broadcast %ge3A_157 : i32 to vector<16xi32>
    %ge3A_159 = arith.cmpi sge, %get3A_152, %ge3A_158 : vector<16xi32>
    %lt3A_160 = arith.constant 256 : i32
    %lt3A_161 = vector.broadcast %lt3A_160 : i32 to vector<16xi32>
    %lt3A_162 = arith.cmpi slt, %get3A_152, %lt3A_161 : vector<16xi32>
    %and3A_163 = arith.andi %ge3A_159, %lt3A_162 : vector<16xi1>
    %sub3A_164 = arith.constant 0 : i32
    %sub3A_165 = vector.broadcast %sub3A_164 : i32 to vector<16xi32>
    %sub3A_166 = arith.subi %get3A_152, %sub3A_165 : vector<16xi32>
    tpu.vector_store_idx %arg5[%sub3A_166, %add3A_156], %broadcast_in_dim3A_6 masked %and3A_163 : memref<504x128xf32, #tpu.memory_space<vmem>>[vector<16xi32>, vector<16xi32>], vector<16xf32>, vector<16xi1>
    %get3A_167 = arith.constant 16 : index
    %get3A_168 = tpu.vector_load %arg4[%get3A_167] {strides = array<i32>} : memref<512xi32, #tpu.memory_space<vmem>>, vector<16xi32>,
    %iota3A_169 = tpu.iota {dimensions = array<i32: 0>} : vector<16xi32>
    %add3A_170 = arith.constant 16 : i32
    %add3A_171 = vector.broadcast %add3A_170 : i32 to vector<16xi32>
    %add3A_172 = arith.addi %iota3A_169, %add3A_171 : vector<16xi32>
    %ge3A_173 = arith.constant 128 : i32
    %ge3A_174 = vector.broadcast %ge3A_173 : i32 to vector<16xi32>
    %ge3A_175 = arith.cmpi sge, %get3A_168, %ge3A_174 : vector<16xi32>
    %lt3A_176 = arith.constant 256 : i32
    %lt3A_177 = vector.broadcast %lt3A_176 : i32 to vector<16xi32>
    %lt3A_178 = arith.cmpi slt, %get3A_168, %lt3A_177 : vector<16xi32>
    %and3A_179 = arith.andi %ge3A_175, %lt3A_178 : vector<16xi1>
    %sub3A_180 = arith.constant 0 : i32
    %sub3A_181 = vector.broadcast %sub3A_180 : i32 to vector<16xi32>
    %sub3A_182 = arith.subi %get3A_168, %sub3A_181 : vector<16xi32>
    tpu.vector_store_idx %arg5[%sub3A_182, %add3A_172], %broadcast_in_dim3A_6 masked %and3A_179 : memref<504x128xf32, #tpu.memory_space<vmem>>[vector<16xi32>, vector<16xi32>], vector<16xf32>, vector<16xi1>
    %get3A_183 = arith.constant 32 : index
    %get3A_184 = tpu.vector_load %arg4[%get3A_183] {strides = array<i32>} : memref<512xi32, #tpu.memory_space<vmem>>, vector<16xi32>,
    %iota3A_185 = tpu.iota {dimensions = array<i32: 0>} : vector<16xi32>
    %add3A_186 = arith.constant 32 : i32
    %add3A_187 = vector.broadcast %add3A_186 : i32 to vector<16xi32>
    %add3A_188 = arith.addi %iota3A_185, %add3A_187 : vector<16xi32>
    %ge3A_189 = arith.constant 128 : i32
    %ge3A_190 = vector.broadcast %ge3A_189 : i32 to vector<16xi32>
    %ge3A_191 = arith.cmpi sge, %get3A_184, %ge3A_190 : vector<16xi32>
    %lt3A_192 = arith.constant 256 : i32
    %lt3A_193 = vector.broadcast %lt3A_192 : i32 to vector<16xi32>
    %lt3A_194 = arith.cmpi slt, %get3A_184, %lt3A_193 : vector<16xi32>
    %and3A_195 = arith.andi %ge3A_191, %lt3A_194 : vector<16xi1>
    %sub3A_196 = arith.constant 0 : i32
    %sub3A_197 = vector.broadcast %sub3A_196 : i32 to vector<16xi32>
    %sub3A_198 = arith.subi %get3A_184, %sub3A_197 : vector<16xi32>
    tpu.vector_store_idx %arg5[%sub3A_198, %add3A_188], %broadcast_in_dim3A_6 masked %and3A_195 : memref<504x128xf32, #tpu.memory_space<vmem>>[vector<16xi32>, vector<16xi32>], vector<16xf32>, vector<16xi1>
    %get3A_199 = arith.constant 48 : index
    %get3A_200 = tpu.vector_load %arg4[%get3A_199] {strides = array<i32>} : memref<512xi32, #tpu.memory_space<vmem>>, vector<16xi32>,
    %iota3A_201 = tpu.iota {dimensions = array<i32: 0>} : vector<16xi32>
    %add3A_202 = arith.constant 48 : i32
    %add3A_203 = vector.broadcast %add3A_202 : i32 to vector<16xi32>
    %add3A_204 = arith.addi %iota3A_201, %add3A_203 : vector<16xi32>
    %ge3A_205 = arith.constant 128 : i32
    %ge3A_206 = vector.broadcast %ge3A_205 : i32 to vector<16xi32>
    %ge3A_207 = arith.cmpi sge, %get3A_200, %ge3A_206 : vector<16xi32>
    %lt3A_208 = arith.constant 256 : i32
    %lt3A_209 = vector.broadcast %lt3A_208 : i32 to vector<16xi32>
    %lt3A_210 = arith.cmpi slt, %get3A_200, %lt3A_209 : vector<16xi32>
    %and3A_211 = arith.andi %ge3A_207, %lt3A_210 : vector<16xi1>
    %sub3A_212 = arith.constant 0 : i32
    %sub3A_213 = vector.broadcast %sub3A_212 : i32 to vector<16xi32>
    %sub3A_214 = arith.subi %get3A_200, %sub3A_213 : vector<16xi32>
    tpu.vector_store_idx %arg5[%sub3A_214, %add3A_204], %broadcast_in_dim3A_6 masked %and3A_211 : memref<504x128xf32, #tpu.memory_space<vmem>>[vector<16xi32>, vector<16xi32>], vector<16xf32>, vector<16xi1>
    %get3A_215 = arith.constant 64 : index
    %get3A_216 = tpu.vector_load %arg4[%get3A_215] {strides = array<i32>} : memref<512xi32, #tpu.memory_space<vmem>>, vector<16xi32>,
    %iota3A_217 = tpu.iota {dimensions = array<i32: 0>} : vector<16xi32>
    %add3A_218 = arith.constant 64 : i32
    %add3A_219 = vector.broadcast %add3A_218 : i32 to vector<16xi32>
    %add3A_220 = arith.addi %iota3A_217, %add3A_219 : vector<16xi32>
    %ge3A_221 = arith.constant 128 : i32
    %ge3A_222 = vector.broadcast %ge3A_221 : i32 to vector<16xi32>
    %ge3A_223 = arith.cmpi sge, %get3A_216, %ge3A_222 : vector<16xi32>
    %lt3A_224 = arith.constant 256 : i32
    %lt3A_225 = vector.broadcast %lt3A_224 : i32 to vector<16xi32>
    %lt3A_226 = arith.cmpi slt, %get3A_216, %lt3A_225 : vector<16xi32>
    %and3A_227 = arith.andi %ge3A_223, %lt3A_226 : vector<16xi1>
    %sub3A_228 = arith.constant 0 : i32
    %sub3A_229 = vector.broadcast %sub3A_228 : i32 to vector<16xi32>
    %sub3A_230 = arith.subi %get3A_216, %sub3A_229 : vector<16xi32>
    tpu.vector_store_idx %arg5[%sub3A_230, %add3A_220], %broadcast_in_dim3A_6 masked %and3A_227 : memref<504x128xf32, #tpu.memory_space<vmem>>[vector<16xi32>, vector<16xi32>], vector<16xf32>, vector<16xi1>
    %get3A_231 = arith.constant 80 : index
    %get3A_232 = tpu.vector_load %arg4[%get3A_231] {strides = array<i32>} : memref<512xi32, #tpu.memory_space<vmem>>, vector<16xi32>,
    %iota3A_233 = tpu.iota {dimensions = array<i32: 0>} : vector<16xi32>
    %add3A_234 = arith.constant 80 : i32
    %add3A_235 = vector.broadcast %add3A_234 : i32 to vector<16xi32>
    %add3A_236 = arith.addi %iota3A_233, %add3A_235 : vector<16xi32>
    %ge3A_237 = arith.constant 128 : i32
    %ge3A_238 = vector.broadcast %ge3A_237 : i32 to vector<16xi32>
    %ge3A_239 = arith.cmpi sge, %get3A_232, %ge3A_238 : vector<16xi32>
    %lt3A_240 = arith.constant 256 : i32
    %lt3A_241 = vector.broadcast %lt3A_240 : i32 to vector<16xi32>
    %lt3A_242 = arith.cmpi slt, %get3A_232, %lt3A_241 : vector<16xi32>
    %and3A_243 = arith.andi %ge3A_239, %lt3A_242 : vector<16xi1>
    %sub3A_244 = arith.constant 0 : i32
    %sub3A_245 = vector.broadcast %sub3A_244 : i32 to vector<16xi32>
    %sub3A_246 = arith.subi %get3A_232, %sub3A_245 : vector<16xi32>
    tpu.vector_store_idx %arg5[%sub3A_246, %add3A_236], %broadcast_in_dim3A_6 masked %and3A_243 : memref<504x128xf32, #tpu.memory_space<vmem>>[vector<16xi32>, vector<16xi32>], vector<16xf32>, vector<16xi1>
    %get3A_247 = arith.constant 96 : index
    %get3A_248 = tpu.vector_load %arg4[%get3A_247] {strides = array<i32>} : memref<512xi32, #tpu.memory_space<vmem>>, vector<16xi32>,
    %iota3A_249 = tpu.iota {dimensions = array<i32: 0>} : vector<16xi32>
    %add3A_250 = arith.constant 96 : i32
    %add3A_251 = vector.broadcast %add3A_250 : i32 to vector<16xi32>
    %add3A_252 = arith.addi %iota3A_249, %add3A_251 : vector<16xi32>
    %ge3A_253 = arith.constant 128 : i32
    %ge3A_254 = vector.broadcast %ge3A_253 : i32 to vector<16xi32>
    %ge3A_255 = arith.cmpi sge, %get3A_248, %ge3A_254 : vector<16xi32>
    %lt3A_256 = arith.constant 256 : i32
    %lt3A_257 = vector.broadcast %lt3A_256 : i32 to vector<16xi32>
    %lt3A_258 = arith.cmpi slt, %get3A_248, %lt3A_257 : vector<16xi32>
    %and3A_259 = arith.andi %ge3A_255, %lt3A_258 : vector<16xi1>
    %sub3A_260 = arith.constant 0 : i32
    %sub3A_261 = vector.broadcast %sub3A_260 : i32 to vector<16xi32>
    %sub3A_262 = arith.subi %get3A_248, %sub3A_261 : vector<16xi32>
    tpu.vector_store_idx %arg5[%sub3A_262, %add3A_252], %broadcast_in_dim3A_6 masked %and3A_259 : memref<504x128xf32, #tpu.memory_space<vmem>>[vector<16xi32>, vector<16xi32>], vector<16xf32>, vector<16xi1>
    %get3A_263 = arith.constant 112 : index
    %get3A_264 = tpu.vector_load %arg4[%get3A_263] {strides = array<i32>} : memref<512xi32, #tpu.memory_space<vmem>>, vector<16xi32>,
    %iota3A_265 = tpu.iota {dimensions = array<i32: 0>} : vector<16xi32>
    %add3A_266 = arith.constant 112 : i32
    %add3A_267 = vector.broadcast %add3A_266 : i32 to vector<16xi32>
    %add3A_268 = arith.addi %iota3A_265, %add3A_267 : vector<16xi32>
    %ge3A_269 = arith.constant 128 : i32
    %ge3A_270 = vector.broadcast %ge3A_269 : i32 to vector<16xi32>
    %ge3A_271 = arith.cmpi sge, %get3A_264, %ge3A_270 : vector<16xi32>
    %lt3A_272 = arith.constant 256 : i32
    %lt3A_273 = vector.broadcast %lt3A_272 : i32 to vector<16xi32>
    %lt3A_274 = arith.cmpi slt, %get3A_264, %lt3A_273 : vector<16xi32>
    %and3A_275 = arith.andi %ge3A_271, %lt3A_274 : vector<16xi1>
    %sub3A_276 = arith.constant 0 : i32
    %sub3A_277 = vector.broadcast %sub3A_276 : i32 to vector<16xi32>
    %sub3A_278 = arith.subi %get3A_264, %sub3A_277 : vector<16xi32>
    tpu.vector_store_idx %arg5[%sub3A_278, %add3A_268], %broadcast_in_dim3A_6 masked %and3A_275 : memref<504x128xf32, #tpu.memory_space<vmem>>[vector<16xi32>, vector<16xi32>], vector<16xf32>, vector<16xi1>
    %dma_start3A_279 = arith.constant 128 : i32
    %dma_start3A_280 = arith.constant 0 : i32
    %dma_start3A_281 = tpu.memref_slice %arg5[%dma_start3A_279, %dma_start3A_280] : memref<504x128xf32, #tpu.memory_space<vmem>> -> memref<128x128xf32, #tpu.memory_space<vmem>>
    %dma_start3A_282 = arith.constant 128 : i32
    %dma_start3A_283 = tpu.memref_slice %arg3[%dma_start3A_282, %mul3A_2] : memref<1000x16384xf32, #tpu.memory_space<hbm>> -> memref<128x128xf32, #tpu.memory_space<hbm>>
    %dma_start3A_284 = arith.constant 128 : i32
    %dma_start3A_285 = tpu.memref_slice %arg3[%dma_start3A_284, %mul3A_2] : memref<1000x16384xf32, #tpu.memory_space<hbm>> -> memref<128x128xf32, #tpu.memory_space<hbm>>
    %dma_start3A_286 = arith.constant 128 : i32
    %dma_start3A_287 = arith.constant 0 : i32
    %dma_start3A_288 = tpu.memref_slice %arg5[%dma_start3A_286, %dma_start3A_287] : memref<504x128xf32, #tpu.memory_space<vmem>> -> memref<128x128xf32, #tpu.memory_space<vmem>>
    tpu.enqueue_dma source(%dma_start3A_288 : memref<128x128xf32, #tpu.memory_space<vmem>>) target(%dma_start3A_285 : memref<128x128xf32, #tpu.memory_space<hbm>>) target_semaphore(%arg11 : memref<!tpu.dma_semaphore, #tpu.memory_space<semaphore_mem>>)
    %scan3A_289 = arith.constant 0 : i32
    %scan3A_290 = arith.constant 0 : i32
    %scan3A_291 = arith.constant 128 : i32
    %scan3A_292 = arith.addi %scan3A_290, %scan3A_291 : i32
    %scan3A_293 = arith.constant 1 : i32
    scf.for %scan3A_2301 = %scan3A_290 to %scan3A_292 step %scan3A_293  : i32 {
      %add3A_2302 = arith.constant 256 : i32
      %add3A_2303 = arith.addi %add3A_2302, %scan3A_2301 : i32
      %swap3A = arith.index_cast %add3A_2303 : i32 to index
      %swap3A_2304 = arith.constant 0 : index
      %swap3A_2305 = tpu.vector_load %arg5[%swap3A, %swap3A_2304] {strides = array<i32>} : memref<504x128xf32, #tpu.memory_space<vmem>>, vector<16xf32>,
      tpu.vector_store %arg5[%swap3A, %swap3A_2304], %broadcast_in_dim3A_4 {strides = array<i32>} : memref<504x128xf32, #tpu.memory_space<vmem>>, vector<16xf32>,
      %add3A_2306 = arith.constant 256 : i32
      %add3A_2307 = arith.addi %add3A_2306, %scan3A_2301 : i32
      %swap3A_2308 = arith.index_cast %add3A_2307 : i32 to index
      %swap3A_2309 = arith.constant 16 : index
      %swap3A_2310 = tpu.vector_load %arg5[%swap3A_2308, %swap3A_2309] {strides = array<i32>} : memref<504x128xf32, #tpu.memory_space<vmem>>, vector<16xf32>,
      tpu.vector_store %arg5[%swap3A_2308, %swap3A_2309], %broadcast_in_dim3A_4 {strides = array<i32>} : memref<504x128xf32, #tpu.memory_space<vmem>>, vector<16xf32>,
      %add3A_2311 = arith.constant 256 : i32
      %add3A_2312 = arith.addi %add3A_2311, %scan3A_2301 : i32
      %swap3A_2313 = arith.index_cast %add3A_2312 : i32 to index
      %swap3A_2314 = arith.constant 32 : index
      %swap3A_2315 = tpu.vector_load %arg5[%swap3A_2313, %swap3A_2314] {strides = array<i32>} : memref<504x128xf32, #tpu.memory_space<vmem>>, vector<16xf32>,
      tpu.vector_store %arg5[%swap3A_2313, %swap3A_2314], %broadcast_in_dim3A_4 {strides = array<i32>} : memref<504x128xf32, #tpu.memory_space<vmem>>, vector<16xf32>,
      %add3A_2316 = arith.constant 256 : i32
      %add3A_2317 = arith.addi %add3A_2316, %scan3A_2301 : i32
      %swap3A_2318 = arith.index_cast %add3A_2317 : i32 to index
      %swap3A_2319 = arith.constant 48 : index
      %swap3A_2320 = tpu.vector_load %arg5[%swap3A_2318, %swap3A_2319] {strides = array<i32>} : memref<504x128xf32, #tpu.memory_space<vmem>>, vector<16xf32>,
      tpu.vector_store %arg5[%swap3A_2318, %swap3A_2319], %broadcast_in_dim3A_4 {strides = array<i32>} : memref<504x128xf32, #tpu.memory_space<vmem>>, vector<16xf32>,
      %add3A_2321 = arith.constant 256 : i32
      %add3A_2322 = arith.addi %add3A_2321, %scan3A_2301 : i32
      %swap3A_2323 = arith.index_cast %add3A_2322 : i32 to index
      %swap3A_2324 = arith.constant 64 : index
      %swap3A_2325 = tpu.vector_load %arg5[%swap3A_2323, %swap3A_2324] {strides = array<i32>} : memref<504x128xf32, #tpu.memory_space<vmem>>, vector<16xf32>,
      tpu.vector_store %arg5[%swap3A_2323, %swap3A_2324], %broadcast_in_dim3A_4 {strides = array<i32>} : memref<504x128xf32, #tpu.memory_space<vmem>>, vector<16xf32>,
      %add3A_2326 = arith.constant 256 : i32
      %add3A_2327 = arith.addi %add3A_2326, %scan3A_2301 : i32
      %swap3A_2328 = arith.index_cast %add3A_2327 : i32 to index
      %swap3A_2329 = arith.constant 80 : index
      %swap3A_2330 = tpu.vector_load %arg5[%swap3A_2328, %swap3A_2329] {strides = array<i32>} : memref<504x128xf32, #tpu.memory_space<vmem>>, vector<16xf32>,
      tpu.vector_store %arg5[%swap3A_2328, %swap3A_2329], %broadcast_in_dim3A_4 {strides = array<i32>} : memref<504x128xf32, #tpu.memory_space<vmem>>, vector<16xf32>,
      %add3A_2331 = arith.constant 256 : i32
      %add3A_2332 = arith.addi %add3A_2331, %scan3A_2301 : i32
      %swap3A_2333 = arith.index_cast %add3A_2332 : i32 to index
      %swap3A_2334 = arith.constant 96 : index
      %swap3A_2335 = tpu.vector_load %arg5[%swap3A_2333, %swap3A_2334] {strides = array<i32>} : memref<504x128xf32, #tpu.memory_space<vmem>>, vector<16xf32>,
      tpu.vector_store %arg5[%swap3A_2333, %swap3A_2334], %broadcast_in_dim3A_4 {strides = array<i32>} : memref<504x128xf32, #tpu.memory_space<vmem>>, vector<16xf32>,
      %add3A_2336 = arith.constant 256 : i32
      %add3A_2337 = arith.addi %add3A_2336, %scan3A_2301 : i32
      %swap3A_2338 = arith.index_cast %add3A_2337 : i32 to index
      %swap3A_2339 = arith.constant 112 : index
      %swap3A_2340 = tpu.vector_load %arg5[%swap3A_2338, %swap3A_2339] {strides = array<i32>} : memref<504x128xf32, #tpu.memory_space<vmem>>, vector<16xf32>,
      tpu.vector_store %arg5[%swap3A_2338, %swap3A_2339], %broadcast_in_dim3A_4 {strides = array<i32>} : memref<504x128xf32, #tpu.memory_space<vmem>>, vector<16xf32>,
    }
    %scan3A_294 = arith.constant 128 : i32
    %get3A_295 = arith.constant 0 : index
    %get3A_296 = tpu.vector_load %arg4[%get3A_295] {strides = array<i32>} : memref<512xi32, #tpu.memory_space<vmem>>, vector<16xi32>,
    %iota3A_297 = tpu.iota {dimensions = array<i32: 0>} : vector<16xi32>
    %add3A_298 = arith.constant 0 : i32
    %add3A_299 = vector.broadcast %add3A_298 : i32 to vector<16xi32>
    %add3A_300 = arith.addi %iota3A_297, %add3A_299 : vector<16xi32>
    %ge3A_301 = arith.constant 256 : i32
    %ge3A_302 = vector.broadcast %ge3A_301 : i32 to vector<16xi32>
    %ge3A_303 = arith.cmpi sge, %get3A_296, %ge3A_302 : vector<16xi32>
    %lt3A_304 = arith.constant 384 : i32
    %lt3A_305 = vector.broadcast %lt3A_304 : i32 to vector<16xi32>
    %lt3A_306 = arith.cmpi slt, %get3A_296, %lt3A_305 : vector<16xi32>
    %and3A_307 = arith.andi %ge3A_303, %lt3A_306 : vector<16xi1>
    %sub3A_308 = arith.constant 0 : i32
    %sub3A_309 = vector.broadcast %sub3A_308 : i32 to vector<16xi32>
    %sub3A_310 = arith.subi %get3A_296, %sub3A_309 : vector<16xi32>
    tpu.vector_store_idx %arg5[%sub3A_310, %add3A_300], %broadcast_in_dim3A_6 masked %and3A_307 : memref<504x128xf32, #tpu.memory_space<vmem>>[vector<16xi32>, vector<16xi32>], vector<16xf32>, vector<16xi1>
    %get3A_311 = arith.constant 16 : index
    %get3A_312 = tpu.vector_load %arg4[%get3A_311] {strides = array<i32>} : memref<512xi32, #tpu.memory_space<vmem>>, vector<16xi32>,
    %iota3A_313 = tpu.iota {dimensions = array<i32: 0>} : vector<16xi32>
    %add3A_314 = arith.constant 16 : i32
    %add3A_315 = vector.broadcast %add3A_314 : i32 to vector<16xi32>
    %add3A_316 = arith.addi %iota3A_313, %add3A_315 : vector<16xi32>
    %ge3A_317 = arith.constant 256 : i32
    %ge3A_318 = vector.broadcast %ge3A_317 : i32 to vector<16xi32>
    %ge3A_319 = arith.cmpi sge, %get3A_312, %ge3A_318 : vector<16xi32>
    %lt3A_320 = arith.constant 384 : i32
    %lt3A_321 = vector.broadcast %lt3A_320 : i32 to vector<16xi32>
    %lt3A_322 = arith.cmpi slt, %get3A_312, %lt3A_321 : vector<16xi32>
    %and3A_323 = arith.andi %ge3A_319, %lt3A_322 : vector<16xi1>
    %sub3A_324 = arith.constant 0 : i32
    %sub3A_325 = vector.broadcast %sub3A_324 : i32 to vector<16xi32>
    %sub3A_326 = arith.subi %get3A_312, %sub3A_325 : vector<16xi32>
    tpu.vector_store_idx %arg5[%sub3A_326, %add3A_316], %broadcast_in_dim3A_6 masked %and3A_323 : memref<504x128xf32, #tpu.memory_space<vmem>>[vector<16xi32>, vector<16xi32>], vector<16xf32>, vector<16xi1>
    %get3A_327 = arith.constant 32 : index
    %get3A_328 = tpu.vector_load %arg4[%get3A_327] {strides = array<i32>} : memref<512xi32, #tpu.memory_space<vmem>>, vector<16xi32>,
    %iota3A_329 = tpu.iota {dimensions = array<i32: 0>} : vector<16xi32>
    %add3A_330 = arith.constant 32 : i32
    %add3A_331 = vector.broadcast %add3A_330 : i32 to vector<16xi32>
    %add3A_332 = arith.addi %iota3A_329, %add3A_331 : vector<16xi32>
    %ge3A_333 = arith.constant 256 : i32
    %ge3A_334 = vector.broadcast %ge3A_333 : i32 to vector<16xi32>
    %ge3A_335 = arith.cmpi sge, %get3A_328, %ge3A_334 : vector<16xi32>
    %lt3A_336 = arith.constant 384 : i32
    %lt3A_337 = vector.broadcast %lt3A_336 : i32 to vector<16xi32>
    %lt3A_338 = arith.cmpi slt, %get3A_328, %lt3A_337 : vector<16xi32>
    %and3A_339 = arith.andi %ge3A_335, %lt3A_338 : vector<16xi1>
    %sub3A_340 = arith.constant 0 : i32
    %sub3A_341 = vector.broadcast %sub3A_340 : i32 to vector<16xi32>
    %sub3A_342 = arith.subi %get3A_328, %sub3A_341 : vector<16xi32>
    tpu.vector_store_idx %arg5[%sub3A_342, %add3A_332], %broadcast_in_dim3A_6 masked %and3A_339 : memref<504x128xf32, #tpu.memory_space<vmem>>[vector<16xi32>, vector<16xi32>], vector<16xf32>, vector<16xi1>
    %get3A_343 = arith.constant 48 : index
    %get3A_344 = tpu.vector_load %arg4[%get3A_343] {strides = array<i32>} : memref<512xi32, #tpu.memory_space<vmem>>, vector<16xi32>,
    %iota3A_345 = tpu.iota {dimensions = array<i32: 0>} : vector<16xi32>
    %add3A_346 = arith.constant 48 : i32
    %add3A_347 = vector.broadcast %add3A_346 : i32 to vector<16xi32>
    %add3A_348 = arith.addi %iota3A_345, %add3A_347 : vector<16xi32>
    %ge3A_349 = arith.constant 256 : i32
    %ge3A_350 = vector.broadcast %ge3A_349 : i32 to vector<16xi32>
    %ge3A_351 = arith.cmpi sge, %get3A_344, %ge3A_350 : vector<16xi32>
    %lt3A_352 = arith.constant 384 : i32
    %lt3A_353 = vector.broadcast %lt3A_352 : i32 to vector<16xi32>
    %lt3A_354 = arith.cmpi slt, %get3A_344, %lt3A_353 : vector<16xi32>
    %and3A_355 = arith.andi %ge3A_351, %lt3A_354 : vector<16xi1>
    %sub3A_356 = arith.constant 0 : i32
    %sub3A_357 = vector.broadcast %sub3A_356 : i32 to vector<16xi32>
    %sub3A_358 = arith.subi %get3A_344, %sub3A_357 : vector<16xi32>
    tpu.vector_store_idx %arg5[%sub3A_358, %add3A_348], %broadcast_in_dim3A_6 masked %and3A_355 : memref<504x128xf32, #tpu.memory_space<vmem>>[vector<16xi32>, vector<16xi32>], vector<16xf32>, vector<16xi1>
    %get3A_359 = arith.constant 64 : index
    %get3A_360 = tpu.vector_load %arg4[%get3A_359] {strides = array<i32>} : memref<512xi32, #tpu.memory_space<vmem>>, vector<16xi32>,
    %iota3A_361 = tpu.iota {dimensions = array<i32: 0>} : vector<16xi32>
    %add3A_362 = arith.constant 64 : i32
    %add3A_363 = vector.broadcast %add3A_362 : i32 to vector<16xi32>
    %add3A_364 = arith.addi %iota3A_361, %add3A_363 : vector<16xi32>
    %ge3A_365 = arith.constant 256 : i32
    %ge3A_366 = vector.broadcast %ge3A_365 : i32 to vector<16xi32>
    %ge3A_367 = arith.cmpi sge, %get3A_360, %ge3A_366 : vector<16xi32>
    %lt3A_368 = arith.constant 384 : i32
    %lt3A_369 = vector.broadcast %lt3A_368 : i32 to vector<16xi32>
    %lt3A_370 = arith.cmpi slt, %get3A_360, %lt3A_369 : vector<16xi32>
    %and3A_371 = arith.andi %ge3A_367, %lt3A_370 : vector<16xi1>
    %sub3A_372 = arith.constant 0 : i32
    %sub3A_373 = vector.broadcast %sub3A_372 : i32 to vector<16xi32>
    %sub3A_374 = arith.subi %get3A_360, %sub3A_373 : vector<16xi32>
    tpu.vector_store_idx %arg5[%sub3A_374, %add3A_364], %broadcast_in_dim3A_6 masked %and3A_371 : memref<504x128xf32, #tpu.memory_space<vmem>>[vector<16xi32>, vector<16xi32>], vector<16xf32>, vector<16xi1>
    %get3A_375 = arith.constant 80 : index
    %get3A_376 = tpu.vector_load %arg4[%get3A_375] {strides = array<i32>} : memref<512xi32, #tpu.memory_space<vmem>>, vector<16xi32>,
    %iota3A_377 = tpu.iota {dimensions = array<i32: 0>} : vector<16xi32>
    %add3A_378 = arith.constant 80 : i32
    %add3A_379 = vector.broadcast %add3A_378 : i32 to vector<16xi32>
    %add3A_380 = arith.addi %iota3A_377, %add3A_379 : vector<16xi32>
    %ge3A_381 = arith.constant 256 : i32
    %ge3A_382 = vector.broadcast %ge3A_381 : i32 to vector<16xi32>
    %ge3A_383 = arith.cmpi sge, %get3A_376, %ge3A_382 : vector<16xi32>
    %lt3A_384 = arith.constant 384 : i32
    %lt3A_385 = vector.broadcast %lt3A_384 : i32 to vector<16xi32>
    %lt3A_386 = arith.cmpi slt, %get3A_376, %lt3A_385 : vector<16xi32>
    %and3A_387 = arith.andi %ge3A_383, %lt3A_386 : vector<16xi1>
    %sub3A_388 = arith.constant 0 : i32
    %sub3A_389 = vector.broadcast %sub3A_388 : i32 to vector<16xi32>
    %sub3A_390 = arith.subi %get3A_376, %sub3A_389 : vector<16xi32>
    tpu.vector_store_idx %arg5[%sub3A_390, %add3A_380], %broadcast_in_dim3A_6 masked %and3A_387 : memref<504x128xf32, #tpu.memory_space<vmem>>[vector<16xi32>, vector<16xi32>], vector<16xf32>, vector<16xi1>
    %get3A_391 = arith.constant 96 : index
    %get3A_392 = tpu.vector_load %arg4[%get3A_391] {strides = array<i32>} : memref<512xi32, #tpu.memory_space<vmem>>, vector<16xi32>,
    %iota3A_393 = tpu.iota {dimensions = array<i32: 0>} : vector<16xi32>
    %add3A_394 = arith.constant 96 : i32
    %add3A_395 = vector.broadcast %add3A_394 : i32 to vector<16xi32>
    %add3A_396 = arith.addi %iota3A_393, %add3A_395 : vector<16xi32>
    %ge3A_397 = arith.constant 256 : i32
    %ge3A_398 = vector.broadcast %ge3A_397 : i32 to vector<16xi32>
    %ge3A_399 = arith.cmpi sge, %get3A_392, %ge3A_398 : vector<16xi32>
    %lt3A_400 = arith.constant 384 : i32
    %lt3A_401 = vector.broadcast %lt3A_400 : i32 to vector<16xi32>
    %lt3A_402 = arith.cmpi slt, %get3A_392, %lt3A_401 : vector<16xi32>
    %and3A_403 = arith.andi %ge3A_399, %lt3A_402 : vector<16xi1>
    %sub3A_404 = arith.constant 0 : i32
    %sub3A_405 = vector.broadcast %sub3A_404 : i32 to vector<16xi32>
    %sub3A_406 = arith.subi %get3A_392, %sub3A_405 : vector<16xi32>
    tpu.vector_store_idx %arg5[%sub3A_406, %add3A_396], %broadcast_in_dim3A_6 masked %and3A_403 : memref<504x128xf32, #tpu.memory_space<vmem>>[vector<16xi32>, vector<16xi32>], vector<16xf32>, vector<16xi1>
    %get3A_407 = arith.constant 112 : index
    %get3A_408 = tpu.vector_load %arg4[%get3A_407] {strides = array<i32>} : memref<512xi32, #tpu.memory_space<vmem>>, vector<16xi32>,
    %iota3A_409 = tpu.iota {dimensions = array<i32: 0>} : vector<16xi32>
    %add3A_410 = arith.constant 112 : i32
    %add3A_411 = vector.broadcast %add3A_410 : i32 to vector<16xi32>
    %add3A_412 = arith.addi %iota3A_409, %add3A_411 : vector<16xi32>
    %ge3A_413 = arith.constant 256 : i32
    %ge3A_414 = vector.broadcast %ge3A_413 : i32 to vector<16xi32>
    %ge3A_415 = arith.cmpi sge, %get3A_408, %ge3A_414 : vector<16xi32>
    %lt3A_416 = arith.constant 384 : i32
    %lt3A_417 = vector.broadcast %lt3A_416 : i32 to vector<16xi32>
    %lt3A_418 = arith.cmpi slt, %get3A_408, %lt3A_417 : vector<16xi32>
    %and3A_419 = arith.andi %ge3A_415, %lt3A_418 : vector<16xi1>
    %sub3A_420 = arith.constant 0 : i32
    %sub3A_421 = vector.broadcast %sub3A_420 : i32 to vector<16xi32>
    %sub3A_422 = arith.subi %get3A_408, %sub3A_421 : vector<16xi32>
    tpu.vector_store_idx %arg5[%sub3A_422, %add3A_412], %broadcast_in_dim3A_6 masked %and3A_419 : memref<504x128xf32, #tpu.memory_space<vmem>>[vector<16xi32>, vector<16xi32>], vector<16xf32>, vector<16xi1>
    %dma_start3A_423 = arith.constant 256 : i32
    %dma_start3A_424 = arith.constant 0 : i32
    %dma_start3A_425 = tpu.memref_slice %arg5[%dma_start3A_423, %dma_start3A_424] : memref<504x128xf32, #tpu.memory_space<vmem>> -> memref<128x128xf32, #tpu.memory_space<vmem>>
    %dma_start3A_426 = arith.constant 256 : i32
    %dma_start3A_427 = tpu.memref_slice %arg3[%dma_start3A_426, %mul3A_2] : memref<1000x16384xf32, #tpu.memory_space<hbm>> -> memref<128x128xf32, #tpu.memory_space<hbm>>
    %dma_start3A_428 = arith.constant 256 : i32
    %dma_start3A_429 = tpu.memref_slice %arg3[%dma_start3A_428, %mul3A_2] : memref<1000x16384xf32, #tpu.memory_space<hbm>> -> memref<128x128xf32, #tpu.memory_space<hbm>>
    %dma_start3A_430 = arith.constant 256 : i32
    %dma_start3A_431 = arith.constant 0 : i32
    %dma_start3A_432 = tpu.memref_slice %arg5[%dma_start3A_430, %dma_start3A_431] : memref<504x128xf32, #tpu.memory_space<vmem>> -> memref<128x128xf32, #tpu.memory_space<vmem>>
    tpu.enqueue_dma source(%dma_start3A_432 : memref<128x128xf32, #tpu.memory_space<vmem>>) target(%dma_start3A_429 : memref<128x128xf32, #tpu.memory_space<hbm>>) target_semaphore(%arg12 : memref<!tpu.dma_semaphore, #tpu.memory_space<semaphore_mem>>)
    %scan3A_433 = arith.constant 0 : i32
    %scan3A_434 = arith.constant 0 : i32
    %scan3A_435 = arith.constant 120 : i32
    %scan3A_436 = arith.addi %scan3A_434, %scan3A_435 : i32
    %scan3A_437 = arith.constant 1 : i32
    scf.for %scan3A_2301 = %scan3A_434 to %scan3A_436 step %scan3A_437  : i32 {
      %add3A_2302 = arith.constant 384 : i32
      %add3A_2303 = arith.addi %add3A_2302, %scan3A_2301 : i32
      %swap3A = arith.index_cast %add3A_2303 : i32 to index
      %swap3A_2304 = arith.constant 0 : index
      %swap3A_2305 = tpu.vector_load %arg5[%swap3A, %swap3A_2304] {strides = array<i32>} : memref<504x128xf32, #tpu.memory_space<vmem>>, vector<16xf32>,
      tpu.vector_store %arg5[%swap3A, %swap3A_2304], %broadcast_in_dim3A_4 {strides = array<i32>} : memref<504x128xf32, #tpu.memory_space<vmem>>, vector<16xf32>,
      %add3A_2306 = arith.constant 384 : i32
      %add3A_2307 = arith.addi %add3A_2306, %scan3A_2301 : i32
      %swap3A_2308 = arith.index_cast %add3A_2307 : i32 to index
      %swap3A_2309 = arith.constant 16 : index
      %swap3A_2310 = tpu.vector_load %arg5[%swap3A_2308, %swap3A_2309] {strides = array<i32>} : memref<504x128xf32, #tpu.memory_space<vmem>>, vector<16xf32>,
      tpu.vector_store %arg5[%swap3A_2308, %swap3A_2309], %broadcast_in_dim3A_4 {strides = array<i32>} : memref<504x128xf32, #tpu.memory_space<vmem>>, vector<16xf32>,
      %add3A_2311 = arith.constant 384 : i32
      %add3A_2312 = arith.addi %add3A_2311, %scan3A_2301 : i32
      %swap3A_2313 = arith.index_cast %add3A_2312 : i32 to index
      %swap3A_2314 = arith.constant 32 : index
      %swap3A_2315 = tpu.vector_load %arg5[%swap3A_2313, %swap3A_2314] {strides = array<i32>} : memref<504x128xf32, #tpu.memory_space<vmem>>, vector<16xf32>,
      tpu.vector_store %arg5[%swap3A_2313, %swap3A_2314], %broadcast_in_dim3A_4 {strides = array<i32>} : memref<504x128xf32, #tpu.memory_space<vmem>>, vector<16xf32>,
      %add3A_2316 = arith.constant 384 : i32
      %add3A_2317 = arith.addi %add3A_2316, %scan3A_2301 : i32
      %swap3A_2318 = arith.index_cast %add3A_2317 : i32 to index
      %swap3A_2319 = arith.constant 48 : index
      %swap3A_2320 = tpu.vector_load %arg5[%swap3A_2318, %swap3A_2319] {strides = array<i32>} : memref<504x128xf32, #tpu.memory_space<vmem>>, vector<16xf32>,
      tpu.vector_store %arg5[%swap3A_2318, %swap3A_2319], %broadcast_in_dim3A_4 {strides = array<i32>} : memref<504x128xf32, #tpu.memory_space<vmem>>, vector<16xf32>,
      %add3A_2321 = arith.constant 384 : i32
      %add3A_2322 = arith.addi %add3A_2321, %scan3A_2301 : i32
      %swap3A_2323 = arith.index_cast %add3A_2322 : i32 to index
      %swap3A_2324 = arith.constant 64 : index
      %swap3A_2325 = tpu.vector_load %arg5[%swap3A_2323, %swap3A_2324] {strides = array<i32>} : memref<504x128xf32, #tpu.memory_space<vmem>>, vector<16xf32>,
      tpu.vector_store %arg5[%swap3A_2323, %swap3A_2324], %broadcast_in_dim3A_4 {strides = array<i32>} : memref<504x128xf32, #tpu.memory_space<vmem>>, vector<16xf32>,
      %add3A_2326 = arith.constant 384 : i32
      %add3A_2327 = arith.addi %add3A_2326, %scan3A_2301 : i32
      %swap3A_2328 = arith.index_cast %add3A_2327 : i32 to index
      %swap3A_2329 = arith.constant 80 : index
      %swap3A_2330 = tpu.vector_load %arg5[%swap3A_2328, %swap3A_2329] {strides = array<i32>} : memref<504x128xf32, #tpu.memory_space<vmem>>, vector<16xf32>,
      tpu.vector_store %arg5[%swap3A_2328, %swap3A_2329], %broadcast_in_dim3A_4 {strides = array<i32>} : memref<504x128xf32, #tpu.memory_space<vmem>>, vector<16xf32>,
      %add3A_2331 = arith.constant 384 : i32
      %add3A_2332 = arith.addi %add3A_2331, %scan3A_2301 : i32
      %swap3A_2333 = arith.index_cast %add3A_2332 : i32 to index
      %swap3A_2334 = arith.constant 96 : index
      %swap3A_2335 = tpu.vector_load %arg5[%swap3A_2333, %swap3A_2334] {strides = array<i32>} : memref<504x128xf32, #tpu.memory_space<vmem>>, vector<16xf32>,
      tpu.vector_store %arg5[%swap3A_2333, %swap3A_2334], %broadcast_in_dim3A_4 {strides = array<i32>} : memref<504x128xf32, #tpu.memory_space<vmem>>, vector<16xf32>,
      %add3A_2336 = arith.constant 384 : i32
      %add3A_2337 = arith.addi %add3A_2336, %scan3A_2301 : i32
      %swap3A_2338 = arith.index_cast %add3A_2337 : i32 to index
      %swap3A_2339 = arith.constant 112 : index
      %swap3A_2340 = tpu.vector_load %arg5[%swap3A_2338, %swap3A_2339] {strides = array<i32>} : memref<504x128xf32, #tpu.memory_space<vmem>>, vector<16xf32>,
      tpu.vector_store %arg5[%swap3A_2338, %swap3A_2339], %broadcast_in_dim3A_4 {strides = array<i32>} : memref<504x128xf32, #tpu.memory_space<vmem>>, vector<16xf32>,
    }
    %scan3A_438 = arith.constant 120 : i32
    %get3A_439 = arith.constant 0 : index
    %get3A_440 = tpu.vector_load %arg4[%get3A_439] {strides = array<i32>} : memref<512xi32, #tpu.memory_space<vmem>>, vector<16xi32>,
    %iota3A_441 = tpu.iota {dimensions = array<i32: 0>} : vector<16xi32>
    %add3A_442 = arith.constant 0 : i32
    %add3A_443 = vector.broadcast %add3A_442 : i32 to vector<16xi32>
    %add3A_444 = arith.addi %iota3A_441, %add3A_443 : vector<16xi32>
    %ge3A_445 = arith.constant 384 : i32
    %ge3A_446 = vector.broadcast %ge3A_445 : i32 to vector<16xi32>
    %ge3A_447 = arith.cmpi sge, %get3A_440, %ge3A_446 : vector<16xi32>
    %lt3A_448 = arith.constant 504 : i32
    %lt3A_449 = vector.broadcast %lt3A_448 : i32 to vector<16xi32>
    %lt3A_450 = arith.cmpi slt, %get3A_440, %lt3A_449 : vector<16xi32>
    %and3A_451 = arith.andi %ge3A_447, %lt3A_450 : vector<16xi1>
    %sub3A_452 = arith.constant 0 : i32
    %sub3A_453 = vector.broadcast %sub3A_452 : i32 to vector<16xi32>
    %sub3A_454 = arith.subi %get3A_440, %sub3A_453 : vector<16xi32>
    tpu.vector_store_idx %arg5[%sub3A_454, %add3A_444], %broadcast_in_dim3A_6 masked %and3A_451 : memref<504x128xf32, #tpu.memory_space<vmem>>[vector<16xi32>, vector<16xi32>], vector<16xf32>, vector<16xi1>
    %get3A_455 = arith.constant 16 : index
    %get3A_456 = tpu.vector_load %arg4[%get3A_455] {strides = array<i32>} : memref<512xi32, #tpu.memory_space<vmem>>, vector<16xi32>,
    %iota3A_457 = tpu.iota {dimensions = array<i32: 0>} : vector<16xi32>
    %add3A_458 = arith.constant 16 : i32
    %add3A_459 = vector.broadcast %add3A_458 : i32 to vector<16xi32>
    %add3A_460 = arith.addi %iota3A_457, %add3A_459 : vector<16xi32>
    %ge3A_461 = arith.constant 384 : i32
    %ge3A_462 = vector.broadcast %ge3A_461 : i32 to vector<16xi32>
    %ge3A_463 = arith.cmpi sge, %get3A_456, %ge3A_462 : vector<16xi32>
    %lt3A_464 = arith.constant 504 : i32
    %lt3A_465 = vector.broadcast %lt3A_464 : i32 to vector<16xi32>
    %lt3A_466 = arith.cmpi slt, %get3A_456, %lt3A_465 : vector<16xi32>
    %and3A_467 = arith.andi %ge3A_463, %lt3A_466 : vector<16xi1>
    %sub3A_468 = arith.constant 0 : i32
    %sub3A_469 = vector.broadcast %sub3A_468 : i32 to vector<16xi32>
    %sub3A_470 = arith.subi %get3A_456, %sub3A_469 : vector<16xi32>
    tpu.vector_store_idx %arg5[%sub3A_470, %add3A_460], %broadcast_in_dim3A_6 masked %and3A_467 : memref<504x128xf32, #tpu.memory_space<vmem>>[vector<16xi32>, vector<16xi32>], vector<16xf32>, vector<16xi1>
    %get3A_471 = arith.constant 32 : index
    %get3A_472 = tpu.vector_load %arg4[%get3A_471] {strides = array<i32>} : memref<512xi32, #tpu.memory_space<vmem>>, vector<16xi32>,
    %iota3A_473 = tpu.iota {dimensions = array<i32: 0>} : vector<16xi32>
    %add3A_474 = arith.constant 32 : i32
    %add3A_475 = vector.broadcast %add3A_474 : i32 to vector<16xi32>
    %add3A_476 = arith.addi %iota3A_473, %add3A_475 : vector<16xi32>
    %ge3A_477 = arith.constant 384 : i32
    %ge3A_478 = vector.broadcast %ge3A_477 : i32 to vector<16xi32>
    %ge3A_479 = arith.cmpi sge, %get3A_472, %ge3A_478 : vector<16xi32>
    %lt3A_480 = arith.constant 504 : i32
    %lt3A_481 = vector.broadcast %lt3A_480 : i32 to vector<16xi32>
    %lt3A_482 = arith.cmpi slt, %get3A_472, %lt3A_481 : vector<16xi32>
    %and3A_483 = arith.andi %ge3A_479, %lt3A_482 : vector<16xi1>
    %sub3A_484 = arith.constant 0 : i32
    %sub3A_485 = vector.broadcast %sub3A_484 : i32 to vector<16xi32>
    %sub3A_486 = arith.subi %get3A_472, %sub3A_485 : vector<16xi32>
    tpu.vector_store_idx %arg5[%sub3A_486, %add3A_476], %broadcast_in_dim3A_6 masked %and3A_483 : memref<504x128xf32, #tpu.memory_space<vmem>>[vector<16xi32>, vector<16xi32>], vector<16xf32>, vector<16xi1>
    %get3A_487 = arith.constant 48 : index
    %get3A_488 = tpu.vector_load %arg4[%get3A_487] {strides = array<i32>} : memref<512xi32, #tpu.memory_space<vmem>>, vector<16xi32>,
    %iota3A_489 = tpu.iota {dimensions = array<i32: 0>} : vector<16xi32>
    %add3A_490 = arith.constant 48 : i32
    %add3A_491 = vector.broadcast %add3A_490 : i32 to vector<16xi32>
    %add3A_492 = arith.addi %iota3A_489, %add3A_491 : vector<16xi32>
    %ge3A_493 = arith.constant 384 : i32
    %ge3A_494 = vector.broadcast %ge3A_493 : i32 to vector<16xi32>
    %ge3A_495 = arith.cmpi sge, %get3A_488, %ge3A_494 : vector<16xi32>
    %lt3A_496 = arith.constant 504 : i32
    %lt3A_497 = vector.broadcast %lt3A_496 : i32 to vector<16xi32>
    %lt3A_498 = arith.cmpi slt, %get3A_488, %lt3A_497 : vector<16xi32>
    %and3A_499 = arith.andi %ge3A_495, %lt3A_498 : vector<16xi1>
    %sub3A_500 = arith.constant 0 : i32
    %sub3A_501 = vector.broadcast %sub3A_500 : i32 to vector<16xi32>
    %sub3A_502 = arith.subi %get3A_488, %sub3A_501 : vector<16xi32>
    tpu.vector_store_idx %arg5[%sub3A_502, %add3A_492], %broadcast_in_dim3A_6 masked %and3A_499 : memref<504x128xf32, #tpu.memory_space<vmem>>[vector<16xi32>, vector<16xi32>], vector<16xf32>, vector<16xi1>
    %get3A_503 = arith.constant 64 : index
    %get3A_504 = tpu.vector_load %arg4[%get3A_503] {strides = array<i32>} : memref<512xi32, #tpu.memory_space<vmem>>, vector<16xi32>,
    %iota3A_505 = tpu.iota {dimensions = array<i32: 0>} : vector<16xi32>
    %add3A_506 = arith.constant 64 : i32
    %add3A_507 = vector.broadcast %add3A_506 : i32 to vector<16xi32>
    %add3A_508 = arith.addi %iota3A_505, %add3A_507 : vector<16xi32>
    %ge3A_509 = arith.constant 384 : i32
    %ge3A_510 = vector.broadcast %ge3A_509 : i32 to vector<16xi32>
    %ge3A_511 = arith.cmpi sge, %get3A_504, %ge3A_510 : vector<16xi32>
    %lt3A_512 = arith.constant 504 : i32
    %lt3A_513 = vector.broadcast %lt3A_512 : i32 to vector<16xi32>
    %lt3A_514 = arith.cmpi slt, %get3A_504, %lt3A_513 : vector<16xi32>
    %and3A_515 = arith.andi %ge3A_511, %lt3A_514 : vector<16xi1>
    %sub3A_516 = arith.constant 0 : i32
    %sub3A_517 = vector.broadcast %sub3A_516 : i32 to vector<16xi32>
    %sub3A_518 = arith.subi %get3A_504, %sub3A_517 : vector<16xi32>
    tpu.vector_store_idx %arg5[%sub3A_518, %add3A_508], %broadcast_in_dim3A_6 masked %and3A_515 : memref<504x128xf32, #tpu.memory_space<vmem>>[vector<16xi32>, vector<16xi32>], vector<16xf32>, vector<16xi1>
    %get3A_519 = arith.constant 80 : index
    %get3A_520 = tpu.vector_load %arg4[%get3A_519] {strides = array<i32>} : memref<512xi32, #tpu.memory_space<vmem>>, vector<16xi32>,
    %iota3A_521 = tpu.iota {dimensions = array<i32: 0>} : vector<16xi32>
    %add3A_522 = arith.constant 80 : i32
    %add3A_523 = vector.broadcast %add3A_522 : i32 to vector<16xi32>
    %add3A_524 = arith.addi %iota3A_521, %add3A_523 : vector<16xi32>
    %ge3A_525 = arith.constant 384 : i32
    %ge3A_526 = vector.broadcast %ge3A_525 : i32 to vector<16xi32>
    %ge3A_527 = arith.cmpi sge, %get3A_520, %ge3A_526 : vector<16xi32>
    %lt3A_528 = arith.constant 504 : i32
    %lt3A_529 = vector.broadcast %lt3A_528 : i32 to vector<16xi32>
    %lt3A_530 = arith.cmpi slt, %get3A_520, %lt3A_529 : vector<16xi32>
    %and3A_531 = arith.andi %ge3A_527, %lt3A_530 : vector<16xi1>
    %sub3A_532 = arith.constant 0 : i32
    %sub3A_533 = vector.broadcast %sub3A_532 : i32 to vector<16xi32>
    %sub3A_534 = arith.subi %get3A_520, %sub3A_533 : vector<16xi32>
    tpu.vector_store_idx %arg5[%sub3A_534, %add3A_524], %broadcast_in_dim3A_6 masked %and3A_531 : memref<504x128xf32, #tpu.memory_space<vmem>>[vector<16xi32>, vector<16xi32>], vector<16xf32>, vector<16xi1>
    %get3A_535 = arith.constant 96 : index
    %get3A_536 = tpu.vector_load %arg4[%get3A_535] {strides = array<i32>} : memref<512xi32, #tpu.memory_space<vmem>>, vector<16xi32>,
    %iota3A_537 = tpu.iota {dimensions = array<i32: 0>} : vector<16xi32>
    %add3A_538 = arith.constant 96 : i32
    %add3A_539 = vector.broadcast %add3A_538 : i32 to vector<16xi32>
    %add3A_540 = arith.addi %iota3A_537, %add3A_539 : vector<16xi32>
    %ge3A_541 = arith.constant 384 : i32
    %ge3A_542 = vector.broadcast %ge3A_541 : i32 to vector<16xi32>
    %ge3A_543 = arith.cmpi sge, %get3A_536, %ge3A_542 : vector<16xi32>
    %lt3A_544 = arith.constant 504 : i32
    %lt3A_545 = vector.broadcast %lt3A_544 : i32 to vector<16xi32>
    %lt3A_546 = arith.cmpi slt, %get3A_536, %lt3A_545 : vector<16xi32>
    %and3A_547 = arith.andi %ge3A_543, %lt3A_546 : vector<16xi1>
    %sub3A_548 = arith.constant 0 : i32
    %sub3A_549 = vector.broadcast %sub3A_548 : i32 to vector<16xi32>
    %sub3A_550 = arith.subi %get3A_536, %sub3A_549 : vector<16xi32>
    tpu.vector_store_idx %arg5[%sub3A_550, %add3A_540], %broadcast_in_dim3A_6 masked %and3A_547 : memref<504x128xf32, #tpu.memory_space<vmem>>[vector<16xi32>, vector<16xi32>], vector<16xf32>, vector<16xi1>
    %get3A_551 = arith.constant 112 : index
    %get3A_552 = tpu.vector_load %arg4[%get3A_551] {strides = array<i32>} : memref<512xi32, #tpu.memory_space<vmem>>, vector<16xi32>,
    %iota3A_553 = tpu.iota {dimensions = array<i32: 0>} : vector<16xi32>
    %add3A_554 = arith.constant 112 : i32
    %add3A_555 = vector.broadcast %add3A_554 : i32 to vector<16xi32>
    %add3A_556 = arith.addi %iota3A_553, %add3A_555 : vector<16xi32>
    %ge3A_557 = arith.constant 384 : i32
    %ge3A_558 = vector.broadcast %ge3A_557 : i32 to vector<16xi32>
    %ge3A_559 = arith.cmpi sge, %get3A_552, %ge3A_558 : vector<16xi32>
    %lt3A_560 = arith.constant 504 : i32
    %lt3A_561 = vector.broadcast %lt3A_560 : i32 to vector<16xi32>
    %lt3A_562 = arith.cmpi slt, %get3A_552, %lt3A_561 : vector<16xi32>
    %and3A_563 = arith.andi %ge3A_559, %lt3A_562 : vector<16xi1>
    %sub3A_564 = arith.constant 0 : i32
    %sub3A_565 = vector.broadcast %sub3A_564 : i32 to vector<16xi32>
    %sub3A_566 = arith.subi %get3A_552, %sub3A_565 : vector<16xi32>
    tpu.vector_store_idx %arg5[%sub3A_566, %add3A_556], %broadcast_in_dim3A_6 masked %and3A_563 : memref<504x128xf32, #tpu.memory_space<vmem>>[vector<16xi32>, vector<16xi32>], vector<16xf32>, vector<16xi1>
    %dma_start3A_567 = arith.constant 384 : i32
    %dma_start3A_568 = arith.constant 0 : i32
    %dma_start3A_569 = tpu.memref_slice %arg5[%dma_start3A_567, %dma_start3A_568] : memref<504x128xf32, #tpu.memory_space<vmem>> -> memref<120x128xf32, #tpu.memory_space<vmem>>
    %dma_start3A_570 = arith.constant 384 : i32
    %dma_start3A_571 = tpu.memref_slice %arg3[%dma_start3A_570, %mul3A_2] : memref<1000x16384xf32, #tpu.memory_space<hbm>> -> memref<120x128xf32, #tpu.memory_space<hbm>>
    %dma_start3A_572 = arith.constant 384 : i32
    %dma_start3A_573 = tpu.memref_slice %arg3[%dma_start3A_572, %mul3A_2] : memref<1000x16384xf32, #tpu.memory_space<hbm>> -> memref<120x128xf32, #tpu.memory_space<hbm>>
    %dma_start3A_574 = arith.constant 384 : i32
    %dma_start3A_575 = arith.constant 0 : i32
    %dma_start3A_576 = tpu.memref_slice %arg5[%dma_start3A_574, %dma_start3A_575] : memref<504x128xf32, #tpu.memory_space<vmem>> -> memref<120x128xf32, #tpu.memory_space<vmem>>
    tpu.enqueue_dma source(%dma_start3A_576 : memref<120x128xf32, #tpu.memory_space<vmem>>) target(%dma_start3A_573 : memref<120x128xf32, #tpu.memory_space<hbm>>) target_semaphore(%arg13 : memref<!tpu.dma_semaphore, #tpu.memory_space<semaphore_mem>>)
    %scan3A_577 = arith.constant 0 : i32
    %scan3A_578 = arith.constant 0 : i32
    %scan3A_579 = arith.constant 128 : i32
    %scan3A_580 = arith.addi %scan3A_578, %scan3A_579 : i32
    %scan3A_581 = arith.constant 1 : i32
    scf.for %scan3A_2301 = %scan3A_578 to %scan3A_580 step %scan3A_581  : i32 {
      %add3A_2302 = arith.constant 0 : i32
      %add3A_2303 = arith.addi %add3A_2302, %scan3A_2301 : i32
      %swap3A = arith.index_cast %add3A_2303 : i32 to index
      %swap3A_2304 = arith.constant 0 : index
      %swap3A_2305 = tpu.vector_load %arg6[%swap3A, %swap3A_2304] {strides = array<i32>} : memref<496x128xf32, #tpu.memory_space<vmem>>, vector<16xf32>,
      tpu.vector_store %arg6[%swap3A, %swap3A_2304], %broadcast_in_dim3A_4 {strides = array<i32>} : memref<496x128xf32, #tpu.memory_space<vmem>>, vector<16xf32>,
      %add3A_2306 = arith.constant 0 : i32
      %add3A_2307 = arith.addi %add3A_2306, %scan3A_2301 : i32
      %swap3A_2308 = arith.index_cast %add3A_2307 : i32 to index
      %swap3A_2309 = arith.constant 16 : index
      %swap3A_2310 = tpu.vector_load %arg6[%swap3A_2308, %swap3A_2309] {strides = array<i32>} : memref<496x128xf32, #tpu.memory_space<vmem>>, vector<16xf32>,
      tpu.vector_store %arg6[%swap3A_2308, %swap3A_2309], %broadcast_in_dim3A_4 {strides = array<i32>} : memref<496x128xf32, #tpu.memory_space<vmem>>, vector<16xf32>,
      %add3A_2311 = arith.constant 0 : i32
      %add3A_2312 = arith.addi %add3A_2311, %scan3A_2301 : i32
      %swap3A_2313 = arith.index_cast %add3A_2312 : i32 to index
      %swap3A_2314 = arith.constant 32 : index
      %swap3A_2315 = tpu.vector_load %arg6[%swap3A_2313, %swap3A_2314] {strides = array<i32>} : memref<496x128xf32, #tpu.memory_space<vmem>>, vector<16xf32>,
      tpu.vector_store %arg6[%swap3A_2313, %swap3A_2314], %broadcast_in_dim3A_4 {strides = array<i32>} : memref<496x128xf32, #tpu.memory_space<vmem>>, vector<16xf32>,
      %add3A_2316 = arith.constant 0 : i32
      %add3A_2317 = arith.addi %add3A_2316, %scan3A_2301 : i32
      %swap3A_2318 = arith.index_cast %add3A_2317 : i32 to index
      %swap3A_2319 = arith.constant 48 : index
      %swap3A_2320 = tpu.vector_load %arg6[%swap3A_2318, %swap3A_2319] {strides = array<i32>} : memref<496x128xf32, #tpu.memory_space<vmem>>, vector<16xf32>,
      tpu.vector_store %arg6[%swap3A_2318, %swap3A_2319], %broadcast_in_dim3A_4 {strides = array<i32>} : memref<496x128xf32, #tpu.memory_space<vmem>>, vector<16xf32>,
      %add3A_2321 = arith.constant 0 : i32
      %add3A_2322 = arith.addi %add3A_2321, %scan3A_2301 : i32
      %swap3A_2323 = arith.index_cast %add3A_2322 : i32 to index
      %swap3A_2324 = arith.constant 64 : index
      %swap3A_2325 = tpu.vector_load %arg6[%swap3A_2323, %swap3A_2324] {strides = array<i32>} : memref<496x128xf32, #tpu.memory_space<vmem>>, vector<16xf32>,
      tpu.vector_store %arg6[%swap3A_2323, %swap3A_2324], %broadcast_in_dim3A_4 {strides = array<i32>} : memref<496x128xf32, #tpu.memory_space<vmem>>, vector<16xf32>,
      %add3A_2326 = arith.constant 0 : i32
      %add3A_2327 = arith.addi %add3A_2326, %scan3A_2301 : i32
      %swap3A_2328 = arith.index_cast %add3A_2327 : i32 to index
      %swap3A_2329 = arith.constant 80 : index
      %swap3A_2330 = tpu.vector_load %arg6[%swap3A_2328, %swap3A_2329] {strides = array<i32>} : memref<496x128xf32, #tpu.memory_space<vmem>>, vector<16xf32>,
      tpu.vector_store %arg6[%swap3A_2328, %swap3A_2329], %broadcast_in_dim3A_4 {strides = array<i32>} : memref<496x128xf32, #tpu.memory_space<vmem>>, vector<16xf32>,
      %add3A_2331 = arith.constant 0 : i32
      %add3A_2332 = arith.addi %add3A_2331, %scan3A_2301 : i32
      %swap3A_2333 = arith.index_cast %add3A_2332 : i32 to index
      %swap3A_2334 = arith.constant 96 : index
      %swap3A_2335 = tpu.vector_load %arg6[%swap3A_2333, %swap3A_2334] {strides = array<i32>} : memref<496x128xf32, #tpu.memory_space<vmem>>, vector<16xf32>,
      tpu.vector_store %arg6[%swap3A_2333, %swap3A_2334], %broadcast_in_dim3A_4 {strides = array<i32>} : memref<496x128xf32, #tpu.memory_space<vmem>>, vector<16xf32>,
      %add3A_2336 = arith.constant 0 : i32
      %add3A_2337 = arith.addi %add3A_2336, %scan3A_2301 : i32
      %swap3A_2338 = arith.index_cast %add3A_2337 : i32 to index
      %swap3A_2339 = arith.constant 112 : index
      %swap3A_2340 = tpu.vector_load %arg6[%swap3A_2338, %swap3A_2339] {strides = array<i32>} : memref<496x128xf32, #tpu.memory_space<vmem>>, vector<16xf32>,
      tpu.vector_store %arg6[%swap3A_2338, %swap3A_2339], %broadcast_in_dim3A_4 {strides = array<i32>} : memref<496x128xf32, #tpu.memory_space<vmem>>, vector<16xf32>,
    }
    %scan3A_582 = arith.constant 128 : i32
    %get3A_583 = arith.constant 0 : index
    %get3A_584 = tpu.vector_load %arg4[%get3A_583] {strides = array<i32>} : memref<512xi32, #tpu.memory_space<vmem>>, vector<16xi32>,
    %iota3A_585 = tpu.iota {dimensions = array<i32: 0>} : vector<16xi32>
    %add3A_586 = arith.constant 0 : i32
    %add3A_587 = vector.broadcast %add3A_586 : i32 to vector<16xi32>
    %add3A_588 = arith.addi %iota3A_585, %add3A_587 : vector<16xi32>
    %ge3A_589 = arith.constant 504 : i32
    %ge3A_590 = vector.broadcast %ge3A_589 : i32 to vector<16xi32>
    %ge3A_591 = arith.cmpi sge, %get3A_584, %ge3A_590 : vector<16xi32>
    %lt3A_592 = arith.constant 632 : i32
    %lt3A_593 = vector.broadcast %lt3A_592 : i32 to vector<16xi32>
    %lt3A_594 = arith.cmpi slt, %get3A_584, %lt3A_593 : vector<16xi32>
    %and3A_595 = arith.andi %ge3A_591, %lt3A_594 : vector<16xi1>
    %sub3A_596 = arith.constant 504 : i32
    %sub3A_597 = vector.broadcast %sub3A_596 : i32 to vector<16xi32>
    %sub3A_598 = arith.subi %get3A_584, %sub3A_597 : vector<16xi32>
    tpu.vector_store_idx %arg6[%sub3A_598, %add3A_588], %broadcast_in_dim3A_6 masked %and3A_595 : memref<496x128xf32, #tpu.memory_space<vmem>>[vector<16xi32>, vector<16xi32>], vector<16xf32>, vector<16xi1>
    %get3A_599 = arith.constant 16 : index
    %get3A_600 = tpu.vector_load %arg4[%get3A_599] {strides = array<i32>} : memref<512xi32, #tpu.memory_space<vmem>>, vector<16xi32>,
    %iota3A_601 = tpu.iota {dimensions = array<i32: 0>} : vector<16xi32>
    %add3A_602 = arith.constant 16 : i32
    %add3A_603 = vector.broadcast %add3A_602 : i32 to vector<16xi32>
    %add3A_604 = arith.addi %iota3A_601, %add3A_603 : vector<16xi32>
    %ge3A_605 = arith.constant 504 : i32
    %ge3A_606 = vector.broadcast %ge3A_605 : i32 to vector<16xi32>
    %ge3A_607 = arith.cmpi sge, %get3A_600, %ge3A_606 : vector<16xi32>
    %lt3A_608 = arith.constant 632 : i32
    %lt3A_609 = vector.broadcast %lt3A_608 : i32 to vector<16xi32>
    %lt3A_610 = arith.cmpi slt, %get3A_600, %lt3A_609 : vector<16xi32>
    %and3A_611 = arith.andi %ge3A_607, %lt3A_610 : vector<16xi1>
    %sub3A_612 = arith.constant 504 : i32
    %sub3A_613 = vector.broadcast %sub3A_612 : i32 to vector<16xi32>
    %sub3A_614 = arith.subi %get3A_600, %sub3A_613 : vector<16xi32>
    tpu.vector_store_idx %arg6[%sub3A_614, %add3A_604], %broadcast_in_dim3A_6 masked %and3A_611 : memref<496x128xf32, #tpu.memory_space<vmem>>[vector<16xi32>, vector<16xi32>], vector<16xf32>, vector<16xi1>
    %get3A_615 = arith.constant 32 : index
    %get3A_616 = tpu.vector_load %arg4[%get3A_615] {strides = array<i32>} : memref<512xi32, #tpu.memory_space<vmem>>, vector<16xi32>,
    %iota3A_617 = tpu.iota {dimensions = array<i32: 0>} : vector<16xi32>
    %add3A_618 = arith.constant 32 : i32
    %add3A_619 = vector.broadcast %add3A_618 : i32 to vector<16xi32>
    %add3A_620 = arith.addi %iota3A_617, %add3A_619 : vector<16xi32>
    %ge3A_621 = arith.constant 504 : i32
    %ge3A_622 = vector.broadcast %ge3A_621 : i32 to vector<16xi32>
    %ge3A_623 = arith.cmpi sge, %get3A_616, %ge3A_622 : vector<16xi32>
    %lt3A_624 = arith.constant 632 : i32
    %lt3A_625 = vector.broadcast %lt3A_624 : i32 to vector<16xi32>
    %lt3A_626 = arith.cmpi slt, %get3A_616, %lt3A_625 : vector<16xi32>
    %and3A_627 = arith.andi %ge3A_623, %lt3A_626 : vector<16xi1>
    %sub3A_628 = arith.constant 504 : i32
    %sub3A_629 = vector.broadcast %sub3A_628 : i32 to vector<16xi32>
    %sub3A_630 = arith.subi %get3A_616, %sub3A_629 : vector<16xi32>
    tpu.vector_store_idx %arg6[%sub3A_630, %add3A_620], %broadcast_in_dim3A_6 masked %and3A_627 : memref<496x128xf32, #tpu.memory_space<vmem>>[vector<16xi32>, vector<16xi32>], vector<16xf32>, vector<16xi1>
    %get3A_631 = arith.constant 48 : index
    %get3A_632 = tpu.vector_load %arg4[%get3A_631] {strides = array<i32>} : memref<512xi32, #tpu.memory_space<vmem>>, vector<16xi32>,
    %iota3A_633 = tpu.iota {dimensions = array<i32: 0>} : vector<16xi32>
    %add3A_634 = arith.constant 48 : i32
    %add3A_635 = vector.broadcast %add3A_634 : i32 to vector<16xi32>
    %add3A_636 = arith.addi %iota3A_633, %add3A_635 : vector<16xi32>
    %ge3A_637 = arith.constant 504 : i32
    %ge3A_638 = vector.broadcast %ge3A_637 : i32 to vector<16xi32>
    %ge3A_639 = arith.cmpi sge, %get3A_632, %ge3A_638 : vector<16xi32>
    %lt3A_640 = arith.constant 632 : i32
    %lt3A_641 = vector.broadcast %lt3A_640 : i32 to vector<16xi32>
    %lt3A_642 = arith.cmpi slt, %get3A_632, %lt3A_641 : vector<16xi32>
    %and3A_643 = arith.andi %ge3A_639, %lt3A_642 : vector<16xi1>
    %sub3A_644 = arith.constant 504 : i32
    %sub3A_645 = vector.broadcast %sub3A_644 : i32 to vector<16xi32>
    %sub3A_646 = arith.subi %get3A_632, %sub3A_645 : vector<16xi32>
    tpu.vector_store_idx %arg6[%sub3A_646, %add3A_636], %broadcast_in_dim3A_6 masked %and3A_643 : memref<496x128xf32, #tpu.memory_space<vmem>>[vector<16xi32>, vector<16xi32>], vector<16xf32>, vector<16xi1>
    %get3A_647 = arith.constant 64 : index
    %get3A_648 = tpu.vector_load %arg4[%get3A_647] {strides = array<i32>} : memref<512xi32, #tpu.memory_space<vmem>>, vector<16xi32>,
    %iota3A_649 = tpu.iota {dimensions = array<i32: 0>} : vector<16xi32>
    %add3A_650 = arith.constant 64 : i32
    %add3A_651 = vector.broadcast %add3A_650 : i32 to vector<16xi32>
    %add3A_652 = arith.addi %iota3A_649, %add3A_651 : vector<16xi32>
    %ge3A_653 = arith.constant 504 : i32
    %ge3A_654 = vector.broadcast %ge3A_653 : i32 to vector<16xi32>
    %ge3A_655 = arith.cmpi sge, %get3A_648, %ge3A_654 : vector<16xi32>
    %lt3A_656 = arith.constant 632 : i32
    %lt3A_657 = vector.broadcast %lt3A_656 : i32 to vector<16xi32>
    %lt3A_658 = arith.cmpi slt, %get3A_648, %lt3A_657 : vector<16xi32>
    %and3A_659 = arith.andi %ge3A_655, %lt3A_658 : vector<16xi1>
    %sub3A_660 = arith.constant 504 : i32
    %sub3A_661 = vector.broadcast %sub3A_660 : i32 to vector<16xi32>
    %sub3A_662 = arith.subi %get3A_648, %sub3A_661 : vector<16xi32>
    tpu.vector_store_idx %arg6[%sub3A_662, %add3A_652], %broadcast_in_dim3A_6 masked %and3A_659 : memref<496x128xf32, #tpu.memory_space<vmem>>[vector<16xi32>, vector<16xi32>], vector<16xf32>, vector<16xi1>
    %get3A_663 = arith.constant 80 : index
    %get3A_664 = tpu.vector_load %arg4[%get3A_663] {strides = array<i32>} : memref<512xi32, #tpu.memory_space<vmem>>, vector<16xi32>,
    %iota3A_665 = tpu.iota {dimensions = array<i32: 0>} : vector<16xi32>
    %add3A_666 = arith.constant 80 : i32
    %add3A_667 = vector.broadcast %add3A_666 : i32 to vector<16xi32>
    %add3A_668 = arith.addi %iota3A_665, %add3A_667 : vector<16xi32>
    %ge3A_669 = arith.constant 504 : i32
    %ge3A_670 = vector.broadcast %ge3A_669 : i32 to vector<16xi32>
    %ge3A_671 = arith.cmpi sge, %get3A_664, %ge3A_670 : vector<16xi32>
    %lt3A_672 = arith.constant 632 : i32
    %lt3A_673 = vector.broadcast %lt3A_672 : i32 to vector<16xi32>
    %lt3A_674 = arith.cmpi slt, %get3A_664, %lt3A_673 : vector<16xi32>
    %and3A_675 = arith.andi %ge3A_671, %lt3A_674 : vector<16xi1>
    %sub3A_676 = arith.constant 504 : i32
    %sub3A_677 = vector.broadcast %sub3A_676 : i32 to vector<16xi32>
    %sub3A_678 = arith.subi %get3A_664, %sub3A_677 : vector<16xi32>
    tpu.vector_store_idx %arg6[%sub3A_678, %add3A_668], %broadcast_in_dim3A_6 masked %and3A_675 : memref<496x128xf32, #tpu.memory_space<vmem>>[vector<16xi32>, vector<16xi32>], vector<16xf32>, vector<16xi1>
    %get3A_679 = arith.constant 96 : index
    %get3A_680 = tpu.vector_load %arg4[%get3A_679] {strides = array<i32>} : memref<512xi32, #tpu.memory_space<vmem>>, vector<16xi32>,
    %iota3A_681 = tpu.iota {dimensions = array<i32: 0>} : vector<16xi32>
    %add3A_682 = arith.constant 96 : i32
    %add3A_683 = vector.broadcast %add3A_682 : i32 to vector<16xi32>
    %add3A_684 = arith.addi %iota3A_681, %add3A_683 : vector<16xi32>
    %ge3A_685 = arith.constant 504 : i32
    %ge3A_686 = vector.broadcast %ge3A_685 : i32 to vector<16xi32>
    %ge3A_687 = arith.cmpi sge, %get3A_680, %ge3A_686 : vector<16xi32>
    %lt3A_688 = arith.constant 632 : i32
    %lt3A_689 = vector.broadcast %lt3A_688 : i32 to vector<16xi32>
    %lt3A_690 = arith.cmpi slt, %get3A_680, %lt3A_689 : vector<16xi32>
    %and3A_691 = arith.andi %ge3A_687, %lt3A_690 : vector<16xi1>
    %sub3A_692 = arith.constant 504 : i32
    %sub3A_693 = vector.broadcast %sub3A_692 : i32 to vector<16xi32>
    %sub3A_694 = arith.subi %get3A_680, %sub3A_693 : vector<16xi32>
    tpu.vector_store_idx %arg6[%sub3A_694, %add3A_684], %broadcast_in_dim3A_6 masked %and3A_691 : memref<496x128xf32, #tpu.memory_space<vmem>>[vector<16xi32>, vector<16xi32>], vector<16xf32>, vector<16xi1>
    %get3A_695 = arith.constant 112 : index
    %get3A_696 = tpu.vector_load %arg4[%get3A_695] {strides = array<i32>} : memref<512xi32, #tpu.memory_space<vmem>>, vector<16xi32>,
    %iota3A_697 = tpu.iota {dimensions = array<i32: 0>} : vector<16xi32>
    %add3A_698 = arith.constant 112 : i32
    %add3A_699 = vector.broadcast %add3A_698 : i32 to vector<16xi32>
    %add3A_700 = arith.addi %iota3A_697, %add3A_699 : vector<16xi32>
    %ge3A_701 = arith.constant 504 : i32
    %ge3A_702 = vector.broadcast %ge3A_701 : i32 to vector<16xi32>
    %ge3A_703 = arith.cmpi sge, %get3A_696, %ge3A_702 : vector<16xi32>
    %lt3A_704 = arith.constant 632 : i32
    %lt3A_705 = vector.broadcast %lt3A_704 : i32 to vector<16xi32>
    %lt3A_706 = arith.cmpi slt, %get3A_696, %lt3A_705 : vector<16xi32>
    %and3A_707 = arith.andi %ge3A_703, %lt3A_706 : vector<16xi1>
    %sub3A_708 = arith.constant 504 : i32
    %sub3A_709 = vector.broadcast %sub3A_708 : i32 to vector<16xi32>
    %sub3A_710 = arith.subi %get3A_696, %sub3A_709 : vector<16xi32>
    tpu.vector_store_idx %arg6[%sub3A_710, %add3A_700], %broadcast_in_dim3A_6 masked %and3A_707 : memref<496x128xf32, #tpu.memory_space<vmem>>[vector<16xi32>, vector<16xi32>], vector<16xf32>, vector<16xi1>
    %dma_start3A_711 = arith.constant 0 : i32
    %dma_start3A_712 = arith.constant 0 : i32
    %dma_start3A_713 = tpu.memref_slice %arg6[%dma_start3A_711, %dma_start3A_712] : memref<496x128xf32, #tpu.memory_space<vmem>> -> memref<128x128xf32, #tpu.memory_space<vmem>>
    %dma_start3A_714 = arith.constant 504 : i32
    %dma_start3A_715 = tpu.memref_slice %arg3[%dma_start3A_714, %mul3A_2] : memref<1000x16384xf32, #tpu.memory_space<hbm>> -> memref<128x128xf32, #tpu.memory_space<hbm>>
    %dma_start3A_716 = arith.constant 504 : i32
    %dma_start3A_717 = tpu.memref_slice %arg3[%dma_start3A_716, %mul3A_2] : memref<1000x16384xf32, #tpu.memory_space<hbm>> -> memref<128x128xf32, #tpu.memory_space<hbm>>
    %dma_start3A_718 = arith.constant 0 : i32
    %dma_start3A_719 = arith.constant 0 : i32
    %dma_start3A_720 = tpu.memref_slice %arg6[%dma_start3A_718, %dma_start3A_719] : memref<496x128xf32, #tpu.memory_space<vmem>> -> memref<128x128xf32, #tpu.memory_space<vmem>>
    tpu.enqueue_dma source(%dma_start3A_720 : memref<128x128xf32, #tpu.memory_space<vmem>>) target(%dma_start3A_717 : memref<128x128xf32, #tpu.memory_space<hbm>>) target_semaphore(%arg14 : memref<!tpu.dma_semaphore, #tpu.memory_space<semaphore_mem>>)
    %scan3A_721 = arith.constant 0 : i32
    %scan3A_722 = arith.constant 0 : i32
    %scan3A_723 = arith.constant 128 : i32
    %scan3A_724 = arith.addi %scan3A_722, %scan3A_723 : i32
    %scan3A_725 = arith.constant 1 : i32
    scf.for %scan3A_2301 = %scan3A_722 to %scan3A_724 step %scan3A_725  : i32 {
      %add3A_2302 = arith.constant 128 : i32
      %add3A_2303 = arith.addi %add3A_2302, %scan3A_2301 : i32
      %swap3A = arith.index_cast %add3A_2303 : i32 to index
      %swap3A_2304 = arith.constant 0 : index
      %swap3A_2305 = tpu.vector_load %arg6[%swap3A, %swap3A_2304] {strides = array<i32>} : memref<496x128xf32, #tpu.memory_space<vmem>>, vector<16xf32>,
      tpu.vector_store %arg6[%swap3A, %swap3A_2304], %broadcast_in_dim3A_4 {strides = array<i32>} : memref<496x128xf32, #tpu.memory_space<vmem>>, vector<16xf32>,
      %add3A_2306 = arith.constant 128 : i32
      %add3A_2307 = arith.addi %add3A_2306, %scan3A_2301 : i32
      %swap3A_2308 = arith.index_cast %add3A_2307 : i32 to index
      %swap3A_2309 = arith.constant 16 : index
      %swap3A_2310 = tpu.vector_load %arg6[%swap3A_2308, %swap3A_2309] {strides = array<i32>} : memref<496x128xf32, #tpu.memory_space<vmem>>, vector<16xf32>,
      tpu.vector_store %arg6[%swap3A_2308, %swap3A_2309], %broadcast_in_dim3A_4 {strides = array<i32>} : memref<496x128xf32, #tpu.memory_space<vmem>>, vector<16xf32>,
      %add3A_2311 = arith.constant 128 : i32
      %add3A_2312 = arith.addi %add3A_2311, %scan3A_2301 : i32
      %swap3A_2313 = arith.index_cast %add3A_2312 : i32 to index
      %swap3A_2314 = arith.constant 32 : index
      %swap3A_2315 = tpu.vector_load %arg6[%swap3A_2313, %swap3A_2314] {strides = array<i32>} : memref<496x128xf32, #tpu.memory_space<vmem>>, vector<16xf32>,
      tpu.vector_store %arg6[%swap3A_2313, %swap3A_2314], %broadcast_in_dim3A_4 {strides = array<i32>} : memref<496x128xf32, #tpu.memory_space<vmem>>, vector<16xf32>,
      %add3A_2316 = arith.constant 128 : i32
      %add3A_2317 = arith.addi %add3A_2316, %scan3A_2301 : i32
      %swap3A_2318 = arith.index_cast %add3A_2317 : i32 to index
      %swap3A_2319 = arith.constant 48 : index
      %swap3A_2320 = tpu.vector_load %arg6[%swap3A_2318, %swap3A_2319] {strides = array<i32>} : memref<496x128xf32, #tpu.memory_space<vmem>>, vector<16xf32>,
      tpu.vector_store %arg6[%swap3A_2318, %swap3A_2319], %broadcast_in_dim3A_4 {strides = array<i32>} : memref<496x128xf32, #tpu.memory_space<vmem>>, vector<16xf32>,
      %add3A_2321 = arith.constant 128 : i32
      %add3A_2322 = arith.addi %add3A_2321, %scan3A_2301 : i32
      %swap3A_2323 = arith.index_cast %add3A_2322 : i32 to index
      %swap3A_2324 = arith.constant 64 : index
      %swap3A_2325 = tpu.vector_load %arg6[%swap3A_2323, %swap3A_2324] {strides = array<i32>} : memref<496x128xf32, #tpu.memory_space<vmem>>, vector<16xf32>,
      tpu.vector_store %arg6[%swap3A_2323, %swap3A_2324], %broadcast_in_dim3A_4 {strides = array<i32>} : memref<496x128xf32, #tpu.memory_space<vmem>>, vector<16xf32>,
      %add3A_2326 = arith.constant 128 : i32
      %add3A_2327 = arith.addi %add3A_2326, %scan3A_2301 : i32
      %swap3A_2328 = arith.index_cast %add3A_2327 : i32 to index
      %swap3A_2329 = arith.constant 80 : index
      %swap3A_2330 = tpu.vector_load %arg6[%swap3A_2328, %swap3A_2329] {strides = array<i32>} : memref<496x128xf32, #tpu.memory_space<vmem>>, vector<16xf32>,
      tpu.vector_store %arg6[%swap3A_2328, %swap3A_2329], %broadcast_in_dim3A_4 {strides = array<i32>} : memref<496x128xf32, #tpu.memory_space<vmem>>, vector<16xf32>,
      %add3A_2331 = arith.constant 128 : i32
      %add3A_2332 = arith.addi %add3A_2331, %scan3A_2301 : i32
      %swap3A_2333 = arith.index_cast %add3A_2332 : i32 to index
      %swap3A_2334 = arith.constant 96 : index
      %swap3A_2335 = tpu.vector_load %arg6[%swap3A_2333, %swap3A_2334] {strides = array<i32>} : memref<496x128xf32, #tpu.memory_space<vmem>>, vector<16xf32>,
      tpu.vector_store %arg6[%swap3A_2333, %swap3A_2334], %broadcast_in_dim3A_4 {strides = array<i32>} : memref<496x128xf32, #tpu.memory_space<vmem>>, vector<16xf32>,
      %add3A_2336 = arith.constant 128 : i32
      %add3A_2337 = arith.addi %add3A_2336, %scan3A_2301 : i32
      %swap3A_2338 = arith.index_cast %add3A_2337 : i32 to index
      %swap3A_2339 = arith.constant 112 : index
      %swap3A_2340 = tpu.vector_load %arg6[%swap3A_2338, %swap3A_2339] {strides = array<i32>} : memref<496x128xf32, #tpu.memory_space<vmem>>, vector<16xf32>,
      tpu.vector_store %arg6[%swap3A_2338, %swap3A_2339], %broadcast_in_dim3A_4 {strides = array<i32>} : memref<496x128xf32, #tpu.memory_space<vmem>>, vector<16xf32>,
    }
    %scan3A_726 = arith.constant 128 : i32
    %get3A_727 = arith.constant 0 : index
    %get3A_728 = tpu.vector_load %arg4[%get3A_727] {strides = array<i32>} : memref<512xi32, #tpu.memory_space<vmem>>, vector<16xi32>,
    %iota3A_729 = tpu.iota {dimensions = array<i32: 0>} : vector<16xi32>
    %add3A_730 = arith.constant 0 : i32
    %add3A_731 = vector.broadcast %add3A_730 : i32 to vector<16xi32>
    %add3A_732 = arith.addi %iota3A_729, %add3A_731 : vector<16xi32>
    %ge3A_733 = arith.constant 632 : i32
    %ge3A_734 = vector.broadcast %ge3A_733 : i32 to vector<16xi32>
    %ge3A_735 = arith.cmpi sge, %get3A_728, %ge3A_734 : vector<16xi32>
    %lt3A_736 = arith.constant 760 : i32
    %lt3A_737 = vector.broadcast %lt3A_736 : i32 to vector<16xi32>
    %lt3A_738 = arith.cmpi slt, %get3A_728, %lt3A_737 : vector<16xi32>
    %and3A_739 = arith.andi %ge3A_735, %lt3A_738 : vector<16xi1>
    %sub3A_740 = arith.constant 504 : i32
    %sub3A_741 = vector.broadcast %sub3A_740 : i32 to vector<16xi32>
    %sub3A_742 = arith.subi %get3A_728, %sub3A_741 : vector<16xi32>
    tpu.vector_store_idx %arg6[%sub3A_742, %add3A_732], %broadcast_in_dim3A_6 masked %and3A_739 : memref<496x128xf32, #tpu.memory_space<vmem>>[vector<16xi32>, vector<16xi32>], vector<16xf32>, vector<16xi1>
    %get3A_743 = arith.constant 16 : index
    %get3A_744 = tpu.vector_load %arg4[%get3A_743] {strides = array<i32>} : memref<512xi32, #tpu.memory_space<vmem>>, vector<16xi32>,
    %iota3A_745 = tpu.iota {dimensions = array<i32: 0>} : vector<16xi32>
    %add3A_746 = arith.constant 16 : i32
    %add3A_747 = vector.broadcast %add3A_746 : i32 to vector<16xi32>
    %add3A_748 = arith.addi %iota3A_745, %add3A_747 : vector<16xi32>
    %ge3A_749 = arith.constant 632 : i32
    %ge3A_750 = vector.broadcast %ge3A_749 : i32 to vector<16xi32>
    %ge3A_751 = arith.cmpi sge, %get3A_744, %ge3A_750 : vector<16xi32>
    %lt3A_752 = arith.constant 760 : i32
    %lt3A_753 = vector.broadcast %lt3A_752 : i32 to vector<16xi32>
    %lt3A_754 = arith.cmpi slt, %get3A_744, %lt3A_753 : vector<16xi32>
    %and3A_755 = arith.andi %ge3A_751, %lt3A_754 : vector<16xi1>
    %sub3A_756 = arith.constant 504 : i32
    %sub3A_757 = vector.broadcast %sub3A_756 : i32 to vector<16xi32>
    %sub3A_758 = arith.subi %get3A_744, %sub3A_757 : vector<16xi32>
    tpu.vector_store_idx %arg6[%sub3A_758, %add3A_748], %broadcast_in_dim3A_6 masked %and3A_755 : memref<496x128xf32, #tpu.memory_space<vmem>>[vector<16xi32>, vector<16xi32>], vector<16xf32>, vector<16xi1>
    %get3A_759 = arith.constant 32 : index
    %get3A_760 = tpu.vector_load %arg4[%get3A_759] {strides = array<i32>} : memref<512xi32, #tpu.memory_space<vmem>>, vector<16xi32>,
    %iota3A_761 = tpu.iota {dimensions = array<i32: 0>} : vector<16xi32>
    %add3A_762 = arith.constant 32 : i32
    %add3A_763 = vector.broadcast %add3A_762 : i32 to vector<16xi32>
    %add3A_764 = arith.addi %iota3A_761, %add3A_763 : vector<16xi32>
    %ge3A_765 = arith.constant 632 : i32
    %ge3A_766 = vector.broadcast %ge3A_765 : i32 to vector<16xi32>
    %ge3A_767 = arith.cmpi sge, %get3A_760, %ge3A_766 : vector<16xi32>
    %lt3A_768 = arith.constant 760 : i32
    %lt3A_769 = vector.broadcast %lt3A_768 : i32 to vector<16xi32>
    %lt3A_770 = arith.cmpi slt, %get3A_760, %lt3A_769 : vector<16xi32>
    %and3A_771 = arith.andi %ge3A_767, %lt3A_770 : vector<16xi1>
    %sub3A_772 = arith.constant 504 : i32
    %sub3A_773 = vector.broadcast %sub3A_772 : i32 to vector<16xi32>
    %sub3A_774 = arith.subi %get3A_760, %sub3A_773 : vector<16xi32>
    tpu.vector_store_idx %arg6[%sub3A_774, %add3A_764], %broadcast_in_dim3A_6 masked %and3A_771 : memref<496x128xf32, #tpu.memory_space<vmem>>[vector<16xi32>, vector<16xi32>], vector<16xf32>, vector<16xi1>
    %get3A_775 = arith.constant 48 : index
    %get3A_776 = tpu.vector_load %arg4[%get3A_775] {strides = array<i32>} : memref<512xi32, #tpu.memory_space<vmem>>, vector<16xi32>,
    %iota3A_777 = tpu.iota {dimensions = array<i32: 0>} : vector<16xi32>
    %add3A_778 = arith.constant 48 : i32
    %add3A_779 = vector.broadcast %add3A_778 : i32 to vector<16xi32>
    %add3A_780 = arith.addi %iota3A_777, %add3A_779 : vector<16xi32>
    %ge3A_781 = arith.constant 632 : i32
    %ge3A_782 = vector.broadcast %ge3A_781 : i32 to vector<16xi32>
    %ge3A_783 = arith.cmpi sge, %get3A_776, %ge3A_782 : vector<16xi32>
    %lt3A_784 = arith.constant 760 : i32
    %lt3A_785 = vector.broadcast %lt3A_784 : i32 to vector<16xi32>
    %lt3A_786 = arith.cmpi slt, %get3A_776, %lt3A_785 : vector<16xi32>
    %and3A_787 = arith.andi %ge3A_783, %lt3A_786 : vector<16xi1>
    %sub3A_788 = arith.constant 504 : i32
    %sub3A_789 = vector.broadcast %sub3A_788 : i32 to vector<16xi32>
    %sub3A_790 = arith.subi %get3A_776, %sub3A_789 : vector<16xi32>
    tpu.vector_store_idx %arg6[%sub3A_790, %add3A_780], %broadcast_in_dim3A_6 masked %and3A_787 : memref<496x128xf32, #tpu.memory_space<vmem>>[vector<16xi32>, vector<16xi32>], vector<16xf32>, vector<16xi1>
    %get3A_791 = arith.constant 64 : index
    %get3A_792 = tpu.vector_load %arg4[%get3A_791] {strides = array<i32>} : memref<512xi32, #tpu.memory_space<vmem>>, vector<16xi32>,
    %iota3A_793 = tpu.iota {dimensions = array<i32: 0>} : vector<16xi32>
    %add3A_794 = arith.constant 64 : i32
    %add3A_795 = vector.broadcast %add3A_794 : i32 to vector<16xi32>
    %add3A_796 = arith.addi %iota3A_793, %add3A_795 : vector<16xi32>
    %ge3A_797 = arith.constant 632 : i32
    %ge3A_798 = vector.broadcast %ge3A_797 : i32 to vector<16xi32>
    %ge3A_799 = arith.cmpi sge, %get3A_792, %ge3A_798 : vector<16xi32>
    %lt3A_800 = arith.constant 760 : i32
    %lt3A_801 = vector.broadcast %lt3A_800 : i32 to vector<16xi32>
    %lt3A_802 = arith.cmpi slt, %get3A_792, %lt3A_801 : vector<16xi32>
    %and3A_803 = arith.andi %ge3A_799, %lt3A_802 : vector<16xi1>
    %sub3A_804 = arith.constant 504 : i32
    %sub3A_805 = vector.broadcast %sub3A_804 : i32 to vector<16xi32>
    %sub3A_806 = arith.subi %get3A_792, %sub3A_805 : vector<16xi32>
    tpu.vector_store_idx %arg6[%sub3A_806, %add3A_796], %broadcast_in_dim3A_6 masked %and3A_803 : memref<496x128xf32, #tpu.memory_space<vmem>>[vector<16xi32>, vector<16xi32>], vector<16xf32>, vector<16xi1>
    %get3A_807 = arith.constant 80 : index
    %get3A_808 = tpu.vector_load %arg4[%get3A_807] {strides = array<i32>} : memref<512xi32, #tpu.memory_space<vmem>>, vector<16xi32>,
    %iota3A_809 = tpu.iota {dimensions = array<i32: 0>} : vector<16xi32>
    %add3A_810 = arith.constant 80 : i32
    %add3A_811 = vector.broadcast %add3A_810 : i32 to vector<16xi32>
    %add3A_812 = arith.addi %iota3A_809, %add3A_811 : vector<16xi32>
    %ge3A_813 = arith.constant 632 : i32
    %ge3A_814 = vector.broadcast %ge3A_813 : i32 to vector<16xi32>
    %ge3A_815 = arith.cmpi sge, %get3A_808, %ge3A_814 : vector<16xi32>
    %lt3A_816 = arith.constant 760 : i32
    %lt3A_817 = vector.broadcast %lt3A_816 : i32 to vector<16xi32>
    %lt3A_818 = arith.cmpi slt, %get3A_808, %lt3A_817 : vector<16xi32>
    %and3A_819 = arith.andi %ge3A_815, %lt3A_818 : vector<16xi1>
    %sub3A_820 = arith.constant 504 : i32
    %sub3A_821 = vector.broadcast %sub3A_820 : i32 to vector<16xi32>
    %sub3A_822 = arith.subi %get3A_808, %sub3A_821 : vector<16xi32>
    tpu.vector_store_idx %arg6[%sub3A_822, %add3A_812], %broadcast_in_dim3A_6 masked %and3A_819 : memref<496x128xf32, #tpu.memory_space<vmem>>[vector<16xi32>, vector<16xi32>], vector<16xf32>, vector<16xi1>
    %get3A_823 = arith.constant 96 : index
    %get3A_824 = tpu.vector_load %arg4[%get3A_823] {strides = array<i32>} : memref<512xi32, #tpu.memory_space<vmem>>, vector<16xi32>,
    %iota3A_825 = tpu.iota {dimensions = array<i32: 0>} : vector<16xi32>
    %add3A_826 = arith.constant 96 : i32
    %add3A_827 = vector.broadcast %add3A_826 : i32 to vector<16xi32>
    %add3A_828 = arith.addi %iota3A_825, %add3A_827 : vector<16xi32>
    %ge3A_829 = arith.constant 632 : i32
    %ge3A_830 = vector.broadcast %ge3A_829 : i32 to vector<16xi32>
    %ge3A_831 = arith.cmpi sge, %get3A_824, %ge3A_830 : vector<16xi32>
    %lt3A_832 = arith.constant 760 : i32
    %lt3A_833 = vector.broadcast %lt3A_832 : i32 to vector<16xi32>
    %lt3A_834 = arith.cmpi slt, %get3A_824, %lt3A_833 : vector<16xi32>
    %and3A_835 = arith.andi %ge3A_831, %lt3A_834 : vector<16xi1>
    %sub3A_836 = arith.constant 504 : i32
    %sub3A_837 = vector.broadcast %sub3A_836 : i32 to vector<16xi32>
    %sub3A_838 = arith.subi %get3A_824, %sub3A_837 : vector<16xi32>
    tpu.vector_store_idx %arg6[%sub3A_838, %add3A_828], %broadcast_in_dim3A_6 masked %and3A_835 : memref<496x128xf32, #tpu.memory_space<vmem>>[vector<16xi32>, vector<16xi32>], vector<16xf32>, vector<16xi1>
    %get3A_839 = arith.constant 112 : index
    %get3A_840 = tpu.vector_load %arg4[%get3A_839] {strides = array<i32>} : memref<512xi32, #tpu.memory_space<vmem>>, vector<16xi32>,
    %iota3A_841 = tpu.iota {dimensions = array<i32: 0>} : vector<16xi32>
    %add3A_842 = arith.constant 112 : i32
    %add3A_843 = vector.broadcast %add3A_842 : i32 to vector<16xi32>
    %add3A_844 = arith.addi %iota3A_841, %add3A_843 : vector<16xi32>
    %ge3A_845 = arith.constant 632 : i32
    %ge3A_846 = vector.broadcast %ge3A_845 : i32 to vector<16xi32>
    %ge3A_847 = arith.cmpi sge, %get3A_840, %ge3A_846 : vector<16xi32>
    %lt3A_848 = arith.constant 760 : i32
    %lt3A_849 = vector.broadcast %lt3A_848 : i32 to vector<16xi32>
    %lt3A_850 = arith.cmpi slt, %get3A_840, %lt3A_849 : vector<16xi32>
    %and3A_851 = arith.andi %ge3A_847, %lt3A_850 : vector<16xi1>
    %sub3A_852 = arith.constant 504 : i32
    %sub3A_853 = vector.broadcast %sub3A_852 : i32 to vector<16xi32>
    %sub3A_854 = arith.subi %get3A_840, %sub3A_853 : vector<16xi32>
    tpu.vector_store_idx %arg6[%sub3A_854, %add3A_844], %broadcast_in_dim3A_6 masked %and3A_851 : memref<496x128xf32, #tpu.memory_space<vmem>>[vector<16xi32>, vector<16xi32>], vector<16xf32>, vector<16xi1>
    %dma_start3A_855 = arith.constant 128 : i32
    %dma_start3A_856 = arith.constant 0 : i32
    %dma_start3A_857 = tpu.memref_slice %arg6[%dma_start3A_855, %dma_start3A_856] : memref<496x128xf32, #tpu.memory_space<vmem>> -> memref<128x128xf32, #tpu.memory_space<vmem>>
    %dma_start3A_858 = arith.constant 632 : i32
    %dma_start3A_859 = tpu.memref_slice %arg3[%dma_start3A_858, %mul3A_2] : memref<1000x16384xf32, #tpu.memory_space<hbm>> -> memref<128x128xf32, #tpu.memory_space<hbm>>
    %dma_start3A_860 = arith.constant 632 : i32
    %dma_start3A_861 = tpu.memref_slice %arg3[%dma_start3A_860, %mul3A_2] : memref<1000x16384xf32, #tpu.memory_space<hbm>> -> memref<128x128xf32, #tpu.memory_space<hbm>>
    %dma_start3A_862 = arith.constant 128 : i32
    %dma_start3A_863 = arith.constant 0 : i32
    %dma_start3A_864 = tpu.memref_slice %arg6[%dma_start3A_862, %dma_start3A_863] : memref<496x128xf32, #tpu.memory_space<vmem>> -> memref<128x128xf32, #tpu.memory_space<vmem>>
    tpu.enqueue_dma source(%dma_start3A_864 : memref<128x128xf32, #tpu.memory_space<vmem>>) target(%dma_start3A_861 : memref<128x128xf32, #tpu.memory_space<hbm>>) target_semaphore(%arg15 : memref<!tpu.dma_semaphore, #tpu.memory_space<semaphore_mem>>)
    %scan3A_865 = arith.constant 0 : i32
    %scan3A_866 = arith.constant 0 : i32
    %scan3A_867 = arith.constant 128 : i32
    %scan3A_868 = arith.addi %scan3A_866, %scan3A_867 : i32
    %scan3A_869 = arith.constant 1 : i32
    scf.for %scan3A_2301 = %scan3A_866 to %scan3A_868 step %scan3A_869  : i32 {
      %add3A_2302 = arith.constant 256 : i32
      %add3A_2303 = arith.addi %add3A_2302, %scan3A_2301 : i32
      %swap3A = arith.index_cast %add3A_2303 : i32 to index
      %swap3A_2304 = arith.constant 0 : index
      %swap3A_2305 = tpu.vector_load %arg6[%swap3A, %swap3A_2304] {strides = array<i32>} : memref<496x128xf32, #tpu.memory_space<vmem>>, vector<16xf32>,
      tpu.vector_store %arg6[%swap3A, %swap3A_2304], %broadcast_in_dim3A_4 {strides = array<i32>} : memref<496x128xf32, #tpu.memory_space<vmem>>, vector<16xf32>,
      %add3A_2306 = arith.constant 256 : i32
      %add3A_2307 = arith.addi %add3A_2306, %scan3A_2301 : i32
      %swap3A_2308 = arith.index_cast %add3A_2307 : i32 to index
      %swap3A_2309 = arith.constant 16 : index
      %swap3A_2310 = tpu.vector_load %arg6[%swap3A_2308, %swap3A_2309] {strides = array<i32>} : memref<496x128xf32, #tpu.memory_space<vmem>>, vector<16xf32>,
      tpu.vector_store %arg6[%swap3A_2308, %swap3A_2309], %broadcast_in_dim3A_4 {strides = array<i32>} : memref<496x128xf32, #tpu.memory_space<vmem>>, vector<16xf32>,
      %add3A_2311 = arith.constant 256 : i32
      %add3A_2312 = arith.addi %add3A_2311, %scan3A_2301 : i32
      %swap3A_2313 = arith.index_cast %add3A_2312 : i32 to index
      %swap3A_2314 = arith.constant 32 : index
      %swap3A_2315 = tpu.vector_load %arg6[%swap3A_2313, %swap3A_2314] {strides = array<i32>} : memref<496x128xf32, #tpu.memory_space<vmem>>, vector<16xf32>,
      tpu.vector_store %arg6[%swap3A_2313, %swap3A_2314], %broadcast_in_dim3A_4 {strides = array<i32>} : memref<496x128xf32, #tpu.memory_space<vmem>>, vector<16xf32>,
      %add3A_2316 = arith.constant 256 : i32
      %add3A_2317 = arith.addi %add3A_2316, %scan3A_2301 : i32
      %swap3A_2318 = arith.index_cast %add3A_2317 : i32 to index
      %swap3A_2319 = arith.constant 48 : index
      %swap3A_2320 = tpu.vector_load %arg6[%swap3A_2318, %swap3A_2319] {strides = array<i32>} : memref<496x128xf32, #tpu.memory_space<vmem>>, vector<16xf32>,
      tpu.vector_store %arg6[%swap3A_2318, %swap3A_2319], %broadcast_in_dim3A_4 {strides = array<i32>} : memref<496x128xf32, #tpu.memory_space<vmem>>, vector<16xf32>,
      %add3A_2321 = arith.constant 256 : i32
      %add3A_2322 = arith.addi %add3A_2321, %scan3A_2301 : i32
      %swap3A_2323 = arith.index_cast %add3A_2322 : i32 to index
      %swap3A_2324 = arith.constant 64 : index
      %swap3A_2325 = tpu.vector_load %arg6[%swap3A_2323, %swap3A_2324] {strides = array<i32>} : memref<496x128xf32, #tpu.memory_space<vmem>>, vector<16xf32>,
      tpu.vector_store %arg6[%swap3A_2323, %swap3A_2324], %broadcast_in_dim3A_4 {strides = array<i32>} : memref<496x128xf32, #tpu.memory_space<vmem>>, vector<16xf32>,
      %add3A_2326 = arith.constant 256 : i32
      %add3A_2327 = arith.addi %add3A_2326, %scan3A_2301 : i32
      %swap3A_2328 = arith.index_cast %add3A_2327 : i32 to index
      %swap3A_2329 = arith.constant 80 : index
      %swap3A_2330 = tpu.vector_load %arg6[%swap3A_2328, %swap3A_2329] {strides = array<i32>} : memref<496x128xf32, #tpu.memory_space<vmem>>, vector<16xf32>,
      tpu.vector_store %arg6[%swap3A_2328, %swap3A_2329], %broadcast_in_dim3A_4 {strides = array<i32>} : memref<496x128xf32, #tpu.memory_space<vmem>>, vector<16xf32>,
      %add3A_2331 = arith.constant 256 : i32
      %add3A_2332 = arith.addi %add3A_2331, %scan3A_2301 : i32
      %swap3A_2333 = arith.index_cast %add3A_2332 : i32 to index
      %swap3A_2334 = arith.constant 96 : index
      %swap3A_2335 = tpu.vector_load %arg6[%swap3A_2333, %swap3A_2334] {strides = array<i32>} : memref<496x128xf32, #tpu.memory_space<vmem>>, vector<16xf32>,
      tpu.vector_store %arg6[%swap3A_2333, %swap3A_2334], %broadcast_in_dim3A_4 {strides = array<i32>} : memref<496x128xf32, #tpu.memory_space<vmem>>, vector<16xf32>,
      %add3A_2336 = arith.constant 256 : i32
      %add3A_2337 = arith.addi %add3A_2336, %scan3A_2301 : i32
      %swap3A_2338 = arith.index_cast %add3A_2337 : i32 to index
      %swap3A_2339 = arith.constant 112 : index
      %swap3A_2340 = tpu.vector_load %arg6[%swap3A_2338, %swap3A_2339] {strides = array<i32>} : memref<496x128xf32, #tpu.memory_space<vmem>>, vector<16xf32>,
      tpu.vector_store %arg6[%swap3A_2338, %swap3A_2339], %broadcast_in_dim3A_4 {strides = array<i32>} : memref<496x128xf32, #tpu.memory_space<vmem>>, vector<16xf32>,
    }
    %scan3A_870 = arith.constant 128 : i32
    %get3A_871 = arith.constant 0 : index
    %get3A_872 = tpu.vector_load %arg4[%get3A_871] {strides = array<i32>} : memref<512xi32, #tpu.memory_space<vmem>>, vector<16xi32>,
    %iota3A_873 = tpu.iota {dimensions = array<i32: 0>} : vector<16xi32>
    %add3A_874 = arith.constant 0 : i32
    %add3A_875 = vector.broadcast %add3A_874 : i32 to vector<16xi32>
    %add3A_876 = arith.addi %iota3A_873, %add3A_875 : vector<16xi32>
    %ge3A_877 = arith.constant 760 : i32
    %ge3A_878 = vector.broadcast %ge3A_877 : i32 to vector<16xi32>
    %ge3A_879 = arith.cmpi sge, %get3A_872, %ge3A_878 : vector<16xi32>
    %lt3A_880 = arith.constant 888 : i32
    %lt3A_881 = vector.broadcast %lt3A_880 : i32 to vector<16xi32>
    %lt3A_882 = arith.cmpi slt, %get3A_872, %lt3A_881 : vector<16xi32>
    %and3A_883 = arith.andi %ge3A_879, %lt3A_882 : vector<16xi1>
    %sub3A_884 = arith.constant 504 : i32
    %sub3A_885 = vector.broadcast %sub3A_884 : i32 to vector<16xi32>
    %sub3A_886 = arith.subi %get3A_872, %sub3A_885 : vector<16xi32>
    tpu.vector_store_idx %arg6[%sub3A_886, %add3A_876], %broadcast_in_dim3A_6 masked %and3A_883 : memref<496x128xf32, #tpu.memory_space<vmem>>[vector<16xi32>, vector<16xi32>], vector<16xf32>, vector<16xi1>
    %get3A_887 = arith.constant 16 : index
    %get3A_888 = tpu.vector_load %arg4[%get3A_887] {strides = array<i32>} : memref<512xi32, #tpu.memory_space<vmem>>, vector<16xi32>,
    %iota3A_889 = tpu.iota {dimensions = array<i32: 0>} : vector<16xi32>
    %add3A_890 = arith.constant 16 : i32
    %add3A_891 = vector.broadcast %add3A_890 : i32 to vector<16xi32>
    %add3A_892 = arith.addi %iota3A_889, %add3A_891 : vector<16xi32>
    %ge3A_893 = arith.constant 760 : i32
    %ge3A_894 = vector.broadcast %ge3A_893 : i32 to vector<16xi32>
    %ge3A_895 = arith.cmpi sge, %get3A_888, %ge3A_894 : vector<16xi32>
    %lt3A_896 = arith.constant 888 : i32
    %lt3A_897 = vector.broadcast %lt3A_896 : i32 to vector<16xi32>
    %lt3A_898 = arith.cmpi slt, %get3A_888, %lt3A_897 : vector<16xi32>
    %and3A_899 = arith.andi %ge3A_895, %lt3A_898 : vector<16xi1>
    %sub3A_900 = arith.constant 504 : i32
    %sub3A_901 = vector.broadcast %sub3A_900 : i32 to vector<16xi32>
    %sub3A_902 = arith.subi %get3A_888, %sub3A_901 : vector<16xi32>
    tpu.vector_store_idx %arg6[%sub3A_902, %add3A_892], %broadcast_in_dim3A_6 masked %and3A_899 : memref<496x128xf32, #tpu.memory_space<vmem>>[vector<16xi32>, vector<16xi32>], vector<16xf32>, vector<16xi1>
    %get3A_903 = arith.constant 32 : index
    %get3A_904 = tpu.vector_load %arg4[%get3A_903] {strides = array<i32>} : memref<512xi32, #tpu.memory_space<vmem>>, vector<16xi32>,
    %iota3A_905 = tpu.iota {dimensions = array<i32: 0>} : vector<16xi32>
    %add3A_906 = arith.constant 32 : i32
    %add3A_907 = vector.broadcast %add3A_906 : i32 to vector<16xi32>
    %add3A_908 = arith.addi %iota3A_905, %add3A_907 : vector<16xi32>
    %ge3A_909 = arith.constant 760 : i32
    %ge3A_910 = vector.broadcast %ge3A_909 : i32 to vector<16xi32>
    %ge3A_911 = arith.cmpi sge, %get3A_904, %ge3A_910 : vector<16xi32>
    %lt3A_912 = arith.constant 888 : i32
    %lt3A_913 = vector.broadcast %lt3A_912 : i32 to vector<16xi32>
    %lt3A_914 = arith.cmpi slt, %get3A_904, %lt3A_913 : vector<16xi32>
    %and3A_915 = arith.andi %ge3A_911, %lt3A_914 : vector<16xi1>
    %sub3A_916 = arith.constant 504 : i32
    %sub3A_917 = vector.broadcast %sub3A_916 : i32 to vector<16xi32>
    %sub3A_918 = arith.subi %get3A_904, %sub3A_917 : vector<16xi32>
    tpu.vector_store_idx %arg6[%sub3A_918, %add3A_908], %broadcast_in_dim3A_6 masked %and3A_915 : memref<496x128xf32, #tpu.memory_space<vmem>>[vector<16xi32>, vector<16xi32>], vector<16xf32>, vector<16xi1>
    %get3A_919 = arith.constant 48 : index
    %get3A_920 = tpu.vector_load %arg4[%get3A_919] {strides = array<i32>} : memref<512xi32, #tpu.memory_space<vmem>>, vector<16xi32>,
    %iota3A_921 = tpu.iota {dimensions = array<i32: 0>} : vector<16xi32>
    %add3A_922 = arith.constant 48 : i32
    %add3A_923 = vector.broadcast %add3A_922 : i32 to vector<16xi32>
    %add3A_924 = arith.addi %iota3A_921, %add3A_923 : vector<16xi32>
    %ge3A_925 = arith.constant 760 : i32
    %ge3A_926 = vector.broadcast %ge3A_925 : i32 to vector<16xi32>
    %ge3A_927 = arith.cmpi sge, %get3A_920, %ge3A_926 : vector<16xi32>
    %lt3A_928 = arith.constant 888 : i32
    %lt3A_929 = vector.broadcast %lt3A_928 : i32 to vector<16xi32>
    %lt3A_930 = arith.cmpi slt, %get3A_920, %lt3A_929 : vector<16xi32>
    %and3A_931 = arith.andi %ge3A_927, %lt3A_930 : vector<16xi1>
    %sub3A_932 = arith.constant 504 : i32
    %sub3A_933 = vector.broadcast %sub3A_932 : i32 to vector<16xi32>
    %sub3A_934 = arith.subi %get3A_920, %sub3A_933 : vector<16xi32>
    tpu.vector_store_idx %arg6[%sub3A_934, %add3A_924], %broadcast_in_dim3A_6 masked %and3A_931 : memref<496x128xf32, #tpu.memory_space<vmem>>[vector<16xi32>, vector<16xi32>], vector<16xf32>, vector<16xi1>
    %get3A_935 = arith.constant 64 : index
    %get3A_936 = tpu.vector_load %arg4[%get3A_935] {strides = array<i32>} : memref<512xi32, #tpu.memory_space<vmem>>, vector<16xi32>,
    %iota3A_937 = tpu.iota {dimensions = array<i32: 0>} : vector<16xi32>
    %add3A_938 = arith.constant 64 : i32
    %add3A_939 = vector.broadcast %add3A_938 : i32 to vector<16xi32>
    %add3A_940 = arith.addi %iota3A_937, %add3A_939 : vector<16xi32>
    %ge3A_941 = arith.constant 760 : i32
    %ge3A_942 = vector.broadcast %ge3A_941 : i32 to vector<16xi32>
    %ge3A_943 = arith.cmpi sge, %get3A_936, %ge3A_942 : vector<16xi32>
    %lt3A_944 = arith.constant 888 : i32
    %lt3A_945 = vector.broadcast %lt3A_944 : i32 to vector<16xi32>
    %lt3A_946 = arith.cmpi slt, %get3A_936, %lt3A_945 : vector<16xi32>
    %and3A_947 = arith.andi %ge3A_943, %lt3A_946 : vector<16xi1>
    %sub3A_948 = arith.constant 504 : i32
    %sub3A_949 = vector.broadcast %sub3A_948 : i32 to vector<16xi32>
    %sub3A_950 = arith.subi %get3A_936, %sub3A_949 : vector<16xi32>
    tpu.vector_store_idx %arg6[%sub3A_950, %add3A_940], %broadcast_in_dim3A_6 masked %and3A_947 : memref<496x128xf32, #tpu.memory_space<vmem>>[vector<16xi32>, vector<16xi32>], vector<16xf32>, vector<16xi1>
    %get3A_951 = arith.constant 80 : index
    %get3A_952 = tpu.vector_load %arg4[%get3A_951] {strides = array<i32>} : memref<512xi32, #tpu.memory_space<vmem>>, vector<16xi32>,
    %iota3A_953 = tpu.iota {dimensions = array<i32: 0>} : vector<16xi32>
    %add3A_954 = arith.constant 80 : i32
    %add3A_955 = vector.broadcast %add3A_954 : i32 to vector<16xi32>
    %add3A_956 = arith.addi %iota3A_953, %add3A_955 : vector<16xi32>
    %ge3A_957 = arith.constant 760 : i32
    %ge3A_958 = vector.broadcast %ge3A_957 : i32 to vector<16xi32>
    %ge3A_959 = arith.cmpi sge, %get3A_952, %ge3A_958 : vector<16xi32>
    %lt3A_960 = arith.constant 888 : i32
    %lt3A_961 = vector.broadcast %lt3A_960 : i32 to vector<16xi32>
    %lt3A_962 = arith.cmpi slt, %get3A_952, %lt3A_961 : vector<16xi32>
    %and3A_963 = arith.andi %ge3A_959, %lt3A_962 : vector<16xi1>
    %sub3A_964 = arith.constant 504 : i32
    %sub3A_965 = vector.broadcast %sub3A_964 : i32 to vector<16xi32>
    %sub3A_966 = arith.subi %get3A_952, %sub3A_965 : vector<16xi32>
    tpu.vector_store_idx %arg6[%sub3A_966, %add3A_956], %broadcast_in_dim3A_6 masked %and3A_963 : memref<496x128xf32, #tpu.memory_space<vmem>>[vector<16xi32>, vector<16xi32>], vector<16xf32>, vector<16xi1>
    %get3A_967 = arith.constant 96 : index
    %get3A_968 = tpu.vector_load %arg4[%get3A_967] {strides = array<i32>} : memref<512xi32, #tpu.memory_space<vmem>>, vector<16xi32>,
    %iota3A_969 = tpu.iota {dimensions = array<i32: 0>} : vector<16xi32>
    %add3A_970 = arith.constant 96 : i32
    %add3A_971 = vector.broadcast %add3A_970 : i32 to vector<16xi32>
    %add3A_972 = arith.addi %iota3A_969, %add3A_971 : vector<16xi32>
    %ge3A_973 = arith.constant 760 : i32
    %ge3A_974 = vector.broadcast %ge3A_973 : i32 to vector<16xi32>
    %ge3A_975 = arith.cmpi sge, %get3A_968, %ge3A_974 : vector<16xi32>
    %lt3A_976 = arith.constant 888 : i32
    %lt3A_977 = vector.broadcast %lt3A_976 : i32 to vector<16xi32>
    %lt3A_978 = arith.cmpi slt, %get3A_968, %lt3A_977 : vector<16xi32>
    %and3A_979 = arith.andi %ge3A_975, %lt3A_978 : vector<16xi1>
    %sub3A_980 = arith.constant 504 : i32
    %sub3A_981 = vector.broadcast %sub3A_980 : i32 to vector<16xi32>
    %sub3A_982 = arith.subi %get3A_968, %sub3A_981 : vector<16xi32>
    tpu.vector_store_idx %arg6[%sub3A_982, %add3A_972], %broadcast_in_dim3A_6 masked %and3A_979 : memref<496x128xf32, #tpu.memory_space<vmem>>[vector<16xi32>, vector<16xi32>], vector<16xf32>, vector<16xi1>
    %get3A_983 = arith.constant 112 : index
    %get3A_984 = tpu.vector_load %arg4[%get3A_983] {strides = array<i32>} : memref<512xi32, #tpu.memory_space<vmem>>, vector<16xi32>,
    %iota3A_985 = tpu.iota {dimensions = array<i32: 0>} : vector<16xi32>
    %add3A_986 = arith.constant 112 : i32
    %add3A_987 = vector.broadcast %add3A_986 : i32 to vector<16xi32>
    %add3A_988 = arith.addi %iota3A_985, %add3A_987 : vector<16xi32>
    %ge3A_989 = arith.constant 760 : i32
    %ge3A_990 = vector.broadcast %ge3A_989 : i32 to vector<16xi32>
    %ge3A_991 = arith.cmpi sge, %get3A_984, %ge3A_990 : vector<16xi32>
    %lt3A_992 = arith.constant 888 : i32
    %lt3A_993 = vector.broadcast %lt3A_992 : i32 to vector<16xi32>
    %lt3A_994 = arith.cmpi slt, %get3A_984, %lt3A_993 : vector<16xi32>
    %and3A_995 = arith.andi %ge3A_991, %lt3A_994 : vector<16xi1>
    %sub3A_996 = arith.constant 504 : i32
    %sub3A_997 = vector.broadcast %sub3A_996 : i32 to vector<16xi32>
    %sub3A_998 = arith.subi %get3A_984, %sub3A_997 : vector<16xi32>
    tpu.vector_store_idx %arg6[%sub3A_998, %add3A_988], %broadcast_in_dim3A_6 masked %and3A_995 : memref<496x128xf32, #tpu.memory_space<vmem>>[vector<16xi32>, vector<16xi32>], vector<16xf32>, vector<16xi1>
    %dma_start3A_999 = arith.constant 256 : i32
    %dma_start3A_1000 = arith.constant 0 : i32
    %dma_start3A_1001 = tpu.memref_slice %arg6[%dma_start3A_999, %dma_start3A_1000] : memref<496x128xf32, #tpu.memory_space<vmem>> -> memref<128x128xf32, #tpu.memory_space<vmem>>
    %dma_start3A_1002 = arith.constant 760 : i32
    %dma_start3A_1003 = tpu.memref_slice %arg3[%dma_start3A_1002, %mul3A_2] : memref<1000x16384xf32, #tpu.memory_space<hbm>> -> memref<128x128xf32, #tpu.memory_space<hbm>>
    %dma_start3A_1004 = arith.constant 760 : i32
    %dma_start3A_1005 = tpu.memref_slice %arg3[%dma_start3A_1004, %mul3A_2] : memref<1000x16384xf32, #tpu.memory_space<hbm>> -> memref<128x128xf32, #tpu.memory_space<hbm>>
    %dma_start3A_1006 = arith.constant 256 : i32
    %dma_start3A_1007 = arith.constant 0 : i32
    %dma_start3A_1008 = tpu.memref_slice %arg6[%dma_start3A_1006, %dma_start3A_1007] : memref<496x128xf32, #tpu.memory_space<vmem>> -> memref<128x128xf32, #tpu.memory_space<vmem>>
    tpu.enqueue_dma source(%dma_start3A_1008 : memref<128x128xf32, #tpu.memory_space<vmem>>) target(%dma_start3A_1005 : memref<128x128xf32, #tpu.memory_space<hbm>>) target_semaphore(%arg16 : memref<!tpu.dma_semaphore, #tpu.memory_space<semaphore_mem>>)
    %scan3A_1009 = arith.constant 0 : i32
    %scan3A_1010 = arith.constant 0 : i32
    %scan3A_1011 = arith.constant 112 : i32
    %scan3A_1012 = arith.addi %scan3A_1010, %scan3A_1011 : i32
    %scan3A_1013 = arith.constant 1 : i32
    scf.for %scan3A_2301 = %scan3A_1010 to %scan3A_1012 step %scan3A_1013  : i32 {
      %add3A_2302 = arith.constant 384 : i32
      %add3A_2303 = arith.addi %add3A_2302, %scan3A_2301 : i32
      %swap3A = arith.index_cast %add3A_2303 : i32 to index
      %swap3A_2304 = arith.constant 0 : index
      %swap3A_2305 = tpu.vector_load %arg6[%swap3A, %swap3A_2304] {strides = array<i32>} : memref<496x128xf32, #tpu.memory_space<vmem>>, vector<16xf32>,
      tpu.vector_store %arg6[%swap3A, %swap3A_2304], %broadcast_in_dim3A_4 {strides = array<i32>} : memref<496x128xf32, #tpu.memory_space<vmem>>, vector<16xf32>,
      %add3A_2306 = arith.constant 384 : i32
      %add3A_2307 = arith.addi %add3A_2306, %scan3A_2301 : i32
      %swap3A_2308 = arith.index_cast %add3A_2307 : i32 to index
      %swap3A_2309 = arith.constant 16 : index
      %swap3A_2310 = tpu.vector_load %arg6[%swap3A_2308, %swap3A_2309] {strides = array<i32>} : memref<496x128xf32, #tpu.memory_space<vmem>>, vector<16xf32>,
      tpu.vector_store %arg6[%swap3A_2308, %swap3A_2309], %broadcast_in_dim3A_4 {strides = array<i32>} : memref<496x128xf32, #tpu.memory_space<vmem>>, vector<16xf32>,
      %add3A_2311 = arith.constant 384 : i32
      %add3A_2312 = arith.addi %add3A_2311, %scan3A_2301 : i32
      %swap3A_2313 = arith.index_cast %add3A_2312 : i32 to index
      %swap3A_2314 = arith.constant 32 : index
      %swap3A_2315 = tpu.vector_load %arg6[%swap3A_2313, %swap3A_2314] {strides = array<i32>} : memref<496x128xf32, #tpu.memory_space<vmem>>, vector<16xf32>,
      tpu.vector_store %arg6[%swap3A_2313, %swap3A_2314], %broadcast_in_dim3A_4 {strides = array<i32>} : memref<496x128xf32, #tpu.memory_space<vmem>>, vector<16xf32>,
      %add3A_2316 = arith.constant 384 : i32
      %add3A_2317 = arith.addi %add3A_2316, %scan3A_2301 : i32
      %swap3A_2318 = arith.index_cast %add3A_2317 : i32 to index
      %swap3A_2319 = arith.constant 48 : index
      %swap3A_2320 = tpu.vector_load %arg6[%swap3A_2318, %swap3A_2319] {strides = array<i32>} : memref<496x128xf32, #tpu.memory_space<vmem>>, vector<16xf32>,
      tpu.vector_store %arg6[%swap3A_2318, %swap3A_2319], %broadcast_in_dim3A_4 {strides = array<i32>} : memref<496x128xf32, #tpu.memory_space<vmem>>, vector<16xf32>,
      %add3A_2321 = arith.constant 384 : i32
      %add3A_2322 = arith.addi %add3A_2321, %scan3A_2301 : i32
      %swap3A_2323 = arith.index_cast %add3A_2322 : i32 to index
      %swap3A_2324 = arith.constant 64 : index
      %swap3A_2325 = tpu.vector_load %arg6[%swap3A_2323, %swap3A_2324] {strides = array<i32>} : memref<496x128xf32, #tpu.memory_space<vmem>>, vector<16xf32>,
      tpu.vector_store %arg6[%swap3A_2323, %swap3A_2324], %broadcast_in_dim3A_4 {strides = array<i32>} : memref<496x128xf32, #tpu.memory_space<vmem>>, vector<16xf32>,
      %add3A_2326 = arith.constant 384 : i32
      %add3A_2327 = arith.addi %add3A_2326, %scan3A_2301 : i32
      %swap3A_2328 = arith.index_cast %add3A_2327 : i32 to index
      %swap3A_2329 = arith.constant 80 : index
      %swap3A_2330 = tpu.vector_load %arg6[%swap3A_2328, %swap3A_2329] {strides = array<i32>} : memref<496x128xf32, #tpu.memory_space<vmem>>, vector<16xf32>,
      tpu.vector_store %arg6[%swap3A_2328, %swap3A_2329], %broadcast_in_dim3A_4 {strides = array<i32>} : memref<496x128xf32, #tpu.memory_space<vmem>>, vector<16xf32>,
      %add3A_2331 = arith.constant 384 : i32
      %add3A_2332 = arith.addi %add3A_2331, %scan3A_2301 : i32
      %swap3A_2333 = arith.index_cast %add3A_2332 : i32 to index
      %swap3A_2334 = arith.constant 96 : index
      %swap3A_2335 = tpu.vector_load %arg6[%swap3A_2333, %swap3A_2334] {strides = array<i32>} : memref<496x128xf32, #tpu.memory_space<vmem>>, vector<16xf32>,
      tpu.vector_store %arg6[%swap3A_2333, %swap3A_2334], %broadcast_in_dim3A_4 {strides = array<i32>} : memref<496x128xf32, #tpu.memory_space<vmem>>, vector<16xf32>,
      %add3A_2336 = arith.constant 384 : i32
      %add3A_2337 = arith.addi %add3A_2336, %scan3A_2301 : i32
      %swap3A_2338 = arith.index_cast %add3A_2337 : i32 to index
      %swap3A_2339 = arith.constant 112 : index
      %swap3A_2340 = tpu.vector_load %arg6[%swap3A_2338, %swap3A_2339] {strides = array<i32>} : memref<496x128xf32, #tpu.memory_space<vmem>>, vector<16xf32>,
      tpu.vector_store %arg6[%swap3A_2338, %swap3A_2339], %broadcast_in_dim3A_4 {strides = array<i32>} : memref<496x128xf32, #tpu.memory_space<vmem>>, vector<16xf32>,
    }
    %scan3A_1014 = arith.constant 112 : i32
    %get3A_1015 = arith.constant 0 : index
    %get3A_1016 = tpu.vector_load %arg4[%get3A_1015] {strides = array<i32>} : memref<512xi32, #tpu.memory_space<vmem>>, vector<16xi32>,
    %iota3A_1017 = tpu.iota {dimensions = array<i32: 0>} : vector<16xi32>
    %add3A_1018 = arith.constant 0 : i32
    %add3A_1019 = vector.broadcast %add3A_1018 : i32 to vector<16xi32>
    %add3A_1020 = arith.addi %iota3A_1017, %add3A_1019 : vector<16xi32>
    %ge3A_1021 = arith.constant 888 : i32
    %ge3A_1022 = vector.broadcast %ge3A_1021 : i32 to vector<16xi32>
    %ge3A_1023 = arith.cmpi sge, %get3A_1016, %ge3A_1022 : vector<16xi32>
    %lt3A_1024 = arith.constant 1000 : i32
    %lt3A_1025 = vector.broadcast %lt3A_1024 : i32 to vector<16xi32>
    %lt3A_1026 = arith.cmpi slt, %get3A_1016, %lt3A_1025 : vector<16xi32>
    %and3A_1027 = arith.andi %ge3A_1023, %lt3A_1026 : vector<16xi1>
    %sub3A_1028 = arith.constant 504 : i32
    %sub3A_1029 = vector.broadcast %sub3A_1028 : i32 to vector<16xi32>
    %sub3A_1030 = arith.subi %get3A_1016, %sub3A_1029 : vector<16xi32>
    tpu.vector_store_idx %arg6[%sub3A_1030, %add3A_1020], %broadcast_in_dim3A_6 masked %and3A_1027 : memref<496x128xf32, #tpu.memory_space<vmem>>[vector<16xi32>, vector<16xi32>], vector<16xf32>, vector<16xi1>
    %get3A_1031 = arith.constant 16 : index
    %get3A_1032 = tpu.vector_load %arg4[%get3A_1031] {strides = array<i32>} : memref<512xi32, #tpu.memory_space<vmem>>, vector<16xi32>,
    %iota3A_1033 = tpu.iota {dimensions = array<i32: 0>} : vector<16xi32>
    %add3A_1034 = arith.constant 16 : i32
    %add3A_1035 = vector.broadcast %add3A_1034 : i32 to vector<16xi32>
    %add3A_1036 = arith.addi %iota3A_1033, %add3A_1035 : vector<16xi32>
    %ge3A_1037 = arith.constant 888 : i32
    %ge3A_1038 = vector.broadcast %ge3A_1037 : i32 to vector<16xi32>
    %ge3A_1039 = arith.cmpi sge, %get3A_1032, %ge3A_1038 : vector<16xi32>
    %lt3A_1040 = arith.constant 1000 : i32
    %lt3A_1041 = vector.broadcast %lt3A_1040 : i32 to vector<16xi32>
    %lt3A_1042 = arith.cmpi slt, %get3A_1032, %lt3A_1041 : vector<16xi32>
    %and3A_1043 = arith.andi %ge3A_1039, %lt3A_1042 : vector<16xi1>
    %sub3A_1044 = arith.constant 504 : i32
    %sub3A_1045 = vector.broadcast %sub3A_1044 : i32 to vector<16xi32>
    %sub3A_1046 = arith.subi %get3A_1032, %sub3A_1045 : vector<16xi32>
    tpu.vector_store_idx %arg6[%sub3A_1046, %add3A_1036], %broadcast_in_dim3A_6 masked %and3A_1043 : memref<496x128xf32, #tpu.memory_space<vmem>>[vector<16xi32>, vector<16xi32>], vector<16xf32>, vector<16xi1>
    %get3A_1047 = arith.constant 32 : index
    %get3A_1048 = tpu.vector_load %arg4[%get3A_1047] {strides = array<i32>} : memref<512xi32, #tpu.memory_space<vmem>>, vector<16xi32>,
    %iota3A_1049 = tpu.iota {dimensions = array<i32: 0>} : vector<16xi32>
    %add3A_1050 = arith.constant 32 : i32
    %add3A_1051 = vector.broadcast %add3A_1050 : i32 to vector<16xi32>
    %add3A_1052 = arith.addi %iota3A_1049, %add3A_1051 : vector<16xi32>
    %ge3A_1053 = arith.constant 888 : i32
    %ge3A_1054 = vector.broadcast %ge3A_1053 : i32 to vector<16xi32>
    %ge3A_1055 = arith.cmpi sge, %get3A_1048, %ge3A_1054 : vector<16xi32>
    %lt3A_1056 = arith.constant 1000 : i32
    %lt3A_1057 = vector.broadcast %lt3A_1056 : i32 to vector<16xi32>
    %lt3A_1058 = arith.cmpi slt, %get3A_1048, %lt3A_1057 : vector<16xi32>
    %and3A_1059 = arith.andi %ge3A_1055, %lt3A_1058 : vector<16xi1>
    %sub3A_1060 = arith.constant 504 : i32
    %sub3A_1061 = vector.broadcast %sub3A_1060 : i32 to vector<16xi32>
    %sub3A_1062 = arith.subi %get3A_1048, %sub3A_1061 : vector<16xi32>
    tpu.vector_store_idx %arg6[%sub3A_1062, %add3A_1052], %broadcast_in_dim3A_6 masked %and3A_1059 : memref<496x128xf32, #tpu.memory_space<vmem>>[vector<16xi32>, vector<16xi32>], vector<16xf32>, vector<16xi1>
    %get3A_1063 = arith.constant 48 : index
    %get3A_1064 = tpu.vector_load %arg4[%get3A_1063] {strides = array<i32>} : memref<512xi32, #tpu.memory_space<vmem>>, vector<16xi32>,
    %iota3A_1065 = tpu.iota {dimensions = array<i32: 0>} : vector<16xi32>
    %add3A_1066 = arith.constant 48 : i32
    %add3A_1067 = vector.broadcast %add3A_1066 : i32 to vector<16xi32>
    %add3A_1068 = arith.addi %iota3A_1065, %add3A_1067 : vector<16xi32>
    %ge3A_1069 = arith.constant 888 : i32
    %ge3A_1070 = vector.broadcast %ge3A_1069 : i32 to vector<16xi32>
    %ge3A_1071 = arith.cmpi sge, %get3A_1064, %ge3A_1070 : vector<16xi32>
    %lt3A_1072 = arith.constant 1000 : i32
    %lt3A_1073 = vector.broadcast %lt3A_1072 : i32 to vector<16xi32>
    %lt3A_1074 = arith.cmpi slt, %get3A_1064, %lt3A_1073 : vector<16xi32>
    %and3A_1075 = arith.andi %ge3A_1071, %lt3A_1074 : vector<16xi1>
    %sub3A_1076 = arith.constant 504 : i32
    %sub3A_1077 = vector.broadcast %sub3A_1076 : i32 to vector<16xi32>
    %sub3A_1078 = arith.subi %get3A_1064, %sub3A_1077 : vector<16xi32>
    tpu.vector_store_idx %arg6[%sub3A_1078, %add3A_1068], %broadcast_in_dim3A_6 masked %and3A_1075 : memref<496x128xf32, #tpu.memory_space<vmem>>[vector<16xi32>, vector<16xi32>], vector<16xf32>, vector<16xi1>
    %get3A_1079 = arith.constant 64 : index
    %get3A_1080 = tpu.vector_load %arg4[%get3A_1079] {strides = array<i32>} : memref<512xi32, #tpu.memory_space<vmem>>, vector<16xi32>,
    %iota3A_1081 = tpu.iota {dimensions = array<i32: 0>} : vector<16xi32>
    %add3A_1082 = arith.constant 64 : i32
    %add3A_1083 = vector.broadcast %add3A_1082 : i32 to vector<16xi32>
    %add3A_1084 = arith.addi %iota3A_1081, %add3A_1083 : vector<16xi32>
    %ge3A_1085 = arith.constant 888 : i32
    %ge3A_1086 = vector.broadcast %ge3A_1085 : i32 to vector<16xi32>
    %ge3A_1087 = arith.cmpi sge, %get3A_1080, %ge3A_1086 : vector<16xi32>
    %lt3A_1088 = arith.constant 1000 : i32
    %lt3A_1089 = vector.broadcast %lt3A_1088 : i32 to vector<16xi32>
    %lt3A_1090 = arith.cmpi slt, %get3A_1080, %lt3A_1089 : vector<16xi32>
    %and3A_1091 = arith.andi %ge3A_1087, %lt3A_1090 : vector<16xi1>
    %sub3A_1092 = arith.constant 504 : i32
    %sub3A_1093 = vector.broadcast %sub3A_1092 : i32 to vector<16xi32>
    %sub3A_1094 = arith.subi %get3A_1080, %sub3A_1093 : vector<16xi32>
    tpu.vector_store_idx %arg6[%sub3A_1094, %add3A_1084], %broadcast_in_dim3A_6 masked %and3A_1091 : memref<496x128xf32, #tpu.memory_space<vmem>>[vector<16xi32>, vector<16xi32>], vector<16xf32>, vector<16xi1>
    %get3A_1095 = arith.constant 80 : index
    %get3A_1096 = tpu.vector_load %arg4[%get3A_1095] {strides = array<i32>} : memref<512xi32, #tpu.memory_space<vmem>>, vector<16xi32>,
    %iota3A_1097 = tpu.iota {dimensions = array<i32: 0>} : vector<16xi32>
    %add3A_1098 = arith.constant 80 : i32
    %add3A_1099 = vector.broadcast %add3A_1098 : i32 to vector<16xi32>
    %add3A_1100 = arith.addi %iota3A_1097, %add3A_1099 : vector<16xi32>
    %ge3A_1101 = arith.constant 888 : i32
    %ge3A_1102 = vector.broadcast %ge3A_1101 : i32 to vector<16xi32>
    %ge3A_1103 = arith.cmpi sge, %get3A_1096, %ge3A_1102 : vector<16xi32>
    %lt3A_1104 = arith.constant 1000 : i32
    %lt3A_1105 = vector.broadcast %lt3A_1104 : i32 to vector<16xi32>
    %lt3A_1106 = arith.cmpi slt, %get3A_1096, %lt3A_1105 : vector<16xi32>
    %and3A_1107 = arith.andi %ge3A_1103, %lt3A_1106 : vector<16xi1>
    %sub3A_1108 = arith.constant 504 : i32
    %sub3A_1109 = vector.broadcast %sub3A_1108 : i32 to vector<16xi32>
    %sub3A_1110 = arith.subi %get3A_1096, %sub3A_1109 : vector<16xi32>
    tpu.vector_store_idx %arg6[%sub3A_1110, %add3A_1100], %broadcast_in_dim3A_6 masked %and3A_1107 : memref<496x128xf32, #tpu.memory_space<vmem>>[vector<16xi32>, vector<16xi32>], vector<16xf32>, vector<16xi1>
    %get3A_1111 = arith.constant 96 : index
    %get3A_1112 = tpu.vector_load %arg4[%get3A_1111] {strides = array<i32>} : memref<512xi32, #tpu.memory_space<vmem>>, vector<16xi32>,
    %iota3A_1113 = tpu.iota {dimensions = array<i32: 0>} : vector<16xi32>
    %add3A_1114 = arith.constant 96 : i32
    %add3A_1115 = vector.broadcast %add3A_1114 : i32 to vector<16xi32>
    %add3A_1116 = arith.addi %iota3A_1113, %add3A_1115 : vector<16xi32>
    %ge3A_1117 = arith.constant 888 : i32
    %ge3A_1118 = vector.broadcast %ge3A_1117 : i32 to vector<16xi32>
    %ge3A_1119 = arith.cmpi sge, %get3A_1112, %ge3A_1118 : vector<16xi32>
    %lt3A_1120 = arith.constant 1000 : i32
    %lt3A_1121 = vector.broadcast %lt3A_1120 : i32 to vector<16xi32>
    %lt3A_1122 = arith.cmpi slt, %get3A_1112, %lt3A_1121 : vector<16xi32>
    %and3A_1123 = arith.andi %ge3A_1119, %lt3A_1122 : vector<16xi1>
    %sub3A_1124 = arith.constant 504 : i32
    %sub3A_1125 = vector.broadcast %sub3A_1124 : i32 to vector<16xi32>
    %sub3A_1126 = arith.subi %get3A_1112, %sub3A_1125 : vector<16xi32>
    tpu.vector_store_idx %arg6[%sub3A_1126, %add3A_1116], %broadcast_in_dim3A_6 masked %and3A_1123 : memref<496x128xf32, #tpu.memory_space<vmem>>[vector<16xi32>, vector<16xi32>], vector<16xf32>, vector<16xi1>
    %get3A_1127 = arith.constant 112 : index
    %get3A_1128 = tpu.vector_load %arg4[%get3A_1127] {strides = array<i32>} : memref<512xi32, #tpu.memory_space<vmem>>, vector<16xi32>,
    %iota3A_1129 = tpu.iota {dimensions = array<i32: 0>} : vector<16xi32>
    %add3A_1130 = arith.constant 112 : i32
    %add3A_1131 = vector.broadcast %add3A_1130 : i32 to vector<16xi32>
    %add3A_1132 = arith.addi %iota3A_1129, %add3A_1131 : vector<16xi32>
    %ge3A_1133 = arith.constant 888 : i32
    %ge3A_1134 = vector.broadcast %ge3A_1133 : i32 to vector<16xi32>
    %ge3A_1135 = arith.cmpi sge, %get3A_1128, %ge3A_1134 : vector<16xi32>
    %lt3A_1136 = arith.constant 1000 : i32
    %lt3A_1137 = vector.broadcast %lt3A_1136 : i32 to vector<16xi32>
    %lt3A_1138 = arith.cmpi slt, %get3A_1128, %lt3A_1137 : vector<16xi32>
    %and3A_1139 = arith.andi %ge3A_1135, %lt3A_1138 : vector<16xi1>
    %sub3A_1140 = arith.constant 504 : i32
    %sub3A_1141 = vector.broadcast %sub3A_1140 : i32 to vector<16xi32>
    %sub3A_1142 = arith.subi %get3A_1128, %sub3A_1141 : vector<16xi32>
    tpu.vector_store_idx %arg6[%sub3A_1142, %add3A_1132], %broadcast_in_dim3A_6 masked %and3A_1139 : memref<496x128xf32, #tpu.memory_space<vmem>>[vector<16xi32>, vector<16xi32>], vector<16xf32>, vector<16xi1>
    %dma_start3A_1143 = arith.constant 384 : i32
    %dma_start3A_1144 = arith.constant 0 : i32
    %dma_start3A_1145 = tpu.memref_slice %arg6[%dma_start3A_1143, %dma_start3A_1144] : memref<496x128xf32, #tpu.memory_space<vmem>> -> memref<112x128xf32, #tpu.memory_space<vmem>>
    %dma_start3A_1146 = arith.constant 888 : i32
    %dma_start3A_1147 = tpu.memref_slice %arg3[%dma_start3A_1146, %mul3A_2] : memref<1000x16384xf32, #tpu.memory_space<hbm>> -> memref<112x128xf32, #tpu.memory_space<hbm>>
    %dma_start3A_1148 = arith.constant 888 : i32
    %dma_start3A_1149 = tpu.memref_slice %arg3[%dma_start3A_1148, %mul3A_2] : memref<1000x16384xf32, #tpu.memory_space<hbm>> -> memref<112x128xf32, #tpu.memory_space<hbm>>
    %dma_start3A_1150 = arith.constant 384 : i32
    %dma_start3A_1151 = arith.constant 0 : i32
    %dma_start3A_1152 = tpu.memref_slice %arg6[%dma_start3A_1150, %dma_start3A_1151] : memref<496x128xf32, #tpu.memory_space<vmem>> -> memref<112x128xf32, #tpu.memory_space<vmem>>
    tpu.enqueue_dma source(%dma_start3A_1152 : memref<112x128xf32, #tpu.memory_space<vmem>>) target(%dma_start3A_1149 : memref<112x128xf32, #tpu.memory_space<hbm>>) target_semaphore(%arg17 : memref<!tpu.dma_semaphore, #tpu.memory_space<semaphore_mem>>)
    %dma_wait3A_1153 = arith.constant 0 : i32
    %dma_wait3A_1154 = arith.constant 0 : i32
    %dma_wait3A_1155 = tpu.memref_slice %arg5[%dma_wait3A_1153, %dma_wait3A_1154] : memref<504x128xf32, #tpu.memory_space<vmem>> -> memref<128x128xf32, #tpu.memory_space<vmem>>
    %dma_wait3A_1156 = arith.constant 0 : i32
    %dma_wait3A_1157 = tpu.memref_slice %arg3[%dma_wait3A_1156, %mul3A_2] : memref<1000x16384xf32, #tpu.memory_space<hbm>> -> memref<128x128xf32, #tpu.memory_space<hbm>>
    %dma_wait3A_1158 = arith.constant 0 : i32
    %dma_wait3A_1159 = tpu.memref_slice %arg3[%dma_wait3A_1158, %mul3A_2] : memref<1000x16384xf32, #tpu.memory_space<hbm>> -> memref<128x128xf32, #tpu.memory_space<hbm>>
    %dma_wait3A_1160 = arith.constant 0 : i32
    %dma_wait3A_1161 = arith.constant 0 : i32
    %dma_wait3A_1162 = tpu.memref_slice %arg5[%dma_wait3A_1160, %dma_wait3A_1161] : memref<504x128xf32, #tpu.memory_space<vmem>> -> memref<128x128xf32, #tpu.memory_space<vmem>>
    tpu.wait_dma2 semaphore(%arg10 : memref<!tpu.dma_semaphore, #tpu.memory_space<semaphore_mem>>) src(%dma_wait3A_1162 : memref<128x128xf32, #tpu.memory_space<vmem>>) dst(%dma_wait3A_1159 : memref<128x128xf32, #tpu.memory_space<hbm>>)
    %dma_wait3A_1163 = arith.constant 128 : i32
    %dma_wait3A_1164 = arith.constant 0 : i32
    %dma_wait3A_1165 = tpu.memref_slice %arg5[%dma_wait3A_1163, %dma_wait3A_1164] : memref<504x128xf32, #tpu.memory_space<vmem>> -> memref<128x128xf32, #tpu.memory_space<vmem>>
    %dma_wait3A_1166 = arith.constant 128 : i32
    %dma_wait3A_1167 = tpu.memref_slice %arg3[%dma_wait3A_1166, %mul3A_2] : memref<1000x16384xf32, #tpu.memory_space<hbm>> -> memref<128x128xf32, #tpu.memory_space<hbm>>
    %dma_wait3A_1168 = arith.constant 128 : i32
    %dma_wait3A_1169 = tpu.memref_slice %arg3[%dma_wait3A_1168, %mul3A_2] : memref<1000x16384xf32, #tpu.memory_space<hbm>> -> memref<128x128xf32, #tpu.memory_space<hbm>>
    %dma_wait3A_1170 = arith.constant 128 : i32
    %dma_wait3A_1171 = arith.constant 0 : i32
    %dma_wait3A_1172 = tpu.memref_slice %arg5[%dma_wait3A_1170, %dma_wait3A_1171] : memref<504x128xf32, #tpu.memory_space<vmem>> -> memref<128x128xf32, #tpu.memory_space<vmem>>
    tpu.wait_dma2 semaphore(%arg11 : memref<!tpu.dma_semaphore, #tpu.memory_space<semaphore_mem>>) src(%dma_wait3A_1172 : memref<128x128xf32, #tpu.memory_space<vmem>>) dst(%dma_wait3A_1169 : memref<128x128xf32, #tpu.memory_space<hbm>>)
    %dma_wait3A_1173 = arith.constant 256 : i32
    %dma_wait3A_1174 = arith.constant 0 : i32
    %dma_wait3A_1175 = tpu.memref_slice %arg5[%dma_wait3A_1173, %dma_wait3A_1174] : memref<504x128xf32, #tpu.memory_space<vmem>> -> memref<128x128xf32, #tpu.memory_space<vmem>>
    %dma_wait3A_1176 = arith.constant 256 : i32
    %dma_wait3A_1177 = tpu.memref_slice %arg3[%dma_wait3A_1176, %mul3A_2] : memref<1000x16384xf32, #tpu.memory_space<hbm>> -> memref<128x128xf32, #tpu.memory_space<hbm>>
    %dma_wait3A_1178 = arith.constant 256 : i32
    %dma_wait3A_1179 = tpu.memref_slice %arg3[%dma_wait3A_1178, %mul3A_2] : memref<1000x16384xf32, #tpu.memory_space<hbm>> -> memref<128x128xf32, #tpu.memory_space<hbm>>
    %dma_wait3A_1180 = arith.constant 256 : i32
    %dma_wait3A_1181 = arith.constant 0 : i32
    %dma_wait3A_1182 = tpu.memref_slice %arg5[%dma_wait3A_1180, %dma_wait3A_1181] : memref<504x128xf32, #tpu.memory_space<vmem>> -> memref<128x128xf32, #tpu.memory_space<vmem>>
    tpu.wait_dma2 semaphore(%arg12 : memref<!tpu.dma_semaphore, #tpu.memory_space<semaphore_mem>>) src(%dma_wait3A_1182 : memref<128x128xf32, #tpu.memory_space<vmem>>) dst(%dma_wait3A_1179 : memref<128x128xf32, #tpu.memory_space<hbm>>)
    %dma_wait3A_1183 = arith.constant 384 : i32
    %dma_wait3A_1184 = arith.constant 0 : i32
    %dma_wait3A_1185 = tpu.memref_slice %arg5[%dma_wait3A_1183, %dma_wait3A_1184] : memref<504x128xf32, #tpu.memory_space<vmem>> -> memref<120x128xf32, #tpu.memory_space<vmem>>
    %dma_wait3A_1186 = arith.constant 384 : i32
    %dma_wait3A_1187 = tpu.memref_slice %arg3[%dma_wait3A_1186, %mul3A_2] : memref<1000x16384xf32, #tpu.memory_space<hbm>> -> memref<120x128xf32, #tpu.memory_space<hbm>>
    %dma_wait3A_1188 = arith.constant 384 : i32
    %dma_wait3A_1189 = tpu.memref_slice %arg3[%dma_wait3A_1188, %mul3A_2] : memref<1000x16384xf32, #tpu.memory_space<hbm>> -> memref<120x128xf32, #tpu.memory_space<hbm>>
    %dma_wait3A_1190 = arith.constant 384 : i32
    %dma_wait3A_1191 = arith.constant 0 : i32
    %dma_wait3A_1192 = tpu.memref_slice %arg5[%dma_wait3A_1190, %dma_wait3A_1191] : memref<504x128xf32, #tpu.memory_space<vmem>> -> memref<120x128xf32, #tpu.memory_space<vmem>>
    tpu.wait_dma2 semaphore(%arg13 : memref<!tpu.dma_semaphore, #tpu.memory_space<semaphore_mem>>) src(%dma_wait3A_1192 : memref<120x128xf32, #tpu.memory_space<vmem>>) dst(%dma_wait3A_1189 : memref<120x128xf32, #tpu.memory_space<hbm>>)
    %get3A_1193 = arith.constant 0 : index
    %get3A_1194 = tpu.vector_load %arg4[%get3A_1193] {strides = array<i32>} : memref<512xi32, #tpu.memory_space<vmem>>, vector<16xi32>,
    %iota3A_1195 = tpu.iota {dimensions = array<i32: 0>} : vector<16xi32>
    %add3A_1196 = arith.constant 0 : i32
    %add3A_1197 = vector.broadcast %add3A_1196 : i32 to vector<16xi32>
    %add3A_1198 = arith.addi %iota3A_1195, %add3A_1197 : vector<16xi32>
    %lt3A_1199 = arith.constant 504 : i32
    %lt3A_1200 = vector.broadcast %lt3A_1199 : i32 to vector<16xi32>
    %lt3A_1201 = arith.cmpi slt, %get3A_1194, %lt3A_1200 : vector<16xi32>
    tpu.vector_store_idx %arg5[%get3A_1194, %add3A_1198], %broadcast_in_dim3A_4 masked %lt3A_1201 : memref<504x128xf32, #tpu.memory_space<vmem>>[vector<16xi32>, vector<16xi32>], vector<16xf32>, vector<16xi1>
    %get3A_1202 = arith.constant 16 : index
    %get3A_1203 = tpu.vector_load %arg4[%get3A_1202] {strides = array<i32>} : memref<512xi32, #tpu.memory_space<vmem>>, vector<16xi32>,
    %iota3A_1204 = tpu.iota {dimensions = array<i32: 0>} : vector<16xi32>
    %add3A_1205 = arith.constant 16 : i32
    %add3A_1206 = vector.broadcast %add3A_1205 : i32 to vector<16xi32>
    %add3A_1207 = arith.addi %iota3A_1204, %add3A_1206 : vector<16xi32>
    %lt3A_1208 = arith.constant 504 : i32
    %lt3A_1209 = vector.broadcast %lt3A_1208 : i32 to vector<16xi32>
    %lt3A_1210 = arith.cmpi slt, %get3A_1203, %lt3A_1209 : vector<16xi32>
    tpu.vector_store_idx %arg5[%get3A_1203, %add3A_1207], %broadcast_in_dim3A_4 masked %lt3A_1210 : memref<504x128xf32, #tpu.memory_space<vmem>>[vector<16xi32>, vector<16xi32>], vector<16xf32>, vector<16xi1>
    %get3A_1211 = arith.constant 32 : index
    %get3A_1212 = tpu.vector_load %arg4[%get3A_1211] {strides = array<i32>} : memref<512xi32, #tpu.memory_space<vmem>>, vector<16xi32>,
    %iota3A_1213 = tpu.iota {dimensions = array<i32: 0>} : vector<16xi32>
    %add3A_1214 = arith.constant 32 : i32
    %add3A_1215 = vector.broadcast %add3A_1214 : i32 to vector<16xi32>
    %add3A_1216 = arith.addi %iota3A_1213, %add3A_1215 : vector<16xi32>
    %lt3A_1217 = arith.constant 504 : i32
    %lt3A_1218 = vector.broadcast %lt3A_1217 : i32 to vector<16xi32>
    %lt3A_1219 = arith.cmpi slt, %get3A_1212, %lt3A_1218 : vector<16xi32>
    tpu.vector_store_idx %arg5[%get3A_1212, %add3A_1216], %broadcast_in_dim3A_4 masked %lt3A_1219 : memref<504x128xf32, #tpu.memory_space<vmem>>[vector<16xi32>, vector<16xi32>], vector<16xf32>, vector<16xi1>
    %get3A_1220 = arith.constant 48 : index
    %get3A_1221 = tpu.vector_load %arg4[%get3A_1220] {strides = array<i32>} : memref<512xi32, #tpu.memory_space<vmem>>, vector<16xi32>,
    %iota3A_1222 = tpu.iota {dimensions = array<i32: 0>} : vector<16xi32>
    %add3A_1223 = arith.constant 48 : i32
    %add3A_1224 = vector.broadcast %add3A_1223 : i32 to vector<16xi32>
    %add3A_1225 = arith.addi %iota3A_1222, %add3A_1224 : vector<16xi32>
    %lt3A_1226 = arith.constant 504 : i32
    %lt3A_1227 = vector.broadcast %lt3A_1226 : i32 to vector<16xi32>
    %lt3A_1228 = arith.cmpi slt, %get3A_1221, %lt3A_1227 : vector<16xi32>
    tpu.vector_store_idx %arg5[%get3A_1221, %add3A_1225], %broadcast_in_dim3A_4 masked %lt3A_1228 : memref<504x128xf32, #tpu.memory_space<vmem>>[vector<16xi32>, vector<16xi32>], vector<16xf32>, vector<16xi1>
    %get3A_1229 = arith.constant 64 : index
    %get3A_1230 = tpu.vector_load %arg4[%get3A_1229] {strides = array<i32>} : memref<512xi32, #tpu.memory_space<vmem>>, vector<16xi32>,
    %iota3A_1231 = tpu.iota {dimensions = array<i32: 0>} : vector<16xi32>
    %add3A_1232 = arith.constant 64 : i32
    %add3A_1233 = vector.broadcast %add3A_1232 : i32 to vector<16xi32>
    %add3A_1234 = arith.addi %iota3A_1231, %add3A_1233 : vector<16xi32>
    %lt3A_1235 = arith.constant 504 : i32
    %lt3A_1236 = vector.broadcast %lt3A_1235 : i32 to vector<16xi32>
    %lt3A_1237 = arith.cmpi slt, %get3A_1230, %lt3A_1236 : vector<16xi32>
    tpu.vector_store_idx %arg5[%get3A_1230, %add3A_1234], %broadcast_in_dim3A_4 masked %lt3A_1237 : memref<504x128xf32, #tpu.memory_space<vmem>>[vector<16xi32>, vector<16xi32>], vector<16xf32>, vector<16xi1>
    %get3A_1238 = arith.constant 80 : index
    %get3A_1239 = tpu.vector_load %arg4[%get3A_1238] {strides = array<i32>} : memref<512xi32, #tpu.memory_space<vmem>>, vector<16xi32>,
    %iota3A_1240 = tpu.iota {dimensions = array<i32: 0>} : vector<16xi32>
    %add3A_1241 = arith.constant 80 : i32
    %add3A_1242 = vector.broadcast %add3A_1241 : i32 to vector<16xi32>
    %add3A_1243 = arith.addi %iota3A_1240, %add3A_1242 : vector<16xi32>
    %lt3A_1244 = arith.constant 504 : i32
    %lt3A_1245 = vector.broadcast %lt3A_1244 : i32 to vector<16xi32>
    %lt3A_1246 = arith.cmpi slt, %get3A_1239, %lt3A_1245 : vector<16xi32>
    tpu.vector_store_idx %arg5[%get3A_1239, %add3A_1243], %broadcast_in_dim3A_4 masked %lt3A_1246 : memref<504x128xf32, #tpu.memory_space<vmem>>[vector<16xi32>, vector<16xi32>], vector<16xf32>, vector<16xi1>
    %get3A_1247 = arith.constant 96 : index
    %get3A_1248 = tpu.vector_load %arg4[%get3A_1247] {strides = array<i32>} : memref<512xi32, #tpu.memory_space<vmem>>, vector<16xi32>,
    %iota3A_1249 = tpu.iota {dimensions = array<i32: 0>} : vector<16xi32>
    %add3A_1250 = arith.constant 96 : i32
    %add3A_1251 = vector.broadcast %add3A_1250 : i32 to vector<16xi32>
    %add3A_1252 = arith.addi %iota3A_1249, %add3A_1251 : vector<16xi32>
    %lt3A_1253 = arith.constant 504 : i32
    %lt3A_1254 = vector.broadcast %lt3A_1253 : i32 to vector<16xi32>
    %lt3A_1255 = arith.cmpi slt, %get3A_1248, %lt3A_1254 : vector<16xi32>
    tpu.vector_store_idx %arg5[%get3A_1248, %add3A_1252], %broadcast_in_dim3A_4 masked %lt3A_1255 : memref<504x128xf32, #tpu.memory_space<vmem>>[vector<16xi32>, vector<16xi32>], vector<16xf32>, vector<16xi1>
    %get3A_1256 = arith.constant 112 : index
    %get3A_1257 = tpu.vector_load %arg4[%get3A_1256] {strides = array<i32>} : memref<512xi32, #tpu.memory_space<vmem>>, vector<16xi32>,
    %iota3A_1258 = tpu.iota {dimensions = array<i32: 0>} : vector<16xi32>
    %add3A_1259 = arith.constant 112 : i32
    %add3A_1260 = vector.broadcast %add3A_1259 : i32 to vector<16xi32>
    %add3A_1261 = arith.addi %iota3A_1258, %add3A_1260 : vector<16xi32>
    %lt3A_1262 = arith.constant 504 : i32
    %lt3A_1263 = vector.broadcast %lt3A_1262 : i32 to vector<16xi32>
    %lt3A_1264 = arith.cmpi slt, %get3A_1257, %lt3A_1263 : vector<16xi32>
    tpu.vector_store_idx %arg5[%get3A_1257, %add3A_1261], %broadcast_in_dim3A_4 masked %lt3A_1264 : memref<504x128xf32, #tpu.memory_space<vmem>>[vector<16xi32>, vector<16xi32>], vector<16xf32>, vector<16xi1>
    %get3A_1265 = arith.constant 128 : index
    %get3A_1266 = tpu.vector_load %arg4[%get3A_1265] {strides = array<i32>} : memref<512xi32, #tpu.memory_space<vmem>>, vector<16xi32>,
    %iota3A_1267 = tpu.iota {dimensions = array<i32: 0>} : vector<16xi32>
    %add3A_1268 = arith.constant 0 : i32
    %add3A_1269 = vector.broadcast %add3A_1268 : i32 to vector<16xi32>
    %add3A_1270 = arith.addi %iota3A_1267, %add3A_1269 : vector<16xi32>
    %lt3A_1271 = arith.constant 504 : i32
    %lt3A_1272 = vector.broadcast %lt3A_1271 : i32 to vector<16xi32>
    %lt3A_1273 = arith.cmpi slt, %get3A_1266, %lt3A_1272 : vector<16xi32>
    tpu.vector_store_idx %arg5[%get3A_1266, %add3A_1270], %broadcast_in_dim3A_6 masked %lt3A_1273 : memref<504x128xf32, #tpu.memory_space<vmem>>[vector<16xi32>, vector<16xi32>], vector<16xf32>, vector<16xi1>
    %get3A_1274 = arith.constant 144 : index
    %get3A_1275 = tpu.vector_load %arg4[%get3A_1274] {strides = array<i32>} : memref<512xi32, #tpu.memory_space<vmem>>, vector<16xi32>,
    %iota3A_1276 = tpu.iota {dimensions = array<i32: 0>} : vector<16xi32>
    %add3A_1277 = arith.constant 16 : i32
    %add3A_1278 = vector.broadcast %add3A_1277 : i32 to vector<16xi32>
    %add3A_1279 = arith.addi %iota3A_1276, %add3A_1278 : vector<16xi32>
    %lt3A_1280 = arith.constant 504 : i32
    %lt3A_1281 = vector.broadcast %lt3A_1280 : i32 to vector<16xi32>
    %lt3A_1282 = arith.cmpi slt, %get3A_1275, %lt3A_1281 : vector<16xi32>
    tpu.vector_store_idx %arg5[%get3A_1275, %add3A_1279], %broadcast_in_dim3A_6 masked %lt3A_1282 : memref<504x128xf32, #tpu.memory_space<vmem>>[vector<16xi32>, vector<16xi32>], vector<16xf32>, vector<16xi1>
    %get3A_1283 = arith.constant 160 : index
    %get3A_1284 = tpu.vector_load %arg4[%get3A_1283] {strides = array<i32>} : memref<512xi32, #tpu.memory_space<vmem>>, vector<16xi32>,
    %iota3A_1285 = tpu.iota {dimensions = array<i32: 0>} : vector<16xi32>
    %add3A_1286 = arith.constant 32 : i32
    %add3A_1287 = vector.broadcast %add3A_1286 : i32 to vector<16xi32>
    %add3A_1288 = arith.addi %iota3A_1285, %add3A_1287 : vector<16xi32>
    %lt3A_1289 = arith.constant 504 : i32
    %lt3A_1290 = vector.broadcast %lt3A_1289 : i32 to vector<16xi32>
    %lt3A_1291 = arith.cmpi slt, %get3A_1284, %lt3A_1290 : vector<16xi32>
    tpu.vector_store_idx %arg5[%get3A_1284, %add3A_1288], %broadcast_in_dim3A_6 masked %lt3A_1291 : memref<504x128xf32, #tpu.memory_space<vmem>>[vector<16xi32>, vector<16xi32>], vector<16xf32>, vector<16xi1>
    %get3A_1292 = arith.constant 176 : index
    %get3A_1293 = tpu.vector_load %arg4[%get3A_1292] {strides = array<i32>} : memref<512xi32, #tpu.memory_space<vmem>>, vector<16xi32>,
    %iota3A_1294 = tpu.iota {dimensions = array<i32: 0>} : vector<16xi32>
    %add3A_1295 = arith.constant 48 : i32
    %add3A_1296 = vector.broadcast %add3A_1295 : i32 to vector<16xi32>
    %add3A_1297 = arith.addi %iota3A_1294, %add3A_1296 : vector<16xi32>
    %lt3A_1298 = arith.constant 504 : i32
    %lt3A_1299 = vector.broadcast %lt3A_1298 : i32 to vector<16xi32>
    %lt3A_1300 = arith.cmpi slt, %get3A_1293, %lt3A_1299 : vector<16xi32>
    tpu.vector_store_idx %arg5[%get3A_1293, %add3A_1297], %broadcast_in_dim3A_6 masked %lt3A_1300 : memref<504x128xf32, #tpu.memory_space<vmem>>[vector<16xi32>, vector<16xi32>], vector<16xf32>, vector<16xi1>
    %get3A_1301 = arith.constant 192 : index
    %get3A_1302 = tpu.vector_load %arg4[%get3A_1301] {strides = array<i32>} : memref<512xi32, #tpu.memory_space<vmem>>, vector<16xi32>,
    %iota3A_1303 = tpu.iota {dimensions = array<i32: 0>} : vector<16xi32>
    %add3A_1304 = arith.constant 64 : i32
    %add3A_1305 = vector.broadcast %add3A_1304 : i32 to vector<16xi32>
    %add3A_1306 = arith.addi %iota3A_1303, %add3A_1305 : vector<16xi32>
    %lt3A_1307 = arith.constant 504 : i32
    %lt3A_1308 = vector.broadcast %lt3A_1307 : i32 to vector<16xi32>
    %lt3A_1309 = arith.cmpi slt, %get3A_1302, %lt3A_1308 : vector<16xi32>
    tpu.vector_store_idx %arg5[%get3A_1302, %add3A_1306], %broadcast_in_dim3A_6 masked %lt3A_1309 : memref<504x128xf32, #tpu.memory_space<vmem>>[vector<16xi32>, vector<16xi32>], vector<16xf32>, vector<16xi1>
    %get3A_1310 = arith.constant 208 : index
    %get3A_1311 = tpu.vector_load %arg4[%get3A_1310] {strides = array<i32>} : memref<512xi32, #tpu.memory_space<vmem>>, vector<16xi32>,
    %iota3A_1312 = tpu.iota {dimensions = array<i32: 0>} : vector<16xi32>
    %add3A_1313 = arith.constant 80 : i32
    %add3A_1314 = vector.broadcast %add3A_1313 : i32 to vector<16xi32>
    %add3A_1315 = arith.addi %iota3A_1312, %add3A_1314 : vector<16xi32>
    %lt3A_1316 = arith.constant 504 : i32
    %lt3A_1317 = vector.broadcast %lt3A_1316 : i32 to vector<16xi32>
    %lt3A_1318 = arith.cmpi slt, %get3A_1311, %lt3A_1317 : vector<16xi32>
    tpu.vector_store_idx %arg5[%get3A_1311, %add3A_1315], %broadcast_in_dim3A_6 masked %lt3A_1318 : memref<504x128xf32, #tpu.memory_space<vmem>>[vector<16xi32>, vector<16xi32>], vector<16xf32>, vector<16xi1>
    %get3A_1319 = arith.constant 224 : index
    %get3A_1320 = tpu.vector_load %arg4[%get3A_1319] {strides = array<i32>} : memref<512xi32, #tpu.memory_space<vmem>>, vector<16xi32>,
    %iota3A_1321 = tpu.iota {dimensions = array<i32: 0>} : vector<16xi32>
    %add3A_1322 = arith.constant 96 : i32
    %add3A_1323 = vector.broadcast %add3A_1322 : i32 to vector<16xi32>
    %add3A_1324 = arith.addi %iota3A_1321, %add3A_1323 : vector<16xi32>
    %lt3A_1325 = arith.constant 504 : i32
    %lt3A_1326 = vector.broadcast %lt3A_1325 : i32 to vector<16xi32>
    %lt3A_1327 = arith.cmpi slt, %get3A_1320, %lt3A_1326 : vector<16xi32>
    tpu.vector_store_idx %arg5[%get3A_1320, %add3A_1324], %broadcast_in_dim3A_6 masked %lt3A_1327 : memref<504x128xf32, #tpu.memory_space<vmem>>[vector<16xi32>, vector<16xi32>], vector<16xf32>, vector<16xi1>
    %get3A_1328 = arith.constant 240 : index
    %get3A_1329 = tpu.vector_load %arg4[%get3A_1328] {strides = array<i32>} : memref<512xi32, #tpu.memory_space<vmem>>, vector<16xi32>,
    %iota3A_1330 = tpu.iota {dimensions = array<i32: 0>} : vector<16xi32>
    %add3A_1331 = arith.constant 112 : i32
    %add3A_1332 = vector.broadcast %add3A_1331 : i32 to vector<16xi32>
    %add3A_1333 = arith.addi %iota3A_1330, %add3A_1332 : vector<16xi32>
    %lt3A_1334 = arith.constant 504 : i32
    %lt3A_1335 = vector.broadcast %lt3A_1334 : i32 to vector<16xi32>
    %lt3A_1336 = arith.cmpi slt, %get3A_1329, %lt3A_1335 : vector<16xi32>
    tpu.vector_store_idx %arg5[%get3A_1329, %add3A_1333], %broadcast_in_dim3A_6 masked %lt3A_1336 : memref<504x128xf32, #tpu.memory_space<vmem>>[vector<16xi32>, vector<16xi32>], vector<16xf32>, vector<16xi1>
    %add3A_1337 = arith.constant 128 : i32
    %add3A_1338 = arith.addi %mul3A_2, %add3A_1337 : i32
    %dma_start3A_1339 = arith.constant 0 : i32
    %dma_start3A_1340 = tpu.memref_slice %arg3[%dma_start3A_1339, %add3A_1338] : memref<1000x16384xf32, #tpu.memory_space<hbm>> -> memref<504x128xf32, #tpu.memory_space<hbm>>
    %dma_start3A_1341 = arith.constant 0 : i32
    %dma_start3A_1342 = tpu.memref_slice %arg3[%dma_start3A_1341, %add3A_1338] : memref<1000x16384xf32, #tpu.memory_space<hbm>> -> memref<504x128xf32, #tpu.memory_space<hbm>>
    tpu.enqueue_dma source(%arg5 : memref<504x128xf32, #tpu.memory_space<vmem>>) target(%dma_start3A_1342 : memref<504x128xf32, #tpu.memory_space<hbm>>) target_semaphore(%arg8 : memref<!tpu.dma_semaphore, #tpu.memory_space<semaphore_mem>>)
    %dma_wait3A_1343 = arith.constant 0 : i32
    %dma_wait3A_1344 = arith.constant 0 : i32
    %dma_wait3A_1345 = tpu.memref_slice %arg6[%dma_wait3A_1343, %dma_wait3A_1344] : memref<496x128xf32, #tpu.memory_space<vmem>> -> memref<128x128xf32, #tpu.memory_space<vmem>>
    %dma_wait3A_1346 = arith.constant 504 : i32
    %dma_wait3A_1347 = tpu.memref_slice %arg3[%dma_wait3A_1346, %mul3A_2] : memref<1000x16384xf32, #tpu.memory_space<hbm>> -> memref<128x128xf32, #tpu.memory_space<hbm>>
    %dma_wait3A_1348 = arith.constant 504 : i32
    %dma_wait3A_1349 = tpu.memref_slice %arg3[%dma_wait3A_1348, %mul3A_2] : memref<1000x16384xf32, #tpu.memory_space<hbm>> -> memref<128x128xf32, #tpu.memory_space<hbm>>
    %dma_wait3A_1350 = arith.constant 0 : i32
    %dma_wait3A_1351 = arith.constant 0 : i32
    %dma_wait3A_1352 = tpu.memref_slice %arg6[%dma_wait3A_1350, %dma_wait3A_1351] : memref<496x128xf32, #tpu.memory_space<vmem>> -> memref<128x128xf32, #tpu.memory_space<vmem>>
    tpu.wait_dma2 semaphore(%arg14 : memref<!tpu.dma_semaphore, #tpu.memory_space<semaphore_mem>>) src(%dma_wait3A_1352 : memref<128x128xf32, #tpu.memory_space<vmem>>) dst(%dma_wait3A_1349 : memref<128x128xf32, #tpu.memory_space<hbm>>)
    %dma_wait3A_1353 = arith.constant 128 : i32
    %dma_wait3A_1354 = arith.constant 0 : i32
    %dma_wait3A_1355 = tpu.memref_slice %arg6[%dma_wait3A_1353, %dma_wait3A_1354] : memref<496x128xf32, #tpu.memory_space<vmem>> -> memref<128x128xf32, #tpu.memory_space<vmem>>
    %dma_wait3A_1356 = arith.constant 632 : i32
    %dma_wait3A_1357 = tpu.memref_slice %arg3[%dma_wait3A_1356, %mul3A_2] : memref<1000x16384xf32, #tpu.memory_space<hbm>> -> memref<128x128xf32, #tpu.memory_space<hbm>>
    %dma_wait3A_1358 = arith.constant 632 : i32
    %dma_wait3A_1359 = tpu.memref_slice %arg3[%dma_wait3A_1358, %mul3A_2] : memref<1000x16384xf32, #tpu.memory_space<hbm>> -> memref<128x128xf32, #tpu.memory_space<hbm>>
    %dma_wait3A_1360 = arith.constant 128 : i32
    %dma_wait3A_1361 = arith.constant 0 : i32
    %dma_wait3A_1362 = tpu.memref_slice %arg6[%dma_wait3A_1360, %dma_wait3A_1361] : memref<496x128xf32, #tpu.memory_space<vmem>> -> memref<128x128xf32, #tpu.memory_space<vmem>>
    tpu.wait_dma2 semaphore(%arg15 : memref<!tpu.dma_semaphore, #tpu.memory_space<semaphore_mem>>) src(%dma_wait3A_1362 : memref<128x128xf32, #tpu.memory_space<vmem>>) dst(%dma_wait3A_1359 : memref<128x128xf32, #tpu.memory_space<hbm>>)
    %dma_wait3A_1363 = arith.constant 256 : i32
    %dma_wait3A_1364 = arith.constant 0 : i32
    %dma_wait3A_1365 = tpu.memref_slice %arg6[%dma_wait3A_1363, %dma_wait3A_1364] : memref<496x128xf32, #tpu.memory_space<vmem>> -> memref<128x128xf32, #tpu.memory_space<vmem>>
    %dma_wait3A_1366 = arith.constant 760 : i32
    %dma_wait3A_1367 = tpu.memref_slice %arg3[%dma_wait3A_1366, %mul3A_2] : memref<1000x16384xf32, #tpu.memory_space<hbm>> -> memref<128x128xf32, #tpu.memory_space<hbm>>
    %dma_wait3A_1368 = arith.constant 760 : i32
    %dma_wait3A_1369 = tpu.memref_slice %arg3[%dma_wait3A_1368, %mul3A_2] : memref<1000x16384xf32, #tpu.memory_space<hbm>> -> memref<128x128xf32, #tpu.memory_space<hbm>>
    %dma_wait3A_1370 = arith.constant 256 : i32
    %dma_wait3A_1371 = arith.constant 0 : i32
    %dma_wait3A_1372 = tpu.memref_slice %arg6[%dma_wait3A_1370, %dma_wait3A_1371] : memref<496x128xf32, #tpu.memory_space<vmem>> -> memref<128x128xf32, #tpu.memory_space<vmem>>
    tpu.wait_dma2 semaphore(%arg16 : memref<!tpu.dma_semaphore, #tpu.memory_space<semaphore_mem>>) src(%dma_wait3A_1372 : memref<128x128xf32, #tpu.memory_space<vmem>>) dst(%dma_wait3A_1369 : memref<128x128xf32, #tpu.memory_space<hbm>>)
    %dma_wait3A_1373 = arith.constant 384 : i32
    %dma_wait3A_1374 = arith.constant 0 : i32
    %dma_wait3A_1375 = tpu.memref_slice %arg6[%dma_wait3A_1373, %dma_wait3A_1374] : memref<496x128xf32, #tpu.memory_space<vmem>> -> memref<112x128xf32, #tpu.memory_space<vmem>>
    %dma_wait3A_1376 = arith.constant 888 : i32
    %dma_wait3A_1377 = tpu.memref_slice %arg3[%dma_wait3A_1376, %mul3A_2] : memref<1000x16384xf32, #tpu.memory_space<hbm>> -> memref<112x128xf32, #tpu.memory_space<hbm>>
    %dma_wait3A_1378 = arith.constant 888 : i32
    %dma_wait3A_1379 = tpu.memref_slice %arg3[%dma_wait3A_1378, %mul3A_2] : memref<1000x16384xf32, #tpu.memory_space<hbm>> -> memref<112x128xf32, #tpu.memory_space<hbm>>
    %dma_wait3A_1380 = arith.constant 384 : i32
    %dma_wait3A_1381 = arith.constant 0 : i32
    %dma_wait3A_1382 = tpu.memref_slice %arg6[%dma_wait3A_1380, %dma_wait3A_1381] : memref<496x128xf32, #tpu.memory_space<vmem>> -> memref<112x128xf32, #tpu.memory_space<vmem>>
    tpu.wait_dma2 semaphore(%arg17 : memref<!tpu.dma_semaphore, #tpu.memory_space<semaphore_mem>>) src(%dma_wait3A_1382 : memref<112x128xf32, #tpu.memory_space<vmem>>) dst(%dma_wait3A_1379 : memref<112x128xf32, #tpu.memory_space<hbm>>)
    %get3A_1383 = arith.constant 0 : index
    %get3A_1384 = tpu.vector_load %arg4[%get3A_1383] {strides = array<i32>} : memref<512xi32, #tpu.memory_space<vmem>>, vector<16xi32>,
    %iota3A_1385 = tpu.iota {dimensions = array<i32: 0>} : vector<16xi32>
    %add3A_1386 = arith.constant 0 : i32
    %add3A_1387 = vector.broadcast %add3A_1386 : i32 to vector<16xi32>
    %add3A_1388 = arith.addi %iota3A_1385, %add3A_1387 : vector<16xi32>
    %sub3A_1389 = arith.constant 504 : i32
    %sub3A_1390 = vector.broadcast %sub3A_1389 : i32 to vector<16xi32>
    %sub3A_1391 = arith.subi %get3A_1384, %sub3A_1390 : vector<16xi32>
    %ge3A_1392 = arith.constant 504 : i32
    %ge3A_1393 = vector.broadcast %ge3A_1392 : i32 to vector<16xi32>
    %ge3A_1394 = arith.cmpi sge, %get3A_1384, %ge3A_1393 : vector<16xi32>
    tpu.vector_store_idx %arg6[%sub3A_1391, %add3A_1388], %broadcast_in_dim3A_4 masked %ge3A_1394 : memref<496x128xf32, #tpu.memory_space<vmem>>[vector<16xi32>, vector<16xi32>], vector<16xf32>, vector<16xi1>
    %get3A_1395 = arith.constant 16 : index
    %get3A_1396 = tpu.vector_load %arg4[%get3A_1395] {strides = array<i32>} : memref<512xi32, #tpu.memory_space<vmem>>, vector<16xi32>,
    %iota3A_1397 = tpu.iota {dimensions = array<i32: 0>} : vector<16xi32>
    %add3A_1398 = arith.constant 16 : i32
    %add3A_1399 = vector.broadcast %add3A_1398 : i32 to vector<16xi32>
    %add3A_1400 = arith.addi %iota3A_1397, %add3A_1399 : vector<16xi32>
    %sub3A_1401 = arith.constant 504 : i32
    %sub3A_1402 = vector.broadcast %sub3A_1401 : i32 to vector<16xi32>
    %sub3A_1403 = arith.subi %get3A_1396, %sub3A_1402 : vector<16xi32>
    %ge3A_1404 = arith.constant 504 : i32
    %ge3A_1405 = vector.broadcast %ge3A_1404 : i32 to vector<16xi32>
    %ge3A_1406 = arith.cmpi sge, %get3A_1396, %ge3A_1405 : vector<16xi32>
    tpu.vector_store_idx %arg6[%sub3A_1403, %add3A_1400], %broadcast_in_dim3A_4 masked %ge3A_1406 : memref<496x128xf32, #tpu.memory_space<vmem>>[vector<16xi32>, vector<16xi32>], vector<16xf32>, vector<16xi1>
    %get3A_1407 = arith.constant 32 : index
    %get3A_1408 = tpu.vector_load %arg4[%get3A_1407] {strides = array<i32>} : memref<512xi32, #tpu.memory_space<vmem>>, vector<16xi32>,
    %iota3A_1409 = tpu.iota {dimensions = array<i32: 0>} : vector<16xi32>
    %add3A_1410 = arith.constant 32 : i32
    %add3A_1411 = vector.broadcast %add3A_1410 : i32 to vector<16xi32>
    %add3A_1412 = arith.addi %iota3A_1409, %add3A_1411 : vector<16xi32>
    %sub3A_1413 = arith.constant 504 : i32
    %sub3A_1414 = vector.broadcast %sub3A_1413 : i32 to vector<16xi32>
    %sub3A_1415 = arith.subi %get3A_1408, %sub3A_1414 : vector<16xi32>
    %ge3A_1416 = arith.constant 504 : i32
    %ge3A_1417 = vector.broadcast %ge3A_1416 : i32 to vector<16xi32>
    %ge3A_1418 = arith.cmpi sge, %get3A_1408, %ge3A_1417 : vector<16xi32>
    tpu.vector_store_idx %arg6[%sub3A_1415, %add3A_1412], %broadcast_in_dim3A_4 masked %ge3A_1418 : memref<496x128xf32, #tpu.memory_space<vmem>>[vector<16xi32>, vector<16xi32>], vector<16xf32>, vector<16xi1>
    %get3A_1419 = arith.constant 48 : index
    %get3A_1420 = tpu.vector_load %arg4[%get3A_1419] {strides = array<i32>} : memref<512xi32, #tpu.memory_space<vmem>>, vector<16xi32>,
    %iota3A_1421 = tpu.iota {dimensions = array<i32: 0>} : vector<16xi32>
    %add3A_1422 = arith.constant 48 : i32
    %add3A_1423 = vector.broadcast %add3A_1422 : i32 to vector<16xi32>
    %add3A_1424 = arith.addi %iota3A_1421, %add3A_1423 : vector<16xi32>
    %sub3A_1425 = arith.constant 504 : i32
    %sub3A_1426 = vector.broadcast %sub3A_1425 : i32 to vector<16xi32>
    %sub3A_1427 = arith.subi %get3A_1420, %sub3A_1426 : vector<16xi32>
    %ge3A_1428 = arith.constant 504 : i32
    %ge3A_1429 = vector.broadcast %ge3A_1428 : i32 to vector<16xi32>
    %ge3A_1430 = arith.cmpi sge, %get3A_1420, %ge3A_1429 : vector<16xi32>
    tpu.vector_store_idx %arg6[%sub3A_1427, %add3A_1424], %broadcast_in_dim3A_4 masked %ge3A_1430 : memref<496x128xf32, #tpu.memory_space<vmem>>[vector<16xi32>, vector<16xi32>], vector<16xf32>, vector<16xi1>
    %get3A_1431 = arith.constant 64 : index
    %get3A_1432 = tpu.vector_load %arg4[%get3A_1431] {strides = array<i32>} : memref<512xi32, #tpu.memory_space<vmem>>, vector<16xi32>,
    %iota3A_1433 = tpu.iota {dimensions = array<i32: 0>} : vector<16xi32>
    %add3A_1434 = arith.constant 64 : i32
    %add3A_1435 = vector.broadcast %add3A_1434 : i32 to vector<16xi32>
    %add3A_1436 = arith.addi %iota3A_1433, %add3A_1435 : vector<16xi32>
    %sub3A_1437 = arith.constant 504 : i32
    %sub3A_1438 = vector.broadcast %sub3A_1437 : i32 to vector<16xi32>
    %sub3A_1439 = arith.subi %get3A_1432, %sub3A_1438 : vector<16xi32>
    %ge3A_1440 = arith.constant 504 : i32
    %ge3A_1441 = vector.broadcast %ge3A_1440 : i32 to vector<16xi32>
    %ge3A_1442 = arith.cmpi sge, %get3A_1432, %ge3A_1441 : vector<16xi32>
    tpu.vector_store_idx %arg6[%sub3A_1439, %add3A_1436], %broadcast_in_dim3A_4 masked %ge3A_1442 : memref<496x128xf32, #tpu.memory_space<vmem>>[vector<16xi32>, vector<16xi32>], vector<16xf32>, vector<16xi1>
    %get3A_1443 = arith.constant 80 : index
    %get3A_1444 = tpu.vector_load %arg4[%get3A_1443] {strides = array<i32>} : memref<512xi32, #tpu.memory_space<vmem>>, vector<16xi32>,
    %iota3A_1445 = tpu.iota {dimensions = array<i32: 0>} : vector<16xi32>
    %add3A_1446 = arith.constant 80 : i32
    %add3A_1447 = vector.broadcast %add3A_1446 : i32 to vector<16xi32>
    %add3A_1448 = arith.addi %iota3A_1445, %add3A_1447 : vector<16xi32>
    %sub3A_1449 = arith.constant 504 : i32
    %sub3A_1450 = vector.broadcast %sub3A_1449 : i32 to vector<16xi32>
    %sub3A_1451 = arith.subi %get3A_1444, %sub3A_1450 : vector<16xi32>
    %ge3A_1452 = arith.constant 504 : i32
    %ge3A_1453 = vector.broadcast %ge3A_1452 : i32 to vector<16xi32>
    %ge3A_1454 = arith.cmpi sge, %get3A_1444, %ge3A_1453 : vector<16xi32>
    tpu.vector_store_idx %arg6[%sub3A_1451, %add3A_1448], %broadcast_in_dim3A_4 masked %ge3A_1454 : memref<496x128xf32, #tpu.memory_space<vmem>>[vector<16xi32>, vector<16xi32>], vector<16xf32>, vector<16xi1>
    %get3A_1455 = arith.constant 96 : index
    %get3A_1456 = tpu.vector_load %arg4[%get3A_1455] {strides = array<i32>} : memref<512xi32, #tpu.memory_space<vmem>>, vector<16xi32>,
    %iota3A_1457 = tpu.iota {dimensions = array<i32: 0>} : vector<16xi32>
    %add3A_1458 = arith.constant 96 : i32
    %add3A_1459 = vector.broadcast %add3A_1458 : i32 to vector<16xi32>
    %add3A_1460 = arith.addi %iota3A_1457, %add3A_1459 : vector<16xi32>
    %sub3A_1461 = arith.constant 504 : i32
    %sub3A_1462 = vector.broadcast %sub3A_1461 : i32 to vector<16xi32>
    %sub3A_1463 = arith.subi %get3A_1456, %sub3A_1462 : vector<16xi32>
    %ge3A_1464 = arith.constant 504 : i32
    %ge3A_1465 = vector.broadcast %ge3A_1464 : i32 to vector<16xi32>
    %ge3A_1466 = arith.cmpi sge, %get3A_1456, %ge3A_1465 : vector<16xi32>
    tpu.vector_store_idx %arg6[%sub3A_1463, %add3A_1460], %broadcast_in_dim3A_4 masked %ge3A_1466 : memref<496x128xf32, #tpu.memory_space<vmem>>[vector<16xi32>, vector<16xi32>], vector<16xf32>, vector<16xi1>
    %get3A_1467 = arith.constant 112 : index
    %get3A_1468 = tpu.vector_load %arg4[%get3A_1467] {strides = array<i32>} : memref<512xi32, #tpu.memory_space<vmem>>, vector<16xi32>,
    %iota3A_1469 = tpu.iota {dimensions = array<i32: 0>} : vector<16xi32>
    %add3A_1470 = arith.constant 112 : i32
    %add3A_1471 = vector.broadcast %add3A_1470 : i32 to vector<16xi32>
    %add3A_1472 = arith.addi %iota3A_1469, %add3A_1471 : vector<16xi32>
    %sub3A_1473 = arith.constant 504 : i32
    %sub3A_1474 = vector.broadcast %sub3A_1473 : i32 to vector<16xi32>
    %sub3A_1475 = arith.subi %get3A_1468, %sub3A_1474 : vector<16xi32>
    %ge3A_1476 = arith.constant 504 : i32
    %ge3A_1477 = vector.broadcast %ge3A_1476 : i32 to vector<16xi32>
    %ge3A_1478 = arith.cmpi sge, %get3A_1468, %ge3A_1477 : vector<16xi32>
    tpu.vector_store_idx %arg6[%sub3A_1475, %add3A_1472], %broadcast_in_dim3A_4 masked %ge3A_1478 : memref<496x128xf32, #tpu.memory_space<vmem>>[vector<16xi32>, vector<16xi32>], vector<16xf32>, vector<16xi1>
    %get3A_1479 = arith.constant 128 : index
    %get3A_1480 = tpu.vector_load %arg4[%get3A_1479] {strides = array<i32>} : memref<512xi32, #tpu.memory_space<vmem>>, vector<16xi32>,
    %iota3A_1481 = tpu.iota {dimensions = array<i32: 0>} : vector<16xi32>
    %add3A_1482 = arith.constant 0 : i32
    %add3A_1483 = vector.broadcast %add3A_1482 : i32 to vector<16xi32>
    %add3A_1484 = arith.addi %iota3A_1481, %add3A_1483 : vector<16xi32>
    %sub3A_1485 = arith.constant 504 : i32
    %sub3A_1486 = vector.broadcast %sub3A_1485 : i32 to vector<16xi32>
    %sub3A_1487 = arith.subi %get3A_1480, %sub3A_1486 : vector<16xi32>
    %ge3A_1488 = arith.constant 504 : i32
    %ge3A_1489 = vector.broadcast %ge3A_1488 : i32 to vector<16xi32>
    %ge3A_1490 = arith.cmpi sge, %get3A_1480, %ge3A_1489 : vector<16xi32>
    tpu.vector_store_idx %arg6[%sub3A_1487, %add3A_1484], %broadcast_in_dim3A_6 masked %ge3A_1490 : memref<496x128xf32, #tpu.memory_space<vmem>>[vector<16xi32>, vector<16xi32>], vector<16xf32>, vector<16xi1>
    %get3A_1491 = arith.constant 144 : index
    %get3A_1492 = tpu.vector_load %arg4[%get3A_1491] {strides = array<i32>} : memref<512xi32, #tpu.memory_space<vmem>>, vector<16xi32>,
    %iota3A_1493 = tpu.iota {dimensions = array<i32: 0>} : vector<16xi32>
    %add3A_1494 = arith.constant 16 : i32
    %add3A_1495 = vector.broadcast %add3A_1494 : i32 to vector<16xi32>
    %add3A_1496 = arith.addi %iota3A_1493, %add3A_1495 : vector<16xi32>
    %sub3A_1497 = arith.constant 504 : i32
    %sub3A_1498 = vector.broadcast %sub3A_1497 : i32 to vector<16xi32>
    %sub3A_1499 = arith.subi %get3A_1492, %sub3A_1498 : vector<16xi32>
    %ge3A_1500 = arith.constant 504 : i32
    %ge3A_1501 = vector.broadcast %ge3A_1500 : i32 to vector<16xi32>
    %ge3A_1502 = arith.cmpi sge, %get3A_1492, %ge3A_1501 : vector<16xi32>
    tpu.vector_store_idx %arg6[%sub3A_1499, %add3A_1496], %broadcast_in_dim3A_6 masked %ge3A_1502 : memref<496x128xf32, #tpu.memory_space<vmem>>[vector<16xi32>, vector<16xi32>], vector<16xf32>, vector<16xi1>
    %get3A_1503 = arith.constant 160 : index
    %get3A_1504 = tpu.vector_load %arg4[%get3A_1503] {strides = array<i32>} : memref<512xi32, #tpu.memory_space<vmem>>, vector<16xi32>,
    %iota3A_1505 = tpu.iota {dimensions = array<i32: 0>} : vector<16xi32>
    %add3A_1506 = arith.constant 32 : i32
    %add3A_1507 = vector.broadcast %add3A_1506 : i32 to vector<16xi32>
    %add3A_1508 = arith.addi %iota3A_1505, %add3A_1507 : vector<16xi32>
    %sub3A_1509 = arith.constant 504 : i32
    %sub3A_1510 = vector.broadcast %sub3A_1509 : i32 to vector<16xi32>
    %sub3A_1511 = arith.subi %get3A_1504, %sub3A_1510 : vector<16xi32>
    %ge3A_1512 = arith.constant 504 : i32
    %ge3A_1513 = vector.broadcast %ge3A_1512 : i32 to vector<16xi32>
    %ge3A_1514 = arith.cmpi sge, %get3A_1504, %ge3A_1513 : vector<16xi32>
    tpu.vector_store_idx %arg6[%sub3A_1511, %add3A_1508], %broadcast_in_dim3A_6 masked %ge3A_1514 : memref<496x128xf32, #tpu.memory_space<vmem>>[vector<16xi32>, vector<16xi32>], vector<16xf32>, vector<16xi1>
    %get3A_1515 = arith.constant 176 : index
    %get3A_1516 = tpu.vector_load %arg4[%get3A_1515] {strides = array<i32>} : memref<512xi32, #tpu.memory_space<vmem>>, vector<16xi32>,
    %iota3A_1517 = tpu.iota {dimensions = array<i32: 0>} : vector<16xi32>
    %add3A_1518 = arith.constant 48 : i32
    %add3A_1519 = vector.broadcast %add3A_1518 : i32 to vector<16xi32>
    %add3A_1520 = arith.addi %iota3A_1517, %add3A_1519 : vector<16xi32>
    %sub3A_1521 = arith.constant 504 : i32
    %sub3A_1522 = vector.broadcast %sub3A_1521 : i32 to vector<16xi32>
    %sub3A_1523 = arith.subi %get3A_1516, %sub3A_1522 : vector<16xi32>
    %ge3A_1524 = arith.constant 504 : i32
    %ge3A_1525 = vector.broadcast %ge3A_1524 : i32 to vector<16xi32>
    %ge3A_1526 = arith.cmpi sge, %get3A_1516, %ge3A_1525 : vector<16xi32>
    tpu.vector_store_idx %arg6[%sub3A_1523, %add3A_1520], %broadcast_in_dim3A_6 masked %ge3A_1526 : memref<496x128xf32, #tpu.memory_space<vmem>>[vector<16xi32>, vector<16xi32>], vector<16xf32>, vector<16xi1>
    %get3A_1527 = arith.constant 192 : index
    %get3A_1528 = tpu.vector_load %arg4[%get3A_1527] {strides = array<i32>} : memref<512xi32, #tpu.memory_space<vmem>>, vector<16xi32>,
    %iota3A_1529 = tpu.iota {dimensions = array<i32: 0>} : vector<16xi32>
    %add3A_1530 = arith.constant 64 : i32
    %add3A_1531 = vector.broadcast %add3A_1530 : i32 to vector<16xi32>
    %add3A_1532 = arith.addi %iota3A_1529, %add3A_1531 : vector<16xi32>
    %sub3A_1533 = arith.constant 504 : i32
    %sub3A_1534 = vector.broadcast %sub3A_1533 : i32 to vector<16xi32>
    %sub3A_1535 = arith.subi %get3A_1528, %sub3A_1534 : vector<16xi32>
    %ge3A_1536 = arith.constant 504 : i32
    %ge3A_1537 = vector.broadcast %ge3A_1536 : i32 to vector<16xi32>
    %ge3A_1538 = arith.cmpi sge, %get3A_1528, %ge3A_1537 : vector<16xi32>
    tpu.vector_store_idx %arg6[%sub3A_1535, %add3A_1532], %broadcast_in_dim3A_6 masked %ge3A_1538 : memref<496x128xf32, #tpu.memory_space<vmem>>[vector<16xi32>, vector<16xi32>], vector<16xf32>, vector<16xi1>
    %get3A_1539 = arith.constant 208 : index
    %get3A_1540 = tpu.vector_load %arg4[%get3A_1539] {strides = array<i32>} : memref<512xi32, #tpu.memory_space<vmem>>, vector<16xi32>,
    %iota3A_1541 = tpu.iota {dimensions = array<i32: 0>} : vector<16xi32>
    %add3A_1542 = arith.constant 80 : i32
    %add3A_1543 = vector.broadcast %add3A_1542 : i32 to vector<16xi32>
    %add3A_1544 = arith.addi %iota3A_1541, %add3A_1543 : vector<16xi32>
    %sub3A_1545 = arith.constant 504 : i32
    %sub3A_1546 = vector.broadcast %sub3A_1545 : i32 to vector<16xi32>
    %sub3A_1547 = arith.subi %get3A_1540, %sub3A_1546 : vector<16xi32>
    %ge3A_1548 = arith.constant 504 : i32
    %ge3A_1549 = vector.broadcast %ge3A_1548 : i32 to vector<16xi32>
    %ge3A_1550 = arith.cmpi sge, %get3A_1540, %ge3A_1549 : vector<16xi32>
    tpu.vector_store_idx %arg6[%sub3A_1547, %add3A_1544], %broadcast_in_dim3A_6 masked %ge3A_1550 : memref<496x128xf32, #tpu.memory_space<vmem>>[vector<16xi32>, vector<16xi32>], vector<16xf32>, vector<16xi1>
    %get3A_1551 = arith.constant 224 : index
    %get3A_1552 = tpu.vector_load %arg4[%get3A_1551] {strides = array<i32>} : memref<512xi32, #tpu.memory_space<vmem>>, vector<16xi32>,
    %iota3A_1553 = tpu.iota {dimensions = array<i32: 0>} : vector<16xi32>
    %add3A_1554 = arith.constant 96 : i32
    %add3A_1555 = vector.broadcast %add3A_1554 : i32 to vector<16xi32>
    %add3A_1556 = arith.addi %iota3A_1553, %add3A_1555 : vector<16xi32>
    %sub3A_1557 = arith.constant 504 : i32
    %sub3A_1558 = vector.broadcast %sub3A_1557 : i32 to vector<16xi32>
    %sub3A_1559 = arith.subi %get3A_1552, %sub3A_1558 : vector<16xi32>
    %ge3A_1560 = arith.constant 504 : i32
    %ge3A_1561 = vector.broadcast %ge3A_1560 : i32 to vector<16xi32>
    %ge3A_1562 = arith.cmpi sge, %get3A_1552, %ge3A_1561 : vector<16xi32>
    tpu.vector_store_idx %arg6[%sub3A_1559, %add3A_1556], %broadcast_in_dim3A_6 masked %ge3A_1562 : memref<496x128xf32, #tpu.memory_space<vmem>>[vector<16xi32>, vector<16xi32>], vector<16xf32>, vector<16xi1>
    %get3A_1563 = arith.constant 240 : index
    %get3A_1564 = tpu.vector_load %arg4[%get3A_1563] {strides = array<i32>} : memref<512xi32, #tpu.memory_space<vmem>>, vector<16xi32>,
    %iota3A_1565 = tpu.iota {dimensions = array<i32: 0>} : vector<16xi32>
    %add3A_1566 = arith.constant 112 : i32
    %add3A_1567 = vector.broadcast %add3A_1566 : i32 to vector<16xi32>
    %add3A_1568 = arith.addi %iota3A_1565, %add3A_1567 : vector<16xi32>
    %sub3A_1569 = arith.constant 504 : i32
    %sub3A_1570 = vector.broadcast %sub3A_1569 : i32 to vector<16xi32>
    %sub3A_1571 = arith.subi %get3A_1564, %sub3A_1570 : vector<16xi32>
    %ge3A_1572 = arith.constant 504 : i32
    %ge3A_1573 = vector.broadcast %ge3A_1572 : i32 to vector<16xi32>
    %ge3A_1574 = arith.cmpi sge, %get3A_1564, %ge3A_1573 : vector<16xi32>
    tpu.vector_store_idx %arg6[%sub3A_1571, %add3A_1568], %broadcast_in_dim3A_6 masked %ge3A_1574 : memref<496x128xf32, #tpu.memory_space<vmem>>[vector<16xi32>, vector<16xi32>], vector<16xf32>, vector<16xi1>
    %add3A_1575 = arith.constant 128 : i32
    %add3A_1576 = arith.addi %mul3A_2, %add3A_1575 : i32
    %dma_start3A_1577 = arith.constant 504 : i32
    %dma_start3A_1578 = tpu.memref_slice %arg3[%dma_start3A_1577, %add3A_1576] : memref<1000x16384xf32, #tpu.memory_space<hbm>> -> memref<496x128xf32, #tpu.memory_space<hbm>>
    %dma_start3A_1579 = arith.constant 504 : i32
    %dma_start3A_1580 = tpu.memref_slice %arg3[%dma_start3A_1579, %add3A_1576] : memref<1000x16384xf32, #tpu.memory_space<hbm>> -> memref<496x128xf32, #tpu.memory_space<hbm>>
    tpu.enqueue_dma source(%arg6 : memref<496x128xf32, #tpu.memory_space<vmem>>) target(%dma_start3A_1580 : memref<496x128xf32, #tpu.memory_space<hbm>>) target_semaphore(%arg9 : memref<!tpu.dma_semaphore, #tpu.memory_space<semaphore_mem>>)
    %dma_wait3A_1581 = arith.constant 0 : i32
    %dma_wait3A_1582 = tpu.memref_slice %arg3[%dma_wait3A_1581, %add3A_1338] : memref<1000x16384xf32, #tpu.memory_space<hbm>> -> memref<504x128xf32, #tpu.memory_space<hbm>>
    %dma_wait3A_1583 = arith.constant 0 : i32
    %dma_wait3A_1584 = tpu.memref_slice %arg3[%dma_wait3A_1583, %add3A_1338] : memref<1000x16384xf32, #tpu.memory_space<hbm>> -> memref<504x128xf32, #tpu.memory_space<hbm>>
    tpu.wait_dma2 semaphore(%arg8 : memref<!tpu.dma_semaphore, #tpu.memory_space<semaphore_mem>>) src(%arg5 : memref<504x128xf32, #tpu.memory_space<vmem>>) dst(%dma_wait3A_1584 : memref<504x128xf32, #tpu.memory_space<hbm>>)
    %get3A_1585 = arith.constant 128 : index
    %get3A_1586 = tpu.vector_load %arg4[%get3A_1585] {strides = array<i32>} : memref<512xi32, #tpu.memory_space<vmem>>, vector<16xi32>,
    %iota3A_1587 = tpu.iota {dimensions = array<i32: 0>} : vector<16xi32>
    %add3A_1588 = arith.constant 0 : i32
    %add3A_1589 = vector.broadcast %add3A_1588 : i32 to vector<16xi32>
    %add3A_1590 = arith.addi %iota3A_1587, %add3A_1589 : vector<16xi32>
    %lt3A_1591 = arith.constant 504 : i32
    %lt3A_1592 = vector.broadcast %lt3A_1591 : i32 to vector<16xi32>
    %lt3A_1593 = arith.cmpi slt, %get3A_1586, %lt3A_1592 : vector<16xi32>
    tpu.vector_store_idx %arg5[%get3A_1586, %add3A_1590], %broadcast_in_dim3A_4 masked %lt3A_1593 : memref<504x128xf32, #tpu.memory_space<vmem>>[vector<16xi32>, vector<16xi32>], vector<16xf32>, vector<16xi1>
    %get3A_1594 = arith.constant 144 : index
    %get3A_1595 = tpu.vector_load %arg4[%get3A_1594] {strides = array<i32>} : memref<512xi32, #tpu.memory_space<vmem>>, vector<16xi32>,
    %iota3A_1596 = tpu.iota {dimensions = array<i32: 0>} : vector<16xi32>
    %add3A_1597 = arith.constant 16 : i32
    %add3A_1598 = vector.broadcast %add3A_1597 : i32 to vector<16xi32>
    %add3A_1599 = arith.addi %iota3A_1596, %add3A_1598 : vector<16xi32>
    %lt3A_1600 = arith.constant 504 : i32
    %lt3A_1601 = vector.broadcast %lt3A_1600 : i32 to vector<16xi32>
    %lt3A_1602 = arith.cmpi slt, %get3A_1595, %lt3A_1601 : vector<16xi32>
    tpu.vector_store_idx %arg5[%get3A_1595, %add3A_1599], %broadcast_in_dim3A_4 masked %lt3A_1602 : memref<504x128xf32, #tpu.memory_space<vmem>>[vector<16xi32>, vector<16xi32>], vector<16xf32>, vector<16xi1>
    %get3A_1603 = arith.constant 160 : index
    %get3A_1604 = tpu.vector_load %arg4[%get3A_1603] {strides = array<i32>} : memref<512xi32, #tpu.memory_space<vmem>>, vector<16xi32>,
    %iota3A_1605 = tpu.iota {dimensions = array<i32: 0>} : vector<16xi32>
    %add3A_1606 = arith.constant 32 : i32
    %add3A_1607 = vector.broadcast %add3A_1606 : i32 to vector<16xi32>
    %add3A_1608 = arith.addi %iota3A_1605, %add3A_1607 : vector<16xi32>
    %lt3A_1609 = arith.constant 504 : i32
    %lt3A_1610 = vector.broadcast %lt3A_1609 : i32 to vector<16xi32>
    %lt3A_1611 = arith.cmpi slt, %get3A_1604, %lt3A_1610 : vector<16xi32>
    tpu.vector_store_idx %arg5[%get3A_1604, %add3A_1608], %broadcast_in_dim3A_4 masked %lt3A_1611 : memref<504x128xf32, #tpu.memory_space<vmem>>[vector<16xi32>, vector<16xi32>], vector<16xf32>, vector<16xi1>
    %get3A_1612 = arith.constant 176 : index
    %get3A_1613 = tpu.vector_load %arg4[%get3A_1612] {strides = array<i32>} : memref<512xi32, #tpu.memory_space<vmem>>, vector<16xi32>,
    %iota3A_1614 = tpu.iota {dimensions = array<i32: 0>} : vector<16xi32>
    %add3A_1615 = arith.constant 48 : i32
    %add3A_1616 = vector.broadcast %add3A_1615 : i32 to vector<16xi32>
    %add3A_1617 = arith.addi %iota3A_1614, %add3A_1616 : vector<16xi32>
    %lt3A_1618 = arith.constant 504 : i32
    %lt3A_1619 = vector.broadcast %lt3A_1618 : i32 to vector<16xi32>
    %lt3A_1620 = arith.cmpi slt, %get3A_1613, %lt3A_1619 : vector<16xi32>
    tpu.vector_store_idx %arg5[%get3A_1613, %add3A_1617], %broadcast_in_dim3A_4 masked %lt3A_1620 : memref<504x128xf32, #tpu.memory_space<vmem>>[vector<16xi32>, vector<16xi32>], vector<16xf32>, vector<16xi1>
    %get3A_1621 = arith.constant 192 : index
    %get3A_1622 = tpu.vector_load %arg4[%get3A_1621] {strides = array<i32>} : memref<512xi32, #tpu.memory_space<vmem>>, vector<16xi32>,
    %iota3A_1623 = tpu.iota {dimensions = array<i32: 0>} : vector<16xi32>
    %add3A_1624 = arith.constant 64 : i32
    %add3A_1625 = vector.broadcast %add3A_1624 : i32 to vector<16xi32>
    %add3A_1626 = arith.addi %iota3A_1623, %add3A_1625 : vector<16xi32>
    %lt3A_1627 = arith.constant 504 : i32
    %lt3A_1628 = vector.broadcast %lt3A_1627 : i32 to vector<16xi32>
    %lt3A_1629 = arith.cmpi slt, %get3A_1622, %lt3A_1628 : vector<16xi32>
    tpu.vector_store_idx %arg5[%get3A_1622, %add3A_1626], %broadcast_in_dim3A_4 masked %lt3A_1629 : memref<504x128xf32, #tpu.memory_space<vmem>>[vector<16xi32>, vector<16xi32>], vector<16xf32>, vector<16xi1>
    %get3A_1630 = arith.constant 208 : index
    %get3A_1631 = tpu.vector_load %arg4[%get3A_1630] {strides = array<i32>} : memref<512xi32, #tpu.memory_space<vmem>>, vector<16xi32>,
    %iota3A_1632 = tpu.iota {dimensions = array<i32: 0>} : vector<16xi32>
    %add3A_1633 = arith.constant 80 : i32
    %add3A_1634 = vector.broadcast %add3A_1633 : i32 to vector<16xi32>
    %add3A_1635 = arith.addi %iota3A_1632, %add3A_1634 : vector<16xi32>
    %lt3A_1636 = arith.constant 504 : i32
    %lt3A_1637 = vector.broadcast %lt3A_1636 : i32 to vector<16xi32>
    %lt3A_1638 = arith.cmpi slt, %get3A_1631, %lt3A_1637 : vector<16xi32>
    tpu.vector_store_idx %arg5[%get3A_1631, %add3A_1635], %broadcast_in_dim3A_4 masked %lt3A_1638 : memref<504x128xf32, #tpu.memory_space<vmem>>[vector<16xi32>, vector<16xi32>], vector<16xf32>, vector<16xi1>
    %get3A_1639 = arith.constant 224 : index
    %get3A_1640 = tpu.vector_load %arg4[%get3A_1639] {strides = array<i32>} : memref<512xi32, #tpu.memory_space<vmem>>, vector<16xi32>,
    %iota3A_1641 = tpu.iota {dimensions = array<i32: 0>} : vector<16xi32>
    %add3A_1642 = arith.constant 96 : i32
    %add3A_1643 = vector.broadcast %add3A_1642 : i32 to vector<16xi32>
    %add3A_1644 = arith.addi %iota3A_1641, %add3A_1643 : vector<16xi32>
    %lt3A_1645 = arith.constant 504 : i32
    %lt3A_1646 = vector.broadcast %lt3A_1645 : i32 to vector<16xi32>
    %lt3A_1647 = arith.cmpi slt, %get3A_1640, %lt3A_1646 : vector<16xi32>
    tpu.vector_store_idx %arg5[%get3A_1640, %add3A_1644], %broadcast_in_dim3A_4 masked %lt3A_1647 : memref<504x128xf32, #tpu.memory_space<vmem>>[vector<16xi32>, vector<16xi32>], vector<16xf32>, vector<16xi1>
    %get3A_1648 = arith.constant 240 : index
    %get3A_1649 = tpu.vector_load %arg4[%get3A_1648] {strides = array<i32>} : memref<512xi32, #tpu.memory_space<vmem>>, vector<16xi32>,
    %iota3A_1650 = tpu.iota {dimensions = array<i32: 0>} : vector<16xi32>
    %add3A_1651 = arith.constant 112 : i32
    %add3A_1652 = vector.broadcast %add3A_1651 : i32 to vector<16xi32>
    %add3A_1653 = arith.addi %iota3A_1650, %add3A_1652 : vector<16xi32>
    %lt3A_1654 = arith.constant 504 : i32
    %lt3A_1655 = vector.broadcast %lt3A_1654 : i32 to vector<16xi32>
    %lt3A_1656 = arith.cmpi slt, %get3A_1649, %lt3A_1655 : vector<16xi32>
    tpu.vector_store_idx %arg5[%get3A_1649, %add3A_1653], %broadcast_in_dim3A_4 masked %lt3A_1656 : memref<504x128xf32, #tpu.memory_space<vmem>>[vector<16xi32>, vector<16xi32>], vector<16xf32>, vector<16xi1>
    %get3A_1657 = arith.constant 256 : index
    %get3A_1658 = tpu.vector_load %arg4[%get3A_1657] {strides = array<i32>} : memref<512xi32, #tpu.memory_space<vmem>>, vector<16xi32>,
    %iota3A_1659 = tpu.iota {dimensions = array<i32: 0>} : vector<16xi32>
    %add3A_1660 = arith.constant 0 : i32
    %add3A_1661 = vector.broadcast %add3A_1660 : i32 to vector<16xi32>
    %add3A_1662 = arith.addi %iota3A_1659, %add3A_1661 : vector<16xi32>
    %lt3A_1663 = arith.constant 504 : i32
    %lt3A_1664 = vector.broadcast %lt3A_1663 : i32 to vector<16xi32>
    %lt3A_1665 = arith.cmpi slt, %get3A_1658, %lt3A_1664 : vector<16xi32>
    tpu.vector_store_idx %arg5[%get3A_1658, %add3A_1662], %broadcast_in_dim3A_6 masked %lt3A_1665 : memref<504x128xf32, #tpu.memory_space<vmem>>[vector<16xi32>, vector<16xi32>], vector<16xf32>, vector<16xi1>
    %get3A_1666 = arith.constant 272 : index
    %get3A_1667 = tpu.vector_load %arg4[%get3A_1666] {strides = array<i32>} : memref<512xi32, #tpu.memory_space<vmem>>, vector<16xi32>,
    %iota3A_1668 = tpu.iota {dimensions = array<i32: 0>} : vector<16xi32>
    %add3A_1669 = arith.constant 16 : i32
    %add3A_1670 = vector.broadcast %add3A_1669 : i32 to vector<16xi32>
    %add3A_1671 = arith.addi %iota3A_1668, %add3A_1670 : vector<16xi32>
    %lt3A_1672 = arith.constant 504 : i32
    %lt3A_1673 = vector.broadcast %lt3A_1672 : i32 to vector<16xi32>
    %lt3A_1674 = arith.cmpi slt, %get3A_1667, %lt3A_1673 : vector<16xi32>
    tpu.vector_store_idx %arg5[%get3A_1667, %add3A_1671], %broadcast_in_dim3A_6 masked %lt3A_1674 : memref<504x128xf32, #tpu.memory_space<vmem>>[vector<16xi32>, vector<16xi32>], vector<16xf32>, vector<16xi1>
    %get3A_1675 = arith.constant 288 : index
    %get3A_1676 = tpu.vector_load %arg4[%get3A_1675] {strides = array<i32>} : memref<512xi32, #tpu.memory_space<vmem>>, vector<16xi32>,
    %iota3A_1677 = tpu.iota {dimensions = array<i32: 0>} : vector<16xi32>
    %add3A_1678 = arith.constant 32 : i32
    %add3A_1679 = vector.broadcast %add3A_1678 : i32 to vector<16xi32>
    %add3A_1680 = arith.addi %iota3A_1677, %add3A_1679 : vector<16xi32>
    %lt3A_1681 = arith.constant 504 : i32
    %lt3A_1682 = vector.broadcast %lt3A_1681 : i32 to vector<16xi32>
    %lt3A_1683 = arith.cmpi slt, %get3A_1676, %lt3A_1682 : vector<16xi32>
    tpu.vector_store_idx %arg5[%get3A_1676, %add3A_1680], %broadcast_in_dim3A_6 masked %lt3A_1683 : memref<504x128xf32, #tpu.memory_space<vmem>>[vector<16xi32>, vector<16xi32>], vector<16xf32>, vector<16xi1>
    %get3A_1684 = arith.constant 304 : index
    %get3A_1685 = tpu.vector_load %arg4[%get3A_1684] {strides = array<i32>} : memref<512xi32, #tpu.memory_space<vmem>>, vector<16xi32>,
    %iota3A_1686 = tpu.iota {dimensions = array<i32: 0>} : vector<16xi32>
    %add3A_1687 = arith.constant 48 : i32
    %add3A_1688 = vector.broadcast %add3A_1687 : i32 to vector<16xi32>
    %add3A_1689 = arith.addi %iota3A_1686, %add3A_1688 : vector<16xi32>
    %lt3A_1690 = arith.constant 504 : i32
    %lt3A_1691 = vector.broadcast %lt3A_1690 : i32 to vector<16xi32>
    %lt3A_1692 = arith.cmpi slt, %get3A_1685, %lt3A_1691 : vector<16xi32>
    tpu.vector_store_idx %arg5[%get3A_1685, %add3A_1689], %broadcast_in_dim3A_6 masked %lt3A_1692 : memref<504x128xf32, #tpu.memory_space<vmem>>[vector<16xi32>, vector<16xi32>], vector<16xf32>, vector<16xi1>
    %get3A_1693 = arith.constant 320 : index
    %get3A_1694 = tpu.vector_load %arg4[%get3A_1693] {strides = array<i32>} : memref<512xi32, #tpu.memory_space<vmem>>, vector<16xi32>,
    %iota3A_1695 = tpu.iota {dimensions = array<i32: 0>} : vector<16xi32>
    %add3A_1696 = arith.constant 64 : i32
    %add3A_1697 = vector.broadcast %add3A_1696 : i32 to vector<16xi32>
    %add3A_1698 = arith.addi %iota3A_1695, %add3A_1697 : vector<16xi32>
    %lt3A_1699 = arith.constant 504 : i32
    %lt3A_1700 = vector.broadcast %lt3A_1699 : i32 to vector<16xi32>
    %lt3A_1701 = arith.cmpi slt, %get3A_1694, %lt3A_1700 : vector<16xi32>
    tpu.vector_store_idx %arg5[%get3A_1694, %add3A_1698], %broadcast_in_dim3A_6 masked %lt3A_1701 : memref<504x128xf32, #tpu.memory_space<vmem>>[vector<16xi32>, vector<16xi32>], vector<16xf32>, vector<16xi1>
    %get3A_1702 = arith.constant 336 : index
    %get3A_1703 = tpu.vector_load %arg4[%get3A_1702] {strides = array<i32>} : memref<512xi32, #tpu.memory_space<vmem>>, vector<16xi32>,
    %iota3A_1704 = tpu.iota {dimensions = array<i32: 0>} : vector<16xi32>
    %add3A_1705 = arith.constant 80 : i32
    %add3A_1706 = vector.broadcast %add3A_1705 : i32 to vector<16xi32>
    %add3A_1707 = arith.addi %iota3A_1704, %add3A_1706 : vector<16xi32>
    %lt3A_1708 = arith.constant 504 : i32
    %lt3A_1709 = vector.broadcast %lt3A_1708 : i32 to vector<16xi32>
    %lt3A_1710 = arith.cmpi slt, %get3A_1703, %lt3A_1709 : vector<16xi32>
    tpu.vector_store_idx %arg5[%get3A_1703, %add3A_1707], %broadcast_in_dim3A_6 masked %lt3A_1710 : memref<504x128xf32, #tpu.memory_space<vmem>>[vector<16xi32>, vector<16xi32>], vector<16xf32>, vector<16xi1>
    %get3A_1711 = arith.constant 352 : index
    %get3A_1712 = tpu.vector_load %arg4[%get3A_1711] {strides = array<i32>} : memref<512xi32, #tpu.memory_space<vmem>>, vector<16xi32>,
    %iota3A_1713 = tpu.iota {dimensions = array<i32: 0>} : vector<16xi32>
    %add3A_1714 = arith.constant 96 : i32
    %add3A_1715 = vector.broadcast %add3A_1714 : i32 to vector<16xi32>
    %add3A_1716 = arith.addi %iota3A_1713, %add3A_1715 : vector<16xi32>
    %lt3A_1717 = arith.constant 504 : i32
    %lt3A_1718 = vector.broadcast %lt3A_1717 : i32 to vector<16xi32>
    %lt3A_1719 = arith.cmpi slt, %get3A_1712, %lt3A_1718 : vector<16xi32>
    tpu.vector_store_idx %arg5[%get3A_1712, %add3A_1716], %broadcast_in_dim3A_6 masked %lt3A_1719 : memref<504x128xf32, #tpu.memory_space<vmem>>[vector<16xi32>, vector<16xi32>], vector<16xf32>, vector<16xi1>
    %get3A_1720 = arith.constant 368 : index
    %get3A_1721 = tpu.vector_load %arg4[%get3A_1720] {strides = array<i32>} : memref<512xi32, #tpu.memory_space<vmem>>, vector<16xi32>,
    %iota3A_1722 = tpu.iota {dimensions = array<i32: 0>} : vector<16xi32>
    %add3A_1723 = arith.constant 112 : i32
    %add3A_1724 = vector.broadcast %add3A_1723 : i32 to vector<16xi32>
    %add3A_1725 = arith.addi %iota3A_1722, %add3A_1724 : vector<16xi32>
    %lt3A_1726 = arith.constant 504 : i32
    %lt3A_1727 = vector.broadcast %lt3A_1726 : i32 to vector<16xi32>
    %lt3A_1728 = arith.cmpi slt, %get3A_1721, %lt3A_1727 : vector<16xi32>
    tpu.vector_store_idx %arg5[%get3A_1721, %add3A_1725], %broadcast_in_dim3A_6 masked %lt3A_1728 : memref<504x128xf32, #tpu.memory_space<vmem>>[vector<16xi32>, vector<16xi32>], vector<16xf32>, vector<16xi1>
    %add3A_1729 = arith.constant 256 : i32
    %add3A_1730 = arith.addi %mul3A_2, %add3A_1729 : i32
    %dma_start3A_1731 = arith.constant 0 : i32
    %dma_start3A_1732 = tpu.memref_slice %arg3[%dma_start3A_1731, %add3A_1730] : memref<1000x16384xf32, #tpu.memory_space<hbm>> -> memref<504x128xf32, #tpu.memory_space<hbm>>
    %dma_start3A_1733 = arith.constant 0 : i32
    %dma_start3A_1734 = tpu.memref_slice %arg3[%dma_start3A_1733, %add3A_1730] : memref<1000x16384xf32, #tpu.memory_space<hbm>> -> memref<504x128xf32, #tpu.memory_space<hbm>>
    tpu.enqueue_dma source(%arg5 : memref<504x128xf32, #tpu.memory_space<vmem>>) target(%dma_start3A_1734 : memref<504x128xf32, #tpu.memory_space<hbm>>) target_semaphore(%arg8 : memref<!tpu.dma_semaphore, #tpu.memory_space<semaphore_mem>>)
    %dma_wait3A_1735 = arith.constant 504 : i32
    %dma_wait3A_1736 = tpu.memref_slice %arg3[%dma_wait3A_1735, %add3A_1576] : memref<1000x16384xf32, #tpu.memory_space<hbm>> -> memref<496x128xf32, #tpu.memory_space<hbm>>
    %dma_wait3A_1737 = arith.constant 504 : i32
    %dma_wait3A_1738 = tpu.memref_slice %arg3[%dma_wait3A_1737, %add3A_1576] : memref<1000x16384xf32, #tpu.memory_space<hbm>> -> memref<496x128xf32, #tpu.memory_space<hbm>>
    tpu.wait_dma2 semaphore(%arg9 : memref<!tpu.dma_semaphore, #tpu.memory_space<semaphore_mem>>) src(%arg6 : memref<496x128xf32, #tpu.memory_space<vmem>>) dst(%dma_wait3A_1738 : memref<496x128xf32, #tpu.memory_space<hbm>>)
    %get3A_1739 = arith.constant 128 : index
    %get3A_1740 = tpu.vector_load %arg4[%get3A_1739] {strides = array<i32>} : memref<512xi32, #tpu.memory_space<vmem>>, vector<16xi32>,
    %iota3A_1741 = tpu.iota {dimensions = array<i32: 0>} : vector<16xi32>
    %add3A_1742 = arith.constant 0 : i32
    %add3A_1743 = vector.broadcast %add3A_1742 : i32 to vector<16xi32>
    %add3A_1744 = arith.addi %iota3A_1741, %add3A_1743 : vector<16xi32>
    %sub3A_1745 = arith.constant 504 : i32
    %sub3A_1746 = vector.broadcast %sub3A_1745 : i32 to vector<16xi32>
    %sub3A_1747 = arith.subi %get3A_1740, %sub3A_1746 : vector<16xi32>
    %ge3A_1748 = arith.constant 504 : i32
    %ge3A_1749 = vector.broadcast %ge3A_1748 : i32 to vector<16xi32>
    %ge3A_1750 = arith.cmpi sge, %get3A_1740, %ge3A_1749 : vector<16xi32>
    tpu.vector_store_idx %arg6[%sub3A_1747, %add3A_1744], %broadcast_in_dim3A_4 masked %ge3A_1750 : memref<496x128xf32, #tpu.memory_space<vmem>>[vector<16xi32>, vector<16xi32>], vector<16xf32>, vector<16xi1>
    %get3A_1751 = arith.constant 144 : index
    %get3A_1752 = tpu.vector_load %arg4[%get3A_1751] {strides = array<i32>} : memref<512xi32, #tpu.memory_space<vmem>>, vector<16xi32>,
    %iota3A_1753 = tpu.iota {dimensions = array<i32: 0>} : vector<16xi32>
    %add3A_1754 = arith.constant 16 : i32
    %add3A_1755 = vector.broadcast %add3A_1754 : i32 to vector<16xi32>
    %add3A_1756 = arith.addi %iota3A_1753, %add3A_1755 : vector<16xi32>
    %sub3A_1757 = arith.constant 504 : i32
    %sub3A_1758 = vector.broadcast %sub3A_1757 : i32 to vector<16xi32>
    %sub3A_1759 = arith.subi %get3A_1752, %sub3A_1758 : vector<16xi32>
    %ge3A_1760 = arith.constant 504 : i32
    %ge3A_1761 = vector.broadcast %ge3A_1760 : i32 to vector<16xi32>
    %ge3A_1762 = arith.cmpi sge, %get3A_1752, %ge3A_1761 : vector<16xi32>
    tpu.vector_store_idx %arg6[%sub3A_1759, %add3A_1756], %broadcast_in_dim3A_4 masked %ge3A_1762 : memref<496x128xf32, #tpu.memory_space<vmem>>[vector<16xi32>, vector<16xi32>], vector<16xf32>, vector<16xi1>
    %get3A_1763 = arith.constant 160 : index
    %get3A_1764 = tpu.vector_load %arg4[%get3A_1763] {strides = array<i32>} : memref<512xi32, #tpu.memory_space<vmem>>, vector<16xi32>,
    %iota3A_1765 = tpu.iota {dimensions = array<i32: 0>} : vector<16xi32>
    %add3A_1766 = arith.constant 32 : i32
    %add3A_1767 = vector.broadcast %add3A_1766 : i32 to vector<16xi32>
    %add3A_1768 = arith.addi %iota3A_1765, %add3A_1767 : vector<16xi32>
    %sub3A_1769 = arith.constant 504 : i32
    %sub3A_1770 = vector.broadcast %sub3A_1769 : i32 to vector<16xi32>
    %sub3A_1771 = arith.subi %get3A_1764, %sub3A_1770 : vector<16xi32>
    %ge3A_1772 = arith.constant 504 : i32
    %ge3A_1773 = vector.broadcast %ge3A_1772 : i32 to vector<16xi32>
    %ge3A_1774 = arith.cmpi sge, %get3A_1764, %ge3A_1773 : vector<16xi32>
    tpu.vector_store_idx %arg6[%sub3A_1771, %add3A_1768], %broadcast_in_dim3A_4 masked %ge3A_1774 : memref<496x128xf32, #tpu.memory_space<vmem>>[vector<16xi32>, vector<16xi32>], vector<16xf32>, vector<16xi1>
    %get3A_1775 = arith.constant 176 : index
    %get3A_1776 = tpu.vector_load %arg4[%get3A_1775] {strides = array<i32>} : memref<512xi32, #tpu.memory_space<vmem>>, vector<16xi32>,
    %iota3A_1777 = tpu.iota {dimensions = array<i32: 0>} : vector<16xi32>
    %add3A_1778 = arith.constant 48 : i32
    %add3A_1779 = vector.broadcast %add3A_1778 : i32 to vector<16xi32>
    %add3A_1780 = arith.addi %iota3A_1777, %add3A_1779 : vector<16xi32>
    %sub3A_1781 = arith.constant 504 : i32
    %sub3A_1782 = vector.broadcast %sub3A_1781 : i32 to vector<16xi32>
    %sub3A_1783 = arith.subi %get3A_1776, %sub3A_1782 : vector<16xi32>
    %ge3A_1784 = arith.constant 504 : i32
    %ge3A_1785 = vector.broadcast %ge3A_1784 : i32 to vector<16xi32>
    %ge3A_1786 = arith.cmpi sge, %get3A_1776, %ge3A_1785 : vector<16xi32>
    tpu.vector_store_idx %arg6[%sub3A_1783, %add3A_1780], %broadcast_in_dim3A_4 masked %ge3A_1786 : memref<496x128xf32, #tpu.memory_space<vmem>>[vector<16xi32>, vector<16xi32>], vector<16xf32>, vector<16xi1>
    %get3A_1787 = arith.constant 192 : index
    %get3A_1788 = tpu.vector_load %arg4[%get3A_1787] {strides = array<i32>} : memref<512xi32, #tpu.memory_space<vmem>>, vector<16xi32>,
    %iota3A_1789 = tpu.iota {dimensions = array<i32: 0>} : vector<16xi32>
    %add3A_1790 = arith.constant 64 : i32
    %add3A_1791 = vector.broadcast %add3A_1790 : i32 to vector<16xi32>
    %add3A_1792 = arith.addi %iota3A_1789, %add3A_1791 : vector<16xi32>
    %sub3A_1793 = arith.constant 504 : i32
    %sub3A_1794 = vector.broadcast %sub3A_1793 : i32 to vector<16xi32>
    %sub3A_1795 = arith.subi %get3A_1788, %sub3A_1794 : vector<16xi32>
    %ge3A_1796 = arith.constant 504 : i32
    %ge3A_1797 = vector.broadcast %ge3A_1796 : i32 to vector<16xi32>
    %ge3A_1798 = arith.cmpi sge, %get3A_1788, %ge3A_1797 : vector<16xi32>
    tpu.vector_store_idx %arg6[%sub3A_1795, %add3A_1792], %broadcast_in_dim3A_4 masked %ge3A_1798 : memref<496x128xf32, #tpu.memory_space<vmem>>[vector<16xi32>, vector<16xi32>], vector<16xf32>, vector<16xi1>
    %get3A_1799 = arith.constant 208 : index
    %get3A_1800 = tpu.vector_load %arg4[%get3A_1799] {strides = array<i32>} : memref<512xi32, #tpu.memory_space<vmem>>, vector<16xi32>,
    %iota3A_1801 = tpu.iota {dimensions = array<i32: 0>} : vector<16xi32>
    %add3A_1802 = arith.constant 80 : i32
    %add3A_1803 = vector.broadcast %add3A_1802 : i32 to vector<16xi32>
    %add3A_1804 = arith.addi %iota3A_1801, %add3A_1803 : vector<16xi32>
    %sub3A_1805 = arith.constant 504 : i32
    %sub3A_1806 = vector.broadcast %sub3A_1805 : i32 to vector<16xi32>
    %sub3A_1807 = arith.subi %get3A_1800, %sub3A_1806 : vector<16xi32>
    %ge3A_1808 = arith.constant 504 : i32
    %ge3A_1809 = vector.broadcast %ge3A_1808 : i32 to vector<16xi32>
    %ge3A_1810 = arith.cmpi sge, %get3A_1800, %ge3A_1809 : vector<16xi32>
    tpu.vector_store_idx %arg6[%sub3A_1807, %add3A_1804], %broadcast_in_dim3A_4 masked %ge3A_1810 : memref<496x128xf32, #tpu.memory_space<vmem>>[vector<16xi32>, vector<16xi32>], vector<16xf32>, vector<16xi1>
    %get3A_1811 = arith.constant 224 : index
    %get3A_1812 = tpu.vector_load %arg4[%get3A_1811] {strides = array<i32>} : memref<512xi32, #tpu.memory_space<vmem>>, vector<16xi32>,
    %iota3A_1813 = tpu.iota {dimensions = array<i32: 0>} : vector<16xi32>
    %add3A_1814 = arith.constant 96 : i32
    %add3A_1815 = vector.broadcast %add3A_1814 : i32 to vector<16xi32>
    %add3A_1816 = arith.addi %iota3A_1813, %add3A_1815 : vector<16xi32>
    %sub3A_1817 = arith.constant 504 : i32
    %sub3A_1818 = vector.broadcast %sub3A_1817 : i32 to vector<16xi32>
    %sub3A_1819 = arith.subi %get3A_1812, %sub3A_1818 : vector<16xi32>
    %ge3A_1820 = arith.constant 504 : i32
    %ge3A_1821 = vector.broadcast %ge3A_1820 : i32 to vector<16xi32>
    %ge3A_1822 = arith.cmpi sge, %get3A_1812, %ge3A_1821 : vector<16xi32>
    tpu.vector_store_idx %arg6[%sub3A_1819, %add3A_1816], %broadcast_in_dim3A_4 masked %ge3A_1822 : memref<496x128xf32, #tpu.memory_space<vmem>>[vector<16xi32>, vector<16xi32>], vector<16xf32>, vector<16xi1>
    %get3A_1823 = arith.constant 240 : index
    %get3A_1824 = tpu.vector_load %arg4[%get3A_1823] {strides = array<i32>} : memref<512xi32, #tpu.memory_space<vmem>>, vector<16xi32>,
    %iota3A_1825 = tpu.iota {dimensions = array<i32: 0>} : vector<16xi32>
    %add3A_1826 = arith.constant 112 : i32
    %add3A_1827 = vector.broadcast %add3A_1826 : i32 to vector<16xi32>
    %add3A_1828 = arith.addi %iota3A_1825, %add3A_1827 : vector<16xi32>
    %sub3A_1829 = arith.constant 504 : i32
    %sub3A_1830 = vector.broadcast %sub3A_1829 : i32 to vector<16xi32>
    %sub3A_1831 = arith.subi %get3A_1824, %sub3A_1830 : vector<16xi32>
    %ge3A_1832 = arith.constant 504 : i32
    %ge3A_1833 = vector.broadcast %ge3A_1832 : i32 to vector<16xi32>
    %ge3A_1834 = arith.cmpi sge, %get3A_1824, %ge3A_1833 : vector<16xi32>
    tpu.vector_store_idx %arg6[%sub3A_1831, %add3A_1828], %broadcast_in_dim3A_4 masked %ge3A_1834 : memref<496x128xf32, #tpu.memory_space<vmem>>[vector<16xi32>, vector<16xi32>], vector<16xf32>, vector<16xi1>
    %get3A_1835 = arith.constant 256 : index
    %get3A_1836 = tpu.vector_load %arg4[%get3A_1835] {strides = array<i32>} : memref<512xi32, #tpu.memory_space<vmem>>, vector<16xi32>,
    %iota3A_1837 = tpu.iota {dimensions = array<i32: 0>} : vector<16xi32>
    %add3A_1838 = arith.constant 0 : i32
    %add3A_1839 = vector.broadcast %add3A_1838 : i32 to vector<16xi32>
    %add3A_1840 = arith.addi %iota3A_1837, %add3A_1839 : vector<16xi32>
    %sub3A_1841 = arith.constant 504 : i32
    %sub3A_1842 = vector.broadcast %sub3A_1841 : i32 to vector<16xi32>
    %sub3A_1843 = arith.subi %get3A_1836, %sub3A_1842 : vector<16xi32>
    %ge3A_1844 = arith.constant 504 : i32
    %ge3A_1845 = vector.broadcast %ge3A_1844 : i32 to vector<16xi32>
    %ge3A_1846 = arith.cmpi sge, %get3A_1836, %ge3A_1845 : vector<16xi32>
    tpu.vector_store_idx %arg6[%sub3A_1843, %add3A_1840], %broadcast_in_dim3A_6 masked %ge3A_1846 : memref<496x128xf32, #tpu.memory_space<vmem>>[vector<16xi32>, vector<16xi32>], vector<16xf32>, vector<16xi1>
    %get3A_1847 = arith.constant 272 : index
    %get3A_1848 = tpu.vector_load %arg4[%get3A_1847] {strides = array<i32>} : memref<512xi32, #tpu.memory_space<vmem>>, vector<16xi32>,
    %iota3A_1849 = tpu.iota {dimensions = array<i32: 0>} : vector<16xi32>
    %add3A_1850 = arith.constant 16 : i32
    %add3A_1851 = vector.broadcast %add3A_1850 : i32 to vector<16xi32>
    %add3A_1852 = arith.addi %iota3A_1849, %add3A_1851 : vector<16xi32>
    %sub3A_1853 = arith.constant 504 : i32
    %sub3A_1854 = vector.broadcast %sub3A_1853 : i32 to vector<16xi32>
    %sub3A_1855 = arith.subi %get3A_1848, %sub3A_1854 : vector<16xi32>
    %ge3A_1856 = arith.constant 504 : i32
    %ge3A_1857 = vector.broadcast %ge3A_1856 : i32 to vector<16xi32>
    %ge3A_1858 = arith.cmpi sge, %get3A_1848, %ge3A_1857 : vector<16xi32>
    tpu.vector_store_idx %arg6[%sub3A_1855, %add3A_1852], %broadcast_in_dim3A_6 masked %ge3A_1858 : memref<496x128xf32, #tpu.memory_space<vmem>>[vector<16xi32>, vector<16xi32>], vector<16xf32>, vector<16xi1>
    %get3A_1859 = arith.constant 288 : index
    %get3A_1860 = tpu.vector_load %arg4[%get3A_1859] {strides = array<i32>} : memref<512xi32, #tpu.memory_space<vmem>>, vector<16xi32>,
    %iota3A_1861 = tpu.iota {dimensions = array<i32: 0>} : vector<16xi32>
    %add3A_1862 = arith.constant 32 : i32
    %add3A_1863 = vector.broadcast %add3A_1862 : i32 to vector<16xi32>
    %add3A_1864 = arith.addi %iota3A_1861, %add3A_1863 : vector<16xi32>
    %sub3A_1865 = arith.constant 504 : i32
    %sub3A_1866 = vector.broadcast %sub3A_1865 : i32 to vector<16xi32>
    %sub3A_1867 = arith.subi %get3A_1860, %sub3A_1866 : vector<16xi32>
    %ge3A_1868 = arith.constant 504 : i32
    %ge3A_1869 = vector.broadcast %ge3A_1868 : i32 to vector<16xi32>
    %ge3A_1870 = arith.cmpi sge, %get3A_1860, %ge3A_1869 : vector<16xi32>
    tpu.vector_store_idx %arg6[%sub3A_1867, %add3A_1864], %broadcast_in_dim3A_6 masked %ge3A_1870 : memref<496x128xf32, #tpu.memory_space<vmem>>[vector<16xi32>, vector<16xi32>], vector<16xf32>, vector<16xi1>
    %get3A_1871 = arith.constant 304 : index
    %get3A_1872 = tpu.vector_load %arg4[%get3A_1871] {strides = array<i32>} : memref<512xi32, #tpu.memory_space<vmem>>, vector<16xi32>,
    %iota3A_1873 = tpu.iota {dimensions = array<i32: 0>} : vector<16xi32>
    %add3A_1874 = arith.constant 48 : i32
    %add3A_1875 = vector.broadcast %add3A_1874 : i32 to vector<16xi32>
    %add3A_1876 = arith.addi %iota3A_1873, %add3A_1875 : vector<16xi32>
    %sub3A_1877 = arith.constant 504 : i32
    %sub3A_1878 = vector.broadcast %sub3A_1877 : i32 to vector<16xi32>
    %sub3A_1879 = arith.subi %get3A_1872, %sub3A_1878 : vector<16xi32>
    %ge3A_1880 = arith.constant 504 : i32
    %ge3A_1881 = vector.broadcast %ge3A_1880 : i32 to vector<16xi32>
    %ge3A_1882 = arith.cmpi sge, %get3A_1872, %ge3A_1881 : vector<16xi32>
    tpu.vector_store_idx %arg6[%sub3A_1879, %add3A_1876], %broadcast_in_dim3A_6 masked %ge3A_1882 : memref<496x128xf32, #tpu.memory_space<vmem>>[vector<16xi32>, vector<16xi32>], vector<16xf32>, vector<16xi1>
    %get3A_1883 = arith.constant 320 : index
    %get3A_1884 = tpu.vector_load %arg4[%get3A_1883] {strides = array<i32>} : memref<512xi32, #tpu.memory_space<vmem>>, vector<16xi32>,
    %iota3A_1885 = tpu.iota {dimensions = array<i32: 0>} : vector<16xi32>
    %add3A_1886 = arith.constant 64 : i32
    %add3A_1887 = vector.broadcast %add3A_1886 : i32 to vector<16xi32>
    %add3A_1888 = arith.addi %iota3A_1885, %add3A_1887 : vector<16xi32>
    %sub3A_1889 = arith.constant 504 : i32
    %sub3A_1890 = vector.broadcast %sub3A_1889 : i32 to vector<16xi32>
    %sub3A_1891 = arith.subi %get3A_1884, %sub3A_1890 : vector<16xi32>
    %ge3A_1892 = arith.constant 504 : i32
    %ge3A_1893 = vector.broadcast %ge3A_1892 : i32 to vector<16xi32>
    %ge3A_1894 = arith.cmpi sge, %get3A_1884, %ge3A_1893 : vector<16xi32>
    tpu.vector_store_idx %arg6[%sub3A_1891, %add3A_1888], %broadcast_in_dim3A_6 masked %ge3A_1894 : memref<496x128xf32, #tpu.memory_space<vmem>>[vector<16xi32>, vector<16xi32>], vector<16xf32>, vector<16xi1>
    %get3A_1895 = arith.constant 336 : index
    %get3A_1896 = tpu.vector_load %arg4[%get3A_1895] {strides = array<i32>} : memref<512xi32, #tpu.memory_space<vmem>>, vector<16xi32>,
    %iota3A_1897 = tpu.iota {dimensions = array<i32: 0>} : vector<16xi32>
    %add3A_1898 = arith.constant 80 : i32
    %add3A_1899 = vector.broadcast %add3A_1898 : i32 to vector<16xi32>
    %add3A_1900 = arith.addi %iota3A_1897, %add3A_1899 : vector<16xi32>
    %sub3A_1901 = arith.constant 504 : i32
    %sub3A_1902 = vector.broadcast %sub3A_1901 : i32 to vector<16xi32>
    %sub3A_1903 = arith.subi %get3A_1896, %sub3A_1902 : vector<16xi32>
    %ge3A_1904 = arith.constant 504 : i32
    %ge3A_1905 = vector.broadcast %ge3A_1904 : i32 to vector<16xi32>
    %ge3A_1906 = arith.cmpi sge, %get3A_1896, %ge3A_1905 : vector<16xi32>
    tpu.vector_store_idx %arg6[%sub3A_1903, %add3A_1900], %broadcast_in_dim3A_6 masked %ge3A_1906 : memref<496x128xf32, #tpu.memory_space<vmem>>[vector<16xi32>, vector<16xi32>], vector<16xf32>, vector<16xi1>
    %get3A_1907 = arith.constant 352 : index
    %get3A_1908 = tpu.vector_load %arg4[%get3A_1907] {strides = array<i32>} : memref<512xi32, #tpu.memory_space<vmem>>, vector<16xi32>,
    %iota3A_1909 = tpu.iota {dimensions = array<i32: 0>} : vector<16xi32>
    %add3A_1910 = arith.constant 96 : i32
    %add3A_1911 = vector.broadcast %add3A_1910 : i32 to vector<16xi32>
    %add3A_1912 = arith.addi %iota3A_1909, %add3A_1911 : vector<16xi32>
    %sub3A_1913 = arith.constant 504 : i32
    %sub3A_1914 = vector.broadcast %sub3A_1913 : i32 to vector<16xi32>
    %sub3A_1915 = arith.subi %get3A_1908, %sub3A_1914 : vector<16xi32>
    %ge3A_1916 = arith.constant 504 : i32
    %ge3A_1917 = vector.broadcast %ge3A_1916 : i32 to vector<16xi32>
    %ge3A_1918 = arith.cmpi sge, %get3A_1908, %ge3A_1917 : vector<16xi32>
    tpu.vector_store_idx %arg6[%sub3A_1915, %add3A_1912], %broadcast_in_dim3A_6 masked %ge3A_1918 : memref<496x128xf32, #tpu.memory_space<vmem>>[vector<16xi32>, vector<16xi32>], vector<16xf32>, vector<16xi1>
    %get3A_1919 = arith.constant 368 : index
    %get3A_1920 = tpu.vector_load %arg4[%get3A_1919] {strides = array<i32>} : memref<512xi32, #tpu.memory_space<vmem>>, vector<16xi32>,
    %iota3A_1921 = tpu.iota {dimensions = array<i32: 0>} : vector<16xi32>
    %add3A_1922 = arith.constant 112 : i32
    %add3A_1923 = vector.broadcast %add3A_1922 : i32 to vector<16xi32>
    %add3A_1924 = arith.addi %iota3A_1921, %add3A_1923 : vector<16xi32>
    %sub3A_1925 = arith.constant 504 : i32
    %sub3A_1926 = vector.broadcast %sub3A_1925 : i32 to vector<16xi32>
    %sub3A_1927 = arith.subi %get3A_1920, %sub3A_1926 : vector<16xi32>
    %ge3A_1928 = arith.constant 504 : i32
    %ge3A_1929 = vector.broadcast %ge3A_1928 : i32 to vector<16xi32>
    %ge3A_1930 = arith.cmpi sge, %get3A_1920, %ge3A_1929 : vector<16xi32>
    tpu.vector_store_idx %arg6[%sub3A_1927, %add3A_1924], %broadcast_in_dim3A_6 masked %ge3A_1930 : memref<496x128xf32, #tpu.memory_space<vmem>>[vector<16xi32>, vector<16xi32>], vector<16xf32>, vector<16xi1>
    %add3A_1931 = arith.constant 256 : i32
    %add3A_1932 = arith.addi %mul3A_2, %add3A_1931 : i32
    %dma_start3A_1933 = arith.constant 504 : i32
    %dma_start3A_1934 = tpu.memref_slice %arg3[%dma_start3A_1933, %add3A_1932] : memref<1000x16384xf32, #tpu.memory_space<hbm>> -> memref<496x128xf32, #tpu.memory_space<hbm>>
    %dma_start3A_1935 = arith.constant 504 : i32
    %dma_start3A_1936 = tpu.memref_slice %arg3[%dma_start3A_1935, %add3A_1932] : memref<1000x16384xf32, #tpu.memory_space<hbm>> -> memref<496x128xf32, #tpu.memory_space<hbm>>
    tpu.enqueue_dma source(%arg6 : memref<496x128xf32, #tpu.memory_space<vmem>>) target(%dma_start3A_1936 : memref<496x128xf32, #tpu.memory_space<hbm>>) target_semaphore(%arg9 : memref<!tpu.dma_semaphore, #tpu.memory_space<semaphore_mem>>)
    %dma_wait3A_1937 = arith.constant 0 : i32
    %dma_wait3A_1938 = tpu.memref_slice %arg3[%dma_wait3A_1937, %add3A_1730] : memref<1000x16384xf32, #tpu.memory_space<hbm>> -> memref<504x128xf32, #tpu.memory_space<hbm>>
    %dma_wait3A_1939 = arith.constant 0 : i32
    %dma_wait3A_1940 = tpu.memref_slice %arg3[%dma_wait3A_1939, %add3A_1730] : memref<1000x16384xf32, #tpu.memory_space<hbm>> -> memref<504x128xf32, #tpu.memory_space<hbm>>
    tpu.wait_dma2 semaphore(%arg8 : memref<!tpu.dma_semaphore, #tpu.memory_space<semaphore_mem>>) src(%arg5 : memref<504x128xf32, #tpu.memory_space<vmem>>) dst(%dma_wait3A_1940 : memref<504x128xf32, #tpu.memory_space<hbm>>)
    %get3A_1941 = arith.constant 256 : index
    %get3A_1942 = tpu.vector_load %arg4[%get3A_1941] {strides = array<i32>} : memref<512xi32, #tpu.memory_space<vmem>>, vector<16xi32>,
    %iota3A_1943 = tpu.iota {dimensions = array<i32: 0>} : vector<16xi32>
    %add3A_1944 = arith.constant 0 : i32
    %add3A_1945 = vector.broadcast %add3A_1944 : i32 to vector<16xi32>
    %add3A_1946 = arith.addi %iota3A_1943, %add3A_1945 : vector<16xi32>
    %lt3A_1947 = arith.constant 504 : i32
    %lt3A_1948 = vector.broadcast %lt3A_1947 : i32 to vector<16xi32>
    %lt3A_1949 = arith.cmpi slt, %get3A_1942, %lt3A_1948 : vector<16xi32>
    tpu.vector_store_idx %arg5[%get3A_1942, %add3A_1946], %broadcast_in_dim3A_4 masked %lt3A_1949 : memref<504x128xf32, #tpu.memory_space<vmem>>[vector<16xi32>, vector<16xi32>], vector<16xf32>, vector<16xi1>
    %get3A_1950 = arith.constant 272 : index
    %get3A_1951 = tpu.vector_load %arg4[%get3A_1950] {strides = array<i32>} : memref<512xi32, #tpu.memory_space<vmem>>, vector<16xi32>,
    %iota3A_1952 = tpu.iota {dimensions = array<i32: 0>} : vector<16xi32>
    %add3A_1953 = arith.constant 16 : i32
    %add3A_1954 = vector.broadcast %add3A_1953 : i32 to vector<16xi32>
    %add3A_1955 = arith.addi %iota3A_1952, %add3A_1954 : vector<16xi32>
    %lt3A_1956 = arith.constant 504 : i32
    %lt3A_1957 = vector.broadcast %lt3A_1956 : i32 to vector<16xi32>
    %lt3A_1958 = arith.cmpi slt, %get3A_1951, %lt3A_1957 : vector<16xi32>
    tpu.vector_store_idx %arg5[%get3A_1951, %add3A_1955], %broadcast_in_dim3A_4 masked %lt3A_1958 : memref<504x128xf32, #tpu.memory_space<vmem>>[vector<16xi32>, vector<16xi32>], vector<16xf32>, vector<16xi1>
    %get3A_1959 = arith.constant 288 : index
    %get3A_1960 = tpu.vector_load %arg4[%get3A_1959] {strides = array<i32>} : memref<512xi32, #tpu.memory_space<vmem>>, vector<16xi32>,
    %iota3A_1961 = tpu.iota {dimensions = array<i32: 0>} : vector<16xi32>
    %add3A_1962 = arith.constant 32 : i32
    %add3A_1963 = vector.broadcast %add3A_1962 : i32 to vector<16xi32>
    %add3A_1964 = arith.addi %iota3A_1961, %add3A_1963 : vector<16xi32>
    %lt3A_1965 = arith.constant 504 : i32
    %lt3A_1966 = vector.broadcast %lt3A_1965 : i32 to vector<16xi32>
    %lt3A_1967 = arith.cmpi slt, %get3A_1960, %lt3A_1966 : vector<16xi32>
    tpu.vector_store_idx %arg5[%get3A_1960, %add3A_1964], %broadcast_in_dim3A_4 masked %lt3A_1967 : memref<504x128xf32, #tpu.memory_space<vmem>>[vector<16xi32>, vector<16xi32>], vector<16xf32>, vector<16xi1>
    %get3A_1968 = arith.constant 304 : index
    %get3A_1969 = tpu.vector_load %arg4[%get3A_1968] {strides = array<i32>} : memref<512xi32, #tpu.memory_space<vmem>>, vector<16xi32>,
    %iota3A_1970 = tpu.iota {dimensions = array<i32: 0>} : vector<16xi32>
    %add3A_1971 = arith.constant 48 : i32
    %add3A_1972 = vector.broadcast %add3A_1971 : i32 to vector<16xi32>
    %add3A_1973 = arith.addi %iota3A_1970, %add3A_1972 : vector<16xi32>
    %lt3A_1974 = arith.constant 504 : i32
    %lt3A_1975 = vector.broadcast %lt3A_1974 : i32 to vector<16xi32>
    %lt3A_1976 = arith.cmpi slt, %get3A_1969, %lt3A_1975 : vector<16xi32>
    tpu.vector_store_idx %arg5[%get3A_1969, %add3A_1973], %broadcast_in_dim3A_4 masked %lt3A_1976 : memref<504x128xf32, #tpu.memory_space<vmem>>[vector<16xi32>, vector<16xi32>], vector<16xf32>, vector<16xi1>
    %get3A_1977 = arith.constant 320 : index
    %get3A_1978 = tpu.vector_load %arg4[%get3A_1977] {strides = array<i32>} : memref<512xi32, #tpu.memory_space<vmem>>, vector<16xi32>,
    %iota3A_1979 = tpu.iota {dimensions = array<i32: 0>} : vector<16xi32>
    %add3A_1980 = arith.constant 64 : i32
    %add3A_1981 = vector.broadcast %add3A_1980 : i32 to vector<16xi32>
    %add3A_1982 = arith.addi %iota3A_1979, %add3A_1981 : vector<16xi32>
    %lt3A_1983 = arith.constant 504 : i32
    %lt3A_1984 = vector.broadcast %lt3A_1983 : i32 to vector<16xi32>
    %lt3A_1985 = arith.cmpi slt, %get3A_1978, %lt3A_1984 : vector<16xi32>
    tpu.vector_store_idx %arg5[%get3A_1978, %add3A_1982], %broadcast_in_dim3A_4 masked %lt3A_1985 : memref<504x128xf32, #tpu.memory_space<vmem>>[vector<16xi32>, vector<16xi32>], vector<16xf32>, vector<16xi1>
    %get3A_1986 = arith.constant 336 : index
    %get3A_1987 = tpu.vector_load %arg4[%get3A_1986] {strides = array<i32>} : memref<512xi32, #tpu.memory_space<vmem>>, vector<16xi32>,
    %iota3A_1988 = tpu.iota {dimensions = array<i32: 0>} : vector<16xi32>
    %add3A_1989 = arith.constant 80 : i32
    %add3A_1990 = vector.broadcast %add3A_1989 : i32 to vector<16xi32>
    %add3A_1991 = arith.addi %iota3A_1988, %add3A_1990 : vector<16xi32>
    %lt3A_1992 = arith.constant 504 : i32
    %lt3A_1993 = vector.broadcast %lt3A_1992 : i32 to vector<16xi32>
    %lt3A_1994 = arith.cmpi slt, %get3A_1987, %lt3A_1993 : vector<16xi32>
    tpu.vector_store_idx %arg5[%get3A_1987, %add3A_1991], %broadcast_in_dim3A_4 masked %lt3A_1994 : memref<504x128xf32, #tpu.memory_space<vmem>>[vector<16xi32>, vector<16xi32>], vector<16xf32>, vector<16xi1>
    %get3A_1995 = arith.constant 352 : index
    %get3A_1996 = tpu.vector_load %arg4[%get3A_1995] {strides = array<i32>} : memref<512xi32, #tpu.memory_space<vmem>>, vector<16xi32>,
    %iota3A_1997 = tpu.iota {dimensions = array<i32: 0>} : vector<16xi32>
    %add3A_1998 = arith.constant 96 : i32
    %add3A_1999 = vector.broadcast %add3A_1998 : i32 to vector<16xi32>
    %add3A_2000 = arith.addi %iota3A_1997, %add3A_1999 : vector<16xi32>
    %lt3A_2001 = arith.constant 504 : i32
    %lt3A_2002 = vector.broadcast %lt3A_2001 : i32 to vector<16xi32>
    %lt3A_2003 = arith.cmpi slt, %get3A_1996, %lt3A_2002 : vector<16xi32>
    tpu.vector_store_idx %arg5[%get3A_1996, %add3A_2000], %broadcast_in_dim3A_4 masked %lt3A_2003 : memref<504x128xf32, #tpu.memory_space<vmem>>[vector<16xi32>, vector<16xi32>], vector<16xf32>, vector<16xi1>
    %get3A_2004 = arith.constant 368 : index
    %get3A_2005 = tpu.vector_load %arg4[%get3A_2004] {strides = array<i32>} : memref<512xi32, #tpu.memory_space<vmem>>, vector<16xi32>,
    %iota3A_2006 = tpu.iota {dimensions = array<i32: 0>} : vector<16xi32>
    %add3A_2007 = arith.constant 112 : i32
    %add3A_2008 = vector.broadcast %add3A_2007 : i32 to vector<16xi32>
    %add3A_2009 = arith.addi %iota3A_2006, %add3A_2008 : vector<16xi32>
    %lt3A_2010 = arith.constant 504 : i32
    %lt3A_2011 = vector.broadcast %lt3A_2010 : i32 to vector<16xi32>
    %lt3A_2012 = arith.cmpi slt, %get3A_2005, %lt3A_2011 : vector<16xi32>
    tpu.vector_store_idx %arg5[%get3A_2005, %add3A_2009], %broadcast_in_dim3A_4 masked %lt3A_2012 : memref<504x128xf32, #tpu.memory_space<vmem>>[vector<16xi32>, vector<16xi32>], vector<16xf32>, vector<16xi1>
    %get3A_2013 = arith.constant 384 : index
    %get3A_2014 = tpu.vector_load %arg4[%get3A_2013] {strides = array<i32>} : memref<512xi32, #tpu.memory_space<vmem>>, vector<16xi32>,
    %iota3A_2015 = tpu.iota {dimensions = array<i32: 0>} : vector<16xi32>
    %add3A_2016 = arith.constant 0 : i32
    %add3A_2017 = vector.broadcast %add3A_2016 : i32 to vector<16xi32>
    %add3A_2018 = arith.addi %iota3A_2015, %add3A_2017 : vector<16xi32>
    %lt3A_2019 = arith.constant 504 : i32
    %lt3A_2020 = vector.broadcast %lt3A_2019 : i32 to vector<16xi32>
    %lt3A_2021 = arith.cmpi slt, %get3A_2014, %lt3A_2020 : vector<16xi32>
    tpu.vector_store_idx %arg5[%get3A_2014, %add3A_2018], %broadcast_in_dim3A_6 masked %lt3A_2021 : memref<504x128xf32, #tpu.memory_space<vmem>>[vector<16xi32>, vector<16xi32>], vector<16xf32>, vector<16xi1>
    %get3A_2022 = arith.constant 400 : index
    %get3A_2023 = tpu.vector_load %arg4[%get3A_2022] {strides = array<i32>} : memref<512xi32, #tpu.memory_space<vmem>>, vector<16xi32>,
    %iota3A_2024 = tpu.iota {dimensions = array<i32: 0>} : vector<16xi32>
    %add3A_2025 = arith.constant 16 : i32
    %add3A_2026 = vector.broadcast %add3A_2025 : i32 to vector<16xi32>
    %add3A_2027 = arith.addi %iota3A_2024, %add3A_2026 : vector<16xi32>
    %lt3A_2028 = arith.constant 504 : i32
    %lt3A_2029 = vector.broadcast %lt3A_2028 : i32 to vector<16xi32>
    %lt3A_2030 = arith.cmpi slt, %get3A_2023, %lt3A_2029 : vector<16xi32>
    tpu.vector_store_idx %arg5[%get3A_2023, %add3A_2027], %broadcast_in_dim3A_6 masked %lt3A_2030 : memref<504x128xf32, #tpu.memory_space<vmem>>[vector<16xi32>, vector<16xi32>], vector<16xf32>, vector<16xi1>
    %get3A_2031 = arith.constant 416 : index
    %get3A_2032 = tpu.vector_load %arg4[%get3A_2031] {strides = array<i32>} : memref<512xi32, #tpu.memory_space<vmem>>, vector<16xi32>,
    %iota3A_2033 = tpu.iota {dimensions = array<i32: 0>} : vector<16xi32>
    %add3A_2034 = arith.constant 32 : i32
    %add3A_2035 = vector.broadcast %add3A_2034 : i32 to vector<16xi32>
    %add3A_2036 = arith.addi %iota3A_2033, %add3A_2035 : vector<16xi32>
    %lt3A_2037 = arith.constant 504 : i32
    %lt3A_2038 = vector.broadcast %lt3A_2037 : i32 to vector<16xi32>
    %lt3A_2039 = arith.cmpi slt, %get3A_2032, %lt3A_2038 : vector<16xi32>
    tpu.vector_store_idx %arg5[%get3A_2032, %add3A_2036], %broadcast_in_dim3A_6 masked %lt3A_2039 : memref<504x128xf32, #tpu.memory_space<vmem>>[vector<16xi32>, vector<16xi32>], vector<16xf32>, vector<16xi1>
    %get3A_2040 = arith.constant 432 : index
    %get3A_2041 = tpu.vector_load %arg4[%get3A_2040] {strides = array<i32>} : memref<512xi32, #tpu.memory_space<vmem>>, vector<16xi32>,
    %iota3A_2042 = tpu.iota {dimensions = array<i32: 0>} : vector<16xi32>
    %add3A_2043 = arith.constant 48 : i32
    %add3A_2044 = vector.broadcast %add3A_2043 : i32 to vector<16xi32>
    %add3A_2045 = arith.addi %iota3A_2042, %add3A_2044 : vector<16xi32>
    %lt3A_2046 = arith.constant 504 : i32
    %lt3A_2047 = vector.broadcast %lt3A_2046 : i32 to vector<16xi32>
    %lt3A_2048 = arith.cmpi slt, %get3A_2041, %lt3A_2047 : vector<16xi32>
    tpu.vector_store_idx %arg5[%get3A_2041, %add3A_2045], %broadcast_in_dim3A_6 masked %lt3A_2048 : memref<504x128xf32, #tpu.memory_space<vmem>>[vector<16xi32>, vector<16xi32>], vector<16xf32>, vector<16xi1>
    %get3A_2049 = arith.constant 448 : index
    %get3A_2050 = tpu.vector_load %arg4[%get3A_2049] {strides = array<i32>} : memref<512xi32, #tpu.memory_space<vmem>>, vector<16xi32>,
    %iota3A_2051 = tpu.iota {dimensions = array<i32: 0>} : vector<16xi32>
    %add3A_2052 = arith.constant 64 : i32
    %add3A_2053 = vector.broadcast %add3A_2052 : i32 to vector<16xi32>
    %add3A_2054 = arith.addi %iota3A_2051, %add3A_2053 : vector<16xi32>
    %lt3A_2055 = arith.constant 504 : i32
    %lt3A_2056 = vector.broadcast %lt3A_2055 : i32 to vector<16xi32>
    %lt3A_2057 = arith.cmpi slt, %get3A_2050, %lt3A_2056 : vector<16xi32>
    tpu.vector_store_idx %arg5[%get3A_2050, %add3A_2054], %broadcast_in_dim3A_6 masked %lt3A_2057 : memref<504x128xf32, #tpu.memory_space<vmem>>[vector<16xi32>, vector<16xi32>], vector<16xf32>, vector<16xi1>
    %get3A_2058 = arith.constant 464 : index
    %get3A_2059 = tpu.vector_load %arg4[%get3A_2058] {strides = array<i32>} : memref<512xi32, #tpu.memory_space<vmem>>, vector<16xi32>,
    %iota3A_2060 = tpu.iota {dimensions = array<i32: 0>} : vector<16xi32>
    %add3A_2061 = arith.constant 80 : i32
    %add3A_2062 = vector.broadcast %add3A_2061 : i32 to vector<16xi32>
    %add3A_2063 = arith.addi %iota3A_2060, %add3A_2062 : vector<16xi32>
    %lt3A_2064 = arith.constant 504 : i32
    %lt3A_2065 = vector.broadcast %lt3A_2064 : i32 to vector<16xi32>
    %lt3A_2066 = arith.cmpi slt, %get3A_2059, %lt3A_2065 : vector<16xi32>
    tpu.vector_store_idx %arg5[%get3A_2059, %add3A_2063], %broadcast_in_dim3A_6 masked %lt3A_2066 : memref<504x128xf32, #tpu.memory_space<vmem>>[vector<16xi32>, vector<16xi32>], vector<16xf32>, vector<16xi1>
    %get3A_2067 = arith.constant 480 : index
    %get3A_2068 = tpu.vector_load %arg4[%get3A_2067] {strides = array<i32>} : memref<512xi32, #tpu.memory_space<vmem>>, vector<16xi32>,
    %iota3A_2069 = tpu.iota {dimensions = array<i32: 0>} : vector<16xi32>
    %add3A_2070 = arith.constant 96 : i32
    %add3A_2071 = vector.broadcast %add3A_2070 : i32 to vector<16xi32>
    %add3A_2072 = arith.addi %iota3A_2069, %add3A_2071 : vector<16xi32>
    %lt3A_2073 = arith.constant 504 : i32
    %lt3A_2074 = vector.broadcast %lt3A_2073 : i32 to vector<16xi32>
    %lt3A_2075 = arith.cmpi slt, %get3A_2068, %lt3A_2074 : vector<16xi32>
    tpu.vector_store_idx %arg5[%get3A_2068, %add3A_2072], %broadcast_in_dim3A_6 masked %lt3A_2075 : memref<504x128xf32, #tpu.memory_space<vmem>>[vector<16xi32>, vector<16xi32>], vector<16xf32>, vector<16xi1>
    %get3A_2076 = arith.constant 496 : index
    %get3A_2077 = tpu.vector_load %arg4[%get3A_2076] {strides = array<i32>} : memref<512xi32, #tpu.memory_space<vmem>>, vector<16xi32>,
    %iota3A_2078 = tpu.iota {dimensions = array<i32: 0>} : vector<16xi32>
    %add3A_2079 = arith.constant 112 : i32
    %add3A_2080 = vector.broadcast %add3A_2079 : i32 to vector<16xi32>
    %add3A_2081 = arith.addi %iota3A_2078, %add3A_2080 : vector<16xi32>
    %lt3A_2082 = arith.constant 504 : i32
    %lt3A_2083 = vector.broadcast %lt3A_2082 : i32 to vector<16xi32>
    %lt3A_2084 = arith.cmpi slt, %get3A_2077, %lt3A_2083 : vector<16xi32>
    tpu.vector_store_idx %arg5[%get3A_2077, %add3A_2081], %broadcast_in_dim3A_6 masked %lt3A_2084 : memref<504x128xf32, #tpu.memory_space<vmem>>[vector<16xi32>, vector<16xi32>], vector<16xf32>, vector<16xi1>
    %add3A_2085 = arith.constant 384 : i32
    %add3A_2086 = arith.addi %mul3A_2, %add3A_2085 : i32
    %dma_start3A_2087 = arith.constant 0 : i32
    %dma_start3A_2088 = tpu.memref_slice %arg3[%dma_start3A_2087, %add3A_2086] : memref<1000x16384xf32, #tpu.memory_space<hbm>> -> memref<504x128xf32, #tpu.memory_space<hbm>>
    %dma_start3A_2089 = arith.constant 0 : i32
    %dma_start3A_2090 = tpu.memref_slice %arg3[%dma_start3A_2089, %add3A_2086] : memref<1000x16384xf32, #tpu.memory_space<hbm>> -> memref<504x128xf32, #tpu.memory_space<hbm>>
    tpu.enqueue_dma source(%arg5 : memref<504x128xf32, #tpu.memory_space<vmem>>) target(%dma_start3A_2090 : memref<504x128xf32, #tpu.memory_space<hbm>>) target_semaphore(%arg8 : memref<!tpu.dma_semaphore, #tpu.memory_space<semaphore_mem>>)
    %dma_wait3A_2091 = arith.constant 504 : i32
    %dma_wait3A_2092 = tpu.memref_slice %arg3[%dma_wait3A_2091, %add3A_1932] : memref<1000x16384xf32, #tpu.memory_space<hbm>> -> memref<496x128xf32, #tpu.memory_space<hbm>>
    %dma_wait3A_2093 = arith.constant 504 : i32
    %dma_wait3A_2094 = tpu.memref_slice %arg3[%dma_wait3A_2093, %add3A_1932] : memref<1000x16384xf32, #tpu.memory_space<hbm>> -> memref<496x128xf32, #tpu.memory_space<hbm>>
    tpu.wait_dma2 semaphore(%arg9 : memref<!tpu.dma_semaphore, #tpu.memory_space<semaphore_mem>>) src(%arg6 : memref<496x128xf32, #tpu.memory_space<vmem>>) dst(%dma_wait3A_2094 : memref<496x128xf32, #tpu.memory_space<hbm>>)
    %get3A_2095 = arith.constant 256 : index
    %get3A_2096 = tpu.vector_load %arg4[%get3A_2095] {strides = array<i32>} : memref<512xi32, #tpu.memory_space<vmem>>, vector<16xi32>,
    %iota3A_2097 = tpu.iota {dimensions = array<i32: 0>} : vector<16xi32>
    %add3A_2098 = arith.constant 0 : i32
    %add3A_2099 = vector.broadcast %add3A_2098 : i32 to vector<16xi32>
    %add3A_2100 = arith.addi %iota3A_2097, %add3A_2099 : vector<16xi32>
    %sub3A_2101 = arith.constant 504 : i32
    %sub3A_2102 = vector.broadcast %sub3A_2101 : i32 to vector<16xi32>
    %sub3A_2103 = arith.subi %get3A_2096, %sub3A_2102 : vector<16xi32>
    %ge3A_2104 = arith.constant 504 : i32
    %ge3A_2105 = vector.broadcast %ge3A_2104 : i32 to vector<16xi32>
    %ge3A_2106 = arith.cmpi sge, %get3A_2096, %ge3A_2105 : vector<16xi32>
    tpu.vector_store_idx %arg6[%sub3A_2103, %add3A_2100], %broadcast_in_dim3A_4 masked %ge3A_2106 : memref<496x128xf32, #tpu.memory_space<vmem>>[vector<16xi32>, vector<16xi32>], vector<16xf32>, vector<16xi1>
    %get3A_2107 = arith.constant 272 : index
    %get3A_2108 = tpu.vector_load %arg4[%get3A_2107] {strides = array<i32>} : memref<512xi32, #tpu.memory_space<vmem>>, vector<16xi32>,
    %iota3A_2109 = tpu.iota {dimensions = array<i32: 0>} : vector<16xi32>
    %add3A_2110 = arith.constant 16 : i32
    %add3A_2111 = vector.broadcast %add3A_2110 : i32 to vector<16xi32>
    %add3A_2112 = arith.addi %iota3A_2109, %add3A_2111 : vector<16xi32>
    %sub3A_2113 = arith.constant 504 : i32
    %sub3A_2114 = vector.broadcast %sub3A_2113 : i32 to vector<16xi32>
    %sub3A_2115 = arith.subi %get3A_2108, %sub3A_2114 : vector<16xi32>
    %ge3A_2116 = arith.constant 504 : i32
    %ge3A_2117 = vector.broadcast %ge3A_2116 : i32 to vector<16xi32>
    %ge3A_2118 = arith.cmpi sge, %get3A_2108, %ge3A_2117 : vector<16xi32>
    tpu.vector_store_idx %arg6[%sub3A_2115, %add3A_2112], %broadcast_in_dim3A_4 masked %ge3A_2118 : memref<496x128xf32, #tpu.memory_space<vmem>>[vector<16xi32>, vector<16xi32>], vector<16xf32>, vector<16xi1>
    %get3A_2119 = arith.constant 288 : index
    %get3A_2120 = tpu.vector_load %arg4[%get3A_2119] {strides = array<i32>} : memref<512xi32, #tpu.memory_space<vmem>>, vector<16xi32>,
    %iota3A_2121 = tpu.iota {dimensions = array<i32: 0>} : vector<16xi32>
    %add3A_2122 = arith.constant 32 : i32
    %add3A_2123 = vector.broadcast %add3A_2122 : i32 to vector<16xi32>
    %add3A_2124 = arith.addi %iota3A_2121, %add3A_2123 : vector<16xi32>
    %sub3A_2125 = arith.constant 504 : i32
    %sub3A_2126 = vector.broadcast %sub3A_2125 : i32 to vector<16xi32>
    %sub3A_2127 = arith.subi %get3A_2120, %sub3A_2126 : vector<16xi32>
    %ge3A_2128 = arith.constant 504 : i32
    %ge3A_2129 = vector.broadcast %ge3A_2128 : i32 to vector<16xi32>
    %ge3A_2130 = arith.cmpi sge, %get3A_2120, %ge3A_2129 : vector<16xi32>
    tpu.vector_store_idx %arg6[%sub3A_2127, %add3A_2124], %broadcast_in_dim3A_4 masked %ge3A_2130 : memref<496x128xf32, #tpu.memory_space<vmem>>[vector<16xi32>, vector<16xi32>], vector<16xf32>, vector<16xi1>
    %get3A_2131 = arith.constant 304 : index
    %get3A_2132 = tpu.vector_load %arg4[%get3A_2131] {strides = array<i32>} : memref<512xi32, #tpu.memory_space<vmem>>, vector<16xi32>,
    %iota3A_2133 = tpu.iota {dimensions = array<i32: 0>} : vector<16xi32>
    %add3A_2134 = arith.constant 48 : i32
    %add3A_2135 = vector.broadcast %add3A_2134 : i32 to vector<16xi32>
    %add3A_2136 = arith.addi %iota3A_2133, %add3A_2135 : vector<16xi32>
    %sub3A_2137 = arith.constant 504 : i32
    %sub3A_2138 = vector.broadcast %sub3A_2137 : i32 to vector<16xi32>
    %sub3A_2139 = arith.subi %get3A_2132, %sub3A_2138 : vector<16xi32>
    %ge3A_2140 = arith.constant 504 : i32
    %ge3A_2141 = vector.broadcast %ge3A_2140 : i32 to vector<16xi32>
    %ge3A_2142 = arith.cmpi sge, %get3A_2132, %ge3A_2141 : vector<16xi32>
    tpu.vector_store_idx %arg6[%sub3A_2139, %add3A_2136], %broadcast_in_dim3A_4 masked %ge3A_2142 : memref<496x128xf32, #tpu.memory_space<vmem>>[vector<16xi32>, vector<16xi32>], vector<16xf32>, vector<16xi1>
    %get3A_2143 = arith.constant 320 : index
    %get3A_2144 = tpu.vector_load %arg4[%get3A_2143] {strides = array<i32>} : memref<512xi32, #tpu.memory_space<vmem>>, vector<16xi32>,
    %iota3A_2145 = tpu.iota {dimensions = array<i32: 0>} : vector<16xi32>
    %add3A_2146 = arith.constant 64 : i32
    %add3A_2147 = vector.broadcast %add3A_2146 : i32 to vector<16xi32>
    %add3A_2148 = arith.addi %iota3A_2145, %add3A_2147 : vector<16xi32>
    %sub3A_2149 = arith.constant 504 : i32
    %sub3A_2150 = vector.broadcast %sub3A_2149 : i32 to vector<16xi32>
    %sub3A_2151 = arith.subi %get3A_2144, %sub3A_2150 : vector<16xi32>
    %ge3A_2152 = arith.constant 504 : i32
    %ge3A_2153 = vector.broadcast %ge3A_2152 : i32 to vector<16xi32>
    %ge3A_2154 = arith.cmpi sge, %get3A_2144, %ge3A_2153 : vector<16xi32>
    tpu.vector_store_idx %arg6[%sub3A_2151, %add3A_2148], %broadcast_in_dim3A_4 masked %ge3A_2154 : memref<496x128xf32, #tpu.memory_space<vmem>>[vector<16xi32>, vector<16xi32>], vector<16xf32>, vector<16xi1>
    %get3A_2155 = arith.constant 336 : index
    %get3A_2156 = tpu.vector_load %arg4[%get3A_2155] {strides = array<i32>} : memref<512xi32, #tpu.memory_space<vmem>>, vector<16xi32>,
    %iota3A_2157 = tpu.iota {dimensions = array<i32: 0>} : vector<16xi32>
    %add3A_2158 = arith.constant 80 : i32
    %add3A_2159 = vector.broadcast %add3A_2158 : i32 to vector<16xi32>
    %add3A_2160 = arith.addi %iota3A_2157, %add3A_2159 : vector<16xi32>
    %sub3A_2161 = arith.constant 504 : i32
    %sub3A_2162 = vector.broadcast %sub3A_2161 : i32 to vector<16xi32>
    %sub3A_2163 = arith.subi %get3A_2156, %sub3A_2162 : vector<16xi32>
    %ge3A_2164 = arith.constant 504 : i32
    %ge3A_2165 = vector.broadcast %ge3A_2164 : i32 to vector<16xi32>
    %ge3A_2166 = arith.cmpi sge, %get3A_2156, %ge3A_2165 : vector<16xi32>
    tpu.vector_store_idx %arg6[%sub3A_2163, %add3A_2160], %broadcast_in_dim3A_4 masked %ge3A_2166 : memref<496x128xf32, #tpu.memory_space<vmem>>[vector<16xi32>, vector<16xi32>], vector<16xf32>, vector<16xi1>
    %get3A_2167 = arith.constant 352 : index
    %get3A_2168 = tpu.vector_load %arg4[%get3A_2167] {strides = array<i32>} : memref<512xi32, #tpu.memory_space<vmem>>, vector<16xi32>,
    %iota3A_2169 = tpu.iota {dimensions = array<i32: 0>} : vector<16xi32>
    %add3A_2170 = arith.constant 96 : i32
    %add3A_2171 = vector.broadcast %add3A_2170 : i32 to vector<16xi32>
    %add3A_2172 = arith.addi %iota3A_2169, %add3A_2171 : vector<16xi32>
    %sub3A_2173 = arith.constant 504 : i32
    %sub3A_2174 = vector.broadcast %sub3A_2173 : i32 to vector<16xi32>
    %sub3A_2175 = arith.subi %get3A_2168, %sub3A_2174 : vector<16xi32>
    %ge3A_2176 = arith.constant 504 : i32
    %ge3A_2177 = vector.broadcast %ge3A_2176 : i32 to vector<16xi32>
    %ge3A_2178 = arith.cmpi sge, %get3A_2168, %ge3A_2177 : vector<16xi32>
    tpu.vector_store_idx %arg6[%sub3A_2175, %add3A_2172], %broadcast_in_dim3A_4 masked %ge3A_2178 : memref<496x128xf32, #tpu.memory_space<vmem>>[vector<16xi32>, vector<16xi32>], vector<16xf32>, vector<16xi1>
    %get3A_2179 = arith.constant 368 : index
    %get3A_2180 = tpu.vector_load %arg4[%get3A_2179] {strides = array<i32>} : memref<512xi32, #tpu.memory_space<vmem>>, vector<16xi32>,
    %iota3A_2181 = tpu.iota {dimensions = array<i32: 0>} : vector<16xi32>
    %add3A_2182 = arith.constant 112 : i32
    %add3A_2183 = vector.broadcast %add3A_2182 : i32 to vector<16xi32>
    %add3A_2184 = arith.addi %iota3A_2181, %add3A_2183 : vector<16xi32>
    %sub3A_2185 = arith.constant 504 : i32
    %sub3A_2186 = vector.broadcast %sub3A_2185 : i32 to vector<16xi32>
    %sub3A_2187 = arith.subi %get3A_2180, %sub3A_2186 : vector<16xi32>
    %ge3A_2188 = arith.constant 504 : i32
    %ge3A_2189 = vector.broadcast %ge3A_2188 : i32 to vector<16xi32>
    %ge3A_2190 = arith.cmpi sge, %get3A_2180, %ge3A_2189 : vector<16xi32>
    tpu.vector_store_idx %arg6[%sub3A_2187, %add3A_2184], %broadcast_in_dim3A_4 masked %ge3A_2190 : memref<496x128xf32, #tpu.memory_space<vmem>>[vector<16xi32>, vector<16xi32>], vector<16xf32>, vector<16xi1>
    %get3A_2191 = arith.constant 384 : index
    %get3A_2192 = tpu.vector_load %arg4[%get3A_2191] {strides = array<i32>} : memref<512xi32, #tpu.memory_space<vmem>>, vector<16xi32>,
    %iota3A_2193 = tpu.iota {dimensions = array<i32: 0>} : vector<16xi32>
    %add3A_2194 = arith.constant 0 : i32
    %add3A_2195 = vector.broadcast %add3A_2194 : i32 to vector<16xi32>
    %add3A_2196 = arith.addi %iota3A_2193, %add3A_2195 : vector<16xi32>
    %sub3A_2197 = arith.constant 504 : i32
    %sub3A_2198 = vector.broadcast %sub3A_2197 : i32 to vector<16xi32>
    %sub3A_2199 = arith.subi %get3A_2192, %sub3A_2198 : vector<16xi32>
    %ge3A_2200 = arith.constant 504 : i32
    %ge3A_2201 = vector.broadcast %ge3A_2200 : i32 to vector<16xi32>
    %ge3A_2202 = arith.cmpi sge, %get3A_2192, %ge3A_2201 : vector<16xi32>
    tpu.vector_store_idx %arg6[%sub3A_2199, %add3A_2196], %broadcast_in_dim3A_6 masked %ge3A_2202 : memref<496x128xf32, #tpu.memory_space<vmem>>[vector<16xi32>, vector<16xi32>], vector<16xf32>, vector<16xi1>
    %get3A_2203 = arith.constant 400 : index
    %get3A_2204 = tpu.vector_load %arg4[%get3A_2203] {strides = array<i32>} : memref<512xi32, #tpu.memory_space<vmem>>, vector<16xi32>,
    %iota3A_2205 = tpu.iota {dimensions = array<i32: 0>} : vector<16xi32>
    %add3A_2206 = arith.constant 16 : i32
    %add3A_2207 = vector.broadcast %add3A_2206 : i32 to vector<16xi32>
    %add3A_2208 = arith.addi %iota3A_2205, %add3A_2207 : vector<16xi32>
    %sub3A_2209 = arith.constant 504 : i32
    %sub3A_2210 = vector.broadcast %sub3A_2209 : i32 to vector<16xi32>
    %sub3A_2211 = arith.subi %get3A_2204, %sub3A_2210 : vector<16xi32>
    %ge3A_2212 = arith.constant 504 : i32
    %ge3A_2213 = vector.broadcast %ge3A_2212 : i32 to vector<16xi32>
    %ge3A_2214 = arith.cmpi sge, %get3A_2204, %ge3A_2213 : vector<16xi32>
    tpu.vector_store_idx %arg6[%sub3A_2211, %add3A_2208], %broadcast_in_dim3A_6 masked %ge3A_2214 : memref<496x128xf32, #tpu.memory_space<vmem>>[vector<16xi32>, vector<16xi32>], vector<16xf32>, vector<16xi1>
    %get3A_2215 = arith.constant 416 : index
    %get3A_2216 = tpu.vector_load %arg4[%get3A_2215] {strides = array<i32>} : memref<512xi32, #tpu.memory_space<vmem>>, vector<16xi32>,
    %iota3A_2217 = tpu.iota {dimensions = array<i32: 0>} : vector<16xi32>
    %add3A_2218 = arith.constant 32 : i32
    %add3A_2219 = vector.broadcast %add3A_2218 : i32 to vector<16xi32>
    %add3A_2220 = arith.addi %iota3A_2217, %add3A_2219 : vector<16xi32>
    %sub3A_2221 = arith.constant 504 : i32
    %sub3A_2222 = vector.broadcast %sub3A_2221 : i32 to vector<16xi32>
    %sub3A_2223 = arith.subi %get3A_2216, %sub3A_2222 : vector<16xi32>
    %ge3A_2224 = arith.constant 504 : i32
    %ge3A_2225 = vector.broadcast %ge3A_2224 : i32 to vector<16xi32>
    %ge3A_2226 = arith.cmpi sge, %get3A_2216, %ge3A_2225 : vector<16xi32>
    tpu.vector_store_idx %arg6[%sub3A_2223, %add3A_2220], %broadcast_in_dim3A_6 masked %ge3A_2226 : memref<496x128xf32, #tpu.memory_space<vmem>>[vector<16xi32>, vector<16xi32>], vector<16xf32>, vector<16xi1>
    %get3A_2227 = arith.constant 432 : index
    %get3A_2228 = tpu.vector_load %arg4[%get3A_2227] {strides = array<i32>} : memref<512xi32, #tpu.memory_space<vmem>>, vector<16xi32>,
    %iota3A_2229 = tpu.iota {dimensions = array<i32: 0>} : vector<16xi32>
    %add3A_2230 = arith.constant 48 : i32
    %add3A_2231 = vector.broadcast %add3A_2230 : i32 to vector<16xi32>
    %add3A_2232 = arith.addi %iota3A_2229, %add3A_2231 : vector<16xi32>
    %sub3A_2233 = arith.constant 504 : i32
    %sub3A_2234 = vector.broadcast %sub3A_2233 : i32 to vector<16xi32>
    %sub3A_2235 = arith.subi %get3A_2228, %sub3A_2234 : vector<16xi32>
    %ge3A_2236 = arith.constant 504 : i32
    %ge3A_2237 = vector.broadcast %ge3A_2236 : i32 to vector<16xi32>
    %ge3A_2238 = arith.cmpi sge, %get3A_2228, %ge3A_2237 : vector<16xi32>
    tpu.vector_store_idx %arg6[%sub3A_2235, %add3A_2232], %broadcast_in_dim3A_6 masked %ge3A_2238 : memref<496x128xf32, #tpu.memory_space<vmem>>[vector<16xi32>, vector<16xi32>], vector<16xf32>, vector<16xi1>
    %get3A_2239 = arith.constant 448 : index
    %get3A_2240 = tpu.vector_load %arg4[%get3A_2239] {strides = array<i32>} : memref<512xi32, #tpu.memory_space<vmem>>, vector<16xi32>,
    %iota3A_2241 = tpu.iota {dimensions = array<i32: 0>} : vector<16xi32>
    %add3A_2242 = arith.constant 64 : i32
    %add3A_2243 = vector.broadcast %add3A_2242 : i32 to vector<16xi32>
    %add3A_2244 = arith.addi %iota3A_2241, %add3A_2243 : vector<16xi32>
    %sub3A_2245 = arith.constant 504 : i32
    %sub3A_2246 = vector.broadcast %sub3A_2245 : i32 to vector<16xi32>
    %sub3A_2247 = arith.subi %get3A_2240, %sub3A_2246 : vector<16xi32>
    %ge3A_2248 = arith.constant 504 : i32
    %ge3A_2249 = vector.broadcast %ge3A_2248 : i32 to vector<16xi32>
    %ge3A_2250 = arith.cmpi sge, %get3A_2240, %ge3A_2249 : vector<16xi32>
    tpu.vector_store_idx %arg6[%sub3A_2247, %add3A_2244], %broadcast_in_dim3A_6 masked %ge3A_2250 : memref<496x128xf32, #tpu.memory_space<vmem>>[vector<16xi32>, vector<16xi32>], vector<16xf32>, vector<16xi1>
    %get3A_2251 = arith.constant 464 : index
    %get3A_2252 = tpu.vector_load %arg4[%get3A_2251] {strides = array<i32>} : memref<512xi32, #tpu.memory_space<vmem>>, vector<16xi32>,
    %iota3A_2253 = tpu.iota {dimensions = array<i32: 0>} : vector<16xi32>
    %add3A_2254 = arith.constant 80 : i32
    %add3A_2255 = vector.broadcast %add3A_2254 : i32 to vector<16xi32>
    %add3A_2256 = arith.addi %iota3A_2253, %add3A_2255 : vector<16xi32>
    %sub3A_2257 = arith.constant 504 : i32
    %sub3A_2258 = vector.broadcast %sub3A_2257 : i32 to vector<16xi32>
    %sub3A_2259 = arith.subi %get3A_2252, %sub3A_2258 : vector<16xi32>
    %ge3A_2260 = arith.constant 504 : i32
    %ge3A_2261 = vector.broadcast %ge3A_2260 : i32 to vector<16xi32>
    %ge3A_2262 = arith.cmpi sge, %get3A_2252, %ge3A_2261 : vector<16xi32>
    tpu.vector_store_idx %arg6[%sub3A_2259, %add3A_2256], %broadcast_in_dim3A_6 masked %ge3A_2262 : memref<496x128xf32, #tpu.memory_space<vmem>>[vector<16xi32>, vector<16xi32>], vector<16xf32>, vector<16xi1>
    %get3A_2263 = arith.constant 480 : index
    %get3A_2264 = tpu.vector_load %arg4[%get3A_2263] {strides = array<i32>} : memref<512xi32, #tpu.memory_space<vmem>>, vector<16xi32>,
    %iota3A_2265 = tpu.iota {dimensions = array<i32: 0>} : vector<16xi32>
    %add3A_2266 = arith.constant 96 : i32
    %add3A_2267 = vector.broadcast %add3A_2266 : i32 to vector<16xi32>
    %add3A_2268 = arith.addi %iota3A_2265, %add3A_2267 : vector<16xi32>
    %sub3A_2269 = arith.constant 504 : i32
    %sub3A_2270 = vector.broadcast %sub3A_2269 : i32 to vector<16xi32>
    %sub3A_2271 = arith.subi %get3A_2264, %sub3A_2270 : vector<16xi32>
    %ge3A_2272 = arith.constant 504 : i32
    %ge3A_2273 = vector.broadcast %ge3A_2272 : i32 to vector<16xi32>
    %ge3A_2274 = arith.cmpi sge, %get3A_2264, %ge3A_2273 : vector<16xi32>
    tpu.vector_store_idx %arg6[%sub3A_2271, %add3A_2268], %broadcast_in_dim3A_6 masked %ge3A_2274 : memref<496x128xf32, #tpu.memory_space<vmem>>[vector<16xi32>, vector<16xi32>], vector<16xf32>, vector<16xi1>
    %get3A_2275 = arith.constant 496 : index
    %get3A_2276 = tpu.vector_load %arg4[%get3A_2275] {strides = array<i32>} : memref<512xi32, #tpu.memory_space<vmem>>, vector<16xi32>,
    %iota3A_2277 = tpu.iota {dimensions = array<i32: 0>} : vector<16xi32>
    %add3A_2278 = arith.constant 112 : i32
    %add3A_2279 = vector.broadcast %add3A_2278 : i32 to vector<16xi32>
    %add3A_2280 = arith.addi %iota3A_2277, %add3A_2279 : vector<16xi32>
    %sub3A_2281 = arith.constant 504 : i32
    %sub3A_2282 = vector.broadcast %sub3A_2281 : i32 to vector<16xi32>
    %sub3A_2283 = arith.subi %get3A_2276, %sub3A_2282 : vector<16xi32>
    %ge3A_2284 = arith.constant 504 : i32
    %ge3A_2285 = vector.broadcast %ge3A_2284 : i32 to vector<16xi32>
    %ge3A_2286 = arith.cmpi sge, %get3A_2276, %ge3A_2285 : vector<16xi32>
    tpu.vector_store_idx %arg6[%sub3A_2283, %add3A_2280], %broadcast_in_dim3A_6 masked %ge3A_2286 : memref<496x128xf32, #tpu.memory_space<vmem>>[vector<16xi32>, vector<16xi32>], vector<16xf32>, vector<16xi1>
    %add3A_2287 = arith.constant 384 : i32
    %add3A_2288 = arith.addi %mul3A_2, %add3A_2287 : i32
    %dma_start3A_2289 = arith.constant 504 : i32
    %dma_start3A_2290 = tpu.memref_slice %arg3[%dma_start3A_2289, %add3A_2288] : memref<1000x16384xf32, #tpu.memory_space<hbm>> -> memref<496x128xf32, #tpu.memory_space<hbm>>
    %dma_start3A_2291 = arith.constant 504 : i32
    %dma_start3A_2292 = tpu.memref_slice %arg3[%dma_start3A_2291, %add3A_2288] : memref<1000x16384xf32, #tpu.memory_space<hbm>> -> memref<496x128xf32, #tpu.memory_space<hbm>>
    tpu.enqueue_dma source(%arg6 : memref<496x128xf32, #tpu.memory_space<vmem>>) target(%dma_start3A_2292 : memref<496x128xf32, #tpu.memory_space<hbm>>) target_semaphore(%arg9 : memref<!tpu.dma_semaphore, #tpu.memory_space<semaphore_mem>>)
    %dma_wait3A_2293 = arith.constant 0 : i32
    %dma_wait3A_2294 = tpu.memref_slice %arg3[%dma_wait3A_2293, %add3A_2086] : memref<1000x16384xf32, #tpu.memory_space<hbm>> -> memref<504x128xf32, #tpu.memory_space<hbm>>
    %dma_wait3A_2295 = arith.constant 0 : i32
    %dma_wait3A_2296 = tpu.memref_slice %arg3[%dma_wait3A_2295, %add3A_2086] : memref<1000x16384xf32, #tpu.memory_space<hbm>> -> memref<504x128xf32, #tpu.memory_space<hbm>>
    tpu.wait_dma2 semaphore(%arg8 : memref<!tpu.dma_semaphore, #tpu.memory_space<semaphore_mem>>) src(%arg5 : memref<504x128xf32, #tpu.memory_space<vmem>>) dst(%dma_wait3A_2296 : memref<504x128xf32, #tpu.memory_space<hbm>>)
    %dma_wait3A_2297 = arith.constant 504 : i32
    %dma_wait3A_2298 = tpu.memref_slice %arg3[%dma_wait3A_2297, %add3A_2288] : memref<1000x16384xf32, #tpu.memory_space<hbm>> -> memref<496x128xf32, #tpu.memory_space<hbm>>
    %dma_wait3A_2299 = arith.constant 504 : i32
    %dma_wait3A_2300 = tpu.memref_slice %arg3[%dma_wait3A_2299, %add3A_2288] : memref<1000x16384xf32, #tpu.memory_space<hbm>> -> memref<496x128xf32, #tpu.memory_space<hbm>>
    tpu.wait_dma2 semaphore(%arg9 : memref<!tpu.dma_semaphore, #tpu.memory_space<semaphore_mem>>) src(%arg6 : memref<496x128xf32, #tpu.memory_space<vmem>>) dst(%dma_wait3A_2300 : memref<496x128xf32, #tpu.memory_space<hbm>>)
    return
  }
}

</mosaic_0001>

<sc_bundles>
// kernel: _one_hot_sc.3.cloned.1.call-start
scs
__scs_entry_jumppad:
0x0: {  	(pc) =	sbr.rel $0x88, $3  }
0x1: {  	(tag) =	ssettag $0x0;
	lr =	simm.s32 $0x1  }
0x2: {  	[smem:$0x3FA0] =	sst lr;
	_ =	strace $0xD0000000  }
0x3: {  	_ = 	snop  }
0x4: {  	_ = 	snop  }
0x5: {  	_ = 	snop  }
0x6: {  	_ = 	snop  }
0x7: {  	_ = 	snop  }
__scs_overlays_trampoline_lowered:
0x8: {  	[smem:$0x3FAF] =	sst s0  }
0x9: {  	[smem:$0x3FB0] =	sst s1  }
0xa: {  	[smem:$0x3FB1] =	sst s2  }
0xb: {  	[smem:$0x3FB2] =	sst s3  }
0xc: {  	[smem:$0x3FB3] =	sst s4  }
0xd: {  	[smem:$0x3FB4] =	sst s5  }
0xe: {  	[smem:$0x3FB5] =	sst s6  }
0xf: {  	[smem:$0x3FB6] =	sst s7  }
0x10: {  	[smem:$0x3FB7] =	sst s8  }
0x11: {  	[smem:$0x3FB8] =	sst s9;
	s0 =	simm.s32 @!p0 $0x0  }
0x12: {  	s1 =	sld [smem:$0x3F9E];
	s0 =	simm.s32 @p0 $0x1  }
0x13: {  	[smem:$0x3FB9] =	sst s0;
	s0 =	simm.s32 @!p1 $0x0  }
0x14: {  	s2 =	sld [smem:$0x3F9D];
	s0 =	simm.s32 @p1 $0x1  }
0x15: {  	[smem:$0x3FBA] =	sst s0;
	s0 =	simm.s32 @!p2 $0x0  }
0x16: {  	s3 =	sld [smem:$0x3FDB];
	s0 =	simm.s32 @p2 $0x1  }
0x17: {  	s4 =	simm.s32 $0x1BF5;
	[smem:$0x3FBC] =	sst s0  }
0x18: {  	s0 =	sld [smem:$0x3F9F];
	_ =	swait.ge [sflag:s4], $0x0  }
0x19: {  	s7 =	sld [smem:$0x3FA0]  }
0x1a: {  	s8 =	sadd.s32 $0xFFFFE003, lr  }
0x1b: {  	s9 =	sadd.s32 $0xFFFFFEF7, lr;
	s5 =	simm.s32 $0xFFFFFFFF;
	p2 =	slt.u32 s8, $0xFFFFF086  }
0x1c: {  	p1 =	slt.u32 s9, $0xF7A;
	s5 =	simm.s32 @!p2 $0x0  }
0x1d: {  	s5 =	simm.s32 @p1 $0x1;
	p0 =	seq.s32 s7, s2  }
0x1e: {  	s7 =	smul.u32 @!p0 $0xF7A, s2;
	p2 =	seq.s32 @!p0 s5, $0x0  }
0x1f: {  	s9 =	smul.u32 $0xF7A, s1;
	s8 =	simm.s32 @!p0 $0x1BF5;
	p2 =	por !p2, p0  }
0x20: {  	[sflag:s8] =	ssyncset.s32 @!p0 $0xFFFFF086;
	s6 =	sadd.s32 @!p0 s3, s7;
	s7 =	simm.s32 @!p0 $0x108  }
0x21: {  	s3 =	sadd.s32 s3, s9;
	s6 =	sadd.s32 @!p0 $0x88, s6;
	s7 =	simm.s32 @p2 $0x1082  }
0x22: {  	[simem:s7], [sflag:s8] =	dma.local @!p0 [hbm:s6], $0xF7A  }
0x23: {  	s9 =	sor.u32 $0xD0000000, s2;
	s6 =	simm.s32 $0x108;
	_ =	swait.ge @!p0 [sflag:s8], $0x0  }
0x24: {  	s3 =	sadd.s32 $0x88, s3;
	s6 =	simm.s32 @!p1 $0x1082;
	[sflag:s4] =	ssyncset.s32 $0xFFFFF086  }
0x25: {  	[simem:s6], [sflag:s4] =	dma.local [hbm:s3], $0xF7A  }
0x26: {  	[smem:$0x3FA0] =	sst s1;
	(tag) =	ssettag s2;
	_ =	strace s9  }
0x27: {  	s1 =	sld [smem:$0x3FB0]  }
0x28: {  	s2 =	sld [smem:$0x3FB1]  }
0x29: {  	s4 =	sld [smem:$0x3FB3]  }
0x2a: {  	p0 =	seq.s32 s5, $0x0;
	s5 =	sld [smem:$0x3FB4]  }
0x2b: {  	s6 =	sld [smem:$0x3FB5]  }
0x2c: {  	s7 =	sld [smem:$0x3FB6]  }
0x2d: {  	s3 =	simm.s32 $0x108;
	s8 =	sld [smem:$0x3FB7]  }
0x2e: {  	s3 =	simm.s32 @!p0 $0x1082;
	s9 =	sld [smem:$0x3FB8]  }
0x2f: {  	lr =	sadd.s32 s0, s3;
	s0 =	sld [smem:$0x3FAF]  }
0x30: {  	s3 =	sld [smem:$0x3FB2]  }
0x31: {  	[smem:$0x3FBB] =	sst s10  }
0x32: {  	s10 =	sld [smem:$0x3FB9];
	_ =	sdelay $0x3  }
0x33: {  	p0 =	seq.s32 s10, $0x1;
	s10 =	sld [smem:$0x3FBB];
	_ =	sdelay $0x3  }
0x34: {  	[smem:$0x3FBB] =	sst s10  }
0x35: {  	s10 =	sld [smem:$0x3FBA];
	_ =	sdelay $0x3  }
0x36: {  	p1 =	seq.s32 s10, $0x1;
	s10 =	sld [smem:$0x3FBB];
	_ =	sdelay $0x3  }
0x37: {  	[smem:$0x3FBB] =	sst s10  }
0x38: {  	s10 =	sld [smem:$0x3FBC]  }
0x39: {  	_ = 	snop;
	(pc) =	sbr.ind lr, $3  }
0x3a: {  	_ = 	snop  }
0x3b: {  	_ = 	snop  }
0x3c: {  	p2 =	seq.s32 s10, $0x1;
	s10 =	sld [smem:$0x3FBB]  }
0x3d: {  	_ =	shalt  }
0x3e: {  	_ =	shalt  }
0x3f: {  	_ =	shalt  }
0x40: {  	_ =	shalt  }
0x41: {  	_ =	shalt  }
0x42: {  	_ =	shalt  }
0x43: {  	_ =	shalt  }
0x44: {  	_ =	shalt  }
0x45: {  	_ =	shalt  }
0x46: {  	_ =	shalt  }
0x47: {  	_ =	shalt  }
0x48: {  	_ =	shalt  }
0x49: {  	_ =	shalt  }
0x4a: {  	_ =	shalt  }
0x4b: {  	_ =	shalt  }
0x4c: {  	_ =	shalt  }
0x4d: {  	_ =	shalt  }
0x4e: {  	_ =	shalt  }
0x4f: {  	_ =	shalt  }
0x50: {  	_ =	shalt  }
0x51: {  	_ =	shalt  }
0x52: {  	_ =	shalt  }
0x53: {  	_ =	shalt  }
0x54: {  	_ =	shalt  }
0x55: {  	_ =	shalt  }
0x56: {  	_ =	shalt  }
0x57: {  	_ =	shalt  }
0x58: {  	_ =	shalt  }
0x59: {  	_ =	shalt  }
0x5a: {  	_ =	shalt  }
0x5b: {  	_ =	shalt  }
0x5c: {  	_ =	shalt  }
0x5d: {  	_ =	shalt  }
0x5e: {  	_ =	shalt  }
0x5f: {  	_ =	shalt  }
0x60: {  	_ =	shalt  }
0x61: {  	_ =	shalt  }
0x62: {  	_ =	shalt  }
0x63: {  	_ =	shalt  }
0x64: {  	_ =	shalt  }
0x65: {  	_ =	shalt  }
0x66: {  	_ =	shalt  }
0x67: {  	_ =	shalt  }
0x68: {  	_ =	shalt  }
0x69: {  	_ =	shalt  }
0x6a: {  	_ =	shalt  }
0x6b: {  	_ =	shalt  }
0x6c: {  	_ =	shalt  }
0x6d: {  	_ =	shalt  }
0x6e: {  	_ =	shalt  }
0x6f: {  	_ =	shalt  }
0x70: {  	_ =	shalt  }
0x71: {  	_ =	shalt  }
0x72: {  	_ =	shalt  }
0x73: {  	_ =	shalt  }
0x74: {  	_ =	shalt  }
0x75: {  	_ =	shalt  }
0x76: {  	_ =	shalt  }
0x77: {  	_ =	shalt  }
0x78: {  	_ =	shalt  }
0x79: {  	_ =	shalt  }
0x7a: {  	_ =	shalt  }
0x7b: {  	_ =	shalt  }
0x7c: {  	_ =	shalt  }
0x7d: {  	_ =	shalt  }
0x7e: {  	_ =	shalt  }
0x7f: {  	_ =	shalt  }
0x80: {  	_ =	shalt  }
0x81: {  	_ =	shalt  }
0x82: {  	_ =	shalt  }
0x83: {  	_ =	shalt  }
0x84: {  	_ =	shalt  }
0x85: {  	_ =	shalt  }
0x86: {  	_ =	shalt  }
0x87: {  	_ =	shalt  }
.Lfunc_end0:
.L_simem_size_0:
called_computation_lowered:
.L_overlay_start_0:
0x88: {  	s2 =	sld [smem:$0x3FD9]  }
0x89: {  	s3 =	sld [smem:$0x3FFE];
	_ =	sdelay $0x1  }
0x8a: {  	s1 =	srdreg.scid  }
0x8b: {  	s0 =	sand.u32 $0x1, s1  }
0x8c: {  	s18 =	sshll.u32 s0, $0xA;
	s2 =	sadd.s32 s3, s2  }
0x8d: {  	s2 =	sadd.s32 s2, s18  }
0x8e: {  	[smem:$0x3FC7] =	sst s2  }
0x8f: {  	_ = 	snop  }
0x90: {  	s2 =	sld [smem:$0x3FC9]  }
0x91: {  	s19 =	sld [smem:$0x3FD0];
	(tm) =	ssettm $0x1  }
0x92: {  	s4 =	sld [smem:$0x3FFB];
	_ =	sdelay $0x3  }
0x93: {  	_ =	strace s4  }
0x94: {  	s4 =	sld [smem:$0x3FFC];
	_ =	sdelay $0x3  }
0x95: {  	_ =	strace s4  }
0x96: {  	s4 =	sld [smem:$0x3FFD];
	_ =	sdelay $0x3  }
0x97: {  	_ =	strace s4  }
0x98: {  	_ =	strace $0x8FFFFFFF  }
0x99: {  	s20 =	sld [smem:$0x3FDB];
	_ =	sdelay $0x1  }
0x9a: {  	s5 =	simm.s32 $_scs_section_size  }
0x9b: {  	s6 =	simm.s32 $_size__tile_overlayer_lowered;
	s7 =	simm.s32 $_tile_overlayer_lowered  }
0x9c: {  	s23 =	simm.s32 $0x1BFF;
	s22 =	sshll.u32 s7, $0x1;
	s4 =	sadd.s32 s5, s20  }
0x9d: {  	s8 =	simm.s32 $0x0;
	s21 =	sshll.u32 s6, $0x1;
	s6 =	sadd.s32 s22, s4  }
0x9e: {  	[timem:s8], [sflag:s23] =	dma.local [hbm:s6], s21  }
0x9f: {  	_ =	swait.ge [sflag:s23], s21  }
0xa0: {  	s5 =	ssub.s32 $0x0, s21;
	[sflag:s23] =	ssyncset.done $0x0  }
0xa1: {  	[sflag:s23] =	ssyncadd.s32 s5;
	_ =	sdelay $0x1  }
0xa2: {  	s24 =	simm.s32 $0x1B8B  }
0xa3: {  	_ =	swait.ge [sflag:s24], $0x1  }
0xa4: {  	[sflag:s24] =	ssyncset.done $0x0  }
0xa5: {  	s25 =	simm.s32 $0x1B8E;
	[sflag:s24] =	ssyncadd.s32 $0xFFFFFFFF  }
0xa6: {  	s26 =	simm.s32 $execute0_lowered;
	[smem:$0x3FD2] =	sst s25  }
0xa7: {  	s5 =	sshll.u32 s26, $0x1;
	_ =	strace $0x80000046;
	[dreg:$0x1] =	wrdreg $0xFFFFFFFF  }
0xa8: {  	s28 =	simm.s32 $_size_execute0_lowered;
	s4 =	sadd.s32 s4, s5;
	[dreg:$0x0] =	wrdreg $0x0  }
0xa9: {  	s5 =	sshll.u32 s28, $0x1;
	[dreg:$0x2] =	wrdreg s4  }
0xaa: {  	[dreg:$0x3] =	wrdreg s5  }
0xab: {  	[dreg:$0x4] =	wrdreg $0xC0  }
0xac: {  	_ =	task [dreg:s8], $0x5FFFF  }
0xad: {  	[dreg:$0x1] =	wrdreg $0xFFFFFFFF  }
0xae: {  	[dreg:$0x0] =	wrdreg $0x60  }
0xaf: {  	[dreg:$0x2] =	wrdreg s2  }
0xb0: {  	[dreg:$0x3] =	wrdreg s19  }
0xb1: {  	[dreg:$0x4] =	wrdreg $0x9  }
0xb2: {  	_ =	task.clear_ibuf [dreg:s8], $0x5FFFF;
	_ =	strace $0x90000046  }
0xb3: {  	s29 =	simm.s32 $0x9;
	_ =	strace $0x80000048  }
0xb4: {  	_ =	swait.ge [sflag:s29], $0x1  }
0xb5: {  	[sflag:s29] =	ssyncadd.s32 $0xFFFFFFFF  }
0xb6: {  	_ =	strace $0x90000048  }
0xb7: {  	_ =	sfence  }
0xb8: {  	s30 =	sld [smem:$0x0];
	_ =	sdelay $0x2  }
0xb9: {  	s31 =	sshll.u32 s1, $0xD;
	s1 =	sshrl.u32 s1, $0x2  }
0xba: {  	s3 =	sand.u32 $0x4000, s31;
	s1 =	sadd.s32 s1, s30  }
0xbb: {  	s0 =	sor.u32 s3, s0;
	s1 =	sshll.u32 s1, $0x11  }
0xbc: {  	s0 =	sor.u32 s1, s0  }
0xbd: {  	s0 =	sadd.s32 $0x8F2B, s0  }
0xbe: {  	[sflag:s0] =	ssyncadd.remote.s32 $0x1  }
0xbf: {  	_ =	sfence.sel $0xFFFF  }
0xc0: {  	[dreg:$0x0] =	wrdreg $0xFFFFFFFF;
	(pc) =	sbr.abs _section_cstart, $3  }
0xc1: {  	[dreg:$0x1] =	wrdreg $0xFFFFFFFF  }
0xc2: {  	_ =	task.clear_ibuf [dreg:s8], $0x2FFFF;
	_ =	strace $0x9FFFFFFF  }
0xc3: {  	(tm) =	ssettm $0x7FFFFFFF  }
tec
execute0_lowered:
.L_overlay_start_1:
0x0: {  	(tag) =	ssettag $0x1  }
0x1: {  	s0 =	rddreg [dreg:$0x0]  }
0x2: {  	s1 =	rddreg [dreg:$0x1]  }
0x3: {  	s2 =	srdreg.scid;
	s3 =	stileid.u32;
	s5 =	simm.s32 $0x0  }
0x4: {  	s19 =	simm.s32 $0x1;
	s20 =	simm.s32 $0x200;
	s21 =	simm.s32 $0x400  }
0x5: {  	s22 =	simm.s32 $0x20000;
	s31 =	simm.s32 $0x4;
	s28 =	simm.s32 $0xB  }
0x6: {  	s29 =	simm.s32 $0x2;
	s30 =	simm.s32 $0x3;
	s2 =	sand.u32 $0x1, s2  }
0x7: {  	s3 =	sshll.u32 s3, $0xA;
	s4 =	sshll.u32 s2, $0x9;
	s2 =	ssub.s32 $0x2, s2  }
0x8: {  	[smem:$0x7FF] =	sst s5;
	s3 =	sor.u32 s4, s3;
	s23 =	sshrl.u32 s2, $0x1  }
0x9: {  	_ =	strace $0x80000047;
	s24 =	sshrl.u32 s3, $0x3;
	s2 =	ssub.s32 s2, s23  }
0xa: {  	s4 =	sadd.s32 s1, s3;
	s1 =	simm.s32 $0x6;
	s23 =	simm.s32 $0x7  }
0xb: {  	s3 =	simm.s32 $0x0;
	s0 =	sadd.s32 s0, s24;
	s25 =	sadd.s32 $0x40000, s4  }
0xc: {  	s26 =	sadd.s32 $0x80000, s4;
	s7 =	sadd.s32 $0xC0000, s4;
	s8 =	sadd.s32 $0xFC000, s4  }
0xd: {  	v0 =	vimm.f32 $0.0e+00;
	v1 =	vlaneseq.u32;
	v2 =	vimm.f32 $1.000000000e+00;
	s9 =	sadd.s32 $0x13C000, s4;
	s10 =	sadd.s32 $0x17C000, s4;
	s11 =	sadd.s32 $0x1BC000, s4  }
0xe: {  	v3 =	vor.u32 $0x10, v1;
	v4 =	vor.u32 $0x20, v1;
	v5 =	vor.u32 $0x30, v1;
	s12 =	sadd.s32 $0x80, s4;
	s13 =	sadd.s32 $0xFC080, s4;
	s14 =	sadd.s32 $0x100, s4  }
0xf: {  	v6 =	vor.u32 $0x40, v1;
	v7 =	vor.u32 $0x50, v1;
	v8 =	vor.u32 $0x60, v1;
	s15 =	sadd.s32 $0xFC100, s4;
	s16 =	sadd.s32 $0x180, s4;
	[dreg:$0x3] =	wrdreg s0  }
0x10: {  	v9 =	vor.u32 $0x70, v1;
	v10 =	vor.u32 $0xFFFF0400, v1;
	v11 =	vor.u32 $0xFFFF0410, v1;
	s17 =	sadd.s32 $0xFC180, s4;
	s18 =	smax.u32 s2, $0x1;
	[dreg:$0x4] =	wrdreg s25  }
0x11: {  	v12 =	vor.u32 $0xFFFF0420, v1;
	v13 =	vor.u32 $0xFFFF0430, v1;
	v14 =	vor.u32 $0xFFFF0440, v1;
	s24 =	simm.s32 $0x8;
	s2 =	simm.s32 $0xA;
	[dreg:$0x5] =	wrdreg s26  }
0x12: {  	v15 =	vor.u32 $0xFFFF0450, v1;
	v16 =	vor.u32 $0xFFFF0460, v1;
	v17 =	vor.u32 $0xFFFF0470, v1;
	s26 =	simm.s32 $0xFE00;
	s0 =	simm.s32 $0x5;
	s25 =	simm.s32 $0x9  }
.LBB2_1:
0x13: {  	s5 =	simm.s32 $0x0;
	s6 =	rddreg [dreg:$0x3]  }
0x14: {  	[tilespmem:s5], [sflag:$0x1] =	stream.linear.gather [hbm4b:s6+s5], $0x200, $0x38;
	[tilespmem:$0x1F600] =	vst v63  }
0x15: {  	s5 =	simm.s32 $0x0;
	s6 =	simm.s32 $0x200  }
.LBB2_2:
0x16: {  	p0 =	sne.s32 s6, $0xFE00;
	[tilespmem:s5+$0x270] =	vst v0  }
0x17: {  	[tilespmem:s5+$0x200] =	vst v0  }
0x18: {  	[tilespmem:s5+$0x210] =	vst v0  }
.Ltmp0:
0x19: {  	[tilespmem:s5+$0x220] =	vst v0;
	(pc) =	sbr.rel @p0 .LBB2_2-.Ltmp0, $4  }
0x1a: {  	[tilespmem:s5+$0x230] =	vst v0  }
0x1b: {  	[tilespmem:s5+$0x240] =	vst v0  }
0x1c: {  	[tilespmem:s5+$0x250] =	vst v0  }
0x1d: {  	[tilespmem:s5+$0x260] =	vst v0;
	s5 =	sshra.s32 s6, $0x2;
	s6 =	sadd.s32 $0x200, s6  }
0x1e: {  	[tilespmem:s5+$0x270] =	vst v0  }
0x1f: {  	[tilespmem:s5+$0x200] =	vst v0  }
0x20: {  	[tilespmem:s5+$0x210] =	vst v0  }
0x21: {  	[tilespmem:s5+$0x220] =	vst v0  }
0x22: {  	[tilespmem:s5+$0x230] =	vst v0  }
0x23: {  	[tilespmem:s5+$0x240] =	vst v0  }
0x24: {  	[tilespmem:s5+$0x250] =	vst v0  }
0x25: {  	[tilespmem:s5+$0x260] =	vst v0  }
0x26: {  	_ =	swait.ge [sflag:s19], $0x200  }
0x27: {  	[sflag:s19] =	ssyncset.done $0x0  }
0x28: {  	[sflag:s19] =	ssyncadd.s32 $0xFFFFFE00  }
0x29: {  	v18 =	vld [tilespmem:$0x0];
	_ =	sdelay $0x4  }
0x2a: {  	vm0 =	vlt.u32 v18, $0x80;
	v18 =	vshll.u32 v18, $0x7  }
0x2b: {  	v18 =	vor.u32 v1, v18;
	_ =	sdelay $0x4  }
0x2c: {  	[tilespmem:v18+s20+$0x0] =	vst.idx.msk vm0, v2  }
0x2d: {  	v18 =	vld [tilespmem:$0x10];
	_ =	sdelay $0x4  }
0x2e: {  	vm9 =	vlt.u32 v18, $0x80;
	v18 =	vshll.u32 v18, $0x7  }
0x2f: {  	v18 =	vor.u32 v3, v18;
	_ =	sdelay $0x4  }
0x30: {  	[tilespmem:v18+s20+$0x0] =	vst.idx.msk vm9, v2  }
0x31: {  	v18 =	vld [tilespmem:$0x20];
	_ =	sdelay $0x4  }
0x32: {  	vm10 =	vlt.u32 v18, $0x80;
	v18 =	vshll.u32 v18, $0x7  }
0x33: {  	v18 =	vor.u32 v4, v18;
	_ =	sdelay $0x4  }
0x34: {  	[tilespmem:v18+s20+$0x0] =	vst.idx.msk vm10, v2  }
0x35: {  	v18 =	vld [tilespmem:$0x30];
	_ =	sdelay $0x4  }
0x36: {  	vm11 =	vlt.u32 v18, $0x80;
	v18 =	vshll.u32 v18, $0x7  }
0x37: {  	v18 =	vor.u32 v5, v18;
	_ =	sdelay $0x4  }
0x38: {  	[tilespmem:v18+s20+$0x0] =	vst.idx.msk vm11, v2  }
0x39: {  	v18 =	vld [tilespmem:$0x40];
	_ =	sdelay $0x4  }
0x3a: {  	vm12 =	vlt.u32 v18, $0x80;
	v18 =	vshll.u32 v18, $0x7  }
0x3b: {  	v18 =	vor.u32 v6, v18;
	_ =	sdelay $0x4  }
0x3c: {  	[tilespmem:v18+s20+$0x0] =	vst.idx.msk vm12, v2  }
0x3d: {  	v18 =	vld [tilespmem:$0x50];
	_ =	sdelay $0x4  }
0x3e: {  	vm13 =	vlt.u32 v18, $0x80;
	v18 =	vshll.u32 v18, $0x7  }
0x3f: {  	v18 =	vor.u32 v7, v18;
	_ =	sdelay $0x4  }
0x40: {  	[tilespmem:v18+s20+$0x0] =	vst.idx.msk vm13, v2  }
0x41: {  	v18 =	vld [tilespmem:$0x60];
	_ =	sdelay $0x4  }
0x42: {  	vm14 =	vlt.u32 v18, $0x80;
	v18 =	vshll.u32 v18, $0x7  }
0x43: {  	v18 =	vor.u32 v8, v18;
	_ =	sdelay $0x4  }
0x44: {  	[tilespmem:v18+s20+$0x0] =	vst.idx.msk vm14, v2  }
0x45: {  	v18 =	vld [tilespmem:$0x70];
	_ =	sdelay $0x4  }
0x46: {  	vm15 =	vlt.u32 v18, $0x80;
	v18 =	vshll.u32 v18, $0x7  }
0x47: {  	v18 =	vor.u32 v9, v18;
	_ =	sdelay $0x4  }
0x48: {  	s5 =	simm.s32 $0x0;
	s6 =	simm.s32 $0x200;
	[tilespmem:v18+s20+$0x0] =	vst.idx.msk vm15, v2  }
0x49: {  	[hbm4b:s4+s21] =	stream.strided.scatter [tilespmem:s20], [sflag:$0x4], $0x4000, s22, s21, $0x38;
	[tilespmem:$0x1F600] =	vst v63  }
.LBB2_4:
0x4a: {  	p0 =	sne.s32 s6, $0xFE00;
	[tilespmem:s5+$0x4270] =	vst v0  }
0x4b: {  	[tilespmem:s5+$0x4200] =	vst v0  }
0x4c: {  	[tilespmem:s5+$0x4210] =	vst v0  }
.Ltmp1:
0x4d: {  	[tilespmem:s5+$0x4220] =	vst v0;
	(pc) =	sbr.rel @p0 .LBB2_4-.Ltmp1, $4  }
0x4e: {  	[tilespmem:s5+$0x4230] =	vst v0  }
0x4f: {  	[tilespmem:s5+$0x4240] =	vst v0  }
0x50: {  	[tilespmem:s5+$0x4250] =	vst v0  }
0x51: {  	[tilespmem:s5+$0x4260] =	vst v0;
	s5 =	sshra.s32 s6, $0x2;
	s6 =	sadd.s32 $0x200, s6  }
0x52: {  	[tilespmem:s5+$0x4270] =	vst v0  }
0x53: {  	[tilespmem:s5+$0x4200] =	vst v0  }
0x54: {  	[tilespmem:s5+$0x4210] =	vst v0  }
0x55: {  	[tilespmem:s5+$0x4220] =	vst v0  }
0x56: {  	[tilespmem:s5+$0x4230] =	vst v0  }
0x57: {  	[tilespmem:s5+$0x4240] =	vst v0  }
0x58: {  	[tilespmem:s5+$0x4250] =	vst v0  }
0x59: {  	[tilespmem:s5+$0x4260] =	vst v0  }
0x5a: {  	v18 =	vld [tilespmem:$0x0];
	_ =	sdelay $0x4  }
0x5b: {  	v19 =	vand.u32 $0xFFFFFF80, v18  }
0x5c: {  	v18 =	vshll.u32 v18, $0x7;
	vm0 =	veq.s32 v19, $0x80  }
0x5d: {  	v18 =	vor.u32 v1, v18;
	_ =	sdelay $0x4  }
0x5e: {  	[tilespmem:v18+s20+$0x0] =	vst.idx.msk vm0, v2  }
0x5f: {  	v18 =	vld [tilespmem:$0x10];
	_ =	sdelay $0x4  }
0x60: {  	v19 =	vand.u32 $0xFFFFFF80, v18  }
0x61: {  	v18 =	vshll.u32 v18, $0x7;
	vm9 =	veq.s32 v19, $0x80  }
0x62: {  	v18 =	vor.u32 v3, v18;
	_ =	sdelay $0x4  }
0x63: {  	[tilespmem:v18+s20+$0x0] =	vst.idx.msk vm9, v2  }
0x64: {  	v18 =	vld [tilespmem:$0x20];
	_ =	sdelay $0x4  }
0x65: {  	v19 =	vand.u32 $0xFFFFFF80, v18  }
0x66: {  	v18 =	vshll.u32 v18, $0x7;
	vm10 =	veq.s32 v19, $0x80  }
0x67: {  	v18 =	vor.u32 v4, v18;
	_ =	sdelay $0x4  }
0x68: {  	[tilespmem:v18+s20+$0x0] =	vst.idx.msk vm10, v2  }
0x69: {  	v18 =	vld [tilespmem:$0x30];
	_ =	sdelay $0x4  }
0x6a: {  	v19 =	vand.u32 $0xFFFFFF80, v18  }
0x6b: {  	v18 =	vshll.u32 v18, $0x7;
	vm11 =	veq.s32 v19, $0x80  }
0x6c: {  	v18 =	vor.u32 v5, v18;
	_ =	sdelay $0x4  }
0x6d: {  	[tilespmem:v18+s20+$0x0] =	vst.idx.msk vm11, v2  }
0x6e: {  	v18 =	vld [tilespmem:$0x40];
	_ =	sdelay $0x4  }
0x6f: {  	v19 =	vand.u32 $0xFFFFFF80, v18  }
0x70: {  	v18 =	vshll.u32 v18, $0x7;
	vm12 =	veq.s32 v19, $0x80  }
0x71: {  	v18 =	vor.u32 v6, v18;
	_ =	sdelay $0x4  }
0x72: {  	[tilespmem:v18+s20+$0x0] =	vst.idx.msk vm12, v2  }
0x73: {  	v18 =	vld [tilespmem:$0x50];
	_ =	sdelay $0x4  }
0x74: {  	v19 =	vand.u32 $0xFFFFFF80, v18  }
0x75: {  	v18 =	vshll.u32 v18, $0x7;
	vm13 =	veq.s32 v19, $0x80  }
0x76: {  	v18 =	vor.u32 v7, v18;
	_ =	sdelay $0x4  }
0x77: {  	[tilespmem:v18+s20+$0x0] =	vst.idx.msk vm13, v2  }
0x78: {  	v18 =	vld [tilespmem:$0x60];
	_ =	sdelay $0x4  }
0x79: {  	v19 =	vand.u32 $0xFFFFFF80, v18  }
0x7a: {  	v18 =	vshll.u32 v18, $0x7;
	vm14 =	veq.s32 v19, $0x80  }
0x7b: {  	v18 =	vor.u32 v8, v18;
	_ =	sdelay $0x4  }
0x7c: {  	[tilespmem:v18+s20+$0x0] =	vst.idx.msk vm14, v2  }
0x7d: {  	v18 =	vld [tilespmem:$0x70];
	_ =	sdelay $0x4  }
0x7e: {  	v19 =	vand.u32 $0xFFFFFF80, v18  }
0x7f: {  	v18 =	vshll.u32 v18, $0x7;
	vm15 =	veq.s32 v19, $0x80  }
0x80: {  	v18 =	vor.u32 v9, v18;
	_ =	sdelay $0x4  }
0x81: {  	s5 =	rddreg [dreg:$0x4];
	s6 =	simm.s32 $0x4200;
	[tilespmem:v18+s20+$0x0] =	vst.idx.msk vm15, v2  }
0x82: {  	[hbm4b:s5+s21] =	stream.strided.scatter [tilespmem:s6], [sflag:$0x5], $0x4000, s22, s21, $0x38;
	[tilespmem:$0x1F600] =	vst v63  }
0x83: {  	s5 =	simm.s32 $0x0;
	s6 =	simm.s32 $0x200  }
.LBB2_6:
0x84: {  	p0 =	sne.s32 s6, $0xFE00;
	[tilespmem:s5+$0x8270] =	vst v0  }
0x85: {  	[tilespmem:s5+$0x8200] =	vst v0  }
0x86: {  	[tilespmem:s5+$0x8210] =	vst v0  }
.Ltmp2:
0x87: {  	[tilespmem:s5+$0x8220] =	vst v0;
	(pc) =	sbr.rel @p0 .LBB2_6-.Ltmp2, $4  }
0x88: {  	[tilespmem:s5+$0x8230] =	vst v0  }
0x89: {  	[tilespmem:s5+$0x8240] =	vst v0  }
0x8a: {  	[tilespmem:s5+$0x8250] =	vst v0  }
0x8b: {  	[tilespmem:s5+$0x8260] =	vst v0;
	s5 =	sshra.s32 s6, $0x2;
	s6 =	sadd.s32 $0x200, s6  }
0x8c: {  	[tilespmem:s5+$0x8270] =	vst v0  }
0x8d: {  	[tilespmem:s5+$0x8200] =	vst v0  }
0x8e: {  	[tilespmem:s5+$0x8210] =	vst v0  }
0x8f: {  	[tilespmem:s5+$0x8220] =	vst v0  }
0x90: {  	[tilespmem:s5+$0x8230] =	vst v0  }
0x91: {  	[tilespmem:s5+$0x8240] =	vst v0  }
0x92: {  	[tilespmem:s5+$0x8250] =	vst v0  }
0x93: {  	[tilespmem:s5+$0x8260] =	vst v0  }
0x94: {  	v18 =	vld [tilespmem:$0x0];
	_ =	sdelay $0x4  }
0x95: {  	v19 =	vand.u32 $0xFFFFFF80, v18  }
0x96: {  	v18 =	vshll.u32 v18, $0x7;
	vm0 =	veq.s32 v19, $0x100  }
0x97: {  	v18 =	vor.u32 v1, v18;
	_ =	sdelay $0x4  }
0x98: {  	[tilespmem:v18+s20+$0x0] =	vst.idx.msk vm0, v2  }
0x99: {  	v18 =	vld [tilespmem:$0x10];
	_ =	sdelay $0x4  }
0x9a: {  	v19 =	vand.u32 $0xFFFFFF80, v18  }
0x9b: {  	v18 =	vshll.u32 v18, $0x7;
	vm9 =	veq.s32 v19, $0x100  }
0x9c: {  	v18 =	vor.u32 v3, v18;
	_ =	sdelay $0x4  }
0x9d: {  	[tilespmem:v18+s20+$0x0] =	vst.idx.msk vm9, v2  }
0x9e: {  	v18 =	vld [tilespmem:$0x20];
	_ =	sdelay $0x4  }
0x9f: {  	v19 =	vand.u32 $0xFFFFFF80, v18  }
0xa0: {  	v18 =	vshll.u32 v18, $0x7;
	vm10 =	veq.s32 v19, $0x100  }
0xa1: {  	v18 =	vor.u32 v4, v18;
	_ =	sdelay $0x4  }
0xa2: {  	[tilespmem:v18+s20+$0x0] =	vst.idx.msk vm10, v2  }
0xa3: {  	v18 =	vld [tilespmem:$0x30];
	_ =	sdelay $0x4  }
0xa4: {  	v19 =	vand.u32 $0xFFFFFF80, v18  }
0xa5: {  	v18 =	vshll.u32 v18, $0x7;
	vm11 =	veq.s32 v19, $0x100  }
0xa6: {  	v18 =	vor.u32 v5, v18;
	_ =	sdelay $0x4  }
0xa7: {  	[tilespmem:v18+s20+$0x0] =	vst.idx.msk vm11, v2  }
0xa8: {  	v18 =	vld [tilespmem:$0x40];
	_ =	sdelay $0x4  }
0xa9: {  	v19 =	vand.u32 $0xFFFFFF80, v18  }
0xaa: {  	v18 =	vshll.u32 v18, $0x7;
	vm12 =	veq.s32 v19, $0x100  }
0xab: {  	v18 =	vor.u32 v6, v18;
	_ =	sdelay $0x4  }
0xac: {  	[tilespmem:v18+s20+$0x0] =	vst.idx.msk vm12, v2  }
0xad: {  	v18 =	vld [tilespmem:$0x50];
	_ =	sdelay $0x4  }
0xae: {  	v19 =	vand.u32 $0xFFFFFF80, v18  }
0xaf: {  	v18 =	vshll.u32 v18, $0x7;
	vm13 =	veq.s32 v19, $0x100  }
0xb0: {  	v18 =	vor.u32 v7, v18;
	_ =	sdelay $0x4  }
0xb1: {  	[tilespmem:v18+s20+$0x0] =	vst.idx.msk vm13, v2  }
0xb2: {  	v18 =	vld [tilespmem:$0x60];
	_ =	sdelay $0x4  }
0xb3: {  	v19 =	vand.u32 $0xFFFFFF80, v18  }
0xb4: {  	v18 =	vshll.u32 v18, $0x7;
	vm14 =	veq.s32 v19, $0x100  }
0xb5: {  	v18 =	vor.u32 v8, v18;
	_ =	sdelay $0x4  }
0xb6: {  	[tilespmem:v18+s20+$0x0] =	vst.idx.msk vm14, v2  }
0xb7: {  	v18 =	vld [tilespmem:$0x70];
	_ =	sdelay $0x4  }
0xb8: {  	v19 =	vand.u32 $0xFFFFFF80, v18  }
0xb9: {  	v18 =	vshll.u32 v18, $0x7;
	vm15 =	veq.s32 v19, $0x100  }
0xba: {  	v18 =	vor.u32 v9, v18;
	_ =	sdelay $0x4  }
0xbb: {  	s5 =	rddreg [dreg:$0x5];
	s6 =	simm.s32 $0x8200;
	[tilespmem:v18+s20+$0x0] =	vst.idx.msk vm15, v2  }
0xbc: {  	[hbm4b:s5+s21] =	stream.strided.scatter [tilespmem:s6], [sflag:$0x6], $0x4000, s22, s21, $0x38;
	[tilespmem:$0x1F600] =	vst v63  }
0xbd: {  	s5 =	simm.s32 $0x0;
	s6 =	simm.s32 $0x200  }
.LBB2_8:
0xbe: {  	p0 =	sne.s32 s6, $0xEE00;
	[tilespmem:s5+$0xC270] =	vst v0  }
0xbf: {  	[tilespmem:s5+$0xC200] =	vst v0  }
0xc0: {  	[tilespmem:s5+$0xC210] =	vst v0  }
.Ltmp3:
0xc1: {  	[tilespmem:s5+$0xC220] =	vst v0;
	(pc) =	sbr.rel @p0 .LBB2_8-.Ltmp3, $4  }
0xc2: {  	[tilespmem:s5+$0xC230] =	vst v0  }
0xc3: {  	[tilespmem:s5+$0xC240] =	vst v0  }
0xc4: {  	[tilespmem:s5+$0xC250] =	vst v0  }
0xc5: {  	[tilespmem:s5+$0xC260] =	vst v0;
	s5 =	sshra.s32 s6, $0x2;
	s6 =	sadd.s32 $0x200, s6  }
0xc6: {  	[tilespmem:s5+$0xC270] =	vst v0  }
0xc7: {  	[tilespmem:s5+$0xC200] =	vst v0  }
0xc8: {  	[tilespmem:s5+$0xC210] =	vst v0  }
0xc9: {  	[tilespmem:s5+$0xC220] =	vst v0  }
0xca: {  	[tilespmem:s5+$0xC230] =	vst v0  }
0xcb: {  	[tilespmem:s5+$0xC240] =	vst v0  }
0xcc: {  	[tilespmem:s5+$0xC250] =	vst v0  }
0xcd: {  	[tilespmem:s5+$0xC260] =	vst v0  }
0xce: {  	v18 =	vld [tilespmem:$0x0];
	_ =	sdelay $0x4  }
0xcf: {  	v19 =	vadd.s32 $0xFFFFFE80, v18  }
0xd0: {  	v18 =	vshll.u32 v18, $0x7;
	vm0 =	vlt.u32 v19, $0x78  }
0xd1: {  	v18 =	vor.u32 v1, v18;
	_ =	sdelay $0x4  }
0xd2: {  	[tilespmem:v18+s20+$0x0] =	vst.idx.msk vm0, v2  }
0xd3: {  	v18 =	vld [tilespmem:$0x10];
	_ =	sdelay $0x4  }
0xd4: {  	v19 =	vadd.s32 $0xFFFFFE80, v18  }
0xd5: {  	v18 =	vshll.u32 v18, $0x7;
	vm9 =	vlt.u32 v19, $0x78  }
0xd6: {  	v18 =	vor.u32 v3, v18;
	_ =	sdelay $0x4  }
0xd7: {  	[tilespmem:v18+s20+$0x0] =	vst.idx.msk vm9, v2  }
0xd8: {  	v18 =	vld [tilespmem:$0x20];
	_ =	sdelay $0x4  }
0xd9: {  	v19 =	vadd.s32 $0xFFFFFE80, v18  }
0xda: {  	v18 =	vshll.u32 v18, $0x7;
	vm10 =	vlt.u32 v19, $0x78  }
0xdb: {  	v18 =	vor.u32 v4, v18;
	_ =	sdelay $0x4  }
0xdc: {  	[tilespmem:v18+s20+$0x0] =	vst.idx.msk vm10, v2  }
0xdd: {  	v18 =	vld [tilespmem:$0x30];
	_ =	sdelay $0x4  }
0xde: {  	v19 =	vadd.s32 $0xFFFFFE80, v18  }
0xdf: {  	v18 =	vshll.u32 v18, $0x7;
	vm11 =	vlt.u32 v19, $0x78  }
0xe0: {  	v18 =	vor.u32 v5, v18;
	_ =	sdelay $0x4  }
0xe1: {  	[tilespmem:v18+s20+$0x0] =	vst.idx.msk vm11, v2  }
0xe2: {  	v18 =	vld [tilespmem:$0x40];
	_ =	sdelay $0x4  }
0xe3: {  	v19 =	vadd.s32 $0xFFFFFE80, v18  }
0xe4: {  	v18 =	vshll.u32 v18, $0x7;
	vm12 =	vlt.u32 v19, $0x78  }
0xe5: {  	v18 =	vor.u32 v6, v18;
	_ =	sdelay $0x4  }
0xe6: {  	[tilespmem:v18+s20+$0x0] =	vst.idx.msk vm12, v2  }
0xe7: {  	v18 =	vld [tilespmem:$0x50];
	_ =	sdelay $0x4  }
0xe8: {  	v19 =	vadd.s32 $0xFFFFFE80, v18  }
0xe9: {  	v18 =	vshll.u32 v18, $0x7;
	vm13 =	vlt.u32 v19, $0x78  }
0xea: {  	v18 =	vor.u32 v7, v18;
	_ =	sdelay $0x4  }
0xeb: {  	[tilespmem:v18+s20+$0x0] =	vst.idx.msk vm13, v2  }
0xec: {  	v18 =	vld [tilespmem:$0x60];
	_ =	sdelay $0x4  }
0xed: {  	v19 =	vadd.s32 $0xFFFFFE80, v18  }
0xee: {  	v18 =	vshll.u32 v18, $0x7;
	vm14 =	vlt.u32 v19, $0x78  }
0xef: {  	v18 =	vor.u32 v8, v18;
	_ =	sdelay $0x4  }
0xf0: {  	[tilespmem:v18+s20+$0x0] =	vst.idx.msk vm14, v2  }
0xf1: {  	v18 =	vld [tilespmem:$0x70];
	_ =	sdelay $0x4  }
0xf2: {  	v19 =	vadd.s32 $0xFFFFFE80, v18  }
0xf3: {  	v18 =	vshll.u32 v18, $0x7;
	vm15 =	vlt.u32 v19, $0x78  }
0xf4: {  	v18 =	vor.u32 v9, v18;
	_ =	sdelay $0x4  }
0xf5: {  	s6 =	simm.s32 $0xC200;
	[tilespmem:v18+s20+$0x0] =	vst.idx.msk vm15, v2  }
0xf6: {  	[hbm4b:s7+s21] =	stream.strided.scatter [tilespmem:s6], [sflag:$0x7], $0x3C00, s22, s21, $0x38;
	[tilespmem:$0x1F600] =	vst v63  }
0xf7: {  	s5 =	simm.s32 $0x0;
	s6 =	simm.s32 $0x200  }
.LBB2_10:
0xf8: {  	p0 =	sne.s32 s6, $0xFE00;
	[tilespmem:s5+$0xFE70] =	vst v0  }
0xf9: {  	[tilespmem:s5+$0xFE00] =	vst v0  }
0xfa: {  	[tilespmem:s5+$0xFE10] =	vst v0  }
.Ltmp4:
0xfb: {  	[tilespmem:s5+$0xFE20] =	vst v0;
	(pc) =	sbr.rel @p0 .LBB2_10-.Ltmp4, $4  }
0xfc: {  	[tilespmem:s5+$0xFE30] =	vst v0  }
0xfd: {  	[tilespmem:s5+$0xFE40] =	vst v0  }
0xfe: {  	[tilespmem:s5+$0xFE50] =	vst v0  }
0xff: {  	[tilespmem:s5+$0xFE60] =	vst v0;
	s5 =	sshra.s32 s6, $0x2;
	s6 =	sadd.s32 $0x200, s6  }
0x100: {  	[tilespmem:s5+$0xFE70] =	vst v0  }
0x101: {  	[tilespmem:s5+$0xFE00] =	vst v0  }
0x102: {  	[tilespmem:s5+$0xFE10] =	vst v0  }
0x103: {  	[tilespmem:s5+$0xFE20] =	vst v0  }
0x104: {  	[tilespmem:s5+$0xFE30] =	vst v0  }
0x105: {  	[tilespmem:s5+$0xFE40] =	vst v0  }
0x106: {  	[tilespmem:s5+$0xFE50] =	vst v0  }
0x107: {  	[tilespmem:s5+$0xFE60] =	vst v0  }
0x108: {  	v18 =	vld [tilespmem:$0x0];
	_ =	sdelay $0x4  }
0x109: {  	v19 =	vadd.s32 $0xFFFFFE08, v18  }
0x10a: {  	v18 =	vshll.u32 v18, $0x7;
	vm0 =	vlt.u32 v19, $0x80  }
0x10b: {  	v18 =	vadd.s32 v10, v18;
	_ =	sdelay $0x4  }
0x10c: {  	[tilespmem:v18+s26+$0x0] =	vst.idx.msk vm0, v2  }
0x10d: {  	v18 =	vld [tilespmem:$0x10];
	_ =	sdelay $0x4  }
0x10e: {  	v19 =	vadd.s32 $0xFFFFFE08, v18  }
0x10f: {  	v18 =	vshll.u32 v18, $0x7;
	vm9 =	vlt.u32 v19, $0x80  }
0x110: {  	v18 =	vadd.s32 v11, v18;
	_ =	sdelay $0x4  }
0x111: {  	[tilespmem:v18+s26+$0x0] =	vst.idx.msk vm9, v2  }
0x112: {  	v18 =	vld [tilespmem:$0x20];
	_ =	sdelay $0x4  }
0x113: {  	v19 =	vadd.s32 $0xFFFFFE08, v18  }
0x114: {  	v18 =	vshll.u32 v18, $0x7;
	vm10 =	vlt.u32 v19, $0x80  }
0x115: {  	v18 =	vadd.s32 v12, v18;
	_ =	sdelay $0x4  }
0x116: {  	[tilespmem:v18+s26+$0x0] =	vst.idx.msk vm10, v2  }
0x117: {  	v18 =	vld [tilespmem:$0x30];
	_ =	sdelay $0x4  }
0x118: {  	v19 =	vadd.s32 $0xFFFFFE08, v18  }
0x119: {  	v18 =	vshll.u32 v18, $0x7;
	vm11 =	vlt.u32 v19, $0x80  }
0x11a: {  	v18 =	vadd.s32 v13, v18;
	_ =	sdelay $0x4  }
0x11b: {  	[tilespmem:v18+s26+$0x0] =	vst.idx.msk vm11, v2  }
0x11c: {  	v18 =	vld [tilespmem:$0x40];
	_ =	sdelay $0x4  }
0x11d: {  	v19 =	vadd.s32 $0xFFFFFE08, v18  }
0x11e: {  	v18 =	vshll.u32 v18, $0x7;
	vm12 =	vlt.u32 v19, $0x80  }
0x11f: {  	v18 =	vadd.s32 v14, v18;
	_ =	sdelay $0x4  }
0x120: {  	[tilespmem:v18+s26+$0x0] =	vst.idx.msk vm12, v2  }
0x121: {  	v18 =	vld [tilespmem:$0x50];
	_ =	sdelay $0x4  }
0x122: {  	v19 =	vadd.s32 $0xFFFFFE08, v18  }
0x123: {  	v18 =	vshll.u32 v18, $0x7;
	vm13 =	vlt.u32 v19, $0x80  }
0x124: {  	v18 =	vadd.s32 v15, v18;
	_ =	sdelay $0x4  }
0x125: {  	[tilespmem:v18+s26+$0x0] =	vst.idx.msk vm13, v2  }
0x126: {  	v18 =	vld [tilespmem:$0x60];
	_ =	sdelay $0x4  }
0x127: {  	v19 =	vadd.s32 $0xFFFFFE08, v18  }
0x128: {  	v18 =	vshll.u32 v18, $0x7;
	vm14 =	vlt.u32 v19, $0x80  }
0x129: {  	v18 =	vadd.s32 v16, v18;
	_ =	sdelay $0x4  }
0x12a: {  	[tilespmem:v18+s26+$0x0] =	vst.idx.msk vm14, v2  }
0x12b: {  	v18 =	vld [tilespmem:$0x70];
	_ =	sdelay $0x4  }
0x12c: {  	v19 =	vadd.s32 $0xFFFFFE08, v18  }
0x12d: {  	v18 =	vshll.u32 v18, $0x7;
	vm15 =	vlt.u32 v19, $0x80  }
0x12e: {  	v18 =	vadd.s32 v17, v18;
	_ =	sdelay $0x4  }
0x12f: {  	s5 =	simm.s32 $0x0;
	s6 =	simm.s32 $0x200;
	[tilespmem:v18+s26+$0x0] =	vst.idx.msk vm15, v2  }
0x130: {  	[hbm4b:s8+s21] =	stream.strided.scatter [tilespmem:s26], [sflag:$0x8], $0x4000, s22, s21, $0x38;
	[tilespmem:$0x1F600] =	vst v63  }
.LBB2_12:
0x131: {  	p0 =	sne.s32 s6, $0xFE00;
	[tilespmem:s5+$0x13E70] =	vst v0  }
0x132: {  	[tilespmem:s5+$0x13E00] =	vst v0  }
0x133: {  	[tilespmem:s5+$0x13E10] =	vst v0  }
.Ltmp5:
0x134: {  	[tilespmem:s5+$0x13E20] =	vst v0;
	(pc) =	sbr.rel @p0 .LBB2_12-.Ltmp5, $4  }
0x135: {  	[tilespmem:s5+$0x13E30] =	vst v0  }
0x136: {  	[tilespmem:s5+$0x13E40] =	vst v0  }
0x137: {  	[tilespmem:s5+$0x13E50] =	vst v0  }
0x138: {  	[tilespmem:s5+$0x13E60] =	vst v0;
	s5 =	sshra.s32 s6, $0x2;
	s6 =	sadd.s32 $0x200, s6  }
0x139: {  	[tilespmem:s5+$0x13E70] =	vst v0  }
0x13a: {  	[tilespmem:s5+$0x13E00] =	vst v0  }
0x13b: {  	[tilespmem:s5+$0x13E10] =	vst v0  }
0x13c: {  	[tilespmem:s5+$0x13E20] =	vst v0  }
0x13d: {  	[tilespmem:s5+$0x13E30] =	vst v0  }
0x13e: {  	[tilespmem:s5+$0x13E40] =	vst v0  }
0x13f: {  	[tilespmem:s5+$0x13E50] =	vst v0  }
0x140: {  	[tilespmem:s5+$0x13E60] =	vst v0  }
0x141: {  	v18 =	vld [tilespmem:$0x0];
	_ =	sdelay $0x4  }
0x142: {  	v19 =	vadd.s32 $0xFFFFFD88, v18  }
0x143: {  	v18 =	vshll.u32 v18, $0x7;
	vm0 =	vlt.u32 v19, $0x80  }
0x144: {  	v18 =	vadd.s32 v10, v18;
	_ =	sdelay $0x4  }
0x145: {  	[tilespmem:v18+s26+$0x0] =	vst.idx.msk vm0, v2  }
0x146: {  	v18 =	vld [tilespmem:$0x10];
	_ =	sdelay $0x4  }
0x147: {  	v19 =	vadd.s32 $0xFFFFFD88, v18  }
0x148: {  	v18 =	vshll.u32 v18, $0x7;
	vm9 =	vlt.u32 v19, $0x80  }
0x149: {  	v18 =	vadd.s32 v11, v18;
	_ =	sdelay $0x4  }
0x14a: {  	[tilespmem:v18+s26+$0x0] =	vst.idx.msk vm9, v2  }
0x14b: {  	v18 =	vld [tilespmem:$0x20];
	_ =	sdelay $0x4  }
0x14c: {  	v19 =	vadd.s32 $0xFFFFFD88, v18  }
0x14d: {  	v18 =	vshll.u32 v18, $0x7;
	vm10 =	vlt.u32 v19, $0x80  }
0x14e: {  	v18 =	vadd.s32 v12, v18;
	_ =	sdelay $0x4  }
0x14f: {  	[tilespmem:v18+s26+$0x0] =	vst.idx.msk vm10, v2  }
0x150: {  	v18 =	vld [tilespmem:$0x30];
	_ =	sdelay $0x4  }
0x151: {  	v19 =	vadd.s32 $0xFFFFFD88, v18  }
0x152: {  	v18 =	vshll.u32 v18, $0x7;
	vm11 =	vlt.u32 v19, $0x80  }
0x153: {  	v18 =	vadd.s32 v13, v18;
	_ =	sdelay $0x4  }
0x154: {  	[tilespmem:v18+s26+$0x0] =	vst.idx.msk vm11, v2  }
0x155: {  	v18 =	vld [tilespmem:$0x40];
	_ =	sdelay $0x4  }
0x156: {  	v19 =	vadd.s32 $0xFFFFFD88, v18  }
0x157: {  	v18 =	vshll.u32 v18, $0x7;
	vm12 =	vlt.u32 v19, $0x80  }
0x158: {  	v18 =	vadd.s32 v14, v18;
	_ =	sdelay $0x4  }
0x159: {  	[tilespmem:v18+s26+$0x0] =	vst.idx.msk vm12, v2  }
0x15a: {  	v18 =	vld [tilespmem:$0x50];
	_ =	sdelay $0x4  }
0x15b: {  	v19 =	vadd.s32 $0xFFFFFD88, v18  }
0x15c: {  	v18 =	vshll.u32 v18, $0x7;
	vm13 =	vlt.u32 v19, $0x80  }
0x15d: {  	v18 =	vadd.s32 v15, v18;
	_ =	sdelay $0x4  }
0x15e: {  	[tilespmem:v18+s26+$0x0] =	vst.idx.msk vm13, v2  }
0x15f: {  	v18 =	vld [tilespmem:$0x60];
	_ =	sdelay $0x4  }
0x160: {  	v19 =	vadd.s32 $0xFFFFFD88, v18  }
0x161: {  	v18 =	vshll.u32 v18, $0x7;
	vm14 =	vlt.u32 v19, $0x80  }
0x162: {  	v18 =	vadd.s32 v16, v18;
	_ =	sdelay $0x4  }
0x163: {  	[tilespmem:v18+s26+$0x0] =	vst.idx.msk vm14, v2  }
0x164: {  	v18 =	vld [tilespmem:$0x70];
	_ =	sdelay $0x4  }
0x165: {  	v19 =	vadd.s32 $0xFFFFFD88, v18  }
0x166: {  	v18 =	vshll.u32 v18, $0x7;
	vm15 =	vlt.u32 v19, $0x80  }
0x167: {  	v18 =	vadd.s32 v17, v18;
	_ =	sdelay $0x4  }
0x168: {  	s6 =	simm.s32 $0x13E00;
	[tilespmem:v18+s26+$0x0] =	vst.idx.msk vm15, v2  }
0x169: {  	[hbm4b:s9+s21] =	stream.strided.scatter [tilespmem:s6], [sflag:$0x9], $0x4000, s22, s21, $0x38;
	[tilespmem:$0x1F600] =	vst v63  }
0x16a: {  	s5 =	simm.s32 $0x0;
	s6 =	simm.s32 $0x200  }
.LBB2_14:
0x16b: {  	p0 =	sne.s32 s6, $0xFE00;
	[tilespmem:s5+$0x17E70] =	vst v0  }
0x16c: {  	[tilespmem:s5+$0x17E00] =	vst v0  }
0x16d: {  	[tilespmem:s5+$0x17E10] =	vst v0  }
.Ltmp6:
0x16e: {  	[tilespmem:s5+$0x17E20] =	vst v0;
	(pc) =	sbr.rel @p0 .LBB2_14-.Ltmp6, $4  }
0x16f: {  	[tilespmem:s5+$0x17E30] =	vst v0  }
0x170: {  	[tilespmem:s5+$0x17E40] =	vst v0  }
0x171: {  	[tilespmem:s5+$0x17E50] =	vst v0  }
0x172: {  	[tilespmem:s5+$0x17E60] =	vst v0;
	s5 =	sshra.s32 s6, $0x2;
	s6 =	sadd.s32 $0x200, s6  }
0x173: {  	[tilespmem:s5+$0x17E70] =	vst v0  }
0x174: {  	[tilespmem:s5+$0x17E00] =	vst v0  }
0x175: {  	[tilespmem:s5+$0x17E10] =	vst v0  }
0x176: {  	[tilespmem:s5+$0x17E20] =	vst v0  }
0x177: {  	[tilespmem:s5+$0x17E30] =	vst v0  }
0x178: {  	[tilespmem:s5+$0x17E40] =	vst v0  }
0x179: {  	[tilespmem:s5+$0x17E50] =	vst v0  }
0x17a: {  	[tilespmem:s5+$0x17E60] =	vst v0  }
0x17b: {  	v18 =	vld [tilespmem:$0x0];
	_ =	sdelay $0x4  }
0x17c: {  	v19 =	vadd.s32 $0xFFFFFD08, v18  }
0x17d: {  	v18 =	vshll.u32 v18, $0x7;
	vm0 =	vlt.u32 v19, $0x80  }
0x17e: {  	v18 =	vadd.s32 v10, v18;
	_ =	sdelay $0x4  }
0x17f: {  	[tilespmem:v18+s26+$0x0] =	vst.idx.msk vm0, v2  }
0x180: {  	v18 =	vld [tilespmem:$0x10];
	_ =	sdelay $0x4  }
0x181: {  	v19 =	vadd.s32 $0xFFFFFD08, v18  }
0x182: {  	v18 =	vshll.u32 v18, $0x7;
	vm9 =	vlt.u32 v19, $0x80  }
0x183: {  	v18 =	vadd.s32 v11, v18;
	_ =	sdelay $0x4  }
0x184: {  	[tilespmem:v18+s26+$0x0] =	vst.idx.msk vm9, v2  }
0x185: {  	v18 =	vld [tilespmem:$0x20];
	_ =	sdelay $0x4  }
0x186: {  	v19 =	vadd.s32 $0xFFFFFD08, v18  }
0x187: {  	v18 =	vshll.u32 v18, $0x7;
	vm10 =	vlt.u32 v19, $0x80  }
0x188: {  	v18 =	vadd.s32 v12, v18;
	_ =	sdelay $0x4  }
0x189: {  	[tilespmem:v18+s26+$0x0] =	vst.idx.msk vm10, v2  }
0x18a: {  	v18 =	vld [tilespmem:$0x30];
	_ =	sdelay $0x4  }
0x18b: {  	v19 =	vadd.s32 $0xFFFFFD08, v18  }
0x18c: {  	v18 =	vshll.u32 v18, $0x7;
	vm11 =	vlt.u32 v19, $0x80  }
0x18d: {  	v18 =	vadd.s32 v13, v18;
	_ =	sdelay $0x4  }
0x18e: {  	[tilespmem:v18+s26+$0x0] =	vst.idx.msk vm11, v2  }
0x18f: {  	v18 =	vld [tilespmem:$0x40];
	_ =	sdelay $0x4  }
0x190: {  	v19 =	vadd.s32 $0xFFFFFD08, v18  }
0x191: {  	v18 =	vshll.u32 v18, $0x7;
	vm12 =	vlt.u32 v19, $0x80  }
0x192: {  	v18 =	vadd.s32 v14, v18;
	_ =	sdelay $0x4  }
0x193: {  	[tilespmem:v18+s26+$0x0] =	vst.idx.msk vm12, v2  }
0x194: {  	v18 =	vld [tilespmem:$0x50];
	_ =	sdelay $0x4  }
0x195: {  	v19 =	vadd.s32 $0xFFFFFD08, v18  }
0x196: {  	v18 =	vshll.u32 v18, $0x7;
	vm13 =	vlt.u32 v19, $0x80  }
0x197: {  	v18 =	vadd.s32 v15, v18;
	_ =	sdelay $0x4  }
0x198: {  	[tilespmem:v18+s26+$0x0] =	vst.idx.msk vm13, v2  }
0x199: {  	v18 =	vld [tilespmem:$0x60];
	_ =	sdelay $0x4  }
0x19a: {  	v19 =	vadd.s32 $0xFFFFFD08, v18  }
0x19b: {  	v18 =	vshll.u32 v18, $0x7;
	vm14 =	vlt.u32 v19, $0x80  }
0x19c: {  	v18 =	vadd.s32 v16, v18;
	_ =	sdelay $0x4  }
0x19d: {  	[tilespmem:v18+s26+$0x0] =	vst.idx.msk vm14, v2  }
0x19e: {  	v18 =	vld [tilespmem:$0x70];
	_ =	sdelay $0x4  }
0x19f: {  	v19 =	vadd.s32 $0xFFFFFD08, v18  }
0x1a0: {  	v18 =	vshll.u32 v18, $0x7;
	vm15 =	vlt.u32 v19, $0x80  }
0x1a1: {  	v18 =	vadd.s32 v17, v18;
	_ =	sdelay $0x4  }
0x1a2: {  	s6 =	simm.s32 $0x17E00;
	[tilespmem:v18+s26+$0x0] =	vst.idx.msk vm15, v2  }
0x1a3: {  	[hbm4b:s10+s21] =	stream.strided.scatter [tilespmem:s6], [sflag:$0xA], $0x4000, s22, s21, $0x38;
	[tilespmem:$0x1F600] =	vst v63  }
0x1a4: {  	s5 =	simm.s32 $0x0;
	s6 =	simm.s32 $0x200  }
.LBB2_16:
0x1a5: {  	p0 =	sne.s32 s6, $0xDE00;
	[tilespmem:s5+$0x1BE70] =	vst v0  }
0x1a6: {  	[tilespmem:s5+$0x1BE00] =	vst v0  }
0x1a7: {  	[tilespmem:s5+$0x1BE10] =	vst v0  }
.Ltmp7:
0x1a8: {  	[tilespmem:s5+$0x1BE20] =	vst v0;
	(pc) =	sbr.rel @p0 .LBB2_16-.Ltmp7, $4  }
0x1a9: {  	[tilespmem:s5+$0x1BE30] =	vst v0  }
0x1aa: {  	[tilespmem:s5+$0x1BE40] =	vst v0  }
0x1ab: {  	[tilespmem:s5+$0x1BE50] =	vst v0  }
0x1ac: {  	[tilespmem:s5+$0x1BE60] =	vst v0;
	s5 =	sshra.s32 s6, $0x2;
	s6 =	sadd.s32 $0x200, s6  }
0x1ad: {  	[tilespmem:s5+$0x1BE70] =	vst v0  }
0x1ae: {  	[tilespmem:s5+$0x1BE00] =	vst v0  }
0x1af: {  	[tilespmem:s5+$0x1BE10] =	vst v0  }
0x1b0: {  	[tilespmem:s5+$0x1BE20] =	vst v0  }
0x1b1: {  	[tilespmem:s5+$0x1BE30] =	vst v0  }
0x1b2: {  	[tilespmem:s5+$0x1BE40] =	vst v0  }
0x1b3: {  	[tilespmem:s5+$0x1BE50] =	vst v0  }
0x1b4: {  	[tilespmem:s5+$0x1BE60] =	vst v0  }
0x1b5: {  	v18 =	vld [tilespmem:$0x0];
	_ =	sdelay $0x4  }
0x1b6: {  	v19 =	vadd.s32 $0xFFFFFC88, v18  }
0x1b7: {  	v18 =	vshll.u32 v18, $0x7;
	vm0 =	vlt.u32 v19, $0x70  }
0x1b8: {  	v18 =	vadd.s32 v10, v18;
	_ =	sdelay $0x4  }
0x1b9: {  	[tilespmem:v18+s26+$0x0] =	vst.idx.msk vm0, v2  }
0x1ba: {  	v18 =	vld [tilespmem:$0x10];
	_ =	sdelay $0x4  }
0x1bb: {  	v19 =	vadd.s32 $0xFFFFFC88, v18  }
0x1bc: {  	v18 =	vshll.u32 v18, $0x7;
	vm9 =	vlt.u32 v19, $0x70  }
0x1bd: {  	v18 =	vadd.s32 v11, v18;
	_ =	sdelay $0x4  }
0x1be: {  	[tilespmem:v18+s26+$0x0] =	vst.idx.msk vm9, v2  }
0x1bf: {  	v18 =	vld [tilespmem:$0x20];
	_ =	sdelay $0x4  }
0x1c0: {  	v19 =	vadd.s32 $0xFFFFFC88, v18  }
0x1c1: {  	v18 =	vshll.u32 v18, $0x7;
	vm10 =	vlt.u32 v19, $0x70  }
0x1c2: {  	v18 =	vadd.s32 v12, v18;
	_ =	sdelay $0x4  }
0x1c3: {  	[tilespmem:v18+s26+$0x0] =	vst.idx.msk vm10, v2  }
0x1c4: {  	v18 =	vld [tilespmem:$0x30];
	_ =	sdelay $0x4  }
0x1c5: {  	v19 =	vadd.s32 $0xFFFFFC88, v18  }
0x1c6: {  	v18 =	vshll.u32 v18, $0x7;
	vm11 =	vlt.u32 v19, $0x70  }
0x1c7: {  	v18 =	vadd.s32 v13, v18;
	_ =	sdelay $0x4  }
0x1c8: {  	[tilespmem:v18+s26+$0x0] =	vst.idx.msk vm11, v2  }
0x1c9: {  	v18 =	vld [tilespmem:$0x40];
	_ =	sdelay $0x4  }
0x1ca: {  	v19 =	vadd.s32 $0xFFFFFC88, v18  }
0x1cb: {  	v18 =	vshll.u32 v18, $0x7;
	vm12 =	vlt.u32 v19, $0x70  }
0x1cc: {  	v18 =	vadd.s32 v14, v18;
	_ =	sdelay $0x4  }
0x1cd: {  	[tilespmem:v18+s26+$0x0] =	vst.idx.msk vm12, v2  }
0x1ce: {  	v18 =	vld [tilespmem:$0x50];
	_ =	sdelay $0x4  }
0x1cf: {  	v19 =	vadd.s32 $0xFFFFFC88, v18  }
0x1d0: {  	v18 =	vshll.u32 v18, $0x7;
	vm13 =	vlt.u32 v19, $0x70  }
0x1d1: {  	v18 =	vadd.s32 v15, v18;
	_ =	sdelay $0x4  }
0x1d2: {  	[tilespmem:v18+s26+$0x0] =	vst.idx.msk vm13, v2  }
0x1d3: {  	v18 =	vld [tilespmem:$0x60];
	_ =	sdelay $0x4  }
0x1d4: {  	v19 =	vadd.s32 $0xFFFFFC88, v18  }
0x1d5: {  	v18 =	vshll.u32 v18, $0x7;
	vm14 =	vlt.u32 v19, $0x70  }
0x1d6: {  	v18 =	vadd.s32 v16, v18;
	_ =	sdelay $0x4  }
0x1d7: {  	[tilespmem:v18+s26+$0x0] =	vst.idx.msk vm14, v2  }
0x1d8: {  	v18 =	vld [tilespmem:$0x70];
	_ =	sdelay $0x4  }
0x1d9: {  	v19 =	vadd.s32 $0xFFFFFC88, v18  }
0x1da: {  	v18 =	vshll.u32 v18, $0x7;
	vm15 =	vlt.u32 v19, $0x70  }
0x1db: {  	v18 =	vadd.s32 v17, v18;
	_ =	sdelay $0x4  }
0x1dc: {  	s6 =	simm.s32 $0x1BE00;
	[tilespmem:v18+s26+$0x0] =	vst.idx.msk vm15, v2  }
0x1dd: {  	[hbm4b:s11+s21] =	stream.strided.scatter [tilespmem:s6], [sflag:$0xB], $0x3800, s22, s21, $0x38;
	[tilespmem:$0x1F600] =	vst v63  }
0x1de: {  	_ =	swait.ge [sflag:s31], $0x4000  }
0x1df: {  	[sflag:s31] =	ssyncset.done $0x0  }
0x1e0: {  	[sflag:s31] =	ssyncadd.s32 $0xFFFFC000  }
0x1e1: {  	_ =	swait.ge [sflag:s0], $0x4000  }
0x1e2: {  	[sflag:s0] =	ssyncset.done $0x0  }
0x1e3: {  	[sflag:s0] =	ssyncadd.s32 $0xFFFFC000  }
0x1e4: {  	_ =	swait.ge [sflag:s1], $0x4000  }
0x1e5: {  	[sflag:s1] =	ssyncset.done $0x0  }
0x1e6: {  	[sflag:s1] =	ssyncadd.s32 $0xFFFFC000  }
0x1e7: {  	_ =	swait.ge [sflag:s23], $0x3C00  }
0x1e8: {  	[sflag:s23] =	ssyncset.done $0x0  }
0x1e9: {  	[sflag:s23] =	ssyncadd.s32 $0xFFFFC400  }
0x1ea: {  	v18 =	vld [tilespmem:$0x0];
	_ =	sdelay $0x4  }
0x1eb: {  	vm4 =	vlt.s32 v18, $0x1F8;
	v18 =	vshll.u32 v18, $0x7  }
0x1ec: {  	v18 =	vor.u32 v1, v18;
	_ =	sdelay $0x4  }
0x1ed: {  	[tilespmem:v18+s20+$0x0] =	vst.idx.msk vm4, v0  }
0x1ee: {  	v18 =	vld [tilespmem:$0x10];
	_ =	sdelay $0x4  }
0x1ef: {  	vm5 =	vlt.s32 v18, $0x1F8;
	v18 =	vshll.u32 v18, $0x7  }
0x1f0: {  	v18 =	vor.u32 v3, v18;
	_ =	sdelay $0x4  }
0x1f1: {  	[tilespmem:v18+s20+$0x0] =	vst.idx.msk vm5, v0  }
0x1f2: {  	v18 =	vld [tilespmem:$0x20];
	_ =	sdelay $0x4  }
0x1f3: {  	vm6 =	vlt.s32 v18, $0x1F8;
	v18 =	vshll.u32 v18, $0x7  }
0x1f4: {  	v18 =	vor.u32 v4, v18;
	_ =	sdelay $0x4  }
0x1f5: {  	[tilespmem:v18+s20+$0x0] =	vst.idx.msk vm6, v0  }
0x1f6: {  	v18 =	vld [tilespmem:$0x30];
	_ =	sdelay $0x4  }
0x1f7: {  	vm7 =	vlt.s32 v18, $0x1F8;
	v18 =	vshll.u32 v18, $0x7  }
0x1f8: {  	v18 =	vor.u32 v5, v18;
	_ =	sdelay $0x4  }
0x1f9: {  	[tilespmem:v18+s20+$0x0] =	vst.idx.msk vm7, v0  }
0x1fa: {  	v18 =	vld [tilespmem:$0x40];
	_ =	sdelay $0x4  }
0x1fb: {  	vm8 =	vlt.s32 v18, $0x1F8;
	v18 =	vshll.u32 v18, $0x7  }
0x1fc: {  	v18 =	vor.u32 v6, v18;
	_ =	sdelay $0x4  }
0x1fd: {  	[tilespmem:v18+s20+$0x0] =	vst.idx.msk vm8, v0  }
0x1fe: {  	v18 =	vld [tilespmem:$0x50];
	_ =	sdelay $0x4  }
0x1ff: {  	vm9 =	vlt.s32 v18, $0x1F8;
	v18 =	vshll.u32 v18, $0x7  }
0x200: {  	v18 =	vor.u32 v7, v18;
	_ =	sdelay $0x4  }
0x201: {  	[tilespmem:v18+s20+$0x0] =	vst.idx.msk vm9, v0  }
0x202: {  	v18 =	vld [tilespmem:$0x60];
	_ =	sdelay $0x4  }
0x203: {  	vm10 =	vlt.s32 v18, $0x1F8;
	v18 =	vshll.u32 v18, $0x7  }
0x204: {  	v18 =	vor.u32 v8, v18;
	_ =	sdelay $0x4  }
0x205: {  	[tilespmem:v18+s20+$0x0] =	vst.idx.msk vm10, v0  }
0x206: {  	v18 =	vld [tilespmem:$0x70];
	_ =	sdelay $0x4  }
0x207: {  	vm11 =	vlt.s32 v18, $0x1F8;
	v18 =	vshll.u32 v18, $0x7  }
0x208: {  	v18 =	vor.u32 v9, v18;
	_ =	sdelay $0x4  }
0x209: {  	[tilespmem:v18+s20+$0x0] =	vst.idx.msk vm11, v0  }
0x20a: {  	v18 =	vld [tilespmem:$0x80];
	_ =	sdelay $0x4  }
0x20b: {  	vm12 =	vlt.s32 v18, $0x1F8;
	v18 =	vshll.u32 v18, $0x7  }
0x20c: {  	v18 =	vor.u32 v1, v18;
	_ =	sdelay $0x4  }
0x20d: {  	[tilespmem:v18+s20+$0x0] =	vst.idx.msk vm12, v2  }
0x20e: {  	v18 =	vld [tilespmem:$0x90];
	_ =	sdelay $0x4  }
0x20f: {  	vm13 =	vlt.s32 v18, $0x1F8;
	v18 =	vshll.u32 v18, $0x7  }
0x210: {  	v18 =	vor.u32 v3, v18;
	_ =	sdelay $0x4  }
0x211: {  	[tilespmem:v18+s20+$0x0] =	vst.idx.msk vm13, v2  }
0x212: {  	v18 =	vld [tilespmem:$0xA0];
	_ =	sdelay $0x4  }
0x213: {  	vm14 =	vlt.s32 v18, $0x1F8;
	v18 =	vshll.u32 v18, $0x7  }
0x214: {  	v18 =	vor.u32 v4, v18;
	_ =	sdelay $0x4  }
0x215: {  	[tilespmem:v18+s20+$0x0] =	vst.idx.msk vm14, v2  }
0x216: {  	v18 =	vld [tilespmem:$0xB0];
	_ =	sdelay $0x4  }
0x217: {  	vm15 =	vlt.s32 v18, $0x1F8;
	v18 =	vshll.u32 v18, $0x7  }
0x218: {  	v18 =	vor.u32 v5, v18;
	_ =	sdelay $0x4  }
0x219: {  	[tilespmem:v18+s20+$0x0] =	vst.idx.msk vm15, v2  }
0x21a: {  	v18 =	vld [tilespmem:$0xC0];
	_ =	sdelay $0x4  }
0x21b: {  	vm4 =	vlt.s32 v18, $0x1F8;
	v18 =	vshll.u32 v18, $0x7  }
0x21c: {  	v18 =	vor.u32 v6, v18;
	_ =	sdelay $0x4  }
0x21d: {  	[tilespmem:v18+s20+$0x0] =	vst.idx.msk vm4, v2  }
0x21e: {  	v18 =	vld [tilespmem:$0xD0];
	_ =	sdelay $0x4  }
0x21f: {  	vm5 =	vlt.s32 v18, $0x1F8;
	v18 =	vshll.u32 v18, $0x7  }
0x220: {  	v18 =	vor.u32 v7, v18;
	_ =	sdelay $0x4  }
0x221: {  	[tilespmem:v18+s20+$0x0] =	vst.idx.msk vm5, v2  }
0x222: {  	v18 =	vld [tilespmem:$0xE0];
	_ =	sdelay $0x4  }
0x223: {  	vm6 =	vlt.s32 v18, $0x1F8;
	v18 =	vshll.u32 v18, $0x7  }
0x224: {  	v18 =	vor.u32 v8, v18;
	_ =	sdelay $0x4  }
0x225: {  	[tilespmem:v18+s20+$0x0] =	vst.idx.msk vm6, v2  }
0x226: {  	v18 =	vld [tilespmem:$0xF0];
	_ =	sdelay $0x4  }
0x227: {  	vm7 =	vlt.s32 v18, $0x1F8;
	v18 =	vshll.u32 v18, $0x7  }
0x228: {  	v18 =	vor.u32 v9, v18;
	_ =	sdelay $0x4  }
0x229: {  	[tilespmem:v18+s20+$0x0] =	vst.idx.msk vm7, v2  }
0x22a: {  	[hbm4b:s12+s21] =	stream.strided.scatter [tilespmem:s20], [sflag:$0x2], $0xFC00, s22, s21, $0x38;
	[tilespmem:$0x1F600] =	vst v63  }
0x22b: {  	_ =	swait.ge [sflag:s24], $0x4000  }
0x22c: {  	[sflag:s24] =	ssyncset.done $0x0  }
0x22d: {  	[sflag:s24] =	ssyncadd.s32 $0xFFFFC000  }
0x22e: {  	_ =	swait.ge [sflag:s25], $0x4000  }
0x22f: {  	[sflag:s25] =	ssyncset.done $0x0  }
0x230: {  	[sflag:s25] =	ssyncadd.s32 $0xFFFFC000  }
0x231: {  	_ =	swait.ge [sflag:s2], $0x4000  }
0x232: {  	[sflag:s2] =	ssyncset.done $0x0  }
0x233: {  	[sflag:s2] =	ssyncadd.s32 $0xFFFFC000  }
0x234: {  	_ =	swait.ge [sflag:s28], $0x3800  }
0x235: {  	[sflag:s28] =	ssyncset.done $0x0  }
0x236: {  	[sflag:s28] =	ssyncadd.s32 $0xFFFFC800  }
0x237: {  	v18 =	vld [tilespmem:$0x0];
	_ =	sdelay $0x4  }
0x238: {  	vm8 =	vgt.s32 v18, $0x1F7;
	v18 =	vshll.u32 v18, $0x7  }
0x239: {  	v18 =	vadd.s32 v10, v18;
	_ =	sdelay $0x4  }
0x23a: {  	[tilespmem:v18+s26+$0x0] =	vst.idx.msk vm8, v0  }
0x23b: {  	v18 =	vld [tilespmem:$0x10];
	_ =	sdelay $0x4  }
0x23c: {  	vm9 =	vgt.s32 v18, $0x1F7;
	v18 =	vshll.u32 v18, $0x7  }
0x23d: {  	v18 =	vadd.s32 v11, v18;
	_ =	sdelay $0x4  }
0x23e: {  	[tilespmem:v18+s26+$0x0] =	vst.idx.msk vm9, v0  }
0x23f: {  	v18 =	vld [tilespmem:$0x20];
	_ =	sdelay $0x4  }
0x240: {  	vm10 =	vgt.s32 v18, $0x1F7;
	v18 =	vshll.u32 v18, $0x7  }
0x241: {  	v18 =	vadd.s32 v12, v18;
	_ =	sdelay $0x4  }
0x242: {  	[tilespmem:v18+s26+$0x0] =	vst.idx.msk vm10, v0  }
0x243: {  	v18 =	vld [tilespmem:$0x30];
	_ =	sdelay $0x4  }
0x244: {  	vm11 =	vgt.s32 v18, $0x1F7;
	v18 =	vshll.u32 v18, $0x7  }
0x245: {  	v18 =	vadd.s32 v13, v18;
	_ =	sdelay $0x4  }
0x246: {  	[tilespmem:v18+s26+$0x0] =	vst.idx.msk vm11, v0  }
0x247: {  	v18 =	vld [tilespmem:$0x40];
	_ =	sdelay $0x4  }
0x248: {  	vm12 =	vgt.s32 v18, $0x1F7;
	v18 =	vshll.u32 v18, $0x7  }
0x249: {  	v18 =	vadd.s32 v14, v18;
	_ =	sdelay $0x4  }
0x24a: {  	[tilespmem:v18+s26+$0x0] =	vst.idx.msk vm12, v0  }
0x24b: {  	v18 =	vld [tilespmem:$0x50];
	_ =	sdelay $0x4  }
0x24c: {  	vm13 =	vgt.s32 v18, $0x1F7;
	v18 =	vshll.u32 v18, $0x7  }
0x24d: {  	v18 =	vadd.s32 v15, v18;
	_ =	sdelay $0x4  }
0x24e: {  	[tilespmem:v18+s26+$0x0] =	vst.idx.msk vm13, v0  }
0x24f: {  	v18 =	vld [tilespmem:$0x60];
	_ =	sdelay $0x4  }
0x250: {  	vm14 =	vgt.s32 v18, $0x1F7;
	v18 =	vshll.u32 v18, $0x7  }
0x251: {  	v18 =	vadd.s32 v16, v18;
	_ =	sdelay $0x4  }
0x252: {  	[tilespmem:v18+s26+$0x0] =	vst.idx.msk vm14, v0  }
0x253: {  	v18 =	vld [tilespmem:$0x70];
	_ =	sdelay $0x4  }
0x254: {  	vm15 =	vgt.s32 v18, $0x1F7;
	v18 =	vshll.u32 v18, $0x7  }
0x255: {  	v18 =	vadd.s32 v17, v18;
	_ =	sdelay $0x4  }
0x256: {  	[tilespmem:v18+s26+$0x0] =	vst.idx.msk vm15, v0  }
0x257: {  	v18 =	vld [tilespmem:$0x80];
	_ =	sdelay $0x4  }
0x258: {  	vm4 =	vgt.s32 v18, $0x1F7;
	v18 =	vshll.u32 v18, $0x7  }
0x259: {  	v18 =	vadd.s32 v10, v18;
	_ =	sdelay $0x4  }
0x25a: {  	[tilespmem:v18+s26+$0x0] =	vst.idx.msk vm4, v2  }
0x25b: {  	v18 =	vld [tilespmem:$0x90];
	_ =	sdelay $0x4  }
0x25c: {  	vm5 =	vgt.s32 v18, $0x1F7;
	v18 =	vshll.u32 v18, $0x7  }
0x25d: {  	v18 =	vadd.s32 v11, v18;
	_ =	sdelay $0x4  }
0x25e: {  	[tilespmem:v18+s26+$0x0] =	vst.idx.msk vm5, v2  }
0x25f: {  	v18 =	vld [tilespmem:$0xA0];
	_ =	sdelay $0x4  }
0x260: {  	vm6 =	vgt.s32 v18, $0x1F7;
	v18 =	vshll.u32 v18, $0x7  }
0x261: {  	v18 =	vadd.s32 v12, v18;
	_ =	sdelay $0x4  }
0x262: {  	[tilespmem:v18+s26+$0x0] =	vst.idx.msk vm6, v2  }
0x263: {  	v18 =	vld [tilespmem:$0xB0];
	_ =	sdelay $0x4  }
0x264: {  	vm7 =	vgt.s32 v18, $0x1F7;
	v18 =	vshll.u32 v18, $0x7  }
0x265: {  	v18 =	vadd.s32 v13, v18;
	_ =	sdelay $0x4  }
0x266: {  	[tilespmem:v18+s26+$0x0] =	vst.idx.msk vm7, v2  }
0x267: {  	v18 =	vld [tilespmem:$0xC0];
	_ =	sdelay $0x4  }
0x268: {  	vm8 =	vgt.s32 v18, $0x1F7;
	v18 =	vshll.u32 v18, $0x7  }
0x269: {  	v18 =	vadd.s32 v14, v18;
	_ =	sdelay $0x4  }
0x26a: {  	[tilespmem:v18+s26+$0x0] =	vst.idx.msk vm8, v2  }
0x26b: {  	v18 =	vld [tilespmem:$0xD0];
	_ =	sdelay $0x4  }
0x26c: {  	vm9 =	vgt.s32 v18, $0x1F7;
	v18 =	vshll.u32 v18, $0x7  }
0x26d: {  	v18 =	vadd.s32 v15, v18;
	_ =	sdelay $0x4  }
0x26e: {  	[tilespmem:v18+s26+$0x0] =	vst.idx.msk vm9, v2  }
0x26f: {  	v18 =	vld [tilespmem:$0xE0];
	_ =	sdelay $0x4  }
0x270: {  	vm10 =	vgt.s32 v18, $0x1F7;
	v18 =	vshll.u32 v18, $0x7  }
0x271: {  	v18 =	vadd.s32 v16, v18;
	_ =	sdelay $0x4  }
0x272: {  	[tilespmem:v18+s26+$0x0] =	vst.idx.msk vm10, v2  }
0x273: {  	v18 =	vld [tilespmem:$0xF0];
	_ =	sdelay $0x4  }
0x274: {  	vm11 =	vgt.s32 v18, $0x1F7;
	v18 =	vshll.u32 v18, $0x7  }
0x275: {  	v18 =	vadd.s32 v17, v18;
	_ =	sdelay $0x4  }
0x276: {  	[tilespmem:v18+s26+$0x0] =	vst.idx.msk vm11, v2  }
0x277: {  	[hbm4b:s13+s21] =	stream.strided.scatter [tilespmem:s26], [sflag:$0x3], $0xF800, s22, s21, $0x38;
	[tilespmem:$0x1F600] =	vst v63  }
0x278: {  	_ =	swait.ge [sflag:s29], $0xFC00  }
0x279: {  	[sflag:s29] =	ssyncset.done $0x0  }
0x27a: {  	[sflag:s29] =	ssyncadd.s32 $0xFFFF0400  }
0x27b: {  	v18 =	vld [tilespmem:$0x80];
	_ =	sdelay $0x4  }
0x27c: {  	vm12 =	vlt.s32 v18, $0x1F8;
	v18 =	vshll.u32 v18, $0x7  }
0x27d: {  	v18 =	vor.u32 v1, v18;
	_ =	sdelay $0x4  }
0x27e: {  	[tilespmem:v18+s20+$0x0] =	vst.idx.msk vm12, v0  }
0x27f: {  	v18 =	vld [tilespmem:$0x90];
	_ =	sdelay $0x4  }
0x280: {  	vm13 =	vlt.s32 v18, $0x1F8;
	v18 =	vshll.u32 v18, $0x7  }
0x281: {  	v18 =	vor.u32 v3, v18;
	_ =	sdelay $0x4  }
0x282: {  	[tilespmem:v18+s20+$0x0] =	vst.idx.msk vm13, v0  }
0x283: {  	v18 =	vld [tilespmem:$0xA0];
	_ =	sdelay $0x4  }
0x284: {  	vm14 =	vlt.s32 v18, $0x1F8;
	v18 =	vshll.u32 v18, $0x7  }
0x285: {  	v18 =	vor.u32 v4, v18;
	_ =	sdelay $0x4  }
0x286: {  	[tilespmem:v18+s20+$0x0] =	vst.idx.msk vm14, v0  }
0x287: {  	v18 =	vld [tilespmem:$0xB0];
	_ =	sdelay $0x4  }
0x288: {  	vm15 =	vlt.s32 v18, $0x1F8;
	v18 =	vshll.u32 v18, $0x7  }
0x289: {  	v18 =	vor.u32 v5, v18;
	_ =	sdelay $0x4  }
0x28a: {  	[tilespmem:v18+s20+$0x0] =	vst.idx.msk vm15, v0  }
0x28b: {  	v18 =	vld [tilespmem:$0xC0];
	_ =	sdelay $0x4  }
0x28c: {  	vm4 =	vlt.s32 v18, $0x1F8;
	v18 =	vshll.u32 v18, $0x7  }
0x28d: {  	v18 =	vor.u32 v6, v18;
	_ =	sdelay $0x4  }
0x28e: {  	[tilespmem:v18+s20+$0x0] =	vst.idx.msk vm4, v0  }
0x28f: {  	v18 =	vld [tilespmem:$0xD0];
	_ =	sdelay $0x4  }
0x290: {  	vm5 =	vlt.s32 v18, $0x1F8;
	v18 =	vshll.u32 v18, $0x7  }
0x291: {  	v18 =	vor.u32 v7, v18;
	_ =	sdelay $0x4  }
0x292: {  	[tilespmem:v18+s20+$0x0] =	vst.idx.msk vm5, v0  }
0x293: {  	v18 =	vld [tilespmem:$0xE0];
	_ =	sdelay $0x4  }
0x294: {  	vm6 =	vlt.s32 v18, $0x1F8;
	v18 =	vshll.u32 v18, $0x7  }
0x295: {  	v18 =	vor.u32 v8, v18;
	_ =	sdelay $0x4  }
0x296: {  	[tilespmem:v18+s20+$0x0] =	vst.idx.msk vm6, v0  }
0x297: {  	v18 =	vld [tilespmem:$0xF0];
	_ =	sdelay $0x4  }
0x298: {  	vm7 =	vlt.s32 v18, $0x1F8;
	v18 =	vshll.u32 v18, $0x7  }
0x299: {  	v18 =	vor.u32 v9, v18;
	_ =	sdelay $0x4  }
0x29a: {  	[tilespmem:v18+s20+$0x0] =	vst.idx.msk vm7, v0  }
0x29b: {  	v18 =	vld [tilespmem:$0x100];
	_ =	sdelay $0x4  }
0x29c: {  	vm8 =	vlt.s32 v18, $0x1F8;
	v18 =	vshll.u32 v18, $0x7  }
0x29d: {  	v18 =	vor.u32 v1, v18;
	_ =	sdelay $0x4  }
0x29e: {  	[tilespmem:v18+s20+$0x0] =	vst.idx.msk vm8, v2  }
0x29f: {  	v18 =	vld [tilespmem:$0x110];
	_ =	sdelay $0x4  }
0x2a0: {  	vm9 =	vlt.s32 v18, $0x1F8;
	v18 =	vshll.u32 v18, $0x7  }
0x2a1: {  	v18 =	vor.u32 v3, v18;
	_ =	sdelay $0x4  }
0x2a2: {  	[tilespmem:v18+s20+$0x0] =	vst.idx.msk vm9, v2  }
0x2a3: {  	v18 =	vld [tilespmem:$0x120];
	_ =	sdelay $0x4  }
0x2a4: {  	vm10 =	vlt.s32 v18, $0x1F8;
	v18 =	vshll.u32 v18, $0x7  }
0x2a5: {  	v18 =	vor.u32 v4, v18;
	_ =	sdelay $0x4  }
0x2a6: {  	[tilespmem:v18+s20+$0x0] =	vst.idx.msk vm10, v2  }
0x2a7: {  	v18 =	vld [tilespmem:$0x130];
	_ =	sdelay $0x4  }
0x2a8: {  	vm11 =	vlt.s32 v18, $0x1F8;
	v18 =	vshll.u32 v18, $0x7  }
0x2a9: {  	v18 =	vor.u32 v5, v18;
	_ =	sdelay $0x4  }
0x2aa: {  	[tilespmem:v18+s20+$0x0] =	vst.idx.msk vm11, v2  }
0x2ab: {  	v18 =	vld [tilespmem:$0x140];
	_ =	sdelay $0x4  }
0x2ac: {  	vm12 =	vlt.s32 v18, $0x1F8;
	v18 =	vshll.u32 v18, $0x7  }
0x2ad: {  	v18 =	vor.u32 v6, v18;
	_ =	sdelay $0x4  }
0x2ae: {  	[tilespmem:v18+s20+$0x0] =	vst.idx.msk vm12, v2  }
0x2af: {  	v18 =	vld [tilespmem:$0x150];
	_ =	sdelay $0x4  }
0x2b0: {  	vm13 =	vlt.s32 v18, $0x1F8;
	v18 =	vshll.u32 v18, $0x7  }
0x2b1: {  	v18 =	vor.u32 v7, v18;
	_ =	sdelay $0x4  }
0x2b2: {  	[tilespmem:v18+s20+$0x0] =	vst.idx.msk vm13, v2  }
0x2b3: {  	v18 =	vld [tilespmem:$0x160];
	_ =	sdelay $0x4  }
0x2b4: {  	vm14 =	vlt.s32 v18, $0x1F8;
	v18 =	vshll.u32 v18, $0x7  }
0x2b5: {  	v18 =	vor.u32 v8, v18;
	_ =	sdelay $0x4  }
0x2b6: {  	[tilespmem:v18+s20+$0x0] =	vst.idx.msk vm14, v2  }
0x2b7: {  	v18 =	vld [tilespmem:$0x170];
	_ =	sdelay $0x4  }
0x2b8: {  	vm15 =	vlt.s32 v18, $0x1F8;
	v18 =	vshll.u32 v18, $0x7  }
0x2b9: {  	v18 =	vor.u32 v9, v18;
	_ =	sdelay $0x4  }
0x2ba: {  	[tilespmem:v18+s20+$0x0] =	vst.idx.msk vm15, v2  }
0x2bb: {  	[hbm4b:s14+s21] =	stream.strided.scatter [tilespmem:s20], [sflag:$0x2], $0xFC00, s22, s21, $0x38;
	[tilespmem:$0x1F600] =	vst v63  }
0x2bc: {  	_ =	swait.ge [sflag:s30], $0xF800  }
0x2bd: {  	[sflag:s30] =	ssyncset.done $0x0  }
0x2be: {  	[sflag:s30] =	ssyncadd.s32 $0xFFFF0800  }
0x2bf: {  	v18 =	vld [tilespmem:$0x80];
	_ =	sdelay $0x4  }
0x2c0: {  	vm4 =	vgt.s32 v18, $0x1F7;
	v18 =	vshll.u32 v18, $0x7  }
0x2c1: {  	v18 =	vadd.s32 v10, v18;
	_ =	sdelay $0x4  }
0x2c2: {  	[tilespmem:v18+s26+$0x0] =	vst.idx.msk vm4, v0  }
0x2c3: {  	v18 =	vld [tilespmem:$0x90];
	_ =	sdelay $0x4  }
0x2c4: {  	vm5 =	vgt.s32 v18, $0x1F7;
	v18 =	vshll.u32 v18, $0x7  }
0x2c5: {  	v18 =	vadd.s32 v11, v18;
	_ =	sdelay $0x4  }
0x2c6: {  	[tilespmem:v18+s26+$0x0] =	vst.idx.msk vm5, v0  }
0x2c7: {  	v18 =	vld [tilespmem:$0xA0];
	_ =	sdelay $0x4  }
0x2c8: {  	vm6 =	vgt.s32 v18, $0x1F7;
	v18 =	vshll.u32 v18, $0x7  }
0x2c9: {  	v18 =	vadd.s32 v12, v18;
	_ =	sdelay $0x4  }
0x2ca: {  	[tilespmem:v18+s26+$0x0] =	vst.idx.msk vm6, v0  }
0x2cb: {  	v18 =	vld [tilespmem:$0xB0];
	_ =	sdelay $0x4  }
0x2cc: {  	vm7 =	vgt.s32 v18, $0x1F7;
	v18 =	vshll.u32 v18, $0x7  }
0x2cd: {  	v18 =	vadd.s32 v13, v18;
	_ =	sdelay $0x4  }
0x2ce: {  	[tilespmem:v18+s26+$0x0] =	vst.idx.msk vm7, v0  }
0x2cf: {  	v18 =	vld [tilespmem:$0xC0];
	_ =	sdelay $0x4  }
0x2d0: {  	vm8 =	vgt.s32 v18, $0x1F7;
	v18 =	vshll.u32 v18, $0x7  }
0x2d1: {  	v18 =	vadd.s32 v14, v18;
	_ =	sdelay $0x4  }
0x2d2: {  	[tilespmem:v18+s26+$0x0] =	vst.idx.msk vm8, v0  }
0x2d3: {  	v18 =	vld [tilespmem:$0xD0];
	_ =	sdelay $0x4  }
0x2d4: {  	vm9 =	vgt.s32 v18, $0x1F7;
	v18 =	vshll.u32 v18, $0x7  }
0x2d5: {  	v18 =	vadd.s32 v15, v18;
	_ =	sdelay $0x4  }
0x2d6: {  	[tilespmem:v18+s26+$0x0] =	vst.idx.msk vm9, v0  }
0x2d7: {  	v18 =	vld [tilespmem:$0xE0];
	_ =	sdelay $0x4  }
0x2d8: {  	vm10 =	vgt.s32 v18, $0x1F7;
	v18 =	vshll.u32 v18, $0x7  }
0x2d9: {  	v18 =	vadd.s32 v16, v18;
	_ =	sdelay $0x4  }
0x2da: {  	[tilespmem:v18+s26+$0x0] =	vst.idx.msk vm10, v0  }
0x2db: {  	v18 =	vld [tilespmem:$0xF0];
	_ =	sdelay $0x4  }
0x2dc: {  	vm11 =	vgt.s32 v18, $0x1F7;
	v18 =	vshll.u32 v18, $0x7  }
0x2dd: {  	v18 =	vadd.s32 v17, v18;
	_ =	sdelay $0x4  }
0x2de: {  	[tilespmem:v18+s26+$0x0] =	vst.idx.msk vm11, v0  }
0x2df: {  	v18 =	vld [tilespmem:$0x100];
	_ =	sdelay $0x4  }
0x2e0: {  	vm12 =	vgt.s32 v18, $0x1F7;
	v18 =	vshll.u32 v18, $0x7  }
0x2e1: {  	v18 =	vadd.s32 v10, v18;
	_ =	sdelay $0x4  }
0x2e2: {  	[tilespmem:v18+s26+$0x0] =	vst.idx.msk vm12, v2  }
0x2e3: {  	v18 =	vld [tilespmem:$0x110];
	_ =	sdelay $0x4  }
0x2e4: {  	vm13 =	vgt.s32 v18, $0x1F7;
	v18 =	vshll.u32 v18, $0x7  }
0x2e5: {  	v18 =	vadd.s32 v11, v18;
	_ =	sdelay $0x4  }
0x2e6: {  	[tilespmem:v18+s26+$0x0] =	vst.idx.msk vm13, v2  }
0x2e7: {  	v18 =	vld [tilespmem:$0x120];
	_ =	sdelay $0x4  }
0x2e8: {  	vm14 =	vgt.s32 v18, $0x1F7;
	v18 =	vshll.u32 v18, $0x7  }
0x2e9: {  	v18 =	vadd.s32 v12, v18;
	_ =	sdelay $0x4  }
0x2ea: {  	[tilespmem:v18+s26+$0x0] =	vst.idx.msk vm14, v2  }
0x2eb: {  	v18 =	vld [tilespmem:$0x130];
	_ =	sdelay $0x4  }
0x2ec: {  	vm15 =	vgt.s32 v18, $0x1F7;
	v18 =	vshll.u32 v18, $0x7  }
0x2ed: {  	v18 =	vadd.s32 v13, v18;
	_ =	sdelay $0x4  }
0x2ee: {  	[tilespmem:v18+s26+$0x0] =	vst.idx.msk vm15, v2  }
0x2ef: {  	v18 =	vld [tilespmem:$0x140];
	_ =	sdelay $0x4  }
0x2f0: {  	vm4 =	vgt.s32 v18, $0x1F7;
	v18 =	vshll.u32 v18, $0x7  }
0x2f1: {  	v18 =	vadd.s32 v14, v18;
	_ =	sdelay $0x4  }
0x2f2: {  	[tilespmem:v18+s26+$0x0] =	vst.idx.msk vm4, v2  }
0x2f3: {  	v18 =	vld [tilespmem:$0x150];
	_ =	sdelay $0x4  }
0x2f4: {  	vm5 =	vgt.s32 v18, $0x1F7;
	v18 =	vshll.u32 v18, $0x7  }
0x2f5: {  	v18 =	vadd.s32 v15, v18;
	_ =	sdelay $0x4  }
0x2f6: {  	[tilespmem:v18+s26+$0x0] =	vst.idx.msk vm5, v2  }
0x2f7: {  	v18 =	vld [tilespmem:$0x160];
	_ =	sdelay $0x4  }
0x2f8: {  	vm6 =	vgt.s32 v18, $0x1F7;
	v18 =	vshll.u32 v18, $0x7  }
0x2f9: {  	v18 =	vadd.s32 v16, v18;
	_ =	sdelay $0x4  }
0x2fa: {  	[tilespmem:v18+s26+$0x0] =	vst.idx.msk vm6, v2  }
0x2fb: {  	v18 =	vld [tilespmem:$0x170];
	_ =	sdelay $0x4  }
0x2fc: {  	vm7 =	vgt.s32 v18, $0x1F7;
	v18 =	vshll.u32 v18, $0x7  }
0x2fd: {  	v18 =	vadd.s32 v17, v18;
	_ =	sdelay $0x4  }
0x2fe: {  	[tilespmem:v18+s26+$0x0] =	vst.idx.msk vm7, v2  }
0x2ff: {  	[hbm4b:s15+s21] =	stream.strided.scatter [tilespmem:s26], [sflag:$0x3], $0xF800, s22, s21, $0x38;
	[tilespmem:$0x1F600] =	vst v63  }
0x300: {  	_ =	swait.ge [sflag:s29], $0xFC00  }
0x301: {  	[sflag:s29] =	ssyncset.done $0x0  }
0x302: {  	[sflag:s29] =	ssyncadd.s32 $0xFFFF0400  }
0x303: {  	v18 =	vld [tilespmem:$0x100];
	_ =	sdelay $0x4  }
0x304: {  	vm8 =	vlt.s32 v18, $0x1F8;
	v18 =	vshll.u32 v18, $0x7  }
0x305: {  	v18 =	vor.u32 v1, v18;
	_ =	sdelay $0x4  }
0x306: {  	[tilespmem:v18+s20+$0x0] =	vst.idx.msk vm8, v0  }
0x307: {  	v18 =	vld [tilespmem:$0x110];
	_ =	sdelay $0x4  }
0x308: {  	vm9 =	vlt.s32 v18, $0x1F8;
	v18 =	vshll.u32 v18, $0x7  }
0x309: {  	v18 =	vor.u32 v3, v18;
	_ =	sdelay $0x4  }
0x30a: {  	[tilespmem:v18+s20+$0x0] =	vst.idx.msk vm9, v0  }
0x30b: {  	v18 =	vld [tilespmem:$0x120];
	_ =	sdelay $0x4  }
0x30c: {  	vm10 =	vlt.s32 v18, $0x1F8;
	v18 =	vshll.u32 v18, $0x7  }
0x30d: {  	v18 =	vor.u32 v4, v18;
	_ =	sdelay $0x4  }
0x30e: {  	[tilespmem:v18+s20+$0x0] =	vst.idx.msk vm10, v0  }
0x30f: {  	v18 =	vld [tilespmem:$0x130];
	_ =	sdelay $0x4  }
0x310: {  	vm11 =	vlt.s32 v18, $0x1F8;
	v18 =	vshll.u32 v18, $0x7  }
0x311: {  	v18 =	vor.u32 v5, v18;
	_ =	sdelay $0x4  }
0x312: {  	[tilespmem:v18+s20+$0x0] =	vst.idx.msk vm11, v0  }
0x313: {  	v18 =	vld [tilespmem:$0x140];
	_ =	sdelay $0x4  }
0x314: {  	vm12 =	vlt.s32 v18, $0x1F8;
	v18 =	vshll.u32 v18, $0x7  }
0x315: {  	v18 =	vor.u32 v6, v18;
	_ =	sdelay $0x4  }
0x316: {  	[tilespmem:v18+s20+$0x0] =	vst.idx.msk vm12, v0  }
0x317: {  	v18 =	vld [tilespmem:$0x150];
	_ =	sdelay $0x4  }
0x318: {  	vm13 =	vlt.s32 v18, $0x1F8;
	v18 =	vshll.u32 v18, $0x7  }
0x319: {  	v18 =	vor.u32 v7, v18;
	_ =	sdelay $0x4  }
0x31a: {  	[tilespmem:v18+s20+$0x0] =	vst.idx.msk vm13, v0  }
0x31b: {  	v18 =	vld [tilespmem:$0x160];
	_ =	sdelay $0x4  }
0x31c: {  	vm14 =	vlt.s32 v18, $0x1F8;
	v18 =	vshll.u32 v18, $0x7  }
0x31d: {  	v18 =	vor.u32 v8, v18;
	_ =	sdelay $0x4  }
0x31e: {  	[tilespmem:v18+s20+$0x0] =	vst.idx.msk vm14, v0  }
0x31f: {  	v18 =	vld [tilespmem:$0x170];
	_ =	sdelay $0x4  }
0x320: {  	vm15 =	vlt.s32 v18, $0x1F8;
	v18 =	vshll.u32 v18, $0x7  }
0x321: {  	v18 =	vor.u32 v9, v18;
	_ =	sdelay $0x4  }
0x322: {  	[tilespmem:v18+s20+$0x0] =	vst.idx.msk vm15, v0  }
0x323: {  	v18 =	vld [tilespmem:$0x180];
	_ =	sdelay $0x4  }
0x324: {  	vm4 =	vlt.s32 v18, $0x1F8;
	v18 =	vshll.u32 v18, $0x7  }
0x325: {  	v18 =	vor.u32 v1, v18;
	_ =	sdelay $0x4  }
0x326: {  	[tilespmem:v18+s20+$0x0] =	vst.idx.msk vm4, v2  }
0x327: {  	v18 =	vld [tilespmem:$0x190];
	_ =	sdelay $0x4  }
0x328: {  	vm5 =	vlt.s32 v18, $0x1F8;
	v18 =	vshll.u32 v18, $0x7  }
0x329: {  	v18 =	vor.u32 v3, v18;
	_ =	sdelay $0x4  }
0x32a: {  	[tilespmem:v18+s20+$0x0] =	vst.idx.msk vm5, v2  }
0x32b: {  	v18 =	vld [tilespmem:$0x1A0];
	_ =	sdelay $0x4  }
0x32c: {  	vm6 =	vlt.s32 v18, $0x1F8;
	v18 =	vshll.u32 v18, $0x7  }
0x32d: {  	v18 =	vor.u32 v4, v18;
	_ =	sdelay $0x4  }
0x32e: {  	[tilespmem:v18+s20+$0x0] =	vst.idx.msk vm6, v2  }
0x32f: {  	v18 =	vld [tilespmem:$0x1B0];
	_ =	sdelay $0x4  }
0x330: {  	vm7 =	vlt.s32 v18, $0x1F8;
	v18 =	vshll.u32 v18, $0x7  }
0x331: {  	v18 =	vor.u32 v5, v18;
	_ =	sdelay $0x4  }
0x332: {  	[tilespmem:v18+s20+$0x0] =	vst.idx.msk vm7, v2  }
0x333: {  	v18 =	vld [tilespmem:$0x1C0];
	_ =	sdelay $0x4  }
0x334: {  	vm8 =	vlt.s32 v18, $0x1F8;
	v18 =	vshll.u32 v18, $0x7  }
0x335: {  	v18 =	vor.u32 v6, v18;
	_ =	sdelay $0x4  }
0x336: {  	[tilespmem:v18+s20+$0x0] =	vst.idx.msk vm8, v2  }
0x337: {  	v18 =	vld [tilespmem:$0x1D0];
	_ =	sdelay $0x4  }
0x338: {  	vm9 =	vlt.s32 v18, $0x1F8;
	v18 =	vshll.u32 v18, $0x7  }
0x339: {  	v18 =	vor.u32 v7, v18;
	_ =	sdelay $0x4  }
0x33a: {  	[tilespmem:v18+s20+$0x0] =	vst.idx.msk vm9, v2  }
0x33b: {  	v18 =	vld [tilespmem:$0x1E0];
	_ =	sdelay $0x4  }
0x33c: {  	vm10 =	vlt.s32 v18, $0x1F8;
	v18 =	vshll.u32 v18, $0x7  }
0x33d: {  	v18 =	vor.u32 v8, v18;
	_ =	sdelay $0x4  }
0x33e: {  	[tilespmem:v18+s20+$0x0] =	vst.idx.msk vm10, v2  }
0x33f: {  	v18 =	vld [tilespmem:$0x1F0];
	_ =	sdelay $0x4  }
0x340: {  	vm11 =	vlt.s32 v18, $0x1F8;
	v18 =	vshll.u32 v18, $0x7  }
0x341: {  	v18 =	vor.u32 v9, v18;
	_ =	sdelay $0x4  }
0x342: {  	[tilespmem:v18+s20+$0x0] =	vst.idx.msk vm11, v2  }
0x343: {  	[hbm4b:s16+s21] =	stream.strided.scatter [tilespmem:s20], [sflag:$0x2], $0xFC00, s22, s21, $0x38;
	[tilespmem:$0x1F600] =	vst v63  }
0x344: {  	_ =	swait.ge [sflag:s30], $0xF800  }
0x345: {  	[sflag:s30] =	ssyncset.done $0x0  }
0x346: {  	[sflag:s30] =	ssyncadd.s32 $0xFFFF0800  }
0x347: {  	v18 =	vld [tilespmem:$0x100];
	_ =	sdelay $0x4  }
0x348: {  	vm12 =	vgt.s32 v18, $0x1F7;
	v18 =	vshll.u32 v18, $0x7  }
0x349: {  	v18 =	vadd.s32 v10, v18;
	_ =	sdelay $0x4  }
0x34a: {  	[tilespmem:v18+s26+$0x0] =	vst.idx.msk vm12, v0  }
0x34b: {  	v18 =	vld [tilespmem:$0x110];
	_ =	sdelay $0x4  }
0x34c: {  	vm13 =	vgt.s32 v18, $0x1F7;
	v18 =	vshll.u32 v18, $0x7  }
0x34d: {  	v18 =	vadd.s32 v11, v18;
	_ =	sdelay $0x4  }
0x34e: {  	[tilespmem:v18+s26+$0x0] =	vst.idx.msk vm13, v0  }
0x34f: {  	v18 =	vld [tilespmem:$0x120];
	_ =	sdelay $0x4  }
0x350: {  	vm14 =	vgt.s32 v18, $0x1F7;
	v18 =	vshll.u32 v18, $0x7  }
0x351: {  	v18 =	vadd.s32 v12, v18;
	_ =	sdelay $0x4  }
0x352: {  	[tilespmem:v18+s26+$0x0] =	vst.idx.msk vm14, v0  }
0x353: {  	v18 =	vld [tilespmem:$0x130];
	_ =	sdelay $0x4  }
0x354: {  	vm15 =	vgt.s32 v18, $0x1F7;
	v18 =	vshll.u32 v18, $0x7  }
0x355: {  	v18 =	vadd.s32 v13, v18;
	_ =	sdelay $0x4  }
0x356: {  	[tilespmem:v18+s26+$0x0] =	vst.idx.msk vm15, v0  }
0x357: {  	v18 =	vld [tilespmem:$0x140];
	_ =	sdelay $0x4  }
0x358: {  	vm4 =	vgt.s32 v18, $0x1F7;
	v18 =	vshll.u32 v18, $0x7  }
0x359: {  	v18 =	vadd.s32 v14, v18;
	_ =	sdelay $0x4  }
0x35a: {  	[tilespmem:v18+s26+$0x0] =	vst.idx.msk vm4, v0  }
0x35b: {  	v18 =	vld [tilespmem:$0x150];
	_ =	sdelay $0x4  }
0x35c: {  	vm5 =	vgt.s32 v18, $0x1F7;
	v18 =	vshll.u32 v18, $0x7  }
0x35d: {  	v18 =	vadd.s32 v15, v18;
	_ =	sdelay $0x4  }
0x35e: {  	[tilespmem:v18+s26+$0x0] =	vst.idx.msk vm5, v0  }
0x35f: {  	v18 =	vld [tilespmem:$0x160];
	_ =	sdelay $0x4  }
0x360: {  	vm6 =	vgt.s32 v18, $0x1F7;
	v18 =	vshll.u32 v18, $0x7  }
0x361: {  	v18 =	vadd.s32 v16, v18;
	_ =	sdelay $0x4  }
0x362: {  	[tilespmem:v18+s26+$0x0] =	vst.idx.msk vm6, v0  }
0x363: {  	v18 =	vld [tilespmem:$0x170];
	_ =	sdelay $0x4  }
0x364: {  	vm7 =	vgt.s32 v18, $0x1F7;
	v18 =	vshll.u32 v18, $0x7  }
0x365: {  	v18 =	vadd.s32 v17, v18;
	_ =	sdelay $0x4  }
0x366: {  	[tilespmem:v18+s26+$0x0] =	vst.idx.msk vm7, v0  }
0x367: {  	v18 =	vld [tilespmem:$0x180];
	_ =	sdelay $0x4  }
0x368: {  	vm8 =	vgt.s32 v18, $0x1F7;
	v18 =	vshll.u32 v18, $0x7  }
0x369: {  	v18 =	vadd.s32 v10, v18;
	_ =	sdelay $0x4  }
0x36a: {  	[tilespmem:v18+s26+$0x0] =	vst.idx.msk vm8, v2  }
0x36b: {  	v18 =	vld [tilespmem:$0x190];
	_ =	sdelay $0x4  }
0x36c: {  	vm9 =	vgt.s32 v18, $0x1F7;
	v18 =	vshll.u32 v18, $0x7  }
0x36d: {  	v18 =	vadd.s32 v11, v18;
	_ =	sdelay $0x4  }
0x36e: {  	[tilespmem:v18+s26+$0x0] =	vst.idx.msk vm9, v2  }
0x36f: {  	v18 =	vld [tilespmem:$0x1A0];
	_ =	sdelay $0x4  }
0x370: {  	vm10 =	vgt.s32 v18, $0x1F7;
	v18 =	vshll.u32 v18, $0x7  }
0x371: {  	v18 =	vadd.s32 v12, v18;
	_ =	sdelay $0x4  }
0x372: {  	[tilespmem:v18+s26+$0x0] =	vst.idx.msk vm10, v2  }
0x373: {  	v18 =	vld [tilespmem:$0x1B0];
	_ =	sdelay $0x4  }
0x374: {  	vm11 =	vgt.s32 v18, $0x1F7;
	v18 =	vshll.u32 v18, $0x7  }
0x375: {  	v18 =	vadd.s32 v13, v18;
	_ =	sdelay $0x4  }
0x376: {  	[tilespmem:v18+s26+$0x0] =	vst.idx.msk vm11, v2  }
0x377: {  	v18 =	vld [tilespmem:$0x1C0];
	_ =	sdelay $0x4  }
0x378: {  	vm12 =	vgt.s32 v18, $0x1F7;
	v18 =	vshll.u32 v18, $0x7  }
0x379: {  	v18 =	vadd.s32 v14, v18;
	_ =	sdelay $0x4  }
0x37a: {  	[tilespmem:v18+s26+$0x0] =	vst.idx.msk vm12, v2  }
0x37b: {  	v18 =	vld [tilespmem:$0x1D0];
	_ =	sdelay $0x4  }
0x37c: {  	vm13 =	vgt.s32 v18, $0x1F7;
	v18 =	vshll.u32 v18, $0x7  }
0x37d: {  	v18 =	vadd.s32 v15, v18;
	_ =	sdelay $0x4  }
0x37e: {  	[tilespmem:v18+s26+$0x0] =	vst.idx.msk vm13, v2  }
0x37f: {  	v18 =	vld [tilespmem:$0x1E0];
	_ =	sdelay $0x4  }
0x380: {  	vm14 =	vgt.s32 v18, $0x1F7;
	v18 =	vshll.u32 v18, $0x7  }
0x381: {  	v18 =	vadd.s32 v16, v18;
	_ =	sdelay $0x4  }
0x382: {  	[tilespmem:v18+s26+$0x0] =	vst.idx.msk vm14, v2  }
0x383: {  	v18 =	vld [tilespmem:$0x1F0];
	_ =	sdelay $0x4  }
0x384: {  	vm15 =	vgt.s32 v18, $0x1F7;
	v18 =	vshll.u32 v18, $0x7  }
0x385: {  	v18 =	vadd.s32 v17, v18;
	_ =	sdelay $0x4  }
0x386: {  	s3 =	sadd.s32 $0x1, s3;
	[tilespmem:v18+s26+$0x0] =	vst.idx.msk vm15, v2  }
0x387: {  	[hbm4b:s17+s21] =	stream.strided.scatter [tilespmem:s26], [sflag:$0x3], $0xF800, s22, s21, $0x38;
	[tilespmem:$0x1F600] =	vst v63  }
0x388: {  	p0 =	sne.s32 s3, s18;
	_ =	swait.ge [sflag:s29], $0xFC00  }
.Ltmp8:
0x389: {  	[sflag:s29] =	ssyncset.done $0x0;
	(pc) =	sbr.rel @p0 .LBB2_1-.Ltmp8, $4  }
0x38a: {  	[sflag:s29] =	ssyncadd.s32 $0xFFFF0400  }
0x38b: {  	_ =	swait.ge [sflag:s30], $0xF800  }
0x38c: {  	[sflag:s30] =	ssyncset.done $0x0  }
0x38d: {  	[sflag:s30] =	ssyncadd.s32 $0xFFFF0800  }
0x38e: {  	_ =	sfence.sel $0x180000  }
0x38f: {  	[bflag:$0x0] =	sbarrier.arrive $0xFFFF  }
0x390: {  	_ =	strace $0x90000047  }
0x391: {  	s0 =	stileid.u32;
	[bflag:$0x2] =	sbarrier.arrive $0xFFFF  }
0x392: {  	p0 =	sne.s32 s0, $0x0;
	s0 =	rddreg [dreg:$0x2]  }
0x393: {  	s0 =	sadd.s32 @!p0 $0x100000, s0  }
0x394: {  	[sflag:s0] =	ssyncadd.tile.s32 @!p0 $0x1;
	_ =	shalt  }
.Lfunc_end2:
_tile_overlayer_lowered:
.L_overlay_start_2:
0x395: {  	(tag) =	ssettag $0x2  }
0x396: {  	s0 =	rddreg [dreg:$0x0];
	s2 =	stileid.u32  }
0x397: {  	s1 =	rddreg [dreg:$0x1];
	p0 =	sne.s32 s2, $0x0  }
0x398: {  	s3 =	rddreg [dreg:$0x2];
	[bflag:$0x3] =	sbarrier.arrive $0xFFFF;
	s2 =	simm.s32 @!p0 $0x1C0C  }
0x399: {  	[timem:s3], [sflag:s2] =	dma.local @!p0 [hbm:s0], s1  }
0x39a: {  	s0 =	simm.s32 @!p0 $0xC  }
0x39b: {  	_ =	swait.ge @!p0 [sflag:s0], s1  }
0x39c: {  	s1 =	ssub.s32 @!p0 $0x0, s1;
	[sflag:s0] =	ssyncset.done @!p0 $0x0  }
0x39d: {  	[sflag:s0] =	ssyncadd.s32 @!p0 s1  }
0x39e: {  	[bflag:$0x3] =	sbarrier.arrive $0xFFFF  }
0x39f: {  	_ =	shalt  }

</sc_bundles>
